<compile_context>
chip_gen: v7x
topology: tpu7x:2x2x1
jax: 0.10.2.dev20260603
libtpu: 0.0.44.dev20260713+nightly
codegen_flags: <defaults>
</compile_context>

<pallas_src>
import functools

import jax
import jax.numpy as jnp
from jax import lax
from jax.experimental import pallas as pl
from jax.experimental.pallas import tpu as pltpu
from jax.experimental.pallas import tpu_sc as plsc

_N = 4096
_R = 256
_RC = 64
_G = _N // _R

_NC = 2
_NS = 16
_NW = _NC * _NS
_PW = _N // _NW


def _sc_diag_body(preds_hbm, d_out, blk_v, dval_v):
    wid = lax.axis_index("s") * _NC + lax.axis_index("c")
    base = wid * _PW
    lane = lax.iota(jnp.int32, 16)
    for j in range(_PW // 16):
        b0 = base + j * 16
        pltpu.sync_copy(preds_hbm.at[pl.ds(b0, 16), pl.ds(base, _PW)], blk_v)
        acc = jnp.zeros((16,), jnp.float32)
        for l in range(16):
            acc = jnp.where(lane == l, blk_v[l, pl.ds(j * 16, 16)], acc)
        dval_v[pl.ds(j * 16, 16)] = acc
    pltpu.sync_copy(dval_v, d_out.at[pl.ds(base, _PW)])


_sc_diag_cache = []


def _sc_diag(preds):
    if not _sc_diag_cache:
        _sc_diag_cache.append(functools.partial(
            pl.kernel,
            mesh=plsc.VectorSubcoreMesh(core_axis_name="c", subcore_axis_name="s"),
            out_type=jax.ShapeDtypeStruct((_N,), jnp.float32),
            scratch_types=[
                pltpu.VMEM((16, _PW), jnp.float32),
                pltpu.VMEM((_PW,), jnp.float32),
            ],
        )(_sc_diag_body))
    return _sc_diag_cache[0](preds)


_K = 32
_W = _N // _K
_LOG2E = 1.4426950408889634


def _tc_body(x_ref, tgt_ref, d_ref, out_ref):
    i = pl.program_id(0)
    neg = jnp.float32(-jnp.inf)
    lane = lax.broadcasted_iota(jnp.int32, (_RC, _W), 1)
    total = None
    for c in range(_R // _RC):
        r0 = c * _RC
        tb = tgt_ref[r0:r0 + _RC, :]
        d = d_ref[r0:r0 + _RC, :]
        kb = lax.shift_right_logical(tb, 7)
        cb = jnp.bitwise_and(tb, _W - 1)

        hi = x_ref[r0:r0 + _RC, 0:_W]
        tsel = hi * (kb == 0).astype(jnp.float32)
        lo = jnp.full((_RC, _W), neg, jnp.float32)
        epart = jnp.exp2(hi * jnp.float32(_LOG2E))
        for k in range(1, _K):
            xk = x_ref[r0:r0 + _RC, k * _W:(k + 1) * _W]
            lo = jnp.maximum(lo, jnp.minimum(hi, xk))
            hi = jnp.maximum(hi, xk)
            tsel = tsel + xk * (kb == k).astype(jnp.float32)
            epart = epart + jnp.exp2(xk * jnp.float32(_LOG2E))
        m0 = jnp.max(hi, axis=1, keepdims=True)
        s = jnp.sum(epart, axis=1, keepdims=True)
        lse = jnp.log(s)

        t = jnp.sum(jnp.where(lane == cb, tsel, 0.0), axis=1, keepdims=True)
        m1 = jnp.maximum(
            jnp.max(jnp.where(hi < m0, hi, neg), axis=1, keepdims=True),
            jnp.max(lo, axis=1, keepdims=True))
        m2 = jnp.maximum(
            jnp.max(jnp.where(hi < m1, hi, neg), axis=1, keepdims=True),
            jnp.max(jnp.where(lo < m1, lo, neg), axis=1, keepdims=True))

        rowid = (i * _R + r0) + lax.broadcasted_iota(jnp.int32, (_RC, 1), 0)
        is0 = d == m0
        is1 = d == m1
        va = jnp.where(is0, m1, m0)
        vb = jnp.where(is0 | is1, m2, m1)
        ind = ((tb != rowid) & (t != va) & (t != vb)).astype(jnp.float32)
        loss = lse * (1.0 + ind) - (0.7 * d + 0.2 * va + 0.1 * vb + ind * t)
        p = jnp.sum(loss, axis=0, keepdims=True)
        total = p if total is None else total + p
    part = total * jnp.float32(1.0 / _N)
    prev = jnp.where(i == 0, jnp.zeros_like(part), out_ref[...])
    out_ref[...] = prev + part


def kernel(preds, targets):
    tgt = targets.astype(jnp.int32)
    d = _sc_diag(preds)
    out = pl.pallas_call(
        _tc_body,
        grid=(_G,),
        in_specs=[
            pl.BlockSpec((_R, _N), lambda i: (i, 0)),
            pl.BlockSpec((_R, 1), lambda i: (i, 0)),
            pl.BlockSpec((_R, 1), lambda i: (i, 0)),
        ],
        out_specs=pl.BlockSpec((1, 1), lambda i: (0, 0)),
        out_shape=jax.ShapeDtypeStruct((1, 1), jnp.float32),
    )(preds, tgt.reshape(_N, 1), d.reshape(_N, 1))
    return out[0, 0]

# --- scband reference (transcript-rebuilt; emitter-appended) ---
"""Pipeline reference for scband-top-nlabel-smoothing-cross-entropy-64733747085573 (READ-ONLY COPY).

The authoritative reference and input builder live on the scoring server;
editing this copy changes nothing except your own understanding.
"""

import jax, jax.numpy as jnp
import numpy as np

CLASS_NUM = 4096
TOPN = jnp.array([0.7, 0.2, 0.1], dtype=jnp.float32)


def setup_inputs(seed: int = 0) -> dict:
    key = jax.random.key(seed)
    k1, k2 = jax.random.split(key)
    preds = jax.random.normal(k1, (CLASS_NUM, CLASS_NUM), dtype=jnp.float32)
    targets = jax.random.randint(k2, (CLASS_NUM,), 0, CLASS_NUM)
    return {"preds": preds, "targets": targets}


def _row_target(logprob, tgt_class, row_idx):
    # torch.sort(logprob, descending=True) -> indices
    sorted_indices = jnp.argsort(-logprob)
    # gt_idx = position of class `row_idx` in the descending order
    gt_idx = jnp.argmax(sorted_indices == row_idx)
    # initial one-hot target from the provided label
    target = jax.nn.one_hot(tgt_class, CLASS_NUM, dtype=logprob.dtype)
    # j == 0: update_idx = sorted_indices[gt_idx] (== row_idx)
    target = target.at[sorted_indices[gt_idx]].set(TOPN[0])
    # j >= 1: tmp_idx walks 0,1,2,... skipping gt_idx once.
    # The tmp index used at step j is (j-1) if (j-1) < gt_idx else j.
    n_top = int(TOPN.shape[0])
    for j in range(1, n_top):
        pos = jnp.where(j - 1 < gt_idx, j - 1, j)
        target = target.at[sorted_indices[pos]].set(TOPN[j])
    return target


def reference(preds, targets):
    logprobs = jax.nn.log_softmax(preds, axis=1)
    row_ids = jnp.arange(CLASS_NUM)
    tmat = jax.vmap(_row_target)(logprobs, targets, row_ids)
    loss = -jnp.sum(tmat * logprobs, axis=1)
    return loss.mean()

if __name__ == "__main__":
    import jax
    _d = setup_inputs()
    print(jax.jit(kernel)(*tuple(_d.values())))

</pallas_src>

<mosaic_0001>
#map = affine_map<(d0, d1) -> (0, 0)>
#map1 = affine_map<(d0, d1) -> (0)>
module attributes {stable_mosaic.version = 14 : i64} {
  func.func @_sc_diag_body(%arg0: i32, %arg1: i32, %arg2: memref<4096x4096xf32, #tpu.memory_space<hbm>>, %arg3: memref<4096xf32, #tpu.memory_space<hbm>>, %arg4: memref<16x128xf32, #tpu.memory_space<vmem>>, %arg5: memref<128xf32, #tpu.memory_space<vmem>>) attributes {dimension_semantics = [#tpu.dimension_semantics<core_parallel>, #tpu.dimension_semantics<subcore_parallel>], iteration_bounds = array<i64: 2, 16>, scalar_prefetch = 0 : i64, scratch_operands = 2 : i64, tpu.core_type = #tpu.core_type<sc_vector_subcore>, window_params = [{transform_indices = #map}, {transform_indices = #map1}]} {
    %mul3A = arith.constant 2 : i32
    %mul3A_0 = arith.muli %arg1, %mul3A : i32
    %add3A = arith.addi %mul3A_0, %arg0 : i32
    %mul3A_1 = arith.constant 128 : i32
    %mul3A_2 = arith.muli %add3A, %mul3A_1 : i32
    %iota3A = tpu.iota {dimensions = array<i32: 0>} : vector<16xi32>
    %add3A_3 = arith.constant 0 : i32
    %add3A_4 = arith.addi %mul3A_2, %add3A_3 : i32
    "tpu.region"() ({
      %run_scoped3A = tpu.sem_alloc : memref<!tpu.dma_semaphore, #tpu.memory_space<semaphore_mem>>
      %dma_start3A = tpu.memref_slice %arg2[%add3A_4, %mul3A_2] : memref<4096x4096xf32, #tpu.memory_space<hbm>> -> memref<16x128xf32, #tpu.memory_space<hbm>>
      %dma_start3A_1214 = tpu.memref_slice %arg2[%add3A_4, %mul3A_2] : memref<4096x4096xf32, #tpu.memory_space<hbm>> -> memref<16x128xf32, #tpu.memory_space<hbm>>
      tpu.enqueue_dma source(%dma_start3A_1214 : memref<16x128xf32, #tpu.memory_space<hbm>>) target(%arg4 : memref<16x128xf32, #tpu.memory_space<vmem>>) target_semaphore(%run_scoped3A : memref<!tpu.dma_semaphore, #tpu.memory_space<semaphore_mem>>)
      %dma_wait3A = tpu.memref_slice %arg2[%add3A_4, %mul3A_2] : memref<4096x4096xf32, #tpu.memory_space<hbm>> -> memref<16x128xf32, #tpu.memory_space<hbm>>
      %dma_wait3A_1215 = tpu.memref_slice %arg2[%add3A_4, %mul3A_2] : memref<4096x4096xf32, #tpu.memory_space<hbm>> -> memref<16x128xf32, #tpu.memory_space<hbm>>
      tpu.wait_dma2 semaphore(%run_scoped3A : memref<!tpu.dma_semaphore, #tpu.memory_space<semaphore_mem>>) src(%dma_wait3A_1215 : memref<16x128xf32, #tpu.memory_space<hbm>>) dst(%arg4 : memref<16x128xf32, #tpu.memory_space<vmem>>)
      tpu.yield
    }) : () -> ()
    %broadcast_in_dim3A = arith.constant 0.000000e+00 : f32
    %broadcast_in_dim3A_5 = vector.broadcast %broadcast_in_dim3A : f32 to vector<16xf32>
    %eq3A = arith.constant 0 : i32
    %eq3A_6 = vector.broadcast %eq3A : i32 to vector<16xi32>
    %eq3A_7 = arith.cmpi eq, %iota3A, %eq3A_6 : vector<16xi32>
    %get3A = arith.constant 0 : i32
    %get3A_8 = arith.index_cast %get3A : i32 to index
    %get3A_9 = arith.constant 0 : index
    %get3A_10 = tpu.vector_load %arg4[%get3A_8, %get3A_9] {strides = array<i32>} : memref<16x128xf32, #tpu.memory_space<vmem>>, vector<1x16xf32>,
    %get3A_11 = vector.shape_cast %get3A_10 : vector<1x16xf32> to vector<16xf32>
    %select_n3A = arith.select %eq3A_7, %get3A_11, %broadcast_in_dim3A_5 : vector<16xi1>, vector<16xf32>
    %eq3A_12 = arith.constant 1 : i32
    %eq3A_13 = vector.broadcast %eq3A_12 : i32 to vector<16xi32>
    %eq3A_14 = arith.cmpi eq, %iota3A, %eq3A_13 : vector<16xi32>
    %get3A_15 = arith.constant 1 : i32
    %get3A_16 = arith.index_cast %get3A_15 : i32 to index
    %get3A_17 = arith.constant 0 : index
    %get3A_18 = tpu.vector_load %arg4[%get3A_16, %get3A_17] {strides = array<i32>} : memref<16x128xf32, #tpu.memory_space<vmem>>, vector<1x16xf32>,
    %get3A_19 = vector.shape_cast %get3A_18 : vector<1x16xf32> to vector<16xf32>
    %select_n3A_20 = arith.select %eq3A_14, %get3A_19, %select_n3A : vector<16xi1>, vector<16xf32>
    %eq3A_21 = arith.constant 2 : i32
    %eq3A_22 = vector.broadcast %eq3A_21 : i32 to vector<16xi32>
    %eq3A_23 = arith.cmpi eq, %iota3A, %eq3A_22 : vector<16xi32>
    %get3A_24 = arith.constant 2 : i32
    %get3A_25 = arith.index_cast %get3A_24 : i32 to index
    %get3A_26 = arith.constant 0 : index
    %get3A_27 = tpu.vector_load %arg4[%get3A_25, %get3A_26] {strides = array<i32>} : memref<16x128xf32, #tpu.memory_space<vmem>>, vector<1x16xf32>,
    %get3A_28 = vector.shape_cast %get3A_27 : vector<1x16xf32> to vector<16xf32>
    %select_n3A_29 = arith.select %eq3A_23, %get3A_28, %select_n3A_20 : vector<16xi1>, vector<16xf32>
    %eq3A_30 = arith.constant 3 : i32
    %eq3A_31 = vector.broadcast %eq3A_30 : i32 to vector<16xi32>
    %eq3A_32 = arith.cmpi eq, %iota3A, %eq3A_31 : vector<16xi32>
    %get3A_33 = arith.constant 3 : i32
    %get3A_34 = arith.index_cast %get3A_33 : i32 to index
    %get3A_35 = arith.constant 0 : index
    %get3A_36 = tpu.vector_load %arg4[%get3A_34, %get3A_35] {strides = array<i32>} : memref<16x128xf32, #tpu.memory_space<vmem>>, vector<1x16xf32>,
    %get3A_37 = vector.shape_cast %get3A_36 : vector<1x16xf32> to vector<16xf32>
    %select_n3A_38 = arith.select %eq3A_32, %get3A_37, %select_n3A_29 : vector<16xi1>, vector<16xf32>
    %eq3A_39 = arith.constant 4 : i32
    %eq3A_40 = vector.broadcast %eq3A_39 : i32 to vector<16xi32>
    %eq3A_41 = arith.cmpi eq, %iota3A, %eq3A_40 : vector<16xi32>
    %get3A_42 = arith.constant 4 : i32
    %get3A_43 = arith.index_cast %get3A_42 : i32 to index
    %get3A_44 = arith.constant 0 : index
    %get3A_45 = tpu.vector_load %arg4[%get3A_43, %get3A_44] {strides = array<i32>} : memref<16x128xf32, #tpu.memory_space<vmem>>, vector<1x16xf32>,
    %get3A_46 = vector.shape_cast %get3A_45 : vector<1x16xf32> to vector<16xf32>
    %select_n3A_47 = arith.select %eq3A_41, %get3A_46, %select_n3A_38 : vector<16xi1>, vector<16xf32>
    %eq3A_48 = arith.constant 5 : i32
    %eq3A_49 = vector.broadcast %eq3A_48 : i32 to vector<16xi32>
    %eq3A_50 = arith.cmpi eq, %iota3A, %eq3A_49 : vector<16xi32>
    %get3A_51 = arith.constant 5 : i32
    %get3A_52 = arith.index_cast %get3A_51 : i32 to index
    %get3A_53 = arith.constant 0 : index
    %get3A_54 = tpu.vector_load %arg4[%get3A_52, %get3A_53] {strides = array<i32>} : memref<16x128xf32, #tpu.memory_space<vmem>>, vector<1x16xf32>,
    %get3A_55 = vector.shape_cast %get3A_54 : vector<1x16xf32> to vector<16xf32>
    %select_n3A_56 = arith.select %eq3A_50, %get3A_55, %select_n3A_47 : vector<16xi1>, vector<16xf32>
    %eq3A_57 = arith.constant 6 : i32
    %eq3A_58 = vector.broadcast %eq3A_57 : i32 to vector<16xi32>
    %eq3A_59 = arith.cmpi eq, %iota3A, %eq3A_58 : vector<16xi32>
    %get3A_60 = arith.constant 6 : i32
    %get3A_61 = arith.index_cast %get3A_60 : i32 to index
    %get3A_62 = arith.constant 0 : index
    %get3A_63 = tpu.vector_load %arg4[%get3A_61, %get3A_62] {strides = array<i32>} : memref<16x128xf32, #tpu.memory_space<vmem>>, vector<1x16xf32>,
    %get3A_64 = vector.shape_cast %get3A_63 : vector<1x16xf32> to vector<16xf32>
    %select_n3A_65 = arith.select %eq3A_59, %get3A_64, %select_n3A_56 : vector<16xi1>, vector<16xf32>
    %eq3A_66 = arith.constant 7 : i32
    %eq3A_67 = vector.broadcast %eq3A_66 : i32 to vector<16xi32>
    %eq3A_68 = arith.cmpi eq, %iota3A, %eq3A_67 : vector<16xi32>
    %get3A_69 = arith.constant 7 : i32
    %get3A_70 = arith.index_cast %get3A_69 : i32 to index
    %get3A_71 = arith.constant 0 : index
    %get3A_72 = tpu.vector_load %arg4[%get3A_70, %get3A_71] {strides = array<i32>} : memref<16x128xf32, #tpu.memory_space<vmem>>, vector<1x16xf32>,
    %get3A_73 = vector.shape_cast %get3A_72 : vector<1x16xf32> to vector<16xf32>
    %select_n3A_74 = arith.select %eq3A_68, %get3A_73, %select_n3A_65 : vector<16xi1>, vector<16xf32>
    %eq3A_75 = arith.constant 8 : i32
    %eq3A_76 = vector.broadcast %eq3A_75 : i32 to vector<16xi32>
    %eq3A_77 = arith.cmpi eq, %iota3A, %eq3A_76 : vector<16xi32>
    %get3A_78 = arith.constant 8 : i32
    %get3A_79 = arith.index_cast %get3A_78 : i32 to index
    %get3A_80 = arith.constant 0 : index
    %get3A_81 = tpu.vector_load %arg4[%get3A_79, %get3A_80] {strides = array<i32>} : memref<16x128xf32, #tpu.memory_space<vmem>>, vector<1x16xf32>,
    %get3A_82 = vector.shape_cast %get3A_81 : vector<1x16xf32> to vector<16xf32>
    %select_n3A_83 = arith.select %eq3A_77, %get3A_82, %select_n3A_74 : vector<16xi1>, vector<16xf32>
    %eq3A_84 = arith.constant 9 : i32
    %eq3A_85 = vector.broadcast %eq3A_84 : i32 to vector<16xi32>
    %eq3A_86 = arith.cmpi eq, %iota3A, %eq3A_85 : vector<16xi32>
    %get3A_87 = arith.constant 9 : i32
    %get3A_88 = arith.index_cast %get3A_87 : i32 to index
    %get3A_89 = arith.constant 0 : index
    %get3A_90 = tpu.vector_load %arg4[%get3A_88, %get3A_89] {strides = array<i32>} : memref<16x128xf32, #tpu.memory_space<vmem>>, vector<1x16xf32>,
    %get3A_91 = vector.shape_cast %get3A_90 : vector<1x16xf32> to vector<16xf32>
    %select_n3A_92 = arith.select %eq3A_86, %get3A_91, %select_n3A_83 : vector<16xi1>, vector<16xf32>
    %eq3A_93 = arith.constant 10 : i32
    %eq3A_94 = vector.broadcast %eq3A_93 : i32 to vector<16xi32>
    %eq3A_95 = arith.cmpi eq, %iota3A, %eq3A_94 : vector<16xi32>
    %get3A_96 = arith.constant 10 : i32
    %get3A_97 = arith.index_cast %get3A_96 : i32 to index
    %get3A_98 = arith.constant 0 : index
    %get3A_99 = tpu.vector_load %arg4[%get3A_97, %get3A_98] {strides = array<i32>} : memref<16x128xf32, #tpu.memory_space<vmem>>, vector<1x16xf32>,
    %get3A_100 = vector.shape_cast %get3A_99 : vector<1x16xf32> to vector<16xf32>
    %select_n3A_101 = arith.select %eq3A_95, %get3A_100, %select_n3A_92 : vector<16xi1>, vector<16xf32>
    %eq3A_102 = arith.constant 11 : i32
    %eq3A_103 = vector.broadcast %eq3A_102 : i32 to vector<16xi32>
    %eq3A_104 = arith.cmpi eq, %iota3A, %eq3A_103 : vector<16xi32>
    %get3A_105 = arith.constant 11 : i32
    %get3A_106 = arith.index_cast %get3A_105 : i32 to index
    %get3A_107 = arith.constant 0 : index
    %get3A_108 = tpu.vector_load %arg4[%get3A_106, %get3A_107] {strides = array<i32>} : memref<16x128xf32, #tpu.memory_space<vmem>>, vector<1x16xf32>,
    %get3A_109 = vector.shape_cast %get3A_108 : vector<1x16xf32> to vector<16xf32>
    %select_n3A_110 = arith.select %eq3A_104, %get3A_109, %select_n3A_101 : vector<16xi1>, vector<16xf32>
    %eq3A_111 = arith.constant 12 : i32
    %eq3A_112 = vector.broadcast %eq3A_111 : i32 to vector<16xi32>
    %eq3A_113 = arith.cmpi eq, %iota3A, %eq3A_112 : vector<16xi32>
    %get3A_114 = arith.constant 12 : i32
    %get3A_115 = arith.index_cast %get3A_114 : i32 to index
    %get3A_116 = arith.constant 0 : index
    %get3A_117 = tpu.vector_load %arg4[%get3A_115, %get3A_116] {strides = array<i32>} : memref<16x128xf32, #tpu.memory_space<vmem>>, vector<1x16xf32>,
    %get3A_118 = vector.shape_cast %get3A_117 : vector<1x16xf32> to vector<16xf32>
    %select_n3A_119 = arith.select %eq3A_113, %get3A_118, %select_n3A_110 : vector<16xi1>, vector<16xf32>
    %eq3A_120 = arith.constant 13 : i32
    %eq3A_121 = vector.broadcast %eq3A_120 : i32 to vector<16xi32>
    %eq3A_122 = arith.cmpi eq, %iota3A, %eq3A_121 : vector<16xi32>
    %get3A_123 = arith.constant 13 : i32
    %get3A_124 = arith.index_cast %get3A_123 : i32 to index
    %get3A_125 = arith.constant 0 : index
    %get3A_126 = tpu.vector_load %arg4[%get3A_124, %get3A_125] {strides = array<i32>} : memref<16x128xf32, #tpu.memory_space<vmem>>, vector<1x16xf32>,
    %get3A_127 = vector.shape_cast %get3A_126 : vector<1x16xf32> to vector<16xf32>
    %select_n3A_128 = arith.select %eq3A_122, %get3A_127, %select_n3A_119 : vector<16xi1>, vector<16xf32>
    %eq3A_129 = arith.constant 14 : i32
    %eq3A_130 = vector.broadcast %eq3A_129 : i32 to vector<16xi32>
    %eq3A_131 = arith.cmpi eq, %iota3A, %eq3A_130 : vector<16xi32>
    %get3A_132 = arith.constant 14 : i32
    %get3A_133 = arith.index_cast %get3A_132 : i32 to index
    %get3A_134 = arith.constant 0 : index
    %get3A_135 = tpu.vector_load %arg4[%get3A_133, %get3A_134] {strides = array<i32>} : memref<16x128xf32, #tpu.memory_space<vmem>>, vector<1x16xf32>,
    %get3A_136 = vector.shape_cast %get3A_135 : vector<1x16xf32> to vector<16xf32>
    %select_n3A_137 = arith.select %eq3A_131, %get3A_136, %select_n3A_128 : vector<16xi1>, vector<16xf32>
    %eq3A_138 = arith.constant 15 : i32
    %eq3A_139 = vector.broadcast %eq3A_138 : i32 to vector<16xi32>
    %eq3A_140 = arith.cmpi eq, %iota3A, %eq3A_139 : vector<16xi32>
    %get3A_141 = arith.constant 15 : i32
    %get3A_142 = arith.index_cast %get3A_141 : i32 to index
    %get3A_143 = arith.constant 0 : index
    %get3A_144 = tpu.vector_load %arg4[%get3A_142, %get3A_143] {strides = array<i32>} : memref<16x128xf32, #tpu.memory_space<vmem>>, vector<1x16xf32>,
    %get3A_145 = vector.shape_cast %get3A_144 : vector<1x16xf32> to vector<16xf32>
    %select_n3A_146 = arith.select %eq3A_140, %get3A_145, %select_n3A_137 : vector<16xi1>, vector<16xf32>
    %swap3A = arith.constant 0 : index
    %swap3A_147 = tpu.vector_load %arg5[%swap3A] {strides = array<i32>} : memref<128xf32, #tpu.memory_space<vmem>>, vector<16xf32>,
    %swap3A_148 = vector.shape_cast %swap3A_147 : vector<16xf32> to vector<16xf32>
    %swap3A_149 = vector.shape_cast %select_n3A_146 : vector<16xf32> to vector<16xf32>
    tpu.vector_store %arg5[%swap3A], %swap3A_149 {strides = array<i32>} : memref<128xf32, #tpu.memory_space<vmem>>, vector<16xf32>,
    %add3A_150 = arith.constant 16 : i32
    %add3A_151 = arith.addi %mul3A_2, %add3A_150 : i32
    "tpu.region"() ({
      %run_scoped3A = tpu.sem_alloc : memref<!tpu.dma_semaphore, #tpu.memory_space<semaphore_mem>>
      %dma_start3A = tpu.memref_slice %arg2[%add3A_151, %mul3A_2] : memref<4096x4096xf32, #tpu.memory_space<hbm>> -> memref<16x128xf32, #tpu.memory_space<hbm>>
      %dma_start3A_1214 = tpu.memref_slice %arg2[%add3A_151, %mul3A_2] : memref<4096x4096xf32, #tpu.memory_space<hbm>> -> memref<16x128xf32, #tpu.memory_space<hbm>>
      tpu.enqueue_dma source(%dma_start3A_1214 : memref<16x128xf32, #tpu.memory_space<hbm>>) target(%arg4 : memref<16x128xf32, #tpu.memory_space<vmem>>) target_semaphore(%run_scoped3A : memref<!tpu.dma_semaphore, #tpu.memory_space<semaphore_mem>>)
      %dma_wait3A = tpu.memref_slice %arg2[%add3A_151, %mul3A_2] : memref<4096x4096xf32, #tpu.memory_space<hbm>> -> memref<16x128xf32, #tpu.memory_space<hbm>>
      %dma_wait3A_1215 = tpu.memref_slice %arg2[%add3A_151, %mul3A_2] : memref<4096x4096xf32, #tpu.memory_space<hbm>> -> memref<16x128xf32, #tpu.memory_space<hbm>>
      tpu.wait_dma2 semaphore(%run_scoped3A : memref<!tpu.dma_semaphore, #tpu.memory_space<semaphore_mem>>) src(%dma_wait3A_1215 : memref<16x128xf32, #tpu.memory_space<hbm>>) dst(%arg4 : memref<16x128xf32, #tpu.memory_space<vmem>>)
      tpu.yield
    }) : () -> ()
    %broadcast_in_dim3A_152 = arith.constant 0.000000e+00 : f32
    %broadcast_in_dim3A_153 = vector.broadcast %broadcast_in_dim3A_152 : f32 to vector<16xf32>
    %eq3A_154 = arith.constant 0 : i32
    %eq3A_155 = vector.broadcast %eq3A_154 : i32 to vector<16xi32>
    %eq3A_156 = arith.cmpi eq, %iota3A, %eq3A_155 : vector<16xi32>
    %get3A_157 = arith.constant 0 : i32
    %get3A_158 = arith.index_cast %get3A_157 : i32 to index
    %get3A_159 = arith.constant 16 : index
    %get3A_160 = tpu.vector_load %arg4[%get3A_158, %get3A_159] {strides = array<i32>} : memref<16x128xf32, #tpu.memory_space<vmem>>, vector<1x16xf32>,
    %get3A_161 = vector.shape_cast %get3A_160 : vector<1x16xf32> to vector<16xf32>
    %select_n3A_162 = arith.select %eq3A_156, %get3A_161, %broadcast_in_dim3A_153 : vector<16xi1>, vector<16xf32>
    %eq3A_163 = arith.constant 1 : i32
    %eq3A_164 = vector.broadcast %eq3A_163 : i32 to vector<16xi32>
    %eq3A_165 = arith.cmpi eq, %iota3A, %eq3A_164 : vector<16xi32>
    %get3A_166 = arith.constant 1 : i32
    %get3A_167 = arith.index_cast %get3A_166 : i32 to index
    %get3A_168 = arith.constant 16 : index
    %get3A_169 = tpu.vector_load %arg4[%get3A_167, %get3A_168] {strides = array<i32>} : memref<16x128xf32, #tpu.memory_space<vmem>>, vector<1x16xf32>,
    %get3A_170 = vector.shape_cast %get3A_169 : vector<1x16xf32> to vector<16xf32>
    %select_n3A_171 = arith.select %eq3A_165, %get3A_170, %select_n3A_162 : vector<16xi1>, vector<16xf32>
    %eq3A_172 = arith.constant 2 : i32
    %eq3A_173 = vector.broadcast %eq3A_172 : i32 to vector<16xi32>
    %eq3A_174 = arith.cmpi eq, %iota3A, %eq3A_173 : vector<16xi32>
    %get3A_175 = arith.constant 2 : i32
    %get3A_176 = arith.index_cast %get3A_175 : i32 to index
    %get3A_177 = arith.constant 16 : index
    %get3A_178 = tpu.vector_load %arg4[%get3A_176, %get3A_177] {strides = array<i32>} : memref<16x128xf32, #tpu.memory_space<vmem>>, vector<1x16xf32>,
    %get3A_179 = vector.shape_cast %get3A_178 : vector<1x16xf32> to vector<16xf32>
    %select_n3A_180 = arith.select %eq3A_174, %get3A_179, %select_n3A_171 : vector<16xi1>, vector<16xf32>
    %eq3A_181 = arith.constant 3 : i32
    %eq3A_182 = vector.broadcast %eq3A_181 : i32 to vector<16xi32>
    %eq3A_183 = arith.cmpi eq, %iota3A, %eq3A_182 : vector<16xi32>
    %get3A_184 = arith.constant 3 : i32
    %get3A_185 = arith.index_cast %get3A_184 : i32 to index
    %get3A_186 = arith.constant 16 : index
    %get3A_187 = tpu.vector_load %arg4[%get3A_185, %get3A_186] {strides = array<i32>} : memref<16x128xf32, #tpu.memory_space<vmem>>, vector<1x16xf32>,
    %get3A_188 = vector.shape_cast %get3A_187 : vector<1x16xf32> to vector<16xf32>
    %select_n3A_189 = arith.select %eq3A_183, %get3A_188, %select_n3A_180 : vector<16xi1>, vector<16xf32>
    %eq3A_190 = arith.constant 4 : i32
    %eq3A_191 = vector.broadcast %eq3A_190 : i32 to vector<16xi32>
    %eq3A_192 = arith.cmpi eq, %iota3A, %eq3A_191 : vector<16xi32>
    %get3A_193 = arith.constant 4 : i32
    %get3A_194 = arith.index_cast %get3A_193 : i32 to index
    %get3A_195 = arith.constant 16 : index
    %get3A_196 = tpu.vector_load %arg4[%get3A_194, %get3A_195] {strides = array<i32>} : memref<16x128xf32, #tpu.memory_space<vmem>>, vector<1x16xf32>,
    %get3A_197 = vector.shape_cast %get3A_196 : vector<1x16xf32> to vector<16xf32>
    %select_n3A_198 = arith.select %eq3A_192, %get3A_197, %select_n3A_189 : vector<16xi1>, vector<16xf32>
    %eq3A_199 = arith.constant 5 : i32
    %eq3A_200 = vector.broadcast %eq3A_199 : i32 to vector<16xi32>
    %eq3A_201 = arith.cmpi eq, %iota3A, %eq3A_200 : vector<16xi32>
    %get3A_202 = arith.constant 5 : i32
    %get3A_203 = arith.index_cast %get3A_202 : i32 to index
    %get3A_204 = arith.constant 16 : index
    %get3A_205 = tpu.vector_load %arg4[%get3A_203, %get3A_204] {strides = array<i32>} : memref<16x128xf32, #tpu.memory_space<vmem>>, vector<1x16xf32>,
    %get3A_206 = vector.shape_cast %get3A_205 : vector<1x16xf32> to vector<16xf32>
    %select_n3A_207 = arith.select %eq3A_201, %get3A_206, %select_n3A_198 : vector<16xi1>, vector<16xf32>
    %eq3A_208 = arith.constant 6 : i32
    %eq3A_209 = vector.broadcast %eq3A_208 : i32 to vector<16xi32>
    %eq3A_210 = arith.cmpi eq, %iota3A, %eq3A_209 : vector<16xi32>
    %get3A_211 = arith.constant 6 : i32
    %get3A_212 = arith.index_cast %get3A_211 : i32 to index
    %get3A_213 = arith.constant 16 : index
    %get3A_214 = tpu.vector_load %arg4[%get3A_212, %get3A_213] {strides = array<i32>} : memref<16x128xf32, #tpu.memory_space<vmem>>, vector<1x16xf32>,
    %get3A_215 = vector.shape_cast %get3A_214 : vector<1x16xf32> to vector<16xf32>
    %select_n3A_216 = arith.select %eq3A_210, %get3A_215, %select_n3A_207 : vector<16xi1>, vector<16xf32>
    %eq3A_217 = arith.constant 7 : i32
    %eq3A_218 = vector.broadcast %eq3A_217 : i32 to vector<16xi32>
    %eq3A_219 = arith.cmpi eq, %iota3A, %eq3A_218 : vector<16xi32>
    %get3A_220 = arith.constant 7 : i32
    %get3A_221 = arith.index_cast %get3A_220 : i32 to index
    %get3A_222 = arith.constant 16 : index
    %get3A_223 = tpu.vector_load %arg4[%get3A_221, %get3A_222] {strides = array<i32>} : memref<16x128xf32, #tpu.memory_space<vmem>>, vector<1x16xf32>,
    %get3A_224 = vector.shape_cast %get3A_223 : vector<1x16xf32> to vector<16xf32>
    %select_n3A_225 = arith.select %eq3A_219, %get3A_224, %select_n3A_216 : vector<16xi1>, vector<16xf32>
    %eq3A_226 = arith.constant 8 : i32
    %eq3A_227 = vector.broadcast %eq3A_226 : i32 to vector<16xi32>
    %eq3A_228 = arith.cmpi eq, %iota3A, %eq3A_227 : vector<16xi32>
    %get3A_229 = arith.constant 8 : i32
    %get3A_230 = arith.index_cast %get3A_229 : i32 to index
    %get3A_231 = arith.constant 16 : index
    %get3A_232 = tpu.vector_load %arg4[%get3A_230, %get3A_231] {strides = array<i32>} : memref<16x128xf32, #tpu.memory_space<vmem>>, vector<1x16xf32>,
    %get3A_233 = vector.shape_cast %get3A_232 : vector<1x16xf32> to vector<16xf32>
    %select_n3A_234 = arith.select %eq3A_228, %get3A_233, %select_n3A_225 : vector<16xi1>, vector<16xf32>
    %eq3A_235 = arith.constant 9 : i32
    %eq3A_236 = vector.broadcast %eq3A_235 : i32 to vector<16xi32>
    %eq3A_237 = arith.cmpi eq, %iota3A, %eq3A_236 : vector<16xi32>
    %get3A_238 = arith.constant 9 : i32
    %get3A_239 = arith.index_cast %get3A_238 : i32 to index
    %get3A_240 = arith.constant 16 : index
    %get3A_241 = tpu.vector_load %arg4[%get3A_239, %get3A_240] {strides = array<i32>} : memref<16x128xf32, #tpu.memory_space<vmem>>, vector<1x16xf32>,
    %get3A_242 = vector.shape_cast %get3A_241 : vector<1x16xf32> to vector<16xf32>
    %select_n3A_243 = arith.select %eq3A_237, %get3A_242, %select_n3A_234 : vector<16xi1>, vector<16xf32>
    %eq3A_244 = arith.constant 10 : i32
    %eq3A_245 = vector.broadcast %eq3A_244 : i32 to vector<16xi32>
    %eq3A_246 = arith.cmpi eq, %iota3A, %eq3A_245 : vector<16xi32>
    %get3A_247 = arith.constant 10 : i32
    %get3A_248 = arith.index_cast %get3A_247 : i32 to index
    %get3A_249 = arith.constant 16 : index
    %get3A_250 = tpu.vector_load %arg4[%get3A_248, %get3A_249] {strides = array<i32>} : memref<16x128xf32, #tpu.memory_space<vmem>>, vector<1x16xf32>,
    %get3A_251 = vector.shape_cast %get3A_250 : vector<1x16xf32> to vector<16xf32>
    %select_n3A_252 = arith.select %eq3A_246, %get3A_251, %select_n3A_243 : vector<16xi1>, vector<16xf32>
    %eq3A_253 = arith.constant 11 : i32
    %eq3A_254 = vector.broadcast %eq3A_253 : i32 to vector<16xi32>
    %eq3A_255 = arith.cmpi eq, %iota3A, %eq3A_254 : vector<16xi32>
    %get3A_256 = arith.constant 11 : i32
    %get3A_257 = arith.index_cast %get3A_256 : i32 to index
    %get3A_258 = arith.constant 16 : index
    %get3A_259 = tpu.vector_load %arg4[%get3A_257, %get3A_258] {strides = array<i32>} : memref<16x128xf32, #tpu.memory_space<vmem>>, vector<1x16xf32>,
    %get3A_260 = vector.shape_cast %get3A_259 : vector<1x16xf32> to vector<16xf32>
    %select_n3A_261 = arith.select %eq3A_255, %get3A_260, %select_n3A_252 : vector<16xi1>, vector<16xf32>
    %eq3A_262 = arith.constant 12 : i32
    %eq3A_263 = vector.broadcast %eq3A_262 : i32 to vector<16xi32>
    %eq3A_264 = arith.cmpi eq, %iota3A, %eq3A_263 : vector<16xi32>
    %get3A_265 = arith.constant 12 : i32
    %get3A_266 = arith.index_cast %get3A_265 : i32 to index
    %get3A_267 = arith.constant 16 : index
    %get3A_268 = tpu.vector_load %arg4[%get3A_266, %get3A_267] {strides = array<i32>} : memref<16x128xf32, #tpu.memory_space<vmem>>, vector<1x16xf32>,
    %get3A_269 = vector.shape_cast %get3A_268 : vector<1x16xf32> to vector<16xf32>
    %select_n3A_270 = arith.select %eq3A_264, %get3A_269, %select_n3A_261 : vector<16xi1>, vector<16xf32>
    %eq3A_271 = arith.constant 13 : i32
    %eq3A_272 = vector.broadcast %eq3A_271 : i32 to vector<16xi32>
    %eq3A_273 = arith.cmpi eq, %iota3A, %eq3A_272 : vector<16xi32>
    %get3A_274 = arith.constant 13 : i32
    %get3A_275 = arith.index_cast %get3A_274 : i32 to index
    %get3A_276 = arith.constant 16 : index
    %get3A_277 = tpu.vector_load %arg4[%get3A_275, %get3A_276] {strides = array<i32>} : memref<16x128xf32, #tpu.memory_space<vmem>>, vector<1x16xf32>,
    %get3A_278 = vector.shape_cast %get3A_277 : vector<1x16xf32> to vector<16xf32>
    %select_n3A_279 = arith.select %eq3A_273, %get3A_278, %select_n3A_270 : vector<16xi1>, vector<16xf32>
    %eq3A_280 = arith.constant 14 : i32
    %eq3A_281 = vector.broadcast %eq3A_280 : i32 to vector<16xi32>
    %eq3A_282 = arith.cmpi eq, %iota3A, %eq3A_281 : vector<16xi32>
    %get3A_283 = arith.constant 14 : i32
    %get3A_284 = arith.index_cast %get3A_283 : i32 to index
    %get3A_285 = arith.constant 16 : index
    %get3A_286 = tpu.vector_load %arg4[%get3A_284, %get3A_285] {strides = array<i32>} : memref<16x128xf32, #tpu.memory_space<vmem>>, vector<1x16xf32>,
    %get3A_287 = vector.shape_cast %get3A_286 : vector<1x16xf32> to vector<16xf32>
    %select_n3A_288 = arith.select %eq3A_282, %get3A_287, %select_n3A_279 : vector<16xi1>, vector<16xf32>
    %eq3A_289 = arith.constant 15 : i32
    %eq3A_290 = vector.broadcast %eq3A_289 : i32 to vector<16xi32>
    %eq3A_291 = arith.cmpi eq, %iota3A, %eq3A_290 : vector<16xi32>
    %get3A_292 = arith.constant 15 : i32
    %get3A_293 = arith.index_cast %get3A_292 : i32 to index
    %get3A_294 = arith.constant 16 : index
    %get3A_295 = tpu.vector_load %arg4[%get3A_293, %get3A_294] {strides = array<i32>} : memref<16x128xf32, #tpu.memory_space<vmem>>, vector<1x16xf32>,
    %get3A_296 = vector.shape_cast %get3A_295 : vector<1x16xf32> to vector<16xf32>
    %select_n3A_297 = arith.select %eq3A_291, %get3A_296, %select_n3A_288 : vector<16xi1>, vector<16xf32>
    %swap3A_298 = arith.constant 16 : index
    %swap3A_299 = tpu.vector_load %arg5[%swap3A_298] {strides = array<i32>} : memref<128xf32, #tpu.memory_space<vmem>>, vector<16xf32>,
    %swap3A_300 = vector.shape_cast %swap3A_299 : vector<16xf32> to vector<16xf32>
    %swap3A_301 = vector.shape_cast %select_n3A_297 : vector<16xf32> to vector<16xf32>
    tpu.vector_store %arg5[%swap3A_298], %swap3A_301 {strides = array<i32>} : memref<128xf32, #tpu.memory_space<vmem>>, vector<16xf32>,
    %add3A_302 = arith.constant 32 : i32
    %add3A_303 = arith.addi %mul3A_2, %add3A_302 : i32
    "tpu.region"() ({
      %run_scoped3A = tpu.sem_alloc : memref<!tpu.dma_semaphore, #tpu.memory_space<semaphore_mem>>
      %dma_start3A = tpu.memref_slice %arg2[%add3A_303, %mul3A_2] : memref<4096x4096xf32, #tpu.memory_space<hbm>> -> memref<16x128xf32, #tpu.memory_space<hbm>>
      %dma_start3A_1214 = tpu.memref_slice %arg2[%add3A_303, %mul3A_2] : memref<4096x4096xf32, #tpu.memory_space<hbm>> -> memref<16x128xf32, #tpu.memory_space<hbm>>
      tpu.enqueue_dma source(%dma_start3A_1214 : memref<16x128xf32, #tpu.memory_space<hbm>>) target(%arg4 : memref<16x128xf32, #tpu.memory_space<vmem>>) target_semaphore(%run_scoped3A : memref<!tpu.dma_semaphore, #tpu.memory_space<semaphore_mem>>)
      %dma_wait3A = tpu.memref_slice %arg2[%add3A_303, %mul3A_2] : memref<4096x4096xf32, #tpu.memory_space<hbm>> -> memref<16x128xf32, #tpu.memory_space<hbm>>
      %dma_wait3A_1215 = tpu.memref_slice %arg2[%add3A_303, %mul3A_2] : memref<4096x4096xf32, #tpu.memory_space<hbm>> -> memref<16x128xf32, #tpu.memory_space<hbm>>
      tpu.wait_dma2 semaphore(%run_scoped3A : memref<!tpu.dma_semaphore, #tpu.memory_space<semaphore_mem>>) src(%dma_wait3A_1215 : memref<16x128xf32, #tpu.memory_space<hbm>>) dst(%arg4 : memref<16x128xf32, #tpu.memory_space<vmem>>)
      tpu.yield
    }) : () -> ()
    %broadcast_in_dim3A_304 = arith.constant 0.000000e+00 : f32
    %broadcast_in_dim3A_305 = vector.broadcast %broadcast_in_dim3A_304 : f32 to vector<16xf32>
    %eq3A_306 = arith.constant 0 : i32
    %eq3A_307 = vector.broadcast %eq3A_306 : i32 to vector<16xi32>
    %eq3A_308 = arith.cmpi eq, %iota3A, %eq3A_307 : vector<16xi32>
    %get3A_309 = arith.constant 0 : i32
    %get3A_310 = arith.index_cast %get3A_309 : i32 to index
    %get3A_311 = arith.constant 32 : index
    %get3A_312 = tpu.vector_load %arg4[%get3A_310, %get3A_311] {strides = array<i32>} : memref<16x128xf32, #tpu.memory_space<vmem>>, vector<1x16xf32>,
    %get3A_313 = vector.shape_cast %get3A_312 : vector<1x16xf32> to vector<16xf32>
    %select_n3A_314 = arith.select %eq3A_308, %get3A_313, %broadcast_in_dim3A_305 : vector<16xi1>, vector<16xf32>
    %eq3A_315 = arith.constant 1 : i32
    %eq3A_316 = vector.broadcast %eq3A_315 : i32 to vector<16xi32>
    %eq3A_317 = arith.cmpi eq, %iota3A, %eq3A_316 : vector<16xi32>
    %get3A_318 = arith.constant 1 : i32
    %get3A_319 = arith.index_cast %get3A_318 : i32 to index
    %get3A_320 = arith.constant 32 : index
    %get3A_321 = tpu.vector_load %arg4[%get3A_319, %get3A_320] {strides = array<i32>} : memref<16x128xf32, #tpu.memory_space<vmem>>, vector<1x16xf32>,
    %get3A_322 = vector.shape_cast %get3A_321 : vector<1x16xf32> to vector<16xf32>
    %select_n3A_323 = arith.select %eq3A_317, %get3A_322, %select_n3A_314 : vector<16xi1>, vector<16xf32>
    %eq3A_324 = arith.constant 2 : i32
    %eq3A_325 = vector.broadcast %eq3A_324 : i32 to vector<16xi32>
    %eq3A_326 = arith.cmpi eq, %iota3A, %eq3A_325 : vector<16xi32>
    %get3A_327 = arith.constant 2 : i32
    %get3A_328 = arith.index_cast %get3A_327 : i32 to index
    %get3A_329 = arith.constant 32 : index
    %get3A_330 = tpu.vector_load %arg4[%get3A_328, %get3A_329] {strides = array<i32>} : memref<16x128xf32, #tpu.memory_space<vmem>>, vector<1x16xf32>,
    %get3A_331 = vector.shape_cast %get3A_330 : vector<1x16xf32> to vector<16xf32>
    %select_n3A_332 = arith.select %eq3A_326, %get3A_331, %select_n3A_323 : vector<16xi1>, vector<16xf32>
    %eq3A_333 = arith.constant 3 : i32
    %eq3A_334 = vector.broadcast %eq3A_333 : i32 to vector<16xi32>
    %eq3A_335 = arith.cmpi eq, %iota3A, %eq3A_334 : vector<16xi32>
    %get3A_336 = arith.constant 3 : i32
    %get3A_337 = arith.index_cast %get3A_336 : i32 to index
    %get3A_338 = arith.constant 32 : index
    %get3A_339 = tpu.vector_load %arg4[%get3A_337, %get3A_338] {strides = array<i32>} : memref<16x128xf32, #tpu.memory_space<vmem>>, vector<1x16xf32>,
    %get3A_340 = vector.shape_cast %get3A_339 : vector<1x16xf32> to vector<16xf32>
    %select_n3A_341 = arith.select %eq3A_335, %get3A_340, %select_n3A_332 : vector<16xi1>, vector<16xf32>
    %eq3A_342 = arith.constant 4 : i32
    %eq3A_343 = vector.broadcast %eq3A_342 : i32 to vector<16xi32>
    %eq3A_344 = arith.cmpi eq, %iota3A, %eq3A_343 : vector<16xi32>
    %get3A_345 = arith.constant 4 : i32
    %get3A_346 = arith.index_cast %get3A_345 : i32 to index
    %get3A_347 = arith.constant 32 : index
    %get3A_348 = tpu.vector_load %arg4[%get3A_346, %get3A_347] {strides = array<i32>} : memref<16x128xf32, #tpu.memory_space<vmem>>, vector<1x16xf32>,
    %get3A_349 = vector.shape_cast %get3A_348 : vector<1x16xf32> to vector<16xf32>
    %select_n3A_350 = arith.select %eq3A_344, %get3A_349, %select_n3A_341 : vector<16xi1>, vector<16xf32>
    %eq3A_351 = arith.constant 5 : i32
    %eq3A_352 = vector.broadcast %eq3A_351 : i32 to vector<16xi32>
    %eq3A_353 = arith.cmpi eq, %iota3A, %eq3A_352 : vector<16xi32>
    %get3A_354 = arith.constant 5 : i32
    %get3A_355 = arith.index_cast %get3A_354 : i32 to index
    %get3A_356 = arith.constant 32 : index
    %get3A_357 = tpu.vector_load %arg4[%get3A_355, %get3A_356] {strides = array<i32>} : memref<16x128xf32, #tpu.memory_space<vmem>>, vector<1x16xf32>,
    %get3A_358 = vector.shape_cast %get3A_357 : vector<1x16xf32> to vector<16xf32>
    %select_n3A_359 = arith.select %eq3A_353, %get3A_358, %select_n3A_350 : vector<16xi1>, vector<16xf32>
    %eq3A_360 = arith.constant 6 : i32
    %eq3A_361 = vector.broadcast %eq3A_360 : i32 to vector<16xi32>
    %eq3A_362 = arith.cmpi eq, %iota3A, %eq3A_361 : vector<16xi32>
    %get3A_363 = arith.constant 6 : i32
    %get3A_364 = arith.index_cast %get3A_363 : i32 to index
    %get3A_365 = arith.constant 32 : index
    %get3A_366 = tpu.vector_load %arg4[%get3A_364, %get3A_365] {strides = array<i32>} : memref<16x128xf32, #tpu.memory_space<vmem>>, vector<1x16xf32>,
    %get3A_367 = vector.shape_cast %get3A_366 : vector<1x16xf32> to vector<16xf32>
    %select_n3A_368 = arith.select %eq3A_362, %get3A_367, %select_n3A_359 : vector<16xi1>, vector<16xf32>
    %eq3A_369 = arith.constant 7 : i32
    %eq3A_370 = vector.broadcast %eq3A_369 : i32 to vector<16xi32>
    %eq3A_371 = arith.cmpi eq, %iota3A, %eq3A_370 : vector<16xi32>
    %get3A_372 = arith.constant 7 : i32
    %get3A_373 = arith.index_cast %get3A_372 : i32 to index
    %get3A_374 = arith.constant 32 : index
    %get3A_375 = tpu.vector_load %arg4[%get3A_373, %get3A_374] {strides = array<i32>} : memref<16x128xf32, #tpu.memory_space<vmem>>, vector<1x16xf32>,
    %get3A_376 = vector.shape_cast %get3A_375 : vector<1x16xf32> to vector<16xf32>
    %select_n3A_377 = arith.select %eq3A_371, %get3A_376, %select_n3A_368 : vector<16xi1>, vector<16xf32>
    %eq3A_378 = arith.constant 8 : i32
    %eq3A_379 = vector.broadcast %eq3A_378 : i32 to vector<16xi32>
    %eq3A_380 = arith.cmpi eq, %iota3A, %eq3A_379 : vector<16xi32>
    %get3A_381 = arith.constant 8 : i32
    %get3A_382 = arith.index_cast %get3A_381 : i32 to index
    %get3A_383 = arith.constant 32 : index
    %get3A_384 = tpu.vector_load %arg4[%get3A_382, %get3A_383] {strides = array<i32>} : memref<16x128xf32, #tpu.memory_space<vmem>>, vector<1x16xf32>,
    %get3A_385 = vector.shape_cast %get3A_384 : vector<1x16xf32> to vector<16xf32>
    %select_n3A_386 = arith.select %eq3A_380, %get3A_385, %select_n3A_377 : vector<16xi1>, vector<16xf32>
    %eq3A_387 = arith.constant 9 : i32
    %eq3A_388 = vector.broadcast %eq3A_387 : i32 to vector<16xi32>
    %eq3A_389 = arith.cmpi eq, %iota3A, %eq3A_388 : vector<16xi32>
    %get3A_390 = arith.constant 9 : i32
    %get3A_391 = arith.index_cast %get3A_390 : i32 to index
    %get3A_392 = arith.constant 32 : index
    %get3A_393 = tpu.vector_load %arg4[%get3A_391, %get3A_392] {strides = array<i32>} : memref<16x128xf32, #tpu.memory_space<vmem>>, vector<1x16xf32>,
    %get3A_394 = vector.shape_cast %get3A_393 : vector<1x16xf32> to vector<16xf32>
    %select_n3A_395 = arith.select %eq3A_389, %get3A_394, %select_n3A_386 : vector<16xi1>, vector<16xf32>
    %eq3A_396 = arith.constant 10 : i32
    %eq3A_397 = vector.broadcast %eq3A_396 : i32 to vector<16xi32>
    %eq3A_398 = arith.cmpi eq, %iota3A, %eq3A_397 : vector<16xi32>
    %get3A_399 = arith.constant 10 : i32
    %get3A_400 = arith.index_cast %get3A_399 : i32 to index
    %get3A_401 = arith.constant 32 : index
    %get3A_402 = tpu.vector_load %arg4[%get3A_400, %get3A_401] {strides = array<i32>} : memref<16x128xf32, #tpu.memory_space<vmem>>, vector<1x16xf32>,
    %get3A_403 = vector.shape_cast %get3A_402 : vector<1x16xf32> to vector<16xf32>
    %select_n3A_404 = arith.select %eq3A_398, %get3A_403, %select_n3A_395 : vector<16xi1>, vector<16xf32>
    %eq3A_405 = arith.constant 11 : i32
    %eq3A_406 = vector.broadcast %eq3A_405 : i32 to vector<16xi32>
    %eq3A_407 = arith.cmpi eq, %iota3A, %eq3A_406 : vector<16xi32>
    %get3A_408 = arith.constant 11 : i32
    %get3A_409 = arith.index_cast %get3A_408 : i32 to index
    %get3A_410 = arith.constant 32 : index
    %get3A_411 = tpu.vector_load %arg4[%get3A_409, %get3A_410] {strides = array<i32>} : memref<16x128xf32, #tpu.memory_space<vmem>>, vector<1x16xf32>,
    %get3A_412 = vector.shape_cast %get3A_411 : vector<1x16xf32> to vector<16xf32>
    %select_n3A_413 = arith.select %eq3A_407, %get3A_412, %select_n3A_404 : vector<16xi1>, vector<16xf32>
    %eq3A_414 = arith.constant 12 : i32
    %eq3A_415 = vector.broadcast %eq3A_414 : i32 to vector<16xi32>
    %eq3A_416 = arith.cmpi eq, %iota3A, %eq3A_415 : vector<16xi32>
    %get3A_417 = arith.constant 12 : i32
    %get3A_418 = arith.index_cast %get3A_417 : i32 to index
    %get3A_419 = arith.constant 32 : index
    %get3A_420 = tpu.vector_load %arg4[%get3A_418, %get3A_419] {strides = array<i32>} : memref<16x128xf32, #tpu.memory_space<vmem>>, vector<1x16xf32>,
    %get3A_421 = vector.shape_cast %get3A_420 : vector<1x16xf32> to vector<16xf32>
    %select_n3A_422 = arith.select %eq3A_416, %get3A_421, %select_n3A_413 : vector<16xi1>, vector<16xf32>
    %eq3A_423 = arith.constant 13 : i32
    %eq3A_424 = vector.broadcast %eq3A_423 : i32 to vector<16xi32>
    %eq3A_425 = arith.cmpi eq, %iota3A, %eq3A_424 : vector<16xi32>
    %get3A_426 = arith.constant 13 : i32
    %get3A_427 = arith.index_cast %get3A_426 : i32 to index
    %get3A_428 = arith.constant 32 : index
    %get3A_429 = tpu.vector_load %arg4[%get3A_427, %get3A_428] {strides = array<i32>} : memref<16x128xf32, #tpu.memory_space<vmem>>, vector<1x16xf32>,
    %get3A_430 = vector.shape_cast %get3A_429 : vector<1x16xf32> to vector<16xf32>
    %select_n3A_431 = arith.select %eq3A_425, %get3A_430, %select_n3A_422 : vector<16xi1>, vector<16xf32>
    %eq3A_432 = arith.constant 14 : i32
    %eq3A_433 = vector.broadcast %eq3A_432 : i32 to vector<16xi32>
    %eq3A_434 = arith.cmpi eq, %iota3A, %eq3A_433 : vector<16xi32>
    %get3A_435 = arith.constant 14 : i32
    %get3A_436 = arith.index_cast %get3A_435 : i32 to index
    %get3A_437 = arith.constant 32 : index
    %get3A_438 = tpu.vector_load %arg4[%get3A_436, %get3A_437] {strides = array<i32>} : memref<16x128xf32, #tpu.memory_space<vmem>>, vector<1x16xf32>,
    %get3A_439 = vector.shape_cast %get3A_438 : vector<1x16xf32> to vector<16xf32>
    %select_n3A_440 = arith.select %eq3A_434, %get3A_439, %select_n3A_431 : vector<16xi1>, vector<16xf32>
    %eq3A_441 = arith.constant 15 : i32
    %eq3A_442 = vector.broadcast %eq3A_441 : i32 to vector<16xi32>
    %eq3A_443 = arith.cmpi eq, %iota3A, %eq3A_442 : vector<16xi32>
    %get3A_444 = arith.constant 15 : i32
    %get3A_445 = arith.index_cast %get3A_444 : i32 to index
    %get3A_446 = arith.constant 32 : index
    %get3A_447 = tpu.vector_load %arg4[%get3A_445, %get3A_446] {strides = array<i32>} : memref<16x128xf32, #tpu.memory_space<vmem>>, vector<1x16xf32>,
    %get3A_448 = vector.shape_cast %get3A_447 : vector<1x16xf32> to vector<16xf32>
    %select_n3A_449 = arith.select %eq3A_443, %get3A_448, %select_n3A_440 : vector<16xi1>, vector<16xf32>
    %swap3A_450 = arith.constant 32 : index
    %swap3A_451 = tpu.vector_load %arg5[%swap3A_450] {strides = array<i32>} : memref<128xf32, #tpu.memory_space<vmem>>, vector<16xf32>,
    %swap3A_452 = vector.shape_cast %swap3A_451 : vector<16xf32> to vector<16xf32>
    %swap3A_453 = vector.shape_cast %select_n3A_449 : vector<16xf32> to vector<16xf32>
    tpu.vector_store %arg5[%swap3A_450], %swap3A_453 {strides = array<i32>} : memref<128xf32, #tpu.memory_space<vmem>>, vector<16xf32>,
    %add3A_454 = arith.constant 48 : i32
    %add3A_455 = arith.addi %mul3A_2, %add3A_454 : i32
    "tpu.region"() ({
      %run_scoped3A = tpu.sem_alloc : memref<!tpu.dma_semaphore, #tpu.memory_space<semaphore_mem>>
      %dma_start3A = tpu.memref_slice %arg2[%add3A_455, %mul3A_2] : memref<4096x4096xf32, #tpu.memory_space<hbm>> -> memref<16x128xf32, #tpu.memory_space<hbm>>
      %dma_start3A_1214 = tpu.memref_slice %arg2[%add3A_455, %mul3A_2] : memref<4096x4096xf32, #tpu.memory_space<hbm>> -> memref<16x128xf32, #tpu.memory_space<hbm>>
      tpu.enqueue_dma source(%dma_start3A_1214 : memref<16x128xf32, #tpu.memory_space<hbm>>) target(%arg4 : memref<16x128xf32, #tpu.memory_space<vmem>>) target_semaphore(%run_scoped3A : memref<!tpu.dma_semaphore, #tpu.memory_space<semaphore_mem>>)
      %dma_wait3A = tpu.memref_slice %arg2[%add3A_455, %mul3A_2] : memref<4096x4096xf32, #tpu.memory_space<hbm>> -> memref<16x128xf32, #tpu.memory_space<hbm>>
      %dma_wait3A_1215 = tpu.memref_slice %arg2[%add3A_455, %mul3A_2] : memref<4096x4096xf32, #tpu.memory_space<hbm>> -> memref<16x128xf32, #tpu.memory_space<hbm>>
      tpu.wait_dma2 semaphore(%run_scoped3A : memref<!tpu.dma_semaphore, #tpu.memory_space<semaphore_mem>>) src(%dma_wait3A_1215 : memref<16x128xf32, #tpu.memory_space<hbm>>) dst(%arg4 : memref<16x128xf32, #tpu.memory_space<vmem>>)
      tpu.yield
    }) : () -> ()
    %broadcast_in_dim3A_456 = arith.constant 0.000000e+00 : f32
    %broadcast_in_dim3A_457 = vector.broadcast %broadcast_in_dim3A_456 : f32 to vector<16xf32>
    %eq3A_458 = arith.constant 0 : i32
    %eq3A_459 = vector.broadcast %eq3A_458 : i32 to vector<16xi32>
    %eq3A_460 = arith.cmpi eq, %iota3A, %eq3A_459 : vector<16xi32>
    %get3A_461 = arith.constant 0 : i32
    %get3A_462 = arith.index_cast %get3A_461 : i32 to index
    %get3A_463 = arith.constant 48 : index
    %get3A_464 = tpu.vector_load %arg4[%get3A_462, %get3A_463] {strides = array<i32>} : memref<16x128xf32, #tpu.memory_space<vmem>>, vector<1x16xf32>,
    %get3A_465 = vector.shape_cast %get3A_464 : vector<1x16xf32> to vector<16xf32>
    %select_n3A_466 = arith.select %eq3A_460, %get3A_465, %broadcast_in_dim3A_457 : vector<16xi1>, vector<16xf32>
    %eq3A_467 = arith.constant 1 : i32
    %eq3A_468 = vector.broadcast %eq3A_467 : i32 to vector<16xi32>
    %eq3A_469 = arith.cmpi eq, %iota3A, %eq3A_468 : vector<16xi32>
    %get3A_470 = arith.constant 1 : i32
    %get3A_471 = arith.index_cast %get3A_470 : i32 to index
    %get3A_472 = arith.constant 48 : index
    %get3A_473 = tpu.vector_load %arg4[%get3A_471, %get3A_472] {strides = array<i32>} : memref<16x128xf32, #tpu.memory_space<vmem>>, vector<1x16xf32>,
    %get3A_474 = vector.shape_cast %get3A_473 : vector<1x16xf32> to vector<16xf32>
    %select_n3A_475 = arith.select %eq3A_469, %get3A_474, %select_n3A_466 : vector<16xi1>, vector<16xf32>
    %eq3A_476 = arith.constant 2 : i32
    %eq3A_477 = vector.broadcast %eq3A_476 : i32 to vector<16xi32>
    %eq3A_478 = arith.cmpi eq, %iota3A, %eq3A_477 : vector<16xi32>
    %get3A_479 = arith.constant 2 : i32
    %get3A_480 = arith.index_cast %get3A_479 : i32 to index
    %get3A_481 = arith.constant 48 : index
    %get3A_482 = tpu.vector_load %arg4[%get3A_480, %get3A_481] {strides = array<i32>} : memref<16x128xf32, #tpu.memory_space<vmem>>, vector<1x16xf32>,
    %get3A_483 = vector.shape_cast %get3A_482 : vector<1x16xf32> to vector<16xf32>
    %select_n3A_484 = arith.select %eq3A_478, %get3A_483, %select_n3A_475 : vector<16xi1>, vector<16xf32>
    %eq3A_485 = arith.constant 3 : i32
    %eq3A_486 = vector.broadcast %eq3A_485 : i32 to vector<16xi32>
    %eq3A_487 = arith.cmpi eq, %iota3A, %eq3A_486 : vector<16xi32>
    %get3A_488 = arith.constant 3 : i32
    %get3A_489 = arith.index_cast %get3A_488 : i32 to index
    %get3A_490 = arith.constant 48 : index
    %get3A_491 = tpu.vector_load %arg4[%get3A_489, %get3A_490] {strides = array<i32>} : memref<16x128xf32, #tpu.memory_space<vmem>>, vector<1x16xf32>,
    %get3A_492 = vector.shape_cast %get3A_491 : vector<1x16xf32> to vector<16xf32>
    %select_n3A_493 = arith.select %eq3A_487, %get3A_492, %select_n3A_484 : vector<16xi1>, vector<16xf32>
    %eq3A_494 = arith.constant 4 : i32
    %eq3A_495 = vector.broadcast %eq3A_494 : i32 to vector<16xi32>
    %eq3A_496 = arith.cmpi eq, %iota3A, %eq3A_495 : vector<16xi32>
    %get3A_497 = arith.constant 4 : i32
    %get3A_498 = arith.index_cast %get3A_497 : i32 to index
    %get3A_499 = arith.constant 48 : index
    %get3A_500 = tpu.vector_load %arg4[%get3A_498, %get3A_499] {strides = array<i32>} : memref<16x128xf32, #tpu.memory_space<vmem>>, vector<1x16xf32>,
    %get3A_501 = vector.shape_cast %get3A_500 : vector<1x16xf32> to vector<16xf32>
    %select_n3A_502 = arith.select %eq3A_496, %get3A_501, %select_n3A_493 : vector<16xi1>, vector<16xf32>
    %eq3A_503 = arith.constant 5 : i32
    %eq3A_504 = vector.broadcast %eq3A_503 : i32 to vector<16xi32>
    %eq3A_505 = arith.cmpi eq, %iota3A, %eq3A_504 : vector<16xi32>
    %get3A_506 = arith.constant 5 : i32
    %get3A_507 = arith.index_cast %get3A_506 : i32 to index
    %get3A_508 = arith.constant 48 : index
    %get3A_509 = tpu.vector_load %arg4[%get3A_507, %get3A_508] {strides = array<i32>} : memref<16x128xf32, #tpu.memory_space<vmem>>, vector<1x16xf32>,
    %get3A_510 = vector.shape_cast %get3A_509 : vector<1x16xf32> to vector<16xf32>
    %select_n3A_511 = arith.select %eq3A_505, %get3A_510, %select_n3A_502 : vector<16xi1>, vector<16xf32>
    %eq3A_512 = arith.constant 6 : i32
    %eq3A_513 = vector.broadcast %eq3A_512 : i32 to vector<16xi32>
    %eq3A_514 = arith.cmpi eq, %iota3A, %eq3A_513 : vector<16xi32>
    %get3A_515 = arith.constant 6 : i32
    %get3A_516 = arith.index_cast %get3A_515 : i32 to index
    %get3A_517 = arith.constant 48 : index
    %get3A_518 = tpu.vector_load %arg4[%get3A_516, %get3A_517] {strides = array<i32>} : memref<16x128xf32, #tpu.memory_space<vmem>>, vector<1x16xf32>,
    %get3A_519 = vector.shape_cast %get3A_518 : vector<1x16xf32> to vector<16xf32>
    %select_n3A_520 = arith.select %eq3A_514, %get3A_519, %select_n3A_511 : vector<16xi1>, vector<16xf32>
    %eq3A_521 = arith.constant 7 : i32
    %eq3A_522 = vector.broadcast %eq3A_521 : i32 to vector<16xi32>
    %eq3A_523 = arith.cmpi eq, %iota3A, %eq3A_522 : vector<16xi32>
    %get3A_524 = arith.constant 7 : i32
    %get3A_525 = arith.index_cast %get3A_524 : i32 to index
    %get3A_526 = arith.constant 48 : index
    %get3A_527 = tpu.vector_load %arg4[%get3A_525, %get3A_526] {strides = array<i32>} : memref<16x128xf32, #tpu.memory_space<vmem>>, vector<1x16xf32>,
    %get3A_528 = vector.shape_cast %get3A_527 : vector<1x16xf32> to vector<16xf32>
    %select_n3A_529 = arith.select %eq3A_523, %get3A_528, %select_n3A_520 : vector<16xi1>, vector<16xf32>
    %eq3A_530 = arith.constant 8 : i32
    %eq3A_531 = vector.broadcast %eq3A_530 : i32 to vector<16xi32>
    %eq3A_532 = arith.cmpi eq, %iota3A, %eq3A_531 : vector<16xi32>
    %get3A_533 = arith.constant 8 : i32
    %get3A_534 = arith.index_cast %get3A_533 : i32 to index
    %get3A_535 = arith.constant 48 : index
    %get3A_536 = tpu.vector_load %arg4[%get3A_534, %get3A_535] {strides = array<i32>} : memref<16x128xf32, #tpu.memory_space<vmem>>, vector<1x16xf32>,
    %get3A_537 = vector.shape_cast %get3A_536 : vector<1x16xf32> to vector<16xf32>
    %select_n3A_538 = arith.select %eq3A_532, %get3A_537, %select_n3A_529 : vector<16xi1>, vector<16xf32>
    %eq3A_539 = arith.constant 9 : i32
    %eq3A_540 = vector.broadcast %eq3A_539 : i32 to vector<16xi32>
    %eq3A_541 = arith.cmpi eq, %iota3A, %eq3A_540 : vector<16xi32>
    %get3A_542 = arith.constant 9 : i32
    %get3A_543 = arith.index_cast %get3A_542 : i32 to index
    %get3A_544 = arith.constant 48 : index
    %get3A_545 = tpu.vector_load %arg4[%get3A_543, %get3A_544] {strides = array<i32>} : memref<16x128xf32, #tpu.memory_space<vmem>>, vector<1x16xf32>,
    %get3A_546 = vector.shape_cast %get3A_545 : vector<1x16xf32> to vector<16xf32>
    %select_n3A_547 = arith.select %eq3A_541, %get3A_546, %select_n3A_538 : vector<16xi1>, vector<16xf32>
    %eq3A_548 = arith.constant 10 : i32
    %eq3A_549 = vector.broadcast %eq3A_548 : i32 to vector<16xi32>
    %eq3A_550 = arith.cmpi eq, %iota3A, %eq3A_549 : vector<16xi32>
    %get3A_551 = arith.constant 10 : i32
    %get3A_552 = arith.index_cast %get3A_551 : i32 to index
    %get3A_553 = arith.constant 48 : index
    %get3A_554 = tpu.vector_load %arg4[%get3A_552, %get3A_553] {strides = array<i32>} : memref<16x128xf32, #tpu.memory_space<vmem>>, vector<1x16xf32>,
    %get3A_555 = vector.shape_cast %get3A_554 : vector<1x16xf32> to vector<16xf32>
    %select_n3A_556 = arith.select %eq3A_550, %get3A_555, %select_n3A_547 : vector<16xi1>, vector<16xf32>
    %eq3A_557 = arith.constant 11 : i32
    %eq3A_558 = vector.broadcast %eq3A_557 : i32 to vector<16xi32>
    %eq3A_559 = arith.cmpi eq, %iota3A, %eq3A_558 : vector<16xi32>
    %get3A_560 = arith.constant 11 : i32
    %get3A_561 = arith.index_cast %get3A_560 : i32 to index
    %get3A_562 = arith.constant 48 : index
    %get3A_563 = tpu.vector_load %arg4[%get3A_561, %get3A_562] {strides = array<i32>} : memref<16x128xf32, #tpu.memory_space<vmem>>, vector<1x16xf32>,
    %get3A_564 = vector.shape_cast %get3A_563 : vector<1x16xf32> to vector<16xf32>
    %select_n3A_565 = arith.select %eq3A_559, %get3A_564, %select_n3A_556 : vector<16xi1>, vector<16xf32>
    %eq3A_566 = arith.constant 12 : i32
    %eq3A_567 = vector.broadcast %eq3A_566 : i32 to vector<16xi32>
    %eq3A_568 = arith.cmpi eq, %iota3A, %eq3A_567 : vector<16xi32>
    %get3A_569 = arith.constant 12 : i32
    %get3A_570 = arith.index_cast %get3A_569 : i32 to index
    %get3A_571 = arith.constant 48 : index
    %get3A_572 = tpu.vector_load %arg4[%get3A_570, %get3A_571] {strides = array<i32>} : memref<16x128xf32, #tpu.memory_space<vmem>>, vector<1x16xf32>,
    %get3A_573 = vector.shape_cast %get3A_572 : vector<1x16xf32> to vector<16xf32>
    %select_n3A_574 = arith.select %eq3A_568, %get3A_573, %select_n3A_565 : vector<16xi1>, vector<16xf32>
    %eq3A_575 = arith.constant 13 : i32
    %eq3A_576 = vector.broadcast %eq3A_575 : i32 to vector<16xi32>
    %eq3A_577 = arith.cmpi eq, %iota3A, %eq3A_576 : vector<16xi32>
    %get3A_578 = arith.constant 13 : i32
    %get3A_579 = arith.index_cast %get3A_578 : i32 to index
    %get3A_580 = arith.constant 48 : index
    %get3A_581 = tpu.vector_load %arg4[%get3A_579, %get3A_580] {strides = array<i32>} : memref<16x128xf32, #tpu.memory_space<vmem>>, vector<1x16xf32>,
    %get3A_582 = vector.shape_cast %get3A_581 : vector<1x16xf32> to vector<16xf32>
    %select_n3A_583 = arith.select %eq3A_577, %get3A_582, %select_n3A_574 : vector<16xi1>, vector<16xf32>
    %eq3A_584 = arith.constant 14 : i32
    %eq3A_585 = vector.broadcast %eq3A_584 : i32 to vector<16xi32>
    %eq3A_586 = arith.cmpi eq, %iota3A, %eq3A_585 : vector<16xi32>
    %get3A_587 = arith.constant 14 : i32
    %get3A_588 = arith.index_cast %get3A_587 : i32 to index
    %get3A_589 = arith.constant 48 : index
    %get3A_590 = tpu.vector_load %arg4[%get3A_588, %get3A_589] {strides = array<i32>} : memref<16x128xf32, #tpu.memory_space<vmem>>, vector<1x16xf32>,
    %get3A_591 = vector.shape_cast %get3A_590 : vector<1x16xf32> to vector<16xf32>
    %select_n3A_592 = arith.select %eq3A_586, %get3A_591, %select_n3A_583 : vector<16xi1>, vector<16xf32>
    %eq3A_593 = arith.constant 15 : i32
    %eq3A_594 = vector.broadcast %eq3A_593 : i32 to vector<16xi32>
    %eq3A_595 = arith.cmpi eq, %iota3A, %eq3A_594 : vector<16xi32>
    %get3A_596 = arith.constant 15 : i32
    %get3A_597 = arith.index_cast %get3A_596 : i32 to index
    %get3A_598 = arith.constant 48 : index
    %get3A_599 = tpu.vector_load %arg4[%get3A_597, %get3A_598] {strides = array<i32>} : memref<16x128xf32, #tpu.memory_space<vmem>>, vector<1x16xf32>,
    %get3A_600 = vector.shape_cast %get3A_599 : vector<1x16xf32> to vector<16xf32>
    %select_n3A_601 = arith.select %eq3A_595, %get3A_600, %select_n3A_592 : vector<16xi1>, vector<16xf32>
    %swap3A_602 = arith.constant 48 : index
    %swap3A_603 = tpu.vector_load %arg5[%swap3A_602] {strides = array<i32>} : memref<128xf32, #tpu.memory_space<vmem>>, vector<16xf32>,
    %swap3A_604 = vector.shape_cast %swap3A_603 : vector<16xf32> to vector<16xf32>
    %swap3A_605 = vector.shape_cast %select_n3A_601 : vector<16xf32> to vector<16xf32>
    tpu.vector_store %arg5[%swap3A_602], %swap3A_605 {strides = array<i32>} : memref<128xf32, #tpu.memory_space<vmem>>, vector<16xf32>,
    %add3A_606 = arith.constant 64 : i32
    %add3A_607 = arith.addi %mul3A_2, %add3A_606 : i32
    "tpu.region"() ({
      %run_scoped3A = tpu.sem_alloc : memref<!tpu.dma_semaphore, #tpu.memory_space<semaphore_mem>>
      %dma_start3A = tpu.memref_slice %arg2[%add3A_607, %mul3A_2] : memref<4096x4096xf32, #tpu.memory_space<hbm>> -> memref<16x128xf32, #tpu.memory_space<hbm>>
      %dma_start3A_1214 = tpu.memref_slice %arg2[%add3A_607, %mul3A_2] : memref<4096x4096xf32, #tpu.memory_space<hbm>> -> memref<16x128xf32, #tpu.memory_space<hbm>>
      tpu.enqueue_dma source(%dma_start3A_1214 : memref<16x128xf32, #tpu.memory_space<hbm>>) target(%arg4 : memref<16x128xf32, #tpu.memory_space<vmem>>) target_semaphore(%run_scoped3A : memref<!tpu.dma_semaphore, #tpu.memory_space<semaphore_mem>>)
      %dma_wait3A = tpu.memref_slice %arg2[%add3A_607, %mul3A_2] : memref<4096x4096xf32, #tpu.memory_space<hbm>> -> memref<16x128xf32, #tpu.memory_space<hbm>>
      %dma_wait3A_1215 = tpu.memref_slice %arg2[%add3A_607, %mul3A_2] : memref<4096x4096xf32, #tpu.memory_space<hbm>> -> memref<16x128xf32, #tpu.memory_space<hbm>>
      tpu.wait_dma2 semaphore(%run_scoped3A : memref<!tpu.dma_semaphore, #tpu.memory_space<semaphore_mem>>) src(%dma_wait3A_1215 : memref<16x128xf32, #tpu.memory_space<hbm>>) dst(%arg4 : memref<16x128xf32, #tpu.memory_space<vmem>>)
      tpu.yield
    }) : () -> ()
    %broadcast_in_dim3A_608 = arith.constant 0.000000e+00 : f32
    %broadcast_in_dim3A_609 = vector.broadcast %broadcast_in_dim3A_608 : f32 to vector<16xf32>
    %eq3A_610 = arith.constant 0 : i32
    %eq3A_611 = vector.broadcast %eq3A_610 : i32 to vector<16xi32>
    %eq3A_612 = arith.cmpi eq, %iota3A, %eq3A_611 : vector<16xi32>
    %get3A_613 = arith.constant 0 : i32
    %get3A_614 = arith.index_cast %get3A_613 : i32 to index
    %get3A_615 = arith.constant 64 : index
    %get3A_616 = tpu.vector_load %arg4[%get3A_614, %get3A_615] {strides = array<i32>} : memref<16x128xf32, #tpu.memory_space<vmem>>, vector<1x16xf32>,
    %get3A_617 = vector.shape_cast %get3A_616 : vector<1x16xf32> to vector<16xf32>
    %select_n3A_618 = arith.select %eq3A_612, %get3A_617, %broadcast_in_dim3A_609 : vector<16xi1>, vector<16xf32>
    %eq3A_619 = arith.constant 1 : i32
    %eq3A_620 = vector.broadcast %eq3A_619 : i32 to vector<16xi32>
    %eq3A_621 = arith.cmpi eq, %iota3A, %eq3A_620 : vector<16xi32>
    %get3A_622 = arith.constant 1 : i32
    %get3A_623 = arith.index_cast %get3A_622 : i32 to index
    %get3A_624 = arith.constant 64 : index
    %get3A_625 = tpu.vector_load %arg4[%get3A_623, %get3A_624] {strides = array<i32>} : memref<16x128xf32, #tpu.memory_space<vmem>>, vector<1x16xf32>,
    %get3A_626 = vector.shape_cast %get3A_625 : vector<1x16xf32> to vector<16xf32>
    %select_n3A_627 = arith.select %eq3A_621, %get3A_626, %select_n3A_618 : vector<16xi1>, vector<16xf32>
    %eq3A_628 = arith.constant 2 : i32
    %eq3A_629 = vector.broadcast %eq3A_628 : i32 to vector<16xi32>
    %eq3A_630 = arith.cmpi eq, %iota3A, %eq3A_629 : vector<16xi32>
    %get3A_631 = arith.constant 2 : i32
    %get3A_632 = arith.index_cast %get3A_631 : i32 to index
    %get3A_633 = arith.constant 64 : index
    %get3A_634 = tpu.vector_load %arg4[%get3A_632, %get3A_633] {strides = array<i32>} : memref<16x128xf32, #tpu.memory_space<vmem>>, vector<1x16xf32>,
    %get3A_635 = vector.shape_cast %get3A_634 : vector<1x16xf32> to vector<16xf32>
    %select_n3A_636 = arith.select %eq3A_630, %get3A_635, %select_n3A_627 : vector<16xi1>, vector<16xf32>
    %eq3A_637 = arith.constant 3 : i32
    %eq3A_638 = vector.broadcast %eq3A_637 : i32 to vector<16xi32>
    %eq3A_639 = arith.cmpi eq, %iota3A, %eq3A_638 : vector<16xi32>
    %get3A_640 = arith.constant 3 : i32
    %get3A_641 = arith.index_cast %get3A_640 : i32 to index
    %get3A_642 = arith.constant 64 : index
    %get3A_643 = tpu.vector_load %arg4[%get3A_641, %get3A_642] {strides = array<i32>} : memref<16x128xf32, #tpu.memory_space<vmem>>, vector<1x16xf32>,
    %get3A_644 = vector.shape_cast %get3A_643 : vector<1x16xf32> to vector<16xf32>
    %select_n3A_645 = arith.select %eq3A_639, %get3A_644, %select_n3A_636 : vector<16xi1>, vector<16xf32>
    %eq3A_646 = arith.constant 4 : i32
    %eq3A_647 = vector.broadcast %eq3A_646 : i32 to vector<16xi32>
    %eq3A_648 = arith.cmpi eq, %iota3A, %eq3A_647 : vector<16xi32>
    %get3A_649 = arith.constant 4 : i32
    %get3A_650 = arith.index_cast %get3A_649 : i32 to index
    %get3A_651 = arith.constant 64 : index
    %get3A_652 = tpu.vector_load %arg4[%get3A_650, %get3A_651] {strides = array<i32>} : memref<16x128xf32, #tpu.memory_space<vmem>>, vector<1x16xf32>,
    %get3A_653 = vector.shape_cast %get3A_652 : vector<1x16xf32> to vector<16xf32>
    %select_n3A_654 = arith.select %eq3A_648, %get3A_653, %select_n3A_645 : vector<16xi1>, vector<16xf32>
    %eq3A_655 = arith.constant 5 : i32
    %eq3A_656 = vector.broadcast %eq3A_655 : i32 to vector<16xi32>
    %eq3A_657 = arith.cmpi eq, %iota3A, %eq3A_656 : vector<16xi32>
    %get3A_658 = arith.constant 5 : i32
    %get3A_659 = arith.index_cast %get3A_658 : i32 to index
    %get3A_660 = arith.constant 64 : index
    %get3A_661 = tpu.vector_load %arg4[%get3A_659, %get3A_660] {strides = array<i32>} : memref<16x128xf32, #tpu.memory_space<vmem>>, vector<1x16xf32>,
    %get3A_662 = vector.shape_cast %get3A_661 : vector<1x16xf32> to vector<16xf32>
    %select_n3A_663 = arith.select %eq3A_657, %get3A_662, %select_n3A_654 : vector<16xi1>, vector<16xf32>
    %eq3A_664 = arith.constant 6 : i32
    %eq3A_665 = vector.broadcast %eq3A_664 : i32 to vector<16xi32>
    %eq3A_666 = arith.cmpi eq, %iota3A, %eq3A_665 : vector<16xi32>
    %get3A_667 = arith.constant 6 : i32
    %get3A_668 = arith.index_cast %get3A_667 : i32 to index
    %get3A_669 = arith.constant 64 : index
    %get3A_670 = tpu.vector_load %arg4[%get3A_668, %get3A_669] {strides = array<i32>} : memref<16x128xf32, #tpu.memory_space<vmem>>, vector<1x16xf32>,
    %get3A_671 = vector.shape_cast %get3A_670 : vector<1x16xf32> to vector<16xf32>
    %select_n3A_672 = arith.select %eq3A_666, %get3A_671, %select_n3A_663 : vector<16xi1>, vector<16xf32>
    %eq3A_673 = arith.constant 7 : i32
    %eq3A_674 = vector.broadcast %eq3A_673 : i32 to vector<16xi32>
    %eq3A_675 = arith.cmpi eq, %iota3A, %eq3A_674 : vector<16xi32>
    %get3A_676 = arith.constant 7 : i32
    %get3A_677 = arith.index_cast %get3A_676 : i32 to index
    %get3A_678 = arith.constant 64 : index
    %get3A_679 = tpu.vector_load %arg4[%get3A_677, %get3A_678] {strides = array<i32>} : memref<16x128xf32, #tpu.memory_space<vmem>>, vector<1x16xf32>,
    %get3A_680 = vector.shape_cast %get3A_679 : vector<1x16xf32> to vector<16xf32>
    %select_n3A_681 = arith.select %eq3A_675, %get3A_680, %select_n3A_672 : vector<16xi1>, vector<16xf32>
    %eq3A_682 = arith.constant 8 : i32
    %eq3A_683 = vector.broadcast %eq3A_682 : i32 to vector<16xi32>
    %eq3A_684 = arith.cmpi eq, %iota3A, %eq3A_683 : vector<16xi32>
    %get3A_685 = arith.constant 8 : i32
    %get3A_686 = arith.index_cast %get3A_685 : i32 to index
    %get3A_687 = arith.constant 64 : index
    %get3A_688 = tpu.vector_load %arg4[%get3A_686, %get3A_687] {strides = array<i32>} : memref<16x128xf32, #tpu.memory_space<vmem>>, vector<1x16xf32>,
    %get3A_689 = vector.shape_cast %get3A_688 : vector<1x16xf32> to vector<16xf32>
    %select_n3A_690 = arith.select %eq3A_684, %get3A_689, %select_n3A_681 : vector<16xi1>, vector<16xf32>
    %eq3A_691 = arith.constant 9 : i32
    %eq3A_692 = vector.broadcast %eq3A_691 : i32 to vector<16xi32>
    %eq3A_693 = arith.cmpi eq, %iota3A, %eq3A_692 : vector<16xi32>
    %get3A_694 = arith.constant 9 : i32
    %get3A_695 = arith.index_cast %get3A_694 : i32 to index
    %get3A_696 = arith.constant 64 : index
    %get3A_697 = tpu.vector_load %arg4[%get3A_695, %get3A_696] {strides = array<i32>} : memref<16x128xf32, #tpu.memory_space<vmem>>, vector<1x16xf32>,
    %get3A_698 = vector.shape_cast %get3A_697 : vector<1x16xf32> to vector<16xf32>
    %select_n3A_699 = arith.select %eq3A_693, %get3A_698, %select_n3A_690 : vector<16xi1>, vector<16xf32>
    %eq3A_700 = arith.constant 10 : i32
    %eq3A_701 = vector.broadcast %eq3A_700 : i32 to vector<16xi32>
    %eq3A_702 = arith.cmpi eq, %iota3A, %eq3A_701 : vector<16xi32>
    %get3A_703 = arith.constant 10 : i32
    %get3A_704 = arith.index_cast %get3A_703 : i32 to index
    %get3A_705 = arith.constant 64 : index
    %get3A_706 = tpu.vector_load %arg4[%get3A_704, %get3A_705] {strides = array<i32>} : memref<16x128xf32, #tpu.memory_space<vmem>>, vector<1x16xf32>,
    %get3A_707 = vector.shape_cast %get3A_706 : vector<1x16xf32> to vector<16xf32>
    %select_n3A_708 = arith.select %eq3A_702, %get3A_707, %select_n3A_699 : vector<16xi1>, vector<16xf32>
    %eq3A_709 = arith.constant 11 : i32
    %eq3A_710 = vector.broadcast %eq3A_709 : i32 to vector<16xi32>
    %eq3A_711 = arith.cmpi eq, %iota3A, %eq3A_710 : vector<16xi32>
    %get3A_712 = arith.constant 11 : i32
    %get3A_713 = arith.index_cast %get3A_712 : i32 to index
    %get3A_714 = arith.constant 64 : index
    %get3A_715 = tpu.vector_load %arg4[%get3A_713, %get3A_714] {strides = array<i32>} : memref<16x128xf32, #tpu.memory_space<vmem>>, vector<1x16xf32>,
    %get3A_716 = vector.shape_cast %get3A_715 : vector<1x16xf32> to vector<16xf32>
    %select_n3A_717 = arith.select %eq3A_711, %get3A_716, %select_n3A_708 : vector<16xi1>, vector<16xf32>
    %eq3A_718 = arith.constant 12 : i32
    %eq3A_719 = vector.broadcast %eq3A_718 : i32 to vector<16xi32>
    %eq3A_720 = arith.cmpi eq, %iota3A, %eq3A_719 : vector<16xi32>
    %get3A_721 = arith.constant 12 : i32
    %get3A_722 = arith.index_cast %get3A_721 : i32 to index
    %get3A_723 = arith.constant 64 : index
    %get3A_724 = tpu.vector_load %arg4[%get3A_722, %get3A_723] {strides = array<i32>} : memref<16x128xf32, #tpu.memory_space<vmem>>, vector<1x16xf32>,
    %get3A_725 = vector.shape_cast %get3A_724 : vector<1x16xf32> to vector<16xf32>
    %select_n3A_726 = arith.select %eq3A_720, %get3A_725, %select_n3A_717 : vector<16xi1>, vector<16xf32>
    %eq3A_727 = arith.constant 13 : i32
    %eq3A_728 = vector.broadcast %eq3A_727 : i32 to vector<16xi32>
    %eq3A_729 = arith.cmpi eq, %iota3A, %eq3A_728 : vector<16xi32>
    %get3A_730 = arith.constant 13 : i32
    %get3A_731 = arith.index_cast %get3A_730 : i32 to index
    %get3A_732 = arith.constant 64 : index
    %get3A_733 = tpu.vector_load %arg4[%get3A_731, %get3A_732] {strides = array<i32>} : memref<16x128xf32, #tpu.memory_space<vmem>>, vector<1x16xf32>,
    %get3A_734 = vector.shape_cast %get3A_733 : vector<1x16xf32> to vector<16xf32>
    %select_n3A_735 = arith.select %eq3A_729, %get3A_734, %select_n3A_726 : vector<16xi1>, vector<16xf32>
    %eq3A_736 = arith.constant 14 : i32
    %eq3A_737 = vector.broadcast %eq3A_736 : i32 to vector<16xi32>
    %eq3A_738 = arith.cmpi eq, %iota3A, %eq3A_737 : vector<16xi32>
    %get3A_739 = arith.constant 14 : i32
    %get3A_740 = arith.index_cast %get3A_739 : i32 to index
    %get3A_741 = arith.constant 64 : index
    %get3A_742 = tpu.vector_load %arg4[%get3A_740, %get3A_741] {strides = array<i32>} : memref<16x128xf32, #tpu.memory_space<vmem>>, vector<1x16xf32>,
    %get3A_743 = vector.shape_cast %get3A_742 : vector<1x16xf32> to vector<16xf32>
    %select_n3A_744 = arith.select %eq3A_738, %get3A_743, %select_n3A_735 : vector<16xi1>, vector<16xf32>
    %eq3A_745 = arith.constant 15 : i32
    %eq3A_746 = vector.broadcast %eq3A_745 : i32 to vector<16xi32>
    %eq3A_747 = arith.cmpi eq, %iota3A, %eq3A_746 : vector<16xi32>
    %get3A_748 = arith.constant 15 : i32
    %get3A_749 = arith.index_cast %get3A_748 : i32 to index
    %get3A_750 = arith.constant 64 : index
    %get3A_751 = tpu.vector_load %arg4[%get3A_749, %get3A_750] {strides = array<i32>} : memref<16x128xf32, #tpu.memory_space<vmem>>, vector<1x16xf32>,
    %get3A_752 = vector.shape_cast %get3A_751 : vector<1x16xf32> to vector<16xf32>
    %select_n3A_753 = arith.select %eq3A_747, %get3A_752, %select_n3A_744 : vector<16xi1>, vector<16xf32>
    %swap3A_754 = arith.constant 64 : index
    %swap3A_755 = tpu.vector_load %arg5[%swap3A_754] {strides = array<i32>} : memref<128xf32, #tpu.memory_space<vmem>>, vector<16xf32>,
    %swap3A_756 = vector.shape_cast %swap3A_755 : vector<16xf32> to vector<16xf32>
    %swap3A_757 = vector.shape_cast %select_n3A_753 : vector<16xf32> to vector<16xf32>
    tpu.vector_store %arg5[%swap3A_754], %swap3A_757 {strides = array<i32>} : memref<128xf32, #tpu.memory_space<vmem>>, vector<16xf32>,
    %add3A_758 = arith.constant 80 : i32
    %add3A_759 = arith.addi %mul3A_2, %add3A_758 : i32
    "tpu.region"() ({
      %run_scoped3A = tpu.sem_alloc : memref<!tpu.dma_semaphore, #tpu.memory_space<semaphore_mem>>
      %dma_start3A = tpu.memref_slice %arg2[%add3A_759, %mul3A_2] : memref<4096x4096xf32, #tpu.memory_space<hbm>> -> memref<16x128xf32, #tpu.memory_space<hbm>>
      %dma_start3A_1214 = tpu.memref_slice %arg2[%add3A_759, %mul3A_2] : memref<4096x4096xf32, #tpu.memory_space<hbm>> -> memref<16x128xf32, #tpu.memory_space<hbm>>
      tpu.enqueue_dma source(%dma_start3A_1214 : memref<16x128xf32, #tpu.memory_space<hbm>>) target(%arg4 : memref<16x128xf32, #tpu.memory_space<vmem>>) target_semaphore(%run_scoped3A : memref<!tpu.dma_semaphore, #tpu.memory_space<semaphore_mem>>)
      %dma_wait3A = tpu.memref_slice %arg2[%add3A_759, %mul3A_2] : memref<4096x4096xf32, #tpu.memory_space<hbm>> -> memref<16x128xf32, #tpu.memory_space<hbm>>
      %dma_wait3A_1215 = tpu.memref_slice %arg2[%add3A_759, %mul3A_2] : memref<4096x4096xf32, #tpu.memory_space<hbm>> -> memref<16x128xf32, #tpu.memory_space<hbm>>
      tpu.wait_dma2 semaphore(%run_scoped3A : memref<!tpu.dma_semaphore, #tpu.memory_space<semaphore_mem>>) src(%dma_wait3A_1215 : memref<16x128xf32, #tpu.memory_space<hbm>>) dst(%arg4 : memref<16x128xf32, #tpu.memory_space<vmem>>)
      tpu.yield
    }) : () -> ()
    %broadcast_in_dim3A_760 = arith.constant 0.000000e+00 : f32
    %broadcast_in_dim3A_761 = vector.broadcast %broadcast_in_dim3A_760 : f32 to vector<16xf32>
    %eq3A_762 = arith.constant 0 : i32
    %eq3A_763 = vector.broadcast %eq3A_762 : i32 to vector<16xi32>
    %eq3A_764 = arith.cmpi eq, %iota3A, %eq3A_763 : vector<16xi32>
    %get3A_765 = arith.constant 0 : i32
    %get3A_766 = arith.index_cast %get3A_765 : i32 to index
    %get3A_767 = arith.constant 80 : index
    %get3A_768 = tpu.vector_load %arg4[%get3A_766, %get3A_767] {strides = array<i32>} : memref<16x128xf32, #tpu.memory_space<vmem>>, vector<1x16xf32>,
    %get3A_769 = vector.shape_cast %get3A_768 : vector<1x16xf32> to vector<16xf32>
    %select_n3A_770 = arith.select %eq3A_764, %get3A_769, %broadcast_in_dim3A_761 : vector<16xi1>, vector<16xf32>
    %eq3A_771 = arith.constant 1 : i32
    %eq3A_772 = vector.broadcast %eq3A_771 : i32 to vector<16xi32>
    %eq3A_773 = arith.cmpi eq, %iota3A, %eq3A_772 : vector<16xi32>
    %get3A_774 = arith.constant 1 : i32
    %get3A_775 = arith.index_cast %get3A_774 : i32 to index
    %get3A_776 = arith.constant 80 : index
    %get3A_777 = tpu.vector_load %arg4[%get3A_775, %get3A_776] {strides = array<i32>} : memref<16x128xf32, #tpu.memory_space<vmem>>, vector<1x16xf32>,
    %get3A_778 = vector.shape_cast %get3A_777 : vector<1x16xf32> to vector<16xf32>
    %select_n3A_779 = arith.select %eq3A_773, %get3A_778, %select_n3A_770 : vector<16xi1>, vector<16xf32>
    %eq3A_780 = arith.constant 2 : i32
    %eq3A_781 = vector.broadcast %eq3A_780 : i32 to vector<16xi32>
    %eq3A_782 = arith.cmpi eq, %iota3A, %eq3A_781 : vector<16xi32>
    %get3A_783 = arith.constant 2 : i32
    %get3A_784 = arith.index_cast %get3A_783 : i32 to index
    %get3A_785 = arith.constant 80 : index
    %get3A_786 = tpu.vector_load %arg4[%get3A_784, %get3A_785] {strides = array<i32>} : memref<16x128xf32, #tpu.memory_space<vmem>>, vector<1x16xf32>,
    %get3A_787 = vector.shape_cast %get3A_786 : vector<1x16xf32> to vector<16xf32>
    %select_n3A_788 = arith.select %eq3A_782, %get3A_787, %select_n3A_779 : vector<16xi1>, vector<16xf32>
    %eq3A_789 = arith.constant 3 : i32
    %eq3A_790 = vector.broadcast %eq3A_789 : i32 to vector<16xi32>
    %eq3A_791 = arith.cmpi eq, %iota3A, %eq3A_790 : vector<16xi32>
    %get3A_792 = arith.constant 3 : i32
    %get3A_793 = arith.index_cast %get3A_792 : i32 to index
    %get3A_794 = arith.constant 80 : index
    %get3A_795 = tpu.vector_load %arg4[%get3A_793, %get3A_794] {strides = array<i32>} : memref<16x128xf32, #tpu.memory_space<vmem>>, vector<1x16xf32>,
    %get3A_796 = vector.shape_cast %get3A_795 : vector<1x16xf32> to vector<16xf32>
    %select_n3A_797 = arith.select %eq3A_791, %get3A_796, %select_n3A_788 : vector<16xi1>, vector<16xf32>
    %eq3A_798 = arith.constant 4 : i32
    %eq3A_799 = vector.broadcast %eq3A_798 : i32 to vector<16xi32>
    %eq3A_800 = arith.cmpi eq, %iota3A, %eq3A_799 : vector<16xi32>
    %get3A_801 = arith.constant 4 : i32
    %get3A_802 = arith.index_cast %get3A_801 : i32 to index
    %get3A_803 = arith.constant 80 : index
    %get3A_804 = tpu.vector_load %arg4[%get3A_802, %get3A_803] {strides = array<i32>} : memref<16x128xf32, #tpu.memory_space<vmem>>, vector<1x16xf32>,
    %get3A_805 = vector.shape_cast %get3A_804 : vector<1x16xf32> to vector<16xf32>
    %select_n3A_806 = arith.select %eq3A_800, %get3A_805, %select_n3A_797 : vector<16xi1>, vector<16xf32>
    %eq3A_807 = arith.constant 5 : i32
    %eq3A_808 = vector.broadcast %eq3A_807 : i32 to vector<16xi32>
    %eq3A_809 = arith.cmpi eq, %iota3A, %eq3A_808 : vector<16xi32>
    %get3A_810 = arith.constant 5 : i32
    %get3A_811 = arith.index_cast %get3A_810 : i32 to index
    %get3A_812 = arith.constant 80 : index
    %get3A_813 = tpu.vector_load %arg4[%get3A_811, %get3A_812] {strides = array<i32>} : memref<16x128xf32, #tpu.memory_space<vmem>>, vector<1x16xf32>,
    %get3A_814 = vector.shape_cast %get3A_813 : vector<1x16xf32> to vector<16xf32>
    %select_n3A_815 = arith.select %eq3A_809, %get3A_814, %select_n3A_806 : vector<16xi1>, vector<16xf32>
    %eq3A_816 = arith.constant 6 : i32
    %eq3A_817 = vector.broadcast %eq3A_816 : i32 to vector<16xi32>
    %eq3A_818 = arith.cmpi eq, %iota3A, %eq3A_817 : vector<16xi32>
    %get3A_819 = arith.constant 6 : i32
    %get3A_820 = arith.index_cast %get3A_819 : i32 to index
    %get3A_821 = arith.constant 80 : index
    %get3A_822 = tpu.vector_load %arg4[%get3A_820, %get3A_821] {strides = array<i32>} : memref<16x128xf32, #tpu.memory_space<vmem>>, vector<1x16xf32>,
    %get3A_823 = vector.shape_cast %get3A_822 : vector<1x16xf32> to vector<16xf32>
    %select_n3A_824 = arith.select %eq3A_818, %get3A_823, %select_n3A_815 : vector<16xi1>, vector<16xf32>
    %eq3A_825 = arith.constant 7 : i32
    %eq3A_826 = vector.broadcast %eq3A_825 : i32 to vector<16xi32>
    %eq3A_827 = arith.cmpi eq, %iota3A, %eq3A_826 : vector<16xi32>
    %get3A_828 = arith.constant 7 : i32
    %get3A_829 = arith.index_cast %get3A_828 : i32 to index
    %get3A_830 = arith.constant 80 : index
    %get3A_831 = tpu.vector_load %arg4[%get3A_829, %get3A_830] {strides = array<i32>} : memref<16x128xf32, #tpu.memory_space<vmem>>, vector<1x16xf32>,
    %get3A_832 = vector.shape_cast %get3A_831 : vector<1x16xf32> to vector<16xf32>
    %select_n3A_833 = arith.select %eq3A_827, %get3A_832, %select_n3A_824 : vector<16xi1>, vector<16xf32>
    %eq3A_834 = arith.constant 8 : i32
    %eq3A_835 = vector.broadcast %eq3A_834 : i32 to vector<16xi32>
    %eq3A_836 = arith.cmpi eq, %iota3A, %eq3A_835 : vector<16xi32>
    %get3A_837 = arith.constant 8 : i32
    %get3A_838 = arith.index_cast %get3A_837 : i32 to index
    %get3A_839 = arith.constant 80 : index
    %get3A_840 = tpu.vector_load %arg4[%get3A_838, %get3A_839] {strides = array<i32>} : memref<16x128xf32, #tpu.memory_space<vmem>>, vector<1x16xf32>,
    %get3A_841 = vector.shape_cast %get3A_840 : vector<1x16xf32> to vector<16xf32>
    %select_n3A_842 = arith.select %eq3A_836, %get3A_841, %select_n3A_833 : vector<16xi1>, vector<16xf32>
    %eq3A_843 = arith.constant 9 : i32
    %eq3A_844 = vector.broadcast %eq3A_843 : i32 to vector<16xi32>
    %eq3A_845 = arith.cmpi eq, %iota3A, %eq3A_844 : vector<16xi32>
    %get3A_846 = arith.constant 9 : i32
    %get3A_847 = arith.index_cast %get3A_846 : i32 to index
    %get3A_848 = arith.constant 80 : index
    %get3A_849 = tpu.vector_load %arg4[%get3A_847, %get3A_848] {strides = array<i32>} : memref<16x128xf32, #tpu.memory_space<vmem>>, vector<1x16xf32>,
    %get3A_850 = vector.shape_cast %get3A_849 : vector<1x16xf32> to vector<16xf32>
    %select_n3A_851 = arith.select %eq3A_845, %get3A_850, %select_n3A_842 : vector<16xi1>, vector<16xf32>
    %eq3A_852 = arith.constant 10 : i32
    %eq3A_853 = vector.broadcast %eq3A_852 : i32 to vector<16xi32>
    %eq3A_854 = arith.cmpi eq, %iota3A, %eq3A_853 : vector<16xi32>
    %get3A_855 = arith.constant 10 : i32
    %get3A_856 = arith.index_cast %get3A_855 : i32 to index
    %get3A_857 = arith.constant 80 : index
    %get3A_858 = tpu.vector_load %arg4[%get3A_856, %get3A_857] {strides = array<i32>} : memref<16x128xf32, #tpu.memory_space<vmem>>, vector<1x16xf32>,
    %get3A_859 = vector.shape_cast %get3A_858 : vector<1x16xf32> to vector<16xf32>
    %select_n3A_860 = arith.select %eq3A_854, %get3A_859, %select_n3A_851 : vector<16xi1>, vector<16xf32>
    %eq3A_861 = arith.constant 11 : i32
    %eq3A_862 = vector.broadcast %eq3A_861 : i32 to vector<16xi32>
    %eq3A_863 = arith.cmpi eq, %iota3A, %eq3A_862 : vector<16xi32>
    %get3A_864 = arith.constant 11 : i32
    %get3A_865 = arith.index_cast %get3A_864 : i32 to index
    %get3A_866 = arith.constant 80 : index
    %get3A_867 = tpu.vector_load %arg4[%get3A_865, %get3A_866] {strides = array<i32>} : memref<16x128xf32, #tpu.memory_space<vmem>>, vector<1x16xf32>,
    %get3A_868 = vector.shape_cast %get3A_867 : vector<1x16xf32> to vector<16xf32>
    %select_n3A_869 = arith.select %eq3A_863, %get3A_868, %select_n3A_860 : vector<16xi1>, vector<16xf32>
    %eq3A_870 = arith.constant 12 : i32
    %eq3A_871 = vector.broadcast %eq3A_870 : i32 to vector<16xi32>
    %eq3A_872 = arith.cmpi eq, %iota3A, %eq3A_871 : vector<16xi32>
    %get3A_873 = arith.constant 12 : i32
    %get3A_874 = arith.index_cast %get3A_873 : i32 to index
    %get3A_875 = arith.constant 80 : index
    %get3A_876 = tpu.vector_load %arg4[%get3A_874, %get3A_875] {strides = array<i32>} : memref<16x128xf32, #tpu.memory_space<vmem>>, vector<1x16xf32>,
    %get3A_877 = vector.shape_cast %get3A_876 : vector<1x16xf32> to vector<16xf32>
    %select_n3A_878 = arith.select %eq3A_872, %get3A_877, %select_n3A_869 : vector<16xi1>, vector<16xf32>
    %eq3A_879 = arith.constant 13 : i32
    %eq3A_880 = vector.broadcast %eq3A_879 : i32 to vector<16xi32>
    %eq3A_881 = arith.cmpi eq, %iota3A, %eq3A_880 : vector<16xi32>
    %get3A_882 = arith.constant 13 : i32
    %get3A_883 = arith.index_cast %get3A_882 : i32 to index
    %get3A_884 = arith.constant 80 : index
    %get3A_885 = tpu.vector_load %arg4[%get3A_883, %get3A_884] {strides = array<i32>} : memref<16x128xf32, #tpu.memory_space<vmem>>, vector<1x16xf32>,
    %get3A_886 = vector.shape_cast %get3A_885 : vector<1x16xf32> to vector<16xf32>
    %select_n3A_887 = arith.select %eq3A_881, %get3A_886, %select_n3A_878 : vector<16xi1>, vector<16xf32>
    %eq3A_888 = arith.constant 14 : i32
    %eq3A_889 = vector.broadcast %eq3A_888 : i32 to vector<16xi32>
    %eq3A_890 = arith.cmpi eq, %iota3A, %eq3A_889 : vector<16xi32>
    %get3A_891 = arith.constant 14 : i32
    %get3A_892 = arith.index_cast %get3A_891 : i32 to index
    %get3A_893 = arith.constant 80 : index
    %get3A_894 = tpu.vector_load %arg4[%get3A_892, %get3A_893] {strides = array<i32>} : memref<16x128xf32, #tpu.memory_space<vmem>>, vector<1x16xf32>,
    %get3A_895 = vector.shape_cast %get3A_894 : vector<1x16xf32> to vector<16xf32>
    %select_n3A_896 = arith.select %eq3A_890, %get3A_895, %select_n3A_887 : vector<16xi1>, vector<16xf32>
    %eq3A_897 = arith.constant 15 : i32
    %eq3A_898 = vector.broadcast %eq3A_897 : i32 to vector<16xi32>
    %eq3A_899 = arith.cmpi eq, %iota3A, %eq3A_898 : vector<16xi32>
    %get3A_900 = arith.constant 15 : i32
    %get3A_901 = arith.index_cast %get3A_900 : i32 to index
    %get3A_902 = arith.constant 80 : index
    %get3A_903 = tpu.vector_load %arg4[%get3A_901, %get3A_902] {strides = array<i32>} : memref<16x128xf32, #tpu.memory_space<vmem>>, vector<1x16xf32>,
    %get3A_904 = vector.shape_cast %get3A_903 : vector<1x16xf32> to vector<16xf32>
    %select_n3A_905 = arith.select %eq3A_899, %get3A_904, %select_n3A_896 : vector<16xi1>, vector<16xf32>
    %swap3A_906 = arith.constant 80 : index
    %swap3A_907 = tpu.vector_load %arg5[%swap3A_906] {strides = array<i32>} : memref<128xf32, #tpu.memory_space<vmem>>, vector<16xf32>,
    %swap3A_908 = vector.shape_cast %swap3A_907 : vector<16xf32> to vector<16xf32>
    %swap3A_909 = vector.shape_cast %select_n3A_905 : vector<16xf32> to vector<16xf32>
    tpu.vector_store %arg5[%swap3A_906], %swap3A_909 {strides = array<i32>} : memref<128xf32, #tpu.memory_space<vmem>>, vector<16xf32>,
    %add3A_910 = arith.constant 96 : i32
    %add3A_911 = arith.addi %mul3A_2, %add3A_910 : i32
    "tpu.region"() ({
      %run_scoped3A = tpu.sem_alloc : memref<!tpu.dma_semaphore, #tpu.memory_space<semaphore_mem>>
      %dma_start3A = tpu.memref_slice %arg2[%add3A_911, %mul3A_2] : memref<4096x4096xf32, #tpu.memory_space<hbm>> -> memref<16x128xf32, #tpu.memory_space<hbm>>
      %dma_start3A_1214 = tpu.memref_slice %arg2[%add3A_911, %mul3A_2] : memref<4096x4096xf32, #tpu.memory_space<hbm>> -> memref<16x128xf32, #tpu.memory_space<hbm>>
      tpu.enqueue_dma source(%dma_start3A_1214 : memref<16x128xf32, #tpu.memory_space<hbm>>) target(%arg4 : memref<16x128xf32, #tpu.memory_space<vmem>>) target_semaphore(%run_scoped3A : memref<!tpu.dma_semaphore, #tpu.memory_space<semaphore_mem>>)
      %dma_wait3A = tpu.memref_slice %arg2[%add3A_911, %mul3A_2] : memref<4096x4096xf32, #tpu.memory_space<hbm>> -> memref<16x128xf32, #tpu.memory_space<hbm>>
      %dma_wait3A_1215 = tpu.memref_slice %arg2[%add3A_911, %mul3A_2] : memref<4096x4096xf32, #tpu.memory_space<hbm>> -> memref<16x128xf32, #tpu.memory_space<hbm>>
      tpu.wait_dma2 semaphore(%run_scoped3A : memref<!tpu.dma_semaphore, #tpu.memory_space<semaphore_mem>>) src(%dma_wait3A_1215 : memref<16x128xf32, #tpu.memory_space<hbm>>) dst(%arg4 : memref<16x128xf32, #tpu.memory_space<vmem>>)
      tpu.yield
    }) : () -> ()
    %broadcast_in_dim3A_912 = arith.constant 0.000000e+00 : f32
    %broadcast_in_dim3A_913 = vector.broadcast %broadcast_in_dim3A_912 : f32 to vector<16xf32>
    %eq3A_914 = arith.constant 0 : i32
    %eq3A_915 = vector.broadcast %eq3A_914 : i32 to vector<16xi32>
    %eq3A_916 = arith.cmpi eq, %iota3A, %eq3A_915 : vector<16xi32>
    %get3A_917 = arith.constant 0 : i32
    %get3A_918 = arith.index_cast %get3A_917 : i32 to index
    %get3A_919 = arith.constant 96 : index
    %get3A_920 = tpu.vector_load %arg4[%get3A_918, %get3A_919] {strides = array<i32>} : memref<16x128xf32, #tpu.memory_space<vmem>>, vector<1x16xf32>,
    %get3A_921 = vector.shape_cast %get3A_920 : vector<1x16xf32> to vector<16xf32>
    %select_n3A_922 = arith.select %eq3A_916, %get3A_921, %broadcast_in_dim3A_913 : vector<16xi1>, vector<16xf32>
    %eq3A_923 = arith.constant 1 : i32
    %eq3A_924 = vector.broadcast %eq3A_923 : i32 to vector<16xi32>
    %eq3A_925 = arith.cmpi eq, %iota3A, %eq3A_924 : vector<16xi32>
    %get3A_926 = arith.constant 1 : i32
    %get3A_927 = arith.index_cast %get3A_926 : i32 to index
    %get3A_928 = arith.constant 96 : index
    %get3A_929 = tpu.vector_load %arg4[%get3A_927, %get3A_928] {strides = array<i32>} : memref<16x128xf32, #tpu.memory_space<vmem>>, vector<1x16xf32>,
    %get3A_930 = vector.shape_cast %get3A_929 : vector<1x16xf32> to vector<16xf32>
    %select_n3A_931 = arith.select %eq3A_925, %get3A_930, %select_n3A_922 : vector<16xi1>, vector<16xf32>
    %eq3A_932 = arith.constant 2 : i32
    %eq3A_933 = vector.broadcast %eq3A_932 : i32 to vector<16xi32>
    %eq3A_934 = arith.cmpi eq, %iota3A, %eq3A_933 : vector<16xi32>
    %get3A_935 = arith.constant 2 : i32
    %get3A_936 = arith.index_cast %get3A_935 : i32 to index
    %get3A_937 = arith.constant 96 : index
    %get3A_938 = tpu.vector_load %arg4[%get3A_936, %get3A_937] {strides = array<i32>} : memref<16x128xf32, #tpu.memory_space<vmem>>, vector<1x16xf32>,
    %get3A_939 = vector.shape_cast %get3A_938 : vector<1x16xf32> to vector<16xf32>
    %select_n3A_940 = arith.select %eq3A_934, %get3A_939, %select_n3A_931 : vector<16xi1>, vector<16xf32>
    %eq3A_941 = arith.constant 3 : i32
    %eq3A_942 = vector.broadcast %eq3A_941 : i32 to vector<16xi32>
    %eq3A_943 = arith.cmpi eq, %iota3A, %eq3A_942 : vector<16xi32>
    %get3A_944 = arith.constant 3 : i32
    %get3A_945 = arith.index_cast %get3A_944 : i32 to index
    %get3A_946 = arith.constant 96 : index
    %get3A_947 = tpu.vector_load %arg4[%get3A_945, %get3A_946] {strides = array<i32>} : memref<16x128xf32, #tpu.memory_space<vmem>>, vector<1x16xf32>,
    %get3A_948 = vector.shape_cast %get3A_947 : vector<1x16xf32> to vector<16xf32>
    %select_n3A_949 = arith.select %eq3A_943, %get3A_948, %select_n3A_940 : vector<16xi1>, vector<16xf32>
    %eq3A_950 = arith.constant 4 : i32
    %eq3A_951 = vector.broadcast %eq3A_950 : i32 to vector<16xi32>
    %eq3A_952 = arith.cmpi eq, %iota3A, %eq3A_951 : vector<16xi32>
    %get3A_953 = arith.constant 4 : i32
    %get3A_954 = arith.index_cast %get3A_953 : i32 to index
    %get3A_955 = arith.constant 96 : index
    %get3A_956 = tpu.vector_load %arg4[%get3A_954, %get3A_955] {strides = array<i32>} : memref<16x128xf32, #tpu.memory_space<vmem>>, vector<1x16xf32>,
    %get3A_957 = vector.shape_cast %get3A_956 : vector<1x16xf32> to vector<16xf32>
    %select_n3A_958 = arith.select %eq3A_952, %get3A_957, %select_n3A_949 : vector<16xi1>, vector<16xf32>
    %eq3A_959 = arith.constant 5 : i32
    %eq3A_960 = vector.broadcast %eq3A_959 : i32 to vector<16xi32>
    %eq3A_961 = arith.cmpi eq, %iota3A, %eq3A_960 : vector<16xi32>
    %get3A_962 = arith.constant 5 : i32
    %get3A_963 = arith.index_cast %get3A_962 : i32 to index
    %get3A_964 = arith.constant 96 : index
    %get3A_965 = tpu.vector_load %arg4[%get3A_963, %get3A_964] {strides = array<i32>} : memref<16x128xf32, #tpu.memory_space<vmem>>, vector<1x16xf32>,
    %get3A_966 = vector.shape_cast %get3A_965 : vector<1x16xf32> to vector<16xf32>
    %select_n3A_967 = arith.select %eq3A_961, %get3A_966, %select_n3A_958 : vector<16xi1>, vector<16xf32>
    %eq3A_968 = arith.constant 6 : i32
    %eq3A_969 = vector.broadcast %eq3A_968 : i32 to vector<16xi32>
    %eq3A_970 = arith.cmpi eq, %iota3A, %eq3A_969 : vector<16xi32>
    %get3A_971 = arith.constant 6 : i32
    %get3A_972 = arith.index_cast %get3A_971 : i32 to index
    %get3A_973 = arith.constant 96 : index
    %get3A_974 = tpu.vector_load %arg4[%get3A_972, %get3A_973] {strides = array<i32>} : memref<16x128xf32, #tpu.memory_space<vmem>>, vector<1x16xf32>,
    %get3A_975 = vector.shape_cast %get3A_974 : vector<1x16xf32> to vector<16xf32>
    %select_n3A_976 = arith.select %eq3A_970, %get3A_975, %select_n3A_967 : vector<16xi1>, vector<16xf32>
    %eq3A_977 = arith.constant 7 : i32
    %eq3A_978 = vector.broadcast %eq3A_977 : i32 to vector<16xi32>
    %eq3A_979 = arith.cmpi eq, %iota3A, %eq3A_978 : vector<16xi32>
    %get3A_980 = arith.constant 7 : i32
    %get3A_981 = arith.index_cast %get3A_980 : i32 to index
    %get3A_982 = arith.constant 96 : index
    %get3A_983 = tpu.vector_load %arg4[%get3A_981, %get3A_982] {strides = array<i32>} : memref<16x128xf32, #tpu.memory_space<vmem>>, vector<1x16xf32>,
    %get3A_984 = vector.shape_cast %get3A_983 : vector<1x16xf32> to vector<16xf32>
    %select_n3A_985 = arith.select %eq3A_979, %get3A_984, %select_n3A_976 : vector<16xi1>, vector<16xf32>
    %eq3A_986 = arith.constant 8 : i32
    %eq3A_987 = vector.broadcast %eq3A_986 : i32 to vector<16xi32>
    %eq3A_988 = arith.cmpi eq, %iota3A, %eq3A_987 : vector<16xi32>
    %get3A_989 = arith.constant 8 : i32
    %get3A_990 = arith.index_cast %get3A_989 : i32 to index
    %get3A_991 = arith.constant 96 : index
    %get3A_992 = tpu.vector_load %arg4[%get3A_990, %get3A_991] {strides = array<i32>} : memref<16x128xf32, #tpu.memory_space<vmem>>, vector<1x16xf32>,
    %get3A_993 = vector.shape_cast %get3A_992 : vector<1x16xf32> to vector<16xf32>
    %select_n3A_994 = arith.select %eq3A_988, %get3A_993, %select_n3A_985 : vector<16xi1>, vector<16xf32>
    %eq3A_995 = arith.constant 9 : i32
    %eq3A_996 = vector.broadcast %eq3A_995 : i32 to vector<16xi32>
    %eq3A_997 = arith.cmpi eq, %iota3A, %eq3A_996 : vector<16xi32>
    %get3A_998 = arith.constant 9 : i32
    %get3A_999 = arith.index_cast %get3A_998 : i32 to index
    %get3A_1000 = arith.constant 96 : index
    %get3A_1001 = tpu.vector_load %arg4[%get3A_999, %get3A_1000] {strides = array<i32>} : memref<16x128xf32, #tpu.memory_space<vmem>>, vector<1x16xf32>,
    %get3A_1002 = vector.shape_cast %get3A_1001 : vector<1x16xf32> to vector<16xf32>
    %select_n3A_1003 = arith.select %eq3A_997, %get3A_1002, %select_n3A_994 : vector<16xi1>, vector<16xf32>
    %eq3A_1004 = arith.constant 10 : i32
    %eq3A_1005 = vector.broadcast %eq3A_1004 : i32 to vector<16xi32>
    %eq3A_1006 = arith.cmpi eq, %iota3A, %eq3A_1005 : vector<16xi32>
    %get3A_1007 = arith.constant 10 : i32
    %get3A_1008 = arith.index_cast %get3A_1007 : i32 to index
    %get3A_1009 = arith.constant 96 : index
    %get3A_1010 = tpu.vector_load %arg4[%get3A_1008, %get3A_1009] {strides = array<i32>} : memref<16x128xf32, #tpu.memory_space<vmem>>, vector<1x16xf32>,
    %get3A_1011 = vector.shape_cast %get3A_1010 : vector<1x16xf32> to vector<16xf32>
    %select_n3A_1012 = arith.select %eq3A_1006, %get3A_1011, %select_n3A_1003 : vector<16xi1>, vector<16xf32>
    %eq3A_1013 = arith.constant 11 : i32
    %eq3A_1014 = vector.broadcast %eq3A_1013 : i32 to vector<16xi32>
    %eq3A_1015 = arith.cmpi eq, %iota3A, %eq3A_1014 : vector<16xi32>
    %get3A_1016 = arith.constant 11 : i32
    %get3A_1017 = arith.index_cast %get3A_1016 : i32 to index
    %get3A_1018 = arith.constant 96 : index
    %get3A_1019 = tpu.vector_load %arg4[%get3A_1017, %get3A_1018] {strides = array<i32>} : memref<16x128xf32, #tpu.memory_space<vmem>>, vector<1x16xf32>,
    %get3A_1020 = vector.shape_cast %get3A_1019 : vector<1x16xf32> to vector<16xf32>
    %select_n3A_1021 = arith.select %eq3A_1015, %get3A_1020, %select_n3A_1012 : vector<16xi1>, vector<16xf32>
    %eq3A_1022 = arith.constant 12 : i32
    %eq3A_1023 = vector.broadcast %eq3A_1022 : i32 to vector<16xi32>
    %eq3A_1024 = arith.cmpi eq, %iota3A, %eq3A_1023 : vector<16xi32>
    %get3A_1025 = arith.constant 12 : i32
    %get3A_1026 = arith.index_cast %get3A_1025 : i32 to index
    %get3A_1027 = arith.constant 96 : index
    %get3A_1028 = tpu.vector_load %arg4[%get3A_1026, %get3A_1027] {strides = array<i32>} : memref<16x128xf32, #tpu.memory_space<vmem>>, vector<1x16xf32>,
    %get3A_1029 = vector.shape_cast %get3A_1028 : vector<1x16xf32> to vector<16xf32>
    %select_n3A_1030 = arith.select %eq3A_1024, %get3A_1029, %select_n3A_1021 : vector<16xi1>, vector<16xf32>
    %eq3A_1031 = arith.constant 13 : i32
    %eq3A_1032 = vector.broadcast %eq3A_1031 : i32 to vector<16xi32>
    %eq3A_1033 = arith.cmpi eq, %iota3A, %eq3A_1032 : vector<16xi32>
    %get3A_1034 = arith.constant 13 : i32
    %get3A_1035 = arith.index_cast %get3A_1034 : i32 to index
    %get3A_1036 = arith.constant 96 : index
    %get3A_1037 = tpu.vector_load %arg4[%get3A_1035, %get3A_1036] {strides = array<i32>} : memref<16x128xf32, #tpu.memory_space<vmem>>, vector<1x16xf32>,
    %get3A_1038 = vector.shape_cast %get3A_1037 : vector<1x16xf32> to vector<16xf32>
    %select_n3A_1039 = arith.select %eq3A_1033, %get3A_1038, %select_n3A_1030 : vector<16xi1>, vector<16xf32>
    %eq3A_1040 = arith.constant 14 : i32
    %eq3A_1041 = vector.broadcast %eq3A_1040 : i32 to vector<16xi32>
    %eq3A_1042 = arith.cmpi eq, %iota3A, %eq3A_1041 : vector<16xi32>
    %get3A_1043 = arith.constant 14 : i32
    %get3A_1044 = arith.index_cast %get3A_1043 : i32 to index
    %get3A_1045 = arith.constant 96 : index
    %get3A_1046 = tpu.vector_load %arg4[%get3A_1044, %get3A_1045] {strides = array<i32>} : memref<16x128xf32, #tpu.memory_space<vmem>>, vector<1x16xf32>,
    %get3A_1047 = vector.shape_cast %get3A_1046 : vector<1x16xf32> to vector<16xf32>
    %select_n3A_1048 = arith.select %eq3A_1042, %get3A_1047, %select_n3A_1039 : vector<16xi1>, vector<16xf32>
    %eq3A_1049 = arith.constant 15 : i32
    %eq3A_1050 = vector.broadcast %eq3A_1049 : i32 to vector<16xi32>
    %eq3A_1051 = arith.cmpi eq, %iota3A, %eq3A_1050 : vector<16xi32>
    %get3A_1052 = arith.constant 15 : i32
    %get3A_1053 = arith.index_cast %get3A_1052 : i32 to index
    %get3A_1054 = arith.constant 96 : index
    %get3A_1055 = tpu.vector_load %arg4[%get3A_1053, %get3A_1054] {strides = array<i32>} : memref<16x128xf32, #tpu.memory_space<vmem>>, vector<1x16xf32>,
    %get3A_1056 = vector.shape_cast %get3A_1055 : vector<1x16xf32> to vector<16xf32>
    %select_n3A_1057 = arith.select %eq3A_1051, %get3A_1056, %select_n3A_1048 : vector<16xi1>, vector<16xf32>
    %swap3A_1058 = arith.constant 96 : index
    %swap3A_1059 = tpu.vector_load %arg5[%swap3A_1058] {strides = array<i32>} : memref<128xf32, #tpu.memory_space<vmem>>, vector<16xf32>,
    %swap3A_1060 = vector.shape_cast %swap3A_1059 : vector<16xf32> to vector<16xf32>
    %swap3A_1061 = vector.shape_cast %select_n3A_1057 : vector<16xf32> to vector<16xf32>
    tpu.vector_store %arg5[%swap3A_1058], %swap3A_1061 {strides = array<i32>} : memref<128xf32, #tpu.memory_space<vmem>>, vector<16xf32>,
    %add3A_1062 = arith.constant 112 : i32
    %add3A_1063 = arith.addi %mul3A_2, %add3A_1062 : i32
    "tpu.region"() ({
      %run_scoped3A = tpu.sem_alloc : memref<!tpu.dma_semaphore, #tpu.memory_space<semaphore_mem>>
      %dma_start3A = tpu.memref_slice %arg2[%add3A_1063, %mul3A_2] : memref<4096x4096xf32, #tpu.memory_space<hbm>> -> memref<16x128xf32, #tpu.memory_space<hbm>>
      %dma_start3A_1214 = tpu.memref_slice %arg2[%add3A_1063, %mul3A_2] : memref<4096x4096xf32, #tpu.memory_space<hbm>> -> memref<16x128xf32, #tpu.memory_space<hbm>>
      tpu.enqueue_dma source(%dma_start3A_1214 : memref<16x128xf32, #tpu.memory_space<hbm>>) target(%arg4 : memref<16x128xf32, #tpu.memory_space<vmem>>) target_semaphore(%run_scoped3A : memref<!tpu.dma_semaphore, #tpu.memory_space<semaphore_mem>>)
      %dma_wait3A = tpu.memref_slice %arg2[%add3A_1063, %mul3A_2] : memref<4096x4096xf32, #tpu.memory_space<hbm>> -> memref<16x128xf32, #tpu.memory_space<hbm>>
      %dma_wait3A_1215 = tpu.memref_slice %arg2[%add3A_1063, %mul3A_2] : memref<4096x4096xf32, #tpu.memory_space<hbm>> -> memref<16x128xf32, #tpu.memory_space<hbm>>
      tpu.wait_dma2 semaphore(%run_scoped3A : memref<!tpu.dma_semaphore, #tpu.memory_space<semaphore_mem>>) src(%dma_wait3A_1215 : memref<16x128xf32, #tpu.memory_space<hbm>>) dst(%arg4 : memref<16x128xf32, #tpu.memory_space<vmem>>)
      tpu.yield
    }) : () -> ()
    %broadcast_in_dim3A_1064 = arith.constant 0.000000e+00 : f32
    %broadcast_in_dim3A_1065 = vector.broadcast %broadcast_in_dim3A_1064 : f32 to vector<16xf32>
    %eq3A_1066 = arith.constant 0 : i32
    %eq3A_1067 = vector.broadcast %eq3A_1066 : i32 to vector<16xi32>
    %eq3A_1068 = arith.cmpi eq, %iota3A, %eq3A_1067 : vector<16xi32>
    %get3A_1069 = arith.constant 0 : i32
    %get3A_1070 = arith.index_cast %get3A_1069 : i32 to index
    %get3A_1071 = arith.constant 112 : index
    %get3A_1072 = tpu.vector_load %arg4[%get3A_1070, %get3A_1071] {strides = array<i32>} : memref<16x128xf32, #tpu.memory_space<vmem>>, vector<1x16xf32>,
    %get3A_1073 = vector.shape_cast %get3A_1072 : vector<1x16xf32> to vector<16xf32>
    %select_n3A_1074 = arith.select %eq3A_1068, %get3A_1073, %broadcast_in_dim3A_1065 : vector<16xi1>, vector<16xf32>
    %eq3A_1075 = arith.constant 1 : i32
    %eq3A_1076 = vector.broadcast %eq3A_1075 : i32 to vector<16xi32>
    %eq3A_1077 = arith.cmpi eq, %iota3A, %eq3A_1076 : vector<16xi32>
    %get3A_1078 = arith.constant 1 : i32
    %get3A_1079 = arith.index_cast %get3A_1078 : i32 to index
    %get3A_1080 = arith.constant 112 : index
    %get3A_1081 = tpu.vector_load %arg4[%get3A_1079, %get3A_1080] {strides = array<i32>} : memref<16x128xf32, #tpu.memory_space<vmem>>, vector<1x16xf32>,
    %get3A_1082 = vector.shape_cast %get3A_1081 : vector<1x16xf32> to vector<16xf32>
    %select_n3A_1083 = arith.select %eq3A_1077, %get3A_1082, %select_n3A_1074 : vector<16xi1>, vector<16xf32>
    %eq3A_1084 = arith.constant 2 : i32
    %eq3A_1085 = vector.broadcast %eq3A_1084 : i32 to vector<16xi32>
    %eq3A_1086 = arith.cmpi eq, %iota3A, %eq3A_1085 : vector<16xi32>
    %get3A_1087 = arith.constant 2 : i32
    %get3A_1088 = arith.index_cast %get3A_1087 : i32 to index
    %get3A_1089 = arith.constant 112 : index
    %get3A_1090 = tpu.vector_load %arg4[%get3A_1088, %get3A_1089] {strides = array<i32>} : memref<16x128xf32, #tpu.memory_space<vmem>>, vector<1x16xf32>,
    %get3A_1091 = vector.shape_cast %get3A_1090 : vector<1x16xf32> to vector<16xf32>
    %select_n3A_1092 = arith.select %eq3A_1086, %get3A_1091, %select_n3A_1083 : vector<16xi1>, vector<16xf32>
    %eq3A_1093 = arith.constant 3 : i32
    %eq3A_1094 = vector.broadcast %eq3A_1093 : i32 to vector<16xi32>
    %eq3A_1095 = arith.cmpi eq, %iota3A, %eq3A_1094 : vector<16xi32>
    %get3A_1096 = arith.constant 3 : i32
    %get3A_1097 = arith.index_cast %get3A_1096 : i32 to index
    %get3A_1098 = arith.constant 112 : index
    %get3A_1099 = tpu.vector_load %arg4[%get3A_1097, %get3A_1098] {strides = array<i32>} : memref<16x128xf32, #tpu.memory_space<vmem>>, vector<1x16xf32>,
    %get3A_1100 = vector.shape_cast %get3A_1099 : vector<1x16xf32> to vector<16xf32>
    %select_n3A_1101 = arith.select %eq3A_1095, %get3A_1100, %select_n3A_1092 : vector<16xi1>, vector<16xf32>
    %eq3A_1102 = arith.constant 4 : i32
    %eq3A_1103 = vector.broadcast %eq3A_1102 : i32 to vector<16xi32>
    %eq3A_1104 = arith.cmpi eq, %iota3A, %eq3A_1103 : vector<16xi32>
    %get3A_1105 = arith.constant 4 : i32
    %get3A_1106 = arith.index_cast %get3A_1105 : i32 to index
    %get3A_1107 = arith.constant 112 : index
    %get3A_1108 = tpu.vector_load %arg4[%get3A_1106, %get3A_1107] {strides = array<i32>} : memref<16x128xf32, #tpu.memory_space<vmem>>, vector<1x16xf32>,
    %get3A_1109 = vector.shape_cast %get3A_1108 : vector<1x16xf32> to vector<16xf32>
    %select_n3A_1110 = arith.select %eq3A_1104, %get3A_1109, %select_n3A_1101 : vector<16xi1>, vector<16xf32>
    %eq3A_1111 = arith.constant 5 : i32
    %eq3A_1112 = vector.broadcast %eq3A_1111 : i32 to vector<16xi32>
    %eq3A_1113 = arith.cmpi eq, %iota3A, %eq3A_1112 : vector<16xi32>
    %get3A_1114 = arith.constant 5 : i32
    %get3A_1115 = arith.index_cast %get3A_1114 : i32 to index
    %get3A_1116 = arith.constant 112 : index
    %get3A_1117 = tpu.vector_load %arg4[%get3A_1115, %get3A_1116] {strides = array<i32>} : memref<16x128xf32, #tpu.memory_space<vmem>>, vector<1x16xf32>,
    %get3A_1118 = vector.shape_cast %get3A_1117 : vector<1x16xf32> to vector<16xf32>
    %select_n3A_1119 = arith.select %eq3A_1113, %get3A_1118, %select_n3A_1110 : vector<16xi1>, vector<16xf32>
    %eq3A_1120 = arith.constant 6 : i32
    %eq3A_1121 = vector.broadcast %eq3A_1120 : i32 to vector<16xi32>
    %eq3A_1122 = arith.cmpi eq, %iota3A, %eq3A_1121 : vector<16xi32>
    %get3A_1123 = arith.constant 6 : i32
    %get3A_1124 = arith.index_cast %get3A_1123 : i32 to index
    %get3A_1125 = arith.constant 112 : index
    %get3A_1126 = tpu.vector_load %arg4[%get3A_1124, %get3A_1125] {strides = array<i32>} : memref<16x128xf32, #tpu.memory_space<vmem>>, vector<1x16xf32>,
    %get3A_1127 = vector.shape_cast %get3A_1126 : vector<1x16xf32> to vector<16xf32>
    %select_n3A_1128 = arith.select %eq3A_1122, %get3A_1127, %select_n3A_1119 : vector<16xi1>, vector<16xf32>
    %eq3A_1129 = arith.constant 7 : i32
    %eq3A_1130 = vector.broadcast %eq3A_1129 : i32 to vector<16xi32>
    %eq3A_1131 = arith.cmpi eq, %iota3A, %eq3A_1130 : vector<16xi32>
    %get3A_1132 = arith.constant 7 : i32
    %get3A_1133 = arith.index_cast %get3A_1132 : i32 to index
    %get3A_1134 = arith.constant 112 : index
    %get3A_1135 = tpu.vector_load %arg4[%get3A_1133, %get3A_1134] {strides = array<i32>} : memref<16x128xf32, #tpu.memory_space<vmem>>, vector<1x16xf32>,
    %get3A_1136 = vector.shape_cast %get3A_1135 : vector<1x16xf32> to vector<16xf32>
    %select_n3A_1137 = arith.select %eq3A_1131, %get3A_1136, %select_n3A_1128 : vector<16xi1>, vector<16xf32>
    %eq3A_1138 = arith.constant 8 : i32
    %eq3A_1139 = vector.broadcast %eq3A_1138 : i32 to vector<16xi32>
    %eq3A_1140 = arith.cmpi eq, %iota3A, %eq3A_1139 : vector<16xi32>
    %get3A_1141 = arith.constant 8 : i32
    %get3A_1142 = arith.index_cast %get3A_1141 : i32 to index
    %get3A_1143 = arith.constant 112 : index
    %get3A_1144 = tpu.vector_load %arg4[%get3A_1142, %get3A_1143] {strides = array<i32>} : memref<16x128xf32, #tpu.memory_space<vmem>>, vector<1x16xf32>,
    %get3A_1145 = vector.shape_cast %get3A_1144 : vector<1x16xf32> to vector<16xf32>
    %select_n3A_1146 = arith.select %eq3A_1140, %get3A_1145, %select_n3A_1137 : vector<16xi1>, vector<16xf32>
    %eq3A_1147 = arith.constant 9 : i32
    %eq3A_1148 = vector.broadcast %eq3A_1147 : i32 to vector<16xi32>
    %eq3A_1149 = arith.cmpi eq, %iota3A, %eq3A_1148 : vector<16xi32>
    %get3A_1150 = arith.constant 9 : i32
    %get3A_1151 = arith.index_cast %get3A_1150 : i32 to index
    %get3A_1152 = arith.constant 112 : index
    %get3A_1153 = tpu.vector_load %arg4[%get3A_1151, %get3A_1152] {strides = array<i32>} : memref<16x128xf32, #tpu.memory_space<vmem>>, vector<1x16xf32>,
    %get3A_1154 = vector.shape_cast %get3A_1153 : vector<1x16xf32> to vector<16xf32>
    %select_n3A_1155 = arith.select %eq3A_1149, %get3A_1154, %select_n3A_1146 : vector<16xi1>, vector<16xf32>
    %eq3A_1156 = arith.constant 10 : i32
    %eq3A_1157 = vector.broadcast %eq3A_1156 : i32 to vector<16xi32>
    %eq3A_1158 = arith.cmpi eq, %iota3A, %eq3A_1157 : vector<16xi32>
    %get3A_1159 = arith.constant 10 : i32
    %get3A_1160 = arith.index_cast %get3A_1159 : i32 to index
    %get3A_1161 = arith.constant 112 : index
    %get3A_1162 = tpu.vector_load %arg4[%get3A_1160, %get3A_1161] {strides = array<i32>} : memref<16x128xf32, #tpu.memory_space<vmem>>, vector<1x16xf32>,
    %get3A_1163 = vector.shape_cast %get3A_1162 : vector<1x16xf32> to vector<16xf32>
    %select_n3A_1164 = arith.select %eq3A_1158, %get3A_1163, %select_n3A_1155 : vector<16xi1>, vector<16xf32>
    %eq3A_1165 = arith.constant 11 : i32
    %eq3A_1166 = vector.broadcast %eq3A_1165 : i32 to vector<16xi32>
    %eq3A_1167 = arith.cmpi eq, %iota3A, %eq3A_1166 : vector<16xi32>
    %get3A_1168 = arith.constant 11 : i32
    %get3A_1169 = arith.index_cast %get3A_1168 : i32 to index
    %get3A_1170 = arith.constant 112 : index
    %get3A_1171 = tpu.vector_load %arg4[%get3A_1169, %get3A_1170] {strides = array<i32>} : memref<16x128xf32, #tpu.memory_space<vmem>>, vector<1x16xf32>,
    %get3A_1172 = vector.shape_cast %get3A_1171 : vector<1x16xf32> to vector<16xf32>
    %select_n3A_1173 = arith.select %eq3A_1167, %get3A_1172, %select_n3A_1164 : vector<16xi1>, vector<16xf32>
    %eq3A_1174 = arith.constant 12 : i32
    %eq3A_1175 = vector.broadcast %eq3A_1174 : i32 to vector<16xi32>
    %eq3A_1176 = arith.cmpi eq, %iota3A, %eq3A_1175 : vector<16xi32>
    %get3A_1177 = arith.constant 12 : i32
    %get3A_1178 = arith.index_cast %get3A_1177 : i32 to index
    %get3A_1179 = arith.constant 112 : index
    %get3A_1180 = tpu.vector_load %arg4[%get3A_1178, %get3A_1179] {strides = array<i32>} : memref<16x128xf32, #tpu.memory_space<vmem>>, vector<1x16xf32>,
    %get3A_1181 = vector.shape_cast %get3A_1180 : vector<1x16xf32> to vector<16xf32>
    %select_n3A_1182 = arith.select %eq3A_1176, %get3A_1181, %select_n3A_1173 : vector<16xi1>, vector<16xf32>
    %eq3A_1183 = arith.constant 13 : i32
    %eq3A_1184 = vector.broadcast %eq3A_1183 : i32 to vector<16xi32>
    %eq3A_1185 = arith.cmpi eq, %iota3A, %eq3A_1184 : vector<16xi32>
    %get3A_1186 = arith.constant 13 : i32
    %get3A_1187 = arith.index_cast %get3A_1186 : i32 to index
    %get3A_1188 = arith.constant 112 : index
    %get3A_1189 = tpu.vector_load %arg4[%get3A_1187, %get3A_1188] {strides = array<i32>} : memref<16x128xf32, #tpu.memory_space<vmem>>, vector<1x16xf32>,
    %get3A_1190 = vector.shape_cast %get3A_1189 : vector<1x16xf32> to vector<16xf32>
    %select_n3A_1191 = arith.select %eq3A_1185, %get3A_1190, %select_n3A_1182 : vector<16xi1>, vector<16xf32>
    %eq3A_1192 = arith.constant 14 : i32
    %eq3A_1193 = vector.broadcast %eq3A_1192 : i32 to vector<16xi32>
    %eq3A_1194 = arith.cmpi eq, %iota3A, %eq3A_1193 : vector<16xi32>
    %get3A_1195 = arith.constant 14 : i32
    %get3A_1196 = arith.index_cast %get3A_1195 : i32 to index
    %get3A_1197 = arith.constant 112 : index
    %get3A_1198 = tpu.vector_load %arg4[%get3A_1196, %get3A_1197] {strides = array<i32>} : memref<16x128xf32, #tpu.memory_space<vmem>>, vector<1x16xf32>,
    %get3A_1199 = vector.shape_cast %get3A_1198 : vector<1x16xf32> to vector<16xf32>
    %select_n3A_1200 = arith.select %eq3A_1194, %get3A_1199, %select_n3A_1191 : vector<16xi1>, vector<16xf32>
    %eq3A_1201 = arith.constant 15 : i32
    %eq3A_1202 = vector.broadcast %eq3A_1201 : i32 to vector<16xi32>
    %eq3A_1203 = arith.cmpi eq, %iota3A, %eq3A_1202 : vector<16xi32>
    %get3A_1204 = arith.constant 15 : i32
    %get3A_1205 = arith.index_cast %get3A_1204 : i32 to index
    %get3A_1206 = arith.constant 112 : index
    %get3A_1207 = tpu.vector_load %arg4[%get3A_1205, %get3A_1206] {strides = array<i32>} : memref<16x128xf32, #tpu.memory_space<vmem>>, vector<1x16xf32>,
    %get3A_1208 = vector.shape_cast %get3A_1207 : vector<1x16xf32> to vector<16xf32>
    %select_n3A_1209 = arith.select %eq3A_1203, %get3A_1208, %select_n3A_1200 : vector<16xi1>, vector<16xf32>
    %swap3A_1210 = arith.constant 112 : index
    %swap3A_1211 = tpu.vector_load %arg5[%swap3A_1210] {strides = array<i32>} : memref<128xf32, #tpu.memory_space<vmem>>, vector<16xf32>,
    %swap3A_1212 = vector.shape_cast %swap3A_1211 : vector<16xf32> to vector<16xf32>
    %swap3A_1213 = vector.shape_cast %select_n3A_1209 : vector<16xf32> to vector<16xf32>
    tpu.vector_store %arg5[%swap3A_1210], %swap3A_1213 {strides = array<i32>} : memref<128xf32, #tpu.memory_space<vmem>>, vector<16xf32>,
    "tpu.region"() ({
      %run_scoped3A = tpu.sem_alloc : memref<!tpu.dma_semaphore, #tpu.memory_space<semaphore_mem>>
      %dma_start3A = tpu.memref_slice %arg3[%mul3A_2] : memref<4096xf32, #tpu.memory_space<hbm>> -> memref<128xf32, #tpu.memory_space<hbm>>
      %dma_start3A_1214 = tpu.memref_slice %arg3[%mul3A_2] : memref<4096xf32, #tpu.memory_space<hbm>> -> memref<128xf32, #tpu.memory_space<hbm>>
      tpu.enqueue_dma source(%arg5 : memref<128xf32, #tpu.memory_space<vmem>>) target(%dma_start3A_1214 : memref<128xf32, #tpu.memory_space<hbm>>) target_semaphore(%run_scoped3A : memref<!tpu.dma_semaphore, #tpu.memory_space<semaphore_mem>>)
      %dma_wait3A = tpu.memref_slice %arg3[%mul3A_2] : memref<4096xf32, #tpu.memory_space<hbm>> -> memref<128xf32, #tpu.memory_space<hbm>>
      %dma_wait3A_1215 = tpu.memref_slice %arg3[%mul3A_2] : memref<4096xf32, #tpu.memory_space<hbm>> -> memref<128xf32, #tpu.memory_space<hbm>>
      tpu.wait_dma2 semaphore(%run_scoped3A : memref<!tpu.dma_semaphore, #tpu.memory_space<semaphore_mem>>) src(%arg5 : memref<128xf32, #tpu.memory_space<vmem>>) dst(%dma_wait3A_1215 : memref<128xf32, #tpu.memory_space<hbm>>)
      tpu.yield
    }) : () -> ()
    return
  }
}

module attributes {stable_mosaic.version = 14 : i64} {
  func.func @_tc_body(%arg0: i32, %arg1: memref<256x4096xf32, #tpu.memory_space<vmem>>, %arg2: memref<256x1xi32, #tpu.memory_space<vmem>>, %arg3: memref<256x1xf32, #tpu.memory_space<vmem>>, %arg4: memref<1x1xf32, #tpu.memory_space<vmem>>) attributes {dimension_semantics = [#tpu.dimension_semantics<arbitrary>], iteration_bounds = array<i64: 16>, scalar_prefetch = 0 : i64, scratch_operands = 0 : i64, tpu.core_type = #tpu.core_type<tc>, window_params = [{transform_indices = @transform_0, window_bounds = array<i64: 256, 4096>}, {transform_indices = @transform_1, window_bounds = array<i64: 256, 1>}, {transform_indices = @transform_2, window_bounds = array<i64: 256, 1>}, {pipeline_mode = #tpu.pipeline_mode<synchronous>, transform_indices = @transform_3, window_bounds = array<i64: 1, 1>}]} {
    %iota3A = tpu.iota {dimensions = array<i32: 1>} : vector<64x128xi32>
    %get3A = arith.constant 0 : index
    %get3A_0 = arith.constant 0 : index
    %get3A_1 = vector.load %arg2[%get3A, %get3A_0] : memref<256x1xi32, #tpu.memory_space<vmem>>, vector<64x1xi32>
    %get3A_2 = arith.constant 0 : index
    %get3A_3 = arith.constant 0 : index
    %get3A_4 = vector.load %arg3[%get3A_2, %get3A_3] : memref<256x1xf32, #tpu.memory_space<vmem>>, vector<64x1xf32>
    %shift_right_logical3A = arith.constant 7 : i32
    %shift_right_logical3A_5 = vector.broadcast %shift_right_logical3A : i32 to vector<64x1xi32>
    %shift_right_logical3A_6 = arith.shrui %get3A_1, %shift_right_logical3A_5 : vector<64x1xi32>
    %and3A = arith.constant 127 : i32
    %and3A_7 = vector.broadcast %and3A : i32 to vector<64x1xi32>
    %and3A_8 = arith.andi %get3A_1, %and3A_7 : vector<64x1xi32>
    %get3A_9 = arith.constant 0 : index
    %get3A_10 = arith.constant 0 : index
    %get3A_11 = vector.load %arg1[%get3A_9, %get3A_10] : memref<256x4096xf32, #tpu.memory_space<vmem>>, vector<64x128xf32>
    %eq3A = arith.constant 0 : i32
    %eq3A_12 = vector.broadcast %eq3A : i32 to vector<64x1xi32>
    %eq3A_13 = arith.cmpi eq, %shift_right_logical3A_6, %eq3A_12 : vector<64x1xi32>
    %convert_element_type3A = arith.extui %eq3A_13 : vector<64x1xi1> to vector<64x1xi32>
    %convert_element_type3A_14 = arith.sitofp %convert_element_type3A : vector<64x1xi32> to vector<64x1xf32>
    %mul3A = vector.broadcast %convert_element_type3A_14 : vector<64x1xf32> to vector<64x128xf32>
    %mul3A_15 = arith.mulf %get3A_11, %mul3A : vector<64x128xf32>
    %broadcast_in_dim3A = arith.constant 0xFF800000 : f32
    %broadcast_in_dim3A_16 = vector.broadcast %broadcast_in_dim3A : f32 to vector<64x128xf32>
    %mul3A_17 = arith.constant 1.44269502 : f32
    %mul3A_18 = vector.broadcast %mul3A_17 : f32 to vector<64x128xf32>
    %mul3A_19 = arith.mulf %get3A_11, %mul3A_18 : vector<64x128xf32>
    %exp23A = math.exp2 %mul3A_19 : vector<64x128xf32>
    %get3A_20 = arith.constant 0 : index
    %get3A_21 = arith.constant 128 : index
    %get3A_22 = vector.load %arg1[%get3A_20, %get3A_21] : memref<256x4096xf32, #tpu.memory_space<vmem>>, vector<64x128xf32>
    %min3A = arith.minimumf %get3A_11, %get3A_22 : vector<64x128xf32>
    %max3A = arith.maximumf %broadcast_in_dim3A_16, %min3A : vector<64x128xf32>
    %max3A_23 = arith.maximumf %get3A_11, %get3A_22 : vector<64x128xf32>
    %eq3A_24 = arith.constant 1 : i32
    %eq3A_25 = vector.broadcast %eq3A_24 : i32 to vector<64x1xi32>
    %eq3A_26 = arith.cmpi eq, %shift_right_logical3A_6, %eq3A_25 : vector<64x1xi32>
    %convert_element_type3A_27 = arith.extui %eq3A_26 : vector<64x1xi1> to vector<64x1xi32>
    %convert_element_type3A_28 = arith.sitofp %convert_element_type3A_27 : vector<64x1xi32> to vector<64x1xf32>
    %mul3A_29 = vector.broadcast %convert_element_type3A_28 : vector<64x1xf32> to vector<64x128xf32>
    %mul3A_30 = arith.mulf %get3A_22, %mul3A_29 : vector<64x128xf32>
    %add3A = arith.addf %mul3A_15, %mul3A_30 : vector<64x128xf32>
    %mul3A_31 = arith.constant 1.44269502 : f32
    %mul3A_32 = vector.broadcast %mul3A_31 : f32 to vector<64x128xf32>
    %mul3A_33 = arith.mulf %get3A_22, %mul3A_32 : vector<64x128xf32>
    %exp23A_34 = math.exp2 %mul3A_33 : vector<64x128xf32>
    %add3A_35 = arith.addf %exp23A, %exp23A_34 : vector<64x128xf32>
    %get3A_36 = arith.constant 0 : index
    %get3A_37 = arith.constant 256 : index
    %get3A_38 = vector.load %arg1[%get3A_36, %get3A_37] : memref<256x4096xf32, #tpu.memory_space<vmem>>, vector<64x128xf32>
    %min3A_39 = arith.minimumf %max3A_23, %get3A_38 : vector<64x128xf32>
    %max3A_40 = arith.maximumf %max3A, %min3A_39 : vector<64x128xf32>
    %max3A_41 = arith.maximumf %max3A_23, %get3A_38 : vector<64x128xf32>
    %eq3A_42 = arith.constant 2 : i32
    %eq3A_43 = vector.broadcast %eq3A_42 : i32 to vector<64x1xi32>
    %eq3A_44 = arith.cmpi eq, %shift_right_logical3A_6, %eq3A_43 : vector<64x1xi32>
    %convert_element_type3A_45 = arith.extui %eq3A_44 : vector<64x1xi1> to vector<64x1xi32>
    %convert_element_type3A_46 = arith.sitofp %convert_element_type3A_45 : vector<64x1xi32> to vector<64x1xf32>
    %mul3A_47 = vector.broadcast %convert_element_type3A_46 : vector<64x1xf32> to vector<64x128xf32>
    %mul3A_48 = arith.mulf %get3A_38, %mul3A_47 : vector<64x128xf32>
    %add3A_49 = arith.addf %add3A, %mul3A_48 : vector<64x128xf32>
    %mul3A_50 = arith.constant 1.44269502 : f32
    %mul3A_51 = vector.broadcast %mul3A_50 : f32 to vector<64x128xf32>
    %mul3A_52 = arith.mulf %get3A_38, %mul3A_51 : vector<64x128xf32>
    %exp23A_53 = math.exp2 %mul3A_52 : vector<64x128xf32>
    %add3A_54 = arith.addf %add3A_35, %exp23A_53 : vector<64x128xf32>
    %get3A_55 = arith.constant 0 : index
    %get3A_56 = arith.constant 384 : index
    %get3A_57 = vector.load %arg1[%get3A_55, %get3A_56] : memref<256x4096xf32, #tpu.memory_space<vmem>>, vector<64x128xf32>
    %min3A_58 = arith.minimumf %max3A_41, %get3A_57 : vector<64x128xf32>
    %max3A_59 = arith.maximumf %max3A_40, %min3A_58 : vector<64x128xf32>
    %max3A_60 = arith.maximumf %max3A_41, %get3A_57 : vector<64x128xf32>
    %eq3A_61 = arith.constant 3 : i32
    %eq3A_62 = vector.broadcast %eq3A_61 : i32 to vector<64x1xi32>
    %eq3A_63 = arith.cmpi eq, %shift_right_logical3A_6, %eq3A_62 : vector<64x1xi32>
    %convert_element_type3A_64 = arith.extui %eq3A_63 : vector<64x1xi1> to vector<64x1xi32>
    %convert_element_type3A_65 = arith.sitofp %convert_element_type3A_64 : vector<64x1xi32> to vector<64x1xf32>
    %mul3A_66 = vector.broadcast %convert_element_type3A_65 : vector<64x1xf32> to vector<64x128xf32>
    %mul3A_67 = arith.mulf %get3A_57, %mul3A_66 : vector<64x128xf32>
    %add3A_68 = arith.addf %add3A_49, %mul3A_67 : vector<64x128xf32>
    %mul3A_69 = arith.constant 1.44269502 : f32
    %mul3A_70 = vector.broadcast %mul3A_69 : f32 to vector<64x128xf32>
    %mul3A_71 = arith.mulf %get3A_57, %mul3A_70 : vector<64x128xf32>
    %exp23A_72 = math.exp2 %mul3A_71 : vector<64x128xf32>
    %add3A_73 = arith.addf %add3A_54, %exp23A_72 : vector<64x128xf32>
    %get3A_74 = arith.constant 0 : index
    %get3A_75 = arith.constant 512 : index
    %get3A_76 = vector.load %arg1[%get3A_74, %get3A_75] : memref<256x4096xf32, #tpu.memory_space<vmem>>, vector<64x128xf32>
    %min3A_77 = arith.minimumf %max3A_60, %get3A_76 : vector<64x128xf32>
    %max3A_78 = arith.maximumf %max3A_59, %min3A_77 : vector<64x128xf32>
    %max3A_79 = arith.maximumf %max3A_60, %get3A_76 : vector<64x128xf32>
    %eq3A_80 = arith.constant 4 : i32
    %eq3A_81 = vector.broadcast %eq3A_80 : i32 to vector<64x1xi32>
    %eq3A_82 = arith.cmpi eq, %shift_right_logical3A_6, %eq3A_81 : vector<64x1xi32>
    %convert_element_type3A_83 = arith.extui %eq3A_82 : vector<64x1xi1> to vector<64x1xi32>
    %convert_element_type3A_84 = arith.sitofp %convert_element_type3A_83 : vector<64x1xi32> to vector<64x1xf32>
    %mul3A_85 = vector.broadcast %convert_element_type3A_84 : vector<64x1xf32> to vector<64x128xf32>
    %mul3A_86 = arith.mulf %get3A_76, %mul3A_85 : vector<64x128xf32>
    %add3A_87 = arith.addf %add3A_68, %mul3A_86 : vector<64x128xf32>
    %mul3A_88 = arith.constant 1.44269502 : f32
    %mul3A_89 = vector.broadcast %mul3A_88 : f32 to vector<64x128xf32>
    %mul3A_90 = arith.mulf %get3A_76, %mul3A_89 : vector<64x128xf32>
    %exp23A_91 = math.exp2 %mul3A_90 : vector<64x128xf32>
    %add3A_92 = arith.addf %add3A_73, %exp23A_91 : vector<64x128xf32>
    %get3A_93 = arith.constant 0 : index
    %get3A_94 = arith.constant 640 : index
    %get3A_95 = vector.load %arg1[%get3A_93, %get3A_94] : memref<256x4096xf32, #tpu.memory_space<vmem>>, vector<64x128xf32>
    %min3A_96 = arith.minimumf %max3A_79, %get3A_95 : vector<64x128xf32>
    %max3A_97 = arith.maximumf %max3A_78, %min3A_96 : vector<64x128xf32>
    %max3A_98 = arith.maximumf %max3A_79, %get3A_95 : vector<64x128xf32>
    %eq3A_99 = arith.constant 5 : i32
    %eq3A_100 = vector.broadcast %eq3A_99 : i32 to vector<64x1xi32>
    %eq3A_101 = arith.cmpi eq, %shift_right_logical3A_6, %eq3A_100 : vector<64x1xi32>
    %convert_element_type3A_102 = arith.extui %eq3A_101 : vector<64x1xi1> to vector<64x1xi32>
    %convert_element_type3A_103 = arith.sitofp %convert_element_type3A_102 : vector<64x1xi32> to vector<64x1xf32>
    %mul3A_104 = vector.broadcast %convert_element_type3A_103 : vector<64x1xf32> to vector<64x128xf32>
    %mul3A_105 = arith.mulf %get3A_95, %mul3A_104 : vector<64x128xf32>
    %add3A_106 = arith.addf %add3A_87, %mul3A_105 : vector<64x128xf32>
    %mul3A_107 = arith.constant 1.44269502 : f32
    %mul3A_108 = vector.broadcast %mul3A_107 : f32 to vector<64x128xf32>
    %mul3A_109 = arith.mulf %get3A_95, %mul3A_108 : vector<64x128xf32>
    %exp23A_110 = math.exp2 %mul3A_109 : vector<64x128xf32>
    %add3A_111 = arith.addf %add3A_92, %exp23A_110 : vector<64x128xf32>
    %get3A_112 = arith.constant 0 : index
    %get3A_113 = arith.constant 768 : index
    %get3A_114 = vector.load %arg1[%get3A_112, %get3A_113] : memref<256x4096xf32, #tpu.memory_space<vmem>>, vector<64x128xf32>
    %min3A_115 = arith.minimumf %max3A_98, %get3A_114 : vector<64x128xf32>
    %max3A_116 = arith.maximumf %max3A_97, %min3A_115 : vector<64x128xf32>
    %max3A_117 = arith.maximumf %max3A_98, %get3A_114 : vector<64x128xf32>
    %eq3A_118 = arith.constant 6 : i32
    %eq3A_119 = vector.broadcast %eq3A_118 : i32 to vector<64x1xi32>
    %eq3A_120 = arith.cmpi eq, %shift_right_logical3A_6, %eq3A_119 : vector<64x1xi32>
    %convert_element_type3A_121 = arith.extui %eq3A_120 : vector<64x1xi1> to vector<64x1xi32>
    %convert_element_type3A_122 = arith.sitofp %convert_element_type3A_121 : vector<64x1xi32> to vector<64x1xf32>
    %mul3A_123 = vector.broadcast %convert_element_type3A_122 : vector<64x1xf32> to vector<64x128xf32>
    %mul3A_124 = arith.mulf %get3A_114, %mul3A_123 : vector<64x128xf32>
    %add3A_125 = arith.addf %add3A_106, %mul3A_124 : vector<64x128xf32>
    %mul3A_126 = arith.constant 1.44269502 : f32
    %mul3A_127 = vector.broadcast %mul3A_126 : f32 to vector<64x128xf32>
    %mul3A_128 = arith.mulf %get3A_114, %mul3A_127 : vector<64x128xf32>
    %exp23A_129 = math.exp2 %mul3A_128 : vector<64x128xf32>
    %add3A_130 = arith.addf %add3A_111, %exp23A_129 : vector<64x128xf32>
    %get3A_131 = arith.constant 0 : index
    %get3A_132 = arith.constant 896 : index
    %get3A_133 = vector.load %arg1[%get3A_131, %get3A_132] : memref<256x4096xf32, #tpu.memory_space<vmem>>, vector<64x128xf32>
    %min3A_134 = arith.minimumf %max3A_117, %get3A_133 : vector<64x128xf32>
    %max3A_135 = arith.maximumf %max3A_116, %min3A_134 : vector<64x128xf32>
    %max3A_136 = arith.maximumf %max3A_117, %get3A_133 : vector<64x128xf32>
    %eq3A_137 = arith.constant 7 : i32
    %eq3A_138 = vector.broadcast %eq3A_137 : i32 to vector<64x1xi32>
    %eq3A_139 = arith.cmpi eq, %shift_right_logical3A_6, %eq3A_138 : vector<64x1xi32>
    %convert_element_type3A_140 = arith.extui %eq3A_139 : vector<64x1xi1> to vector<64x1xi32>
    %convert_element_type3A_141 = arith.sitofp %convert_element_type3A_140 : vector<64x1xi32> to vector<64x1xf32>
    %mul3A_142 = vector.broadcast %convert_element_type3A_141 : vector<64x1xf32> to vector<64x128xf32>
    %mul3A_143 = arith.mulf %get3A_133, %mul3A_142 : vector<64x128xf32>
    %add3A_144 = arith.addf %add3A_125, %mul3A_143 : vector<64x128xf32>
    %mul3A_145 = arith.constant 1.44269502 : f32
    %mul3A_146 = vector.broadcast %mul3A_145 : f32 to vector<64x128xf32>
    %mul3A_147 = arith.mulf %get3A_133, %mul3A_146 : vector<64x128xf32>
    %exp23A_148 = math.exp2 %mul3A_147 : vector<64x128xf32>
    %add3A_149 = arith.addf %add3A_130, %exp23A_148 : vector<64x128xf32>
    %get3A_150 = arith.constant 0 : index
    %get3A_151 = arith.constant 1024 : index
    %get3A_152 = vector.load %arg1[%get3A_150, %get3A_151] : memref<256x4096xf32, #tpu.memory_space<vmem>>, vector<64x128xf32>
    %min3A_153 = arith.minimumf %max3A_136, %get3A_152 : vector<64x128xf32>
    %max3A_154 = arith.maximumf %max3A_135, %min3A_153 : vector<64x128xf32>
    %max3A_155 = arith.maximumf %max3A_136, %get3A_152 : vector<64x128xf32>
    %eq3A_156 = arith.constant 8 : i32
    %eq3A_157 = vector.broadcast %eq3A_156 : i32 to vector<64x1xi32>
    %eq3A_158 = arith.cmpi eq, %shift_right_logical3A_6, %eq3A_157 : vector<64x1xi32>
    %convert_element_type3A_159 = arith.extui %eq3A_158 : vector<64x1xi1> to vector<64x1xi32>
    %convert_element_type3A_160 = arith.sitofp %convert_element_type3A_159 : vector<64x1xi32> to vector<64x1xf32>
    %mul3A_161 = vector.broadcast %convert_element_type3A_160 : vector<64x1xf32> to vector<64x128xf32>
    %mul3A_162 = arith.mulf %get3A_152, %mul3A_161 : vector<64x128xf32>
    %add3A_163 = arith.addf %add3A_144, %mul3A_162 : vector<64x128xf32>
    %mul3A_164 = arith.constant 1.44269502 : f32
    %mul3A_165 = vector.broadcast %mul3A_164 : f32 to vector<64x128xf32>
    %mul3A_166 = arith.mulf %get3A_152, %mul3A_165 : vector<64x128xf32>
    %exp23A_167 = math.exp2 %mul3A_166 : vector<64x128xf32>
    %add3A_168 = arith.addf %add3A_149, %exp23A_167 : vector<64x128xf32>
    %get3A_169 = arith.constant 0 : index
    %get3A_170 = arith.constant 1152 : index
    %get3A_171 = vector.load %arg1[%get3A_169, %get3A_170] : memref<256x4096xf32, #tpu.memory_space<vmem>>, vector<64x128xf32>
    %min3A_172 = arith.minimumf %max3A_155, %get3A_171 : vector<64x128xf32>
    %max3A_173 = arith.maximumf %max3A_154, %min3A_172 : vector<64x128xf32>
    %max3A_174 = arith.maximumf %max3A_155, %get3A_171 : vector<64x128xf32>
    %eq3A_175 = arith.constant 9 : i32
    %eq3A_176 = vector.broadcast %eq3A_175 : i32 to vector<64x1xi32>
    %eq3A_177 = arith.cmpi eq, %shift_right_logical3A_6, %eq3A_176 : vector<64x1xi32>
    %convert_element_type3A_178 = arith.extui %eq3A_177 : vector<64x1xi1> to vector<64x1xi32>
    %convert_element_type3A_179 = arith.sitofp %convert_element_type3A_178 : vector<64x1xi32> to vector<64x1xf32>
    %mul3A_180 = vector.broadcast %convert_element_type3A_179 : vector<64x1xf32> to vector<64x128xf32>
    %mul3A_181 = arith.mulf %get3A_171, %mul3A_180 : vector<64x128xf32>
    %add3A_182 = arith.addf %add3A_163, %mul3A_181 : vector<64x128xf32>
    %mul3A_183 = arith.constant 1.44269502 : f32
    %mul3A_184 = vector.broadcast %mul3A_183 : f32 to vector<64x128xf32>
    %mul3A_185 = arith.mulf %get3A_171, %mul3A_184 : vector<64x128xf32>
    %exp23A_186 = math.exp2 %mul3A_185 : vector<64x128xf32>
    %add3A_187 = arith.addf %add3A_168, %exp23A_186 : vector<64x128xf32>
    %get3A_188 = arith.constant 0 : index
    %get3A_189 = arith.constant 1280 : index
    %get3A_190 = vector.load %arg1[%get3A_188, %get3A_189] : memref<256x4096xf32, #tpu.memory_space<vmem>>, vector<64x128xf32>
    %min3A_191 = arith.minimumf %max3A_174, %get3A_190 : vector<64x128xf32>
    %max3A_192 = arith.maximumf %max3A_173, %min3A_191 : vector<64x128xf32>
    %max3A_193 = arith.maximumf %max3A_174, %get3A_190 : vector<64x128xf32>
    %eq3A_194 = arith.constant 10 : i32
    %eq3A_195 = vector.broadcast %eq3A_194 : i32 to vector<64x1xi32>
    %eq3A_196 = arith.cmpi eq, %shift_right_logical3A_6, %eq3A_195 : vector<64x1xi32>
    %convert_element_type3A_197 = arith.extui %eq3A_196 : vector<64x1xi1> to vector<64x1xi32>
    %convert_element_type3A_198 = arith.sitofp %convert_element_type3A_197 : vector<64x1xi32> to vector<64x1xf32>
    %mul3A_199 = vector.broadcast %convert_element_type3A_198 : vector<64x1xf32> to vector<64x128xf32>
    %mul3A_200 = arith.mulf %get3A_190, %mul3A_199 : vector<64x128xf32>
    %add3A_201 = arith.addf %add3A_182, %mul3A_200 : vector<64x128xf32>
    %mul3A_202 = arith.constant 1.44269502 : f32
    %mul3A_203 = vector.broadcast %mul3A_202 : f32 to vector<64x128xf32>
    %mul3A_204 = arith.mulf %get3A_190, %mul3A_203 : vector<64x128xf32>
    %exp23A_205 = math.exp2 %mul3A_204 : vector<64x128xf32>
    %add3A_206 = arith.addf %add3A_187, %exp23A_205 : vector<64x128xf32>
    %get3A_207 = arith.constant 0 : index
    %get3A_208 = arith.constant 1408 : index
    %get3A_209 = vector.load %arg1[%get3A_207, %get3A_208] : memref<256x4096xf32, #tpu.memory_space<vmem>>, vector<64x128xf32>
    %min3A_210 = arith.minimumf %max3A_193, %get3A_209 : vector<64x128xf32>
    %max3A_211 = arith.maximumf %max3A_192, %min3A_210 : vector<64x128xf32>
    %max3A_212 = arith.maximumf %max3A_193, %get3A_209 : vector<64x128xf32>
    %eq3A_213 = arith.constant 11 : i32
    %eq3A_214 = vector.broadcast %eq3A_213 : i32 to vector<64x1xi32>
    %eq3A_215 = arith.cmpi eq, %shift_right_logical3A_6, %eq3A_214 : vector<64x1xi32>
    %convert_element_type3A_216 = arith.extui %eq3A_215 : vector<64x1xi1> to vector<64x1xi32>
    %convert_element_type3A_217 = arith.sitofp %convert_element_type3A_216 : vector<64x1xi32> to vector<64x1xf32>
    %mul3A_218 = vector.broadcast %convert_element_type3A_217 : vector<64x1xf32> to vector<64x128xf32>
    %mul3A_219 = arith.mulf %get3A_209, %mul3A_218 : vector<64x128xf32>
    %add3A_220 = arith.addf %add3A_201, %mul3A_219 : vector<64x128xf32>
    %mul3A_221 = arith.constant 1.44269502 : f32
    %mul3A_222 = vector.broadcast %mul3A_221 : f32 to vector<64x128xf32>
    %mul3A_223 = arith.mulf %get3A_209, %mul3A_222 : vector<64x128xf32>
    %exp23A_224 = math.exp2 %mul3A_223 : vector<64x128xf32>
    %add3A_225 = arith.addf %add3A_206, %exp23A_224 : vector<64x128xf32>
    %get3A_226 = arith.constant 0 : index
    %get3A_227 = arith.constant 1536 : index
    %get3A_228 = vector.load %arg1[%get3A_226, %get3A_227] : memref<256x4096xf32, #tpu.memory_space<vmem>>, vector<64x128xf32>
    %min3A_229 = arith.minimumf %max3A_212, %get3A_228 : vector<64x128xf32>
    %max3A_230 = arith.maximumf %max3A_211, %min3A_229 : vector<64x128xf32>
    %max3A_231 = arith.maximumf %max3A_212, %get3A_228 : vector<64x128xf32>
    %eq3A_232 = arith.constant 12 : i32
    %eq3A_233 = vector.broadcast %eq3A_232 : i32 to vector<64x1xi32>
    %eq3A_234 = arith.cmpi eq, %shift_right_logical3A_6, %eq3A_233 : vector<64x1xi32>
    %convert_element_type3A_235 = arith.extui %eq3A_234 : vector<64x1xi1> to vector<64x1xi32>
    %convert_element_type3A_236 = arith.sitofp %convert_element_type3A_235 : vector<64x1xi32> to vector<64x1xf32>
    %mul3A_237 = vector.broadcast %convert_element_type3A_236 : vector<64x1xf32> to vector<64x128xf32>
    %mul3A_238 = arith.mulf %get3A_228, %mul3A_237 : vector<64x128xf32>
    %add3A_239 = arith.addf %add3A_220, %mul3A_238 : vector<64x128xf32>
    %mul3A_240 = arith.constant 1.44269502 : f32
    %mul3A_241 = vector.broadcast %mul3A_240 : f32 to vector<64x128xf32>
    %mul3A_242 = arith.mulf %get3A_228, %mul3A_241 : vector<64x128xf32>
    %exp23A_243 = math.exp2 %mul3A_242 : vector<64x128xf32>
    %add3A_244 = arith.addf %add3A_225, %exp23A_243 : vector<64x128xf32>
    %get3A_245 = arith.constant 0 : index
    %get3A_246 = arith.constant 1664 : index
    %get3A_247 = vector.load %arg1[%get3A_245, %get3A_246] : memref<256x4096xf32, #tpu.memory_space<vmem>>, vector<64x128xf32>
    %min3A_248 = arith.minimumf %max3A_231, %get3A_247 : vector<64x128xf32>
    %max3A_249 = arith.maximumf %max3A_230, %min3A_248 : vector<64x128xf32>
    %max3A_250 = arith.maximumf %max3A_231, %get3A_247 : vector<64x128xf32>
    %eq3A_251 = arith.constant 13 : i32
    %eq3A_252 = vector.broadcast %eq3A_251 : i32 to vector<64x1xi32>
    %eq3A_253 = arith.cmpi eq, %shift_right_logical3A_6, %eq3A_252 : vector<64x1xi32>
    %convert_element_type3A_254 = arith.extui %eq3A_253 : vector<64x1xi1> to vector<64x1xi32>
    %convert_element_type3A_255 = arith.sitofp %convert_element_type3A_254 : vector<64x1xi32> to vector<64x1xf32>
    %mul3A_256 = vector.broadcast %convert_element_type3A_255 : vector<64x1xf32> to vector<64x128xf32>
    %mul3A_257 = arith.mulf %get3A_247, %mul3A_256 : vector<64x128xf32>
    %add3A_258 = arith.addf %add3A_239, %mul3A_257 : vector<64x128xf32>
    %mul3A_259 = arith.constant 1.44269502 : f32
    %mul3A_260 = vector.broadcast %mul3A_259 : f32 to vector<64x128xf32>
    %mul3A_261 = arith.mulf %get3A_247, %mul3A_260 : vector<64x128xf32>
    %exp23A_262 = math.exp2 %mul3A_261 : vector<64x128xf32>
    %add3A_263 = arith.addf %add3A_244, %exp23A_262 : vector<64x128xf32>
    %get3A_264 = arith.constant 0 : index
    %get3A_265 = arith.constant 1792 : index
    %get3A_266 = vector.load %arg1[%get3A_264, %get3A_265] : memref<256x4096xf32, #tpu.memory_space<vmem>>, vector<64x128xf32>
    %min3A_267 = arith.minimumf %max3A_250, %get3A_266 : vector<64x128xf32>
    %max3A_268 = arith.maximumf %max3A_249, %min3A_267 : vector<64x128xf32>
    %max3A_269 = arith.maximumf %max3A_250, %get3A_266 : vector<64x128xf32>
    %eq3A_270 = arith.constant 14 : i32
    %eq3A_271 = vector.broadcast %eq3A_270 : i32 to vector<64x1xi32>
    %eq3A_272 = arith.cmpi eq, %shift_right_logical3A_6, %eq3A_271 : vector<64x1xi32>
    %convert_element_type3A_273 = arith.extui %eq3A_272 : vector<64x1xi1> to vector<64x1xi32>
    %convert_element_type3A_274 = arith.sitofp %convert_element_type3A_273 : vector<64x1xi32> to vector<64x1xf32>
    %mul3A_275 = vector.broadcast %convert_element_type3A_274 : vector<64x1xf32> to vector<64x128xf32>
    %mul3A_276 = arith.mulf %get3A_266, %mul3A_275 : vector<64x128xf32>
    %add3A_277 = arith.addf %add3A_258, %mul3A_276 : vector<64x128xf32>
    %mul3A_278 = arith.constant 1.44269502 : f32
    %mul3A_279 = vector.broadcast %mul3A_278 : f32 to vector<64x128xf32>
    %mul3A_280 = arith.mulf %get3A_266, %mul3A_279 : vector<64x128xf32>
    %exp23A_281 = math.exp2 %mul3A_280 : vector<64x128xf32>
    %add3A_282 = arith.addf %add3A_263, %exp23A_281 : vector<64x128xf32>
    %get3A_283 = arith.constant 0 : index
    %get3A_284 = arith.constant 1920 : index
    %get3A_285 = vector.load %arg1[%get3A_283, %get3A_284] : memref<256x4096xf32, #tpu.memory_space<vmem>>, vector<64x128xf32>
    %min3A_286 = arith.minimumf %max3A_269, %get3A_285 : vector<64x128xf32>
    %max3A_287 = arith.maximumf %max3A_268, %min3A_286 : vector<64x128xf32>
    %max3A_288 = arith.maximumf %max3A_269, %get3A_285 : vector<64x128xf32>
    %eq3A_289 = arith.constant 15 : i32
    %eq3A_290 = vector.broadcast %eq3A_289 : i32 to vector<64x1xi32>
    %eq3A_291 = arith.cmpi eq, %shift_right_logical3A_6, %eq3A_290 : vector<64x1xi32>
    %convert_element_type3A_292 = arith.extui %eq3A_291 : vector<64x1xi1> to vector<64x1xi32>
    %convert_element_type3A_293 = arith.sitofp %convert_element_type3A_292 : vector<64x1xi32> to vector<64x1xf32>
    %mul3A_294 = vector.broadcast %convert_element_type3A_293 : vector<64x1xf32> to vector<64x128xf32>
    %mul3A_295 = arith.mulf %get3A_285, %mul3A_294 : vector<64x128xf32>
    %add3A_296 = arith.addf %add3A_277, %mul3A_295 : vector<64x128xf32>
    %mul3A_297 = arith.constant 1.44269502 : f32
    %mul3A_298 = vector.broadcast %mul3A_297 : f32 to vector<64x128xf32>
    %mul3A_299 = arith.mulf %get3A_285, %mul3A_298 : vector<64x128xf32>
    %exp23A_300 = math.exp2 %mul3A_299 : vector<64x128xf32>
    %add3A_301 = arith.addf %add3A_282, %exp23A_300 : vector<64x128xf32>
    %get3A_302 = arith.constant 0 : index
    %get3A_303 = arith.constant 2048 : index
    %get3A_304 = vector.load %arg1[%get3A_302, %get3A_303] : memref<256x4096xf32, #tpu.memory_space<vmem>>, vector<64x128xf32>
    %min3A_305 = arith.minimumf %max3A_288, %get3A_304 : vector<64x128xf32>
    %max3A_306 = arith.maximumf %max3A_287, %min3A_305 : vector<64x128xf32>
    %max3A_307 = arith.maximumf %max3A_288, %get3A_304 : vector<64x128xf32>
    %eq3A_308 = arith.constant 16 : i32
    %eq3A_309 = vector.broadcast %eq3A_308 : i32 to vector<64x1xi32>
    %eq3A_310 = arith.cmpi eq, %shift_right_logical3A_6, %eq3A_309 : vector<64x1xi32>
    %convert_element_type3A_311 = arith.extui %eq3A_310 : vector<64x1xi1> to vector<64x1xi32>
    %convert_element_type3A_312 = arith.sitofp %convert_element_type3A_311 : vector<64x1xi32> to vector<64x1xf32>
    %mul3A_313 = vector.broadcast %convert_element_type3A_312 : vector<64x1xf32> to vector<64x128xf32>
    %mul3A_314 = arith.mulf %get3A_304, %mul3A_313 : vector<64x128xf32>
    %add3A_315 = arith.addf %add3A_296, %mul3A_314 : vector<64x128xf32>
    %mul3A_316 = arith.constant 1.44269502 : f32
    %mul3A_317 = vector.broadcast %mul3A_316 : f32 to vector<64x128xf32>
    %mul3A_318 = arith.mulf %get3A_304, %mul3A_317 : vector<64x128xf32>
    %exp23A_319 = math.exp2 %mul3A_318 : vector<64x128xf32>
    %add3A_320 = arith.addf %add3A_301, %exp23A_319 : vector<64x128xf32>
    %get3A_321 = arith.constant 0 : index
    %get3A_322 = arith.constant 2176 : index
    %get3A_323 = vector.load %arg1[%get3A_321, %get3A_322] : memref<256x4096xf32, #tpu.memory_space<vmem>>, vector<64x128xf32>
    %min3A_324 = arith.minimumf %max3A_307, %get3A_323 : vector<64x128xf32>
    %max3A_325 = arith.maximumf %max3A_306, %min3A_324 : vector<64x128xf32>
    %max3A_326 = arith.maximumf %max3A_307, %get3A_323 : vector<64x128xf32>
    %eq3A_327 = arith.constant 17 : i32
    %eq3A_328 = vector.broadcast %eq3A_327 : i32 to vector<64x1xi32>
    %eq3A_329 = arith.cmpi eq, %shift_right_logical3A_6, %eq3A_328 : vector<64x1xi32>
    %convert_element_type3A_330 = arith.extui %eq3A_329 : vector<64x1xi1> to vector<64x1xi32>
    %convert_element_type3A_331 = arith.sitofp %convert_element_type3A_330 : vector<64x1xi32> to vector<64x1xf32>
    %mul3A_332 = vector.broadcast %convert_element_type3A_331 : vector<64x1xf32> to vector<64x128xf32>
    %mul3A_333 = arith.mulf %get3A_323, %mul3A_332 : vector<64x128xf32>
    %add3A_334 = arith.addf %add3A_315, %mul3A_333 : vector<64x128xf32>
    %mul3A_335 = arith.constant 1.44269502 : f32
    %mul3A_336 = vector.broadcast %mul3A_335 : f32 to vector<64x128xf32>
    %mul3A_337 = arith.mulf %get3A_323, %mul3A_336 : vector<64x128xf32>
    %exp23A_338 = math.exp2 %mul3A_337 : vector<64x128xf32>
    %add3A_339 = arith.addf %add3A_320, %exp23A_338 : vector<64x128xf32>
    %get3A_340 = arith.constant 0 : index
    %get3A_341 = arith.constant 2304 : index
    %get3A_342 = vector.load %arg1[%get3A_340, %get3A_341] : memref<256x4096xf32, #tpu.memory_space<vmem>>, vector<64x128xf32>
    %min3A_343 = arith.minimumf %max3A_326, %get3A_342 : vector<64x128xf32>
    %max3A_344 = arith.maximumf %max3A_325, %min3A_343 : vector<64x128xf32>
    %max3A_345 = arith.maximumf %max3A_326, %get3A_342 : vector<64x128xf32>
    %eq3A_346 = arith.constant 18 : i32
    %eq3A_347 = vector.broadcast %eq3A_346 : i32 to vector<64x1xi32>
    %eq3A_348 = arith.cmpi eq, %shift_right_logical3A_6, %eq3A_347 : vector<64x1xi32>
    %convert_element_type3A_349 = arith.extui %eq3A_348 : vector<64x1xi1> to vector<64x1xi32>
    %convert_element_type3A_350 = arith.sitofp %convert_element_type3A_349 : vector<64x1xi32> to vector<64x1xf32>
    %mul3A_351 = vector.broadcast %convert_element_type3A_350 : vector<64x1xf32> to vector<64x128xf32>
    %mul3A_352 = arith.mulf %get3A_342, %mul3A_351 : vector<64x128xf32>
    %add3A_353 = arith.addf %add3A_334, %mul3A_352 : vector<64x128xf32>
    %mul3A_354 = arith.constant 1.44269502 : f32
    %mul3A_355 = vector.broadcast %mul3A_354 : f32 to vector<64x128xf32>
    %mul3A_356 = arith.mulf %get3A_342, %mul3A_355 : vector<64x128xf32>
    %exp23A_357 = math.exp2 %mul3A_356 : vector<64x128xf32>
    %add3A_358 = arith.addf %add3A_339, %exp23A_357 : vector<64x128xf32>
    %get3A_359 = arith.constant 0 : index
    %get3A_360 = arith.constant 2432 : index
    %get3A_361 = vector.load %arg1[%get3A_359, %get3A_360] : memref<256x4096xf32, #tpu.memory_space<vmem>>, vector<64x128xf32>
    %min3A_362 = arith.minimumf %max3A_345, %get3A_361 : vector<64x128xf32>
    %max3A_363 = arith.maximumf %max3A_344, %min3A_362 : vector<64x128xf32>
    %max3A_364 = arith.maximumf %max3A_345, %get3A_361 : vector<64x128xf32>
    %eq3A_365 = arith.constant 19 : i32
    %eq3A_366 = vector.broadcast %eq3A_365 : i32 to vector<64x1xi32>
    %eq3A_367 = arith.cmpi eq, %shift_right_logical3A_6, %eq3A_366 : vector<64x1xi32>
    %convert_element_type3A_368 = arith.extui %eq3A_367 : vector<64x1xi1> to vector<64x1xi32>
    %convert_element_type3A_369 = arith.sitofp %convert_element_type3A_368 : vector<64x1xi32> to vector<64x1xf32>
    %mul3A_370 = vector.broadcast %convert_element_type3A_369 : vector<64x1xf32> to vector<64x128xf32>
    %mul3A_371 = arith.mulf %get3A_361, %mul3A_370 : vector<64x128xf32>
    %add3A_372 = arith.addf %add3A_353, %mul3A_371 : vector<64x128xf32>
    %mul3A_373 = arith.constant 1.44269502 : f32
    %mul3A_374 = vector.broadcast %mul3A_373 : f32 to vector<64x128xf32>
    %mul3A_375 = arith.mulf %get3A_361, %mul3A_374 : vector<64x128xf32>
    %exp23A_376 = math.exp2 %mul3A_375 : vector<64x128xf32>
    %add3A_377 = arith.addf %add3A_358, %exp23A_376 : vector<64x128xf32>
    %get3A_378 = arith.constant 0 : index
    %get3A_379 = arith.constant 2560 : index
    %get3A_380 = vector.load %arg1[%get3A_378, %get3A_379] : memref<256x4096xf32, #tpu.memory_space<vmem>>, vector<64x128xf32>
    %min3A_381 = arith.minimumf %max3A_364, %get3A_380 : vector<64x128xf32>
    %max3A_382 = arith.maximumf %max3A_363, %min3A_381 : vector<64x128xf32>
    %max3A_383 = arith.maximumf %max3A_364, %get3A_380 : vector<64x128xf32>
    %eq3A_384 = arith.constant 20 : i32
    %eq3A_385 = vector.broadcast %eq3A_384 : i32 to vector<64x1xi32>
    %eq3A_386 = arith.cmpi eq, %shift_right_logical3A_6, %eq3A_385 : vector<64x1xi32>
    %convert_element_type3A_387 = arith.extui %eq3A_386 : vector<64x1xi1> to vector<64x1xi32>
    %convert_element_type3A_388 = arith.sitofp %convert_element_type3A_387 : vector<64x1xi32> to vector<64x1xf32>
    %mul3A_389 = vector.broadcast %convert_element_type3A_388 : vector<64x1xf32> to vector<64x128xf32>
    %mul3A_390 = arith.mulf %get3A_380, %mul3A_389 : vector<64x128xf32>
    %add3A_391 = arith.addf %add3A_372, %mul3A_390 : vector<64x128xf32>
    %mul3A_392 = arith.constant 1.44269502 : f32
    %mul3A_393 = vector.broadcast %mul3A_392 : f32 to vector<64x128xf32>
    %mul3A_394 = arith.mulf %get3A_380, %mul3A_393 : vector<64x128xf32>
    %exp23A_395 = math.exp2 %mul3A_394 : vector<64x128xf32>
    %add3A_396 = arith.addf %add3A_377, %exp23A_395 : vector<64x128xf32>
    %get3A_397 = arith.constant 0 : index
    %get3A_398 = arith.constant 2688 : index
    %get3A_399 = vector.load %arg1[%get3A_397, %get3A_398] : memref<256x4096xf32, #tpu.memory_space<vmem>>, vector<64x128xf32>
    %min3A_400 = arith.minimumf %max3A_383, %get3A_399 : vector<64x128xf32>
    %max3A_401 = arith.maximumf %max3A_382, %min3A_400 : vector<64x128xf32>
    %max3A_402 = arith.maximumf %max3A_383, %get3A_399 : vector<64x128xf32>
    %eq3A_403 = arith.constant 21 : i32
    %eq3A_404 = vector.broadcast %eq3A_403 : i32 to vector<64x1xi32>
    %eq3A_405 = arith.cmpi eq, %shift_right_logical3A_6, %eq3A_404 : vector<64x1xi32>
    %convert_element_type3A_406 = arith.extui %eq3A_405 : vector<64x1xi1> to vector<64x1xi32>
    %convert_element_type3A_407 = arith.sitofp %convert_element_type3A_406 : vector<64x1xi32> to vector<64x1xf32>
    %mul3A_408 = vector.broadcast %convert_element_type3A_407 : vector<64x1xf32> to vector<64x128xf32>
    %mul3A_409 = arith.mulf %get3A_399, %mul3A_408 : vector<64x128xf32>
    %add3A_410 = arith.addf %add3A_391, %mul3A_409 : vector<64x128xf32>
    %mul3A_411 = arith.constant 1.44269502 : f32
    %mul3A_412 = vector.broadcast %mul3A_411 : f32 to vector<64x128xf32>
    %mul3A_413 = arith.mulf %get3A_399, %mul3A_412 : vector<64x128xf32>
    %exp23A_414 = math.exp2 %mul3A_413 : vector<64x128xf32>
    %add3A_415 = arith.addf %add3A_396, %exp23A_414 : vector<64x128xf32>
    %get3A_416 = arith.constant 0 : index
    %get3A_417 = arith.constant 2816 : index
    %get3A_418 = vector.load %arg1[%get3A_416, %get3A_417] : memref<256x4096xf32, #tpu.memory_space<vmem>>, vector<64x128xf32>
    %min3A_419 = arith.minimumf %max3A_402, %get3A_418 : vector<64x128xf32>
    %max3A_420 = arith.maximumf %max3A_401, %min3A_419 : vector<64x128xf32>
    %max3A_421 = arith.maximumf %max3A_402, %get3A_418 : vector<64x128xf32>
    %eq3A_422 = arith.constant 22 : i32
    %eq3A_423 = vector.broadcast %eq3A_422 : i32 to vector<64x1xi32>
    %eq3A_424 = arith.cmpi eq, %shift_right_logical3A_6, %eq3A_423 : vector<64x1xi32>
    %convert_element_type3A_425 = arith.extui %eq3A_424 : vector<64x1xi1> to vector<64x1xi32>
    %convert_element_type3A_426 = arith.sitofp %convert_element_type3A_425 : vector<64x1xi32> to vector<64x1xf32>
    %mul3A_427 = vector.broadcast %convert_element_type3A_426 : vector<64x1xf32> to vector<64x128xf32>
    %mul3A_428 = arith.mulf %get3A_418, %mul3A_427 : vector<64x128xf32>
    %add3A_429 = arith.addf %add3A_410, %mul3A_428 : vector<64x128xf32>
    %mul3A_430 = arith.constant 1.44269502 : f32
    %mul3A_431 = vector.broadcast %mul3A_430 : f32 to vector<64x128xf32>
    %mul3A_432 = arith.mulf %get3A_418, %mul3A_431 : vector<64x128xf32>
    %exp23A_433 = math.exp2 %mul3A_432 : vector<64x128xf32>
    %add3A_434 = arith.addf %add3A_415, %exp23A_433 : vector<64x128xf32>
    %get3A_435 = arith.constant 0 : index
    %get3A_436 = arith.constant 2944 : index
    %get3A_437 = vector.load %arg1[%get3A_435, %get3A_436] : memref<256x4096xf32, #tpu.memory_space<vmem>>, vector<64x128xf32>
    %min3A_438 = arith.minimumf %max3A_421, %get3A_437 : vector<64x128xf32>
    %max3A_439 = arith.maximumf %max3A_420, %min3A_438 : vector<64x128xf32>
    %max3A_440 = arith.maximumf %max3A_421, %get3A_437 : vector<64x128xf32>
    %eq3A_441 = arith.constant 23 : i32
    %eq3A_442 = vector.broadcast %eq3A_441 : i32 to vector<64x1xi32>
    %eq3A_443 = arith.cmpi eq, %shift_right_logical3A_6, %eq3A_442 : vector<64x1xi32>
    %convert_element_type3A_444 = arith.extui %eq3A_443 : vector<64x1xi1> to vector<64x1xi32>
    %convert_element_type3A_445 = arith.sitofp %convert_element_type3A_444 : vector<64x1xi32> to vector<64x1xf32>
    %mul3A_446 = vector.broadcast %convert_element_type3A_445 : vector<64x1xf32> to vector<64x128xf32>
    %mul3A_447 = arith.mulf %get3A_437, %mul3A_446 : vector<64x128xf32>
    %add3A_448 = arith.addf %add3A_429, %mul3A_447 : vector<64x128xf32>
    %mul3A_449 = arith.constant 1.44269502 : f32
    %mul3A_450 = vector.broadcast %mul3A_449 : f32 to vector<64x128xf32>
    %mul3A_451 = arith.mulf %get3A_437, %mul3A_450 : vector<64x128xf32>
    %exp23A_452 = math.exp2 %mul3A_451 : vector<64x128xf32>
    %add3A_453 = arith.addf %add3A_434, %exp23A_452 : vector<64x128xf32>
    %get3A_454 = arith.constant 0 : index
    %get3A_455 = arith.constant 3072 : index
    %get3A_456 = vector.load %arg1[%get3A_454, %get3A_455] : memref<256x4096xf32, #tpu.memory_space<vmem>>, vector<64x128xf32>
    %min3A_457 = arith.minimumf %max3A_440, %get3A_456 : vector<64x128xf32>
    %max3A_458 = arith.maximumf %max3A_439, %min3A_457 : vector<64x128xf32>
    %max3A_459 = arith.maximumf %max3A_440, %get3A_456 : vector<64x128xf32>
    %eq3A_460 = arith.constant 24 : i32
    %eq3A_461 = vector.broadcast %eq3A_460 : i32 to vector<64x1xi32>
    %eq3A_462 = arith.cmpi eq, %shift_right_logical3A_6, %eq3A_461 : vector<64x1xi32>
    %convert_element_type3A_463 = arith.extui %eq3A_462 : vector<64x1xi1> to vector<64x1xi32>
    %convert_element_type3A_464 = arith.sitofp %convert_element_type3A_463 : vector<64x1xi32> to vector<64x1xf32>
    %mul3A_465 = vector.broadcast %convert_element_type3A_464 : vector<64x1xf32> to vector<64x128xf32>
    %mul3A_466 = arith.mulf %get3A_456, %mul3A_465 : vector<64x128xf32>
    %add3A_467 = arith.addf %add3A_448, %mul3A_466 : vector<64x128xf32>
    %mul3A_468 = arith.constant 1.44269502 : f32
    %mul3A_469 = vector.broadcast %mul3A_468 : f32 to vector<64x128xf32>
    %mul3A_470 = arith.mulf %get3A_456, %mul3A_469 : vector<64x128xf32>
    %exp23A_471 = math.exp2 %mul3A_470 : vector<64x128xf32>
    %add3A_472 = arith.addf %add3A_453, %exp23A_471 : vector<64x128xf32>
    %get3A_473 = arith.constant 0 : index
    %get3A_474 = arith.constant 3200 : index
    %get3A_475 = vector.load %arg1[%get3A_473, %get3A_474] : memref<256x4096xf32, #tpu.memory_space<vmem>>, vector<64x128xf32>
    %min3A_476 = arith.minimumf %max3A_459, %get3A_475 : vector<64x128xf32>
    %max3A_477 = arith.maximumf %max3A_458, %min3A_476 : vector<64x128xf32>
    %max3A_478 = arith.maximumf %max3A_459, %get3A_475 : vector<64x128xf32>
    %eq3A_479 = arith.constant 25 : i32
    %eq3A_480 = vector.broadcast %eq3A_479 : i32 to vector<64x1xi32>
    %eq3A_481 = arith.cmpi eq, %shift_right_logical3A_6, %eq3A_480 : vector<64x1xi32>
    %convert_element_type3A_482 = arith.extui %eq3A_481 : vector<64x1xi1> to vector<64x1xi32>
    %convert_element_type3A_483 = arith.sitofp %convert_element_type3A_482 : vector<64x1xi32> to vector<64x1xf32>
    %mul3A_484 = vector.broadcast %convert_element_type3A_483 : vector<64x1xf32> to vector<64x128xf32>
    %mul3A_485 = arith.mulf %get3A_475, %mul3A_484 : vector<64x128xf32>
    %add3A_486 = arith.addf %add3A_467, %mul3A_485 : vector<64x128xf32>
    %mul3A_487 = arith.constant 1.44269502 : f32
    %mul3A_488 = vector.broadcast %mul3A_487 : f32 to vector<64x128xf32>
    %mul3A_489 = arith.mulf %get3A_475, %mul3A_488 : vector<64x128xf32>
    %exp23A_490 = math.exp2 %mul3A_489 : vector<64x128xf32>
    %add3A_491 = arith.addf %add3A_472, %exp23A_490 : vector<64x128xf32>
    %get3A_492 = arith.constant 0 : index
    %get3A_493 = arith.constant 3328 : index
    %get3A_494 = vector.load %arg1[%get3A_492, %get3A_493] : memref<256x4096xf32, #tpu.memory_space<vmem>>, vector<64x128xf32>
    %min3A_495 = arith.minimumf %max3A_478, %get3A_494 : vector<64x128xf32>
    %max3A_496 = arith.maximumf %max3A_477, %min3A_495 : vector<64x128xf32>
    %max3A_497 = arith.maximumf %max3A_478, %get3A_494 : vector<64x128xf32>
    %eq3A_498 = arith.constant 26 : i32
    %eq3A_499 = vector.broadcast %eq3A_498 : i32 to vector<64x1xi32>
    %eq3A_500 = arith.cmpi eq, %shift_right_logical3A_6, %eq3A_499 : vector<64x1xi32>
    %convert_element_type3A_501 = arith.extui %eq3A_500 : vector<64x1xi1> to vector<64x1xi32>
    %convert_element_type3A_502 = arith.sitofp %convert_element_type3A_501 : vector<64x1xi32> to vector<64x1xf32>
    %mul3A_503 = vector.broadcast %convert_element_type3A_502 : vector<64x1xf32> to vector<64x128xf32>
    %mul3A_504 = arith.mulf %get3A_494, %mul3A_503 : vector<64x128xf32>
    %add3A_505 = arith.addf %add3A_486, %mul3A_504 : vector<64x128xf32>
    %mul3A_506 = arith.constant 1.44269502 : f32
    %mul3A_507 = vector.broadcast %mul3A_506 : f32 to vector<64x128xf32>
    %mul3A_508 = arith.mulf %get3A_494, %mul3A_507 : vector<64x128xf32>
    %exp23A_509 = math.exp2 %mul3A_508 : vector<64x128xf32>
    %add3A_510 = arith.addf %add3A_491, %exp23A_509 : vector<64x128xf32>
    %get3A_511 = arith.constant 0 : index
    %get3A_512 = arith.constant 3456 : index
    %get3A_513 = vector.load %arg1[%get3A_511, %get3A_512] : memref<256x4096xf32, #tpu.memory_space<vmem>>, vector<64x128xf32>
    %min3A_514 = arith.minimumf %max3A_497, %get3A_513 : vector<64x128xf32>
    %max3A_515 = arith.maximumf %max3A_496, %min3A_514 : vector<64x128xf32>
    %max3A_516 = arith.maximumf %max3A_497, %get3A_513 : vector<64x128xf32>
    %eq3A_517 = arith.constant 27 : i32
    %eq3A_518 = vector.broadcast %eq3A_517 : i32 to vector<64x1xi32>
    %eq3A_519 = arith.cmpi eq, %shift_right_logical3A_6, %eq3A_518 : vector<64x1xi32>
    %convert_element_type3A_520 = arith.extui %eq3A_519 : vector<64x1xi1> to vector<64x1xi32>
    %convert_element_type3A_521 = arith.sitofp %convert_element_type3A_520 : vector<64x1xi32> to vector<64x1xf32>
    %mul3A_522 = vector.broadcast %convert_element_type3A_521 : vector<64x1xf32> to vector<64x128xf32>
    %mul3A_523 = arith.mulf %get3A_513, %mul3A_522 : vector<64x128xf32>
    %add3A_524 = arith.addf %add3A_505, %mul3A_523 : vector<64x128xf32>
    %mul3A_525 = arith.constant 1.44269502 : f32
    %mul3A_526 = vector.broadcast %mul3A_525 : f32 to vector<64x128xf32>
    %mul3A_527 = arith.mulf %get3A_513, %mul3A_526 : vector<64x128xf32>
    %exp23A_528 = math.exp2 %mul3A_527 : vector<64x128xf32>
    %add3A_529 = arith.addf %add3A_510, %exp23A_528 : vector<64x128xf32>
    %get3A_530 = arith.constant 0 : index
    %get3A_531 = arith.constant 3584 : index
    %get3A_532 = vector.load %arg1[%get3A_530, %get3A_531] : memref<256x4096xf32, #tpu.memory_space<vmem>>, vector<64x128xf32>
    %min3A_533 = arith.minimumf %max3A_516, %get3A_532 : vector<64x128xf32>
    %max3A_534 = arith.maximumf %max3A_515, %min3A_533 : vector<64x128xf32>
    %max3A_535 = arith.maximumf %max3A_516, %get3A_532 : vector<64x128xf32>
    %eq3A_536 = arith.constant 28 : i32
    %eq3A_537 = vector.broadcast %eq3A_536 : i32 to vector<64x1xi32>
    %eq3A_538 = arith.cmpi eq, %shift_right_logical3A_6, %eq3A_537 : vector<64x1xi32>
    %convert_element_type3A_539 = arith.extui %eq3A_538 : vector<64x1xi1> to vector<64x1xi32>
    %convert_element_type3A_540 = arith.sitofp %convert_element_type3A_539 : vector<64x1xi32> to vector<64x1xf32>
    %mul3A_541 = vector.broadcast %convert_element_type3A_540 : vector<64x1xf32> to vector<64x128xf32>
    %mul3A_542 = arith.mulf %get3A_532, %mul3A_541 : vector<64x128xf32>
    %add3A_543 = arith.addf %add3A_524, %mul3A_542 : vector<64x128xf32>
    %mul3A_544 = arith.constant 1.44269502 : f32
    %mul3A_545 = vector.broadcast %mul3A_544 : f32 to vector<64x128xf32>
    %mul3A_546 = arith.mulf %get3A_532, %mul3A_545 : vector<64x128xf32>
    %exp23A_547 = math.exp2 %mul3A_546 : vector<64x128xf32>
    %add3A_548 = arith.addf %add3A_529, %exp23A_547 : vector<64x128xf32>
    %get3A_549 = arith.constant 0 : index
    %get3A_550 = arith.constant 3712 : index
    %get3A_551 = vector.load %arg1[%get3A_549, %get3A_550] : memref<256x4096xf32, #tpu.memory_space<vmem>>, vector<64x128xf32>
    %min3A_552 = arith.minimumf %max3A_535, %get3A_551 : vector<64x128xf32>
    %max3A_553 = arith.maximumf %max3A_534, %min3A_552 : vector<64x128xf32>
    %max3A_554 = arith.maximumf %max3A_535, %get3A_551 : vector<64x128xf32>
    %eq3A_555 = arith.constant 29 : i32
    %eq3A_556 = vector.broadcast %eq3A_555 : i32 to vector<64x1xi32>
    %eq3A_557 = arith.cmpi eq, %shift_right_logical3A_6, %eq3A_556 : vector<64x1xi32>
    %convert_element_type3A_558 = arith.extui %eq3A_557 : vector<64x1xi1> to vector<64x1xi32>
    %convert_element_type3A_559 = arith.sitofp %convert_element_type3A_558 : vector<64x1xi32> to vector<64x1xf32>
    %mul3A_560 = vector.broadcast %convert_element_type3A_559 : vector<64x1xf32> to vector<64x128xf32>
    %mul3A_561 = arith.mulf %get3A_551, %mul3A_560 : vector<64x128xf32>
    %add3A_562 = arith.addf %add3A_543, %mul3A_561 : vector<64x128xf32>
    %mul3A_563 = arith.constant 1.44269502 : f32
    %mul3A_564 = vector.broadcast %mul3A_563 : f32 to vector<64x128xf32>
    %mul3A_565 = arith.mulf %get3A_551, %mul3A_564 : vector<64x128xf32>
    %exp23A_566 = math.exp2 %mul3A_565 : vector<64x128xf32>
    %add3A_567 = arith.addf %add3A_548, %exp23A_566 : vector<64x128xf32>
    %get3A_568 = arith.constant 0 : index
    %get3A_569 = arith.constant 3840 : index
    %get3A_570 = vector.load %arg1[%get3A_568, %get3A_569] : memref<256x4096xf32, #tpu.memory_space<vmem>>, vector<64x128xf32>
    %min3A_571 = arith.minimumf %max3A_554, %get3A_570 : vector<64x128xf32>
    %max3A_572 = arith.maximumf %max3A_553, %min3A_571 : vector<64x128xf32>
    %max3A_573 = arith.maximumf %max3A_554, %get3A_570 : vector<64x128xf32>
    %eq3A_574 = arith.constant 30 : i32
    %eq3A_575 = vector.broadcast %eq3A_574 : i32 to vector<64x1xi32>
    %eq3A_576 = arith.cmpi eq, %shift_right_logical3A_6, %eq3A_575 : vector<64x1xi32>
    %convert_element_type3A_577 = arith.extui %eq3A_576 : vector<64x1xi1> to vector<64x1xi32>
    %convert_element_type3A_578 = arith.sitofp %convert_element_type3A_577 : vector<64x1xi32> to vector<64x1xf32>
    %mul3A_579 = vector.broadcast %convert_element_type3A_578 : vector<64x1xf32> to vector<64x128xf32>
    %mul3A_580 = arith.mulf %get3A_570, %mul3A_579 : vector<64x128xf32>
    %add3A_581 = arith.addf %add3A_562, %mul3A_580 : vector<64x128xf32>
    %mul3A_582 = arith.constant 1.44269502 : f32
    %mul3A_583 = vector.broadcast %mul3A_582 : f32 to vector<64x128xf32>
    %mul3A_584 = arith.mulf %get3A_570, %mul3A_583 : vector<64x128xf32>
    %exp23A_585 = math.exp2 %mul3A_584 : vector<64x128xf32>
    %add3A_586 = arith.addf %add3A_567, %exp23A_585 : vector<64x128xf32>
    %get3A_587 = arith.constant 0 : index
    %get3A_588 = arith.constant 3968 : index
    %get3A_589 = vector.load %arg1[%get3A_587, %get3A_588] : memref<256x4096xf32, #tpu.memory_space<vmem>>, vector<64x128xf32>
    %min3A_590 = arith.minimumf %max3A_573, %get3A_589 : vector<64x128xf32>
    %max3A_591 = arith.maximumf %max3A_572, %min3A_590 : vector<64x128xf32>
    %max3A_592 = arith.maximumf %max3A_573, %get3A_589 : vector<64x128xf32>
    %eq3A_593 = arith.constant 31 : i32
    %eq3A_594 = vector.broadcast %eq3A_593 : i32 to vector<64x1xi32>
    %eq3A_595 = arith.cmpi eq, %shift_right_logical3A_6, %eq3A_594 : vector<64x1xi32>
    %convert_element_type3A_596 = arith.extui %eq3A_595 : vector<64x1xi1> to vector<64x1xi32>
    %convert_element_type3A_597 = arith.sitofp %convert_element_type3A_596 : vector<64x1xi32> to vector<64x1xf32>
    %mul3A_598 = vector.broadcast %convert_element_type3A_597 : vector<64x1xf32> to vector<64x128xf32>
    %mul3A_599 = arith.mulf %get3A_589, %mul3A_598 : vector<64x128xf32>
    %add3A_600 = arith.addf %add3A_581, %mul3A_599 : vector<64x128xf32>
    %mul3A_601 = arith.constant 1.44269502 : f32
    %mul3A_602 = vector.broadcast %mul3A_601 : f32 to vector<64x128xf32>
    %mul3A_603 = arith.mulf %get3A_589, %mul3A_602 : vector<64x128xf32>
    %exp23A_604 = math.exp2 %mul3A_603 : vector<64x128xf32>
    %add3A_605 = arith.addf %add3A_586, %exp23A_604 : vector<64x128xf32>
    %reduce_max3A = arith.constant dense<0xFF800000> : vector<64xf32>
    %reduce_max3A_606 = vector.multi_reduction <maximumf>, %max3A_592, %reduce_max3A [1] : vector<64x128xf32> to vector<64xf32>
    %broadcast_in_dim3A_607 = vector.shape_cast %reduce_max3A_606 : vector<64xf32> to vector<64x1xf32>
    %reduce_sum3A = arith.constant dense<0.000000e+00> : vector<64xf32>
    %reduce_sum3A_608 = vector.multi_reduction <add>, %add3A_605, %reduce_sum3A [1] : vector<64x128xf32> to vector<64xf32>
    %broadcast_in_dim3A_609 = vector.shape_cast %reduce_sum3A_608 : vector<64xf32> to vector<64x1xf32>
    %log3A = math.log %broadcast_in_dim3A_609 : vector<64x1xf32>
    %eq3A_610 = vector.broadcast %and3A_8 : vector<64x1xi32> to vector<64x128xi32>
    %eq3A_611 = arith.cmpi eq, %iota3A, %eq3A_610 : vector<64x128xi32>
    %jit3A = arith.constant 0.000000e+00 : f32
    %broadcast_in_dim3A_612 = vector.broadcast %jit3A : f32 to vector<64x128xf32>
    %select_n3A = arith.select %eq3A_611, %add3A_600, %broadcast_in_dim3A_612 : vector<64x128xi1>, vector<64x128xf32>
    %reduce_sum3A_613 = arith.constant dense<0.000000e+00> : vector<64xf32>
    %reduce_sum3A_614 = vector.multi_reduction <add>, %select_n3A, %reduce_sum3A_613 [1] : vector<64x128xf32> to vector<64xf32>
    %broadcast_in_dim3A_615 = vector.shape_cast %reduce_sum3A_614 : vector<64xf32> to vector<64x1xf32>
    %lt3A = vector.broadcast %broadcast_in_dim3A_607 : vector<64x1xf32> to vector<64x128xf32>
    %lt3A_616 = arith.cmpf olt, %max3A_592, %lt3A : vector<64x128xf32>
    %jit3A_617 = arith.constant 0xFF800000 : f32
    %broadcast_in_dim3A_618 = vector.broadcast %jit3A_617 : f32 to vector<64x128xf32>
    %select_n3A_619 = arith.select %lt3A_616, %max3A_592, %broadcast_in_dim3A_618 : vector<64x128xi1>, vector<64x128xf32>
    %reduce_max3A_620 = arith.constant dense<0xFF800000> : vector<64xf32>
    %reduce_max3A_621 = vector.multi_reduction <maximumf>, %select_n3A_619, %reduce_max3A_620 [1] : vector<64x128xf32> to vector<64xf32>
    %broadcast_in_dim3A_622 = vector.shape_cast %reduce_max3A_621 : vector<64xf32> to vector<64x1xf32>
    %reduce_max3A_623 = arith.constant dense<0xFF800000> : vector<64xf32>
    %reduce_max3A_624 = vector.multi_reduction <maximumf>, %max3A_591, %reduce_max3A_623 [1] : vector<64x128xf32> to vector<64xf32>
    %broadcast_in_dim3A_625 = vector.shape_cast %reduce_max3A_624 : vector<64xf32> to vector<64x1xf32>
    %max3A_626 = arith.maximumf %broadcast_in_dim3A_622, %broadcast_in_dim3A_625 : vector<64x1xf32>
    %lt3A_627 = vector.broadcast %max3A_626 : vector<64x1xf32> to vector<64x128xf32>
    %lt3A_628 = arith.cmpf olt, %max3A_592, %lt3A_627 : vector<64x128xf32>
    %jit3A_629 = arith.constant 0xFF800000 : f32
    %broadcast_in_dim3A_630 = vector.broadcast %jit3A_629 : f32 to vector<64x128xf32>
    %select_n3A_631 = arith.select %lt3A_628, %max3A_592, %broadcast_in_dim3A_630 : vector<64x128xi1>, vector<64x128xf32>
    %reduce_max3A_632 = arith.constant dense<0xFF800000> : vector<64xf32>
    %reduce_max3A_633 = vector.multi_reduction <maximumf>, %select_n3A_631, %reduce_max3A_632 [1] : vector<64x128xf32> to vector<64xf32>
    %broadcast_in_dim3A_634 = vector.shape_cast %reduce_max3A_633 : vector<64xf32> to vector<64x1xf32>
    %lt3A_635 = vector.broadcast %max3A_626 : vector<64x1xf32> to vector<64x128xf32>
    %lt3A_636 = arith.cmpf olt, %max3A_591, %lt3A_635 : vector<64x128xf32>
    %jit3A_637 = arith.constant 0xFF800000 : f32
    %broadcast_in_dim3A_638 = vector.broadcast %jit3A_637 : f32 to vector<64x128xf32>
    %select_n3A_639 = arith.select %lt3A_636, %max3A_591, %broadcast_in_dim3A_638 : vector<64x128xi1>, vector<64x128xf32>
    %reduce_max3A_640 = arith.constant dense<0xFF800000> : vector<64xf32>
    %reduce_max3A_641 = vector.multi_reduction <maximumf>, %select_n3A_639, %reduce_max3A_640 [1] : vector<64x128xf32> to vector<64xf32>
    %broadcast_in_dim3A_642 = vector.shape_cast %reduce_max3A_641 : vector<64xf32> to vector<64x1xf32>
    %max3A_643 = arith.maximumf %broadcast_in_dim3A_634, %broadcast_in_dim3A_642 : vector<64x1xf32>
    %mul3A_644 = arith.constant 256 : i32
    %mul3A_645 = arith.muli %arg0, %mul3A_644 : i32
    %add3A_646 = arith.constant 0 : i32
    %add3A_647 = arith.addi %mul3A_645, %add3A_646 : i32
    %iota3A_648 = tpu.iota {dimensions = array<i32: 0>} : vector<64x1xi32>
    %add3A_649 = vector.broadcast %add3A_647 : i32 to vector<64x1xi32>
    %add3A_650 = arith.addi %add3A_649, %iota3A_648 : vector<64x1xi32>
    %eq3A_651 = arith.cmpf oeq, %get3A_4, %broadcast_in_dim3A_607 : vector<64x1xf32>
    %eq3A_652 = arith.cmpf oeq, %get3A_4, %max3A_626 : vector<64x1xf32>
    %select_n3A_653 = arith.select %eq3A_651, %max3A_626, %broadcast_in_dim3A_607 : vector<64x1xi1>, vector<64x1xf32>
    %or3A = arith.ori %eq3A_651, %eq3A_652 : vector<64x1xi1>
    %select_n3A_654 = arith.select %or3A, %max3A_643, %max3A_626 : vector<64x1xi1>, vector<64x1xf32>
    %ne3A = arith.cmpi ne, %get3A_1, %add3A_650 : vector<64x1xi32>
    %ne3A_655 = arith.cmpf one, %broadcast_in_dim3A_615, %select_n3A_653 : vector<64x1xf32>
    %and3A_656 = arith.andi %ne3A, %ne3A_655 : vector<64x1xi1>
    %ne3A_657 = arith.cmpf one, %broadcast_in_dim3A_615, %select_n3A_654 : vector<64x1xf32>
    %and3A_658 = arith.andi %and3A_656, %ne3A_657 : vector<64x1xi1>
    %convert_element_type3A_659 = arith.extui %and3A_658 : vector<64x1xi1> to vector<64x1xi32>
    %convert_element_type3A_660 = arith.sitofp %convert_element_type3A_659 : vector<64x1xi32> to vector<64x1xf32>
    %add3A_661 = arith.constant 1.000000e+00 : f32
    %add3A_662 = vector.broadcast %add3A_661 : f32 to vector<64x1xf32>
    %add3A_663 = arith.addf %add3A_662, %convert_element_type3A_660 : vector<64x1xf32>
    %mul3A_664 = arith.mulf %log3A, %add3A_663 : vector<64x1xf32>
    %mul3A_665 = arith.constant 0.699999988 : f32
    %mul3A_666 = vector.broadcast %mul3A_665 : f32 to vector<64x1xf32>
    %mul3A_667 = arith.mulf %mul3A_666, %get3A_4 : vector<64x1xf32>
    %mul3A_668 = arith.constant 2.000000e-01 : f32
    %mul3A_669 = vector.broadcast %mul3A_668 : f32 to vector<64x1xf32>
    %mul3A_670 = arith.mulf %mul3A_669, %select_n3A_653 : vector<64x1xf32>
    %add3A_671 = arith.addf %mul3A_667, %mul3A_670 : vector<64x1xf32>
    %mul3A_672 = arith.constant 1.000000e-01 : f32
    %mul3A_673 = vector.broadcast %mul3A_672 : f32 to vector<64x1xf32>
    %mul3A_674 = arith.mulf %mul3A_673, %select_n3A_654 : vector<64x1xf32>
    %add3A_675 = arith.addf %add3A_671, %mul3A_674 : vector<64x1xf32>
    %mul3A_676 = arith.mulf %convert_element_type3A_660, %broadcast_in_dim3A_615 : vector<64x1xf32>
    %add3A_677 = arith.addf %add3A_675, %mul3A_676 : vector<64x1xf32>
    %sub3A = arith.subf %mul3A_664, %add3A_677 : vector<64x1xf32>
    %reduce_sum3A_678 = arith.constant dense<0.000000e+00> : vector<1xf32>
    %reduce_sum3A_679 = vector.multi_reduction <add>, %sub3A, %reduce_sum3A_678 [0] : vector<64x1xf32> to vector<1xf32>
    %broadcast_in_dim3A_680 = vector.shape_cast %reduce_sum3A_679 : vector<1xf32> to vector<1x1xf32>
    %get3A_681 = arith.constant 64 : index
    %get3A_682 = arith.constant 0 : index
    %get3A_683 = vector.load %arg2[%get3A_681, %get3A_682] : memref<256x1xi32, #tpu.memory_space<vmem>>, vector<64x1xi32>
    %get3A_684 = arith.constant 64 : index
    %get3A_685 = arith.constant 0 : index
    %get3A_686 = vector.load %arg3[%get3A_684, %get3A_685] : memref<256x1xf32, #tpu.memory_space<vmem>>, vector<64x1xf32>
    %shift_right_logical3A_687 = arith.constant 7 : i32
    %shift_right_logical3A_688 = vector.broadcast %shift_right_logical3A_687 : i32 to vector<64x1xi32>
    %shift_right_logical3A_689 = arith.shrui %get3A_683, %shift_right_logical3A_688 : vector<64x1xi32>
    %and3A_690 = arith.constant 127 : i32
    %and3A_691 = vector.broadcast %and3A_690 : i32 to vector<64x1xi32>
    %and3A_692 = arith.andi %get3A_683, %and3A_691 : vector<64x1xi32>
    %get3A_693 = arith.constant 64 : index
    %get3A_694 = arith.constant 0 : index
    %get3A_695 = vector.load %arg1[%get3A_693, %get3A_694] : memref<256x4096xf32, #tpu.memory_space<vmem>>, vector<64x128xf32>
    %eq3A_696 = arith.constant 0 : i32
    %eq3A_697 = vector.broadcast %eq3A_696 : i32 to vector<64x1xi32>
    %eq3A_698 = arith.cmpi eq, %shift_right_logical3A_689, %eq3A_697 : vector<64x1xi32>
    %convert_element_type3A_699 = arith.extui %eq3A_698 : vector<64x1xi1> to vector<64x1xi32>
    %convert_element_type3A_700 = arith.sitofp %convert_element_type3A_699 : vector<64x1xi32> to vector<64x1xf32>
    %mul3A_701 = vector.broadcast %convert_element_type3A_700 : vector<64x1xf32> to vector<64x128xf32>
    %mul3A_702 = arith.mulf %get3A_695, %mul3A_701 : vector<64x128xf32>
    %broadcast_in_dim3A_703 = arith.constant 0xFF800000 : f32
    %broadcast_in_dim3A_704 = vector.broadcast %broadcast_in_dim3A_703 : f32 to vector<64x128xf32>
    %mul3A_705 = arith.constant 1.44269502 : f32
    %mul3A_706 = vector.broadcast %mul3A_705 : f32 to vector<64x128xf32>
    %mul3A_707 = arith.mulf %get3A_695, %mul3A_706 : vector<64x128xf32>
    %exp23A_708 = math.exp2 %mul3A_707 : vector<64x128xf32>
    %get3A_709 = arith.constant 64 : index
    %get3A_710 = arith.constant 128 : index
    %get3A_711 = vector.load %arg1[%get3A_709, %get3A_710] : memref<256x4096xf32, #tpu.memory_space<vmem>>, vector<64x128xf32>
    %min3A_712 = arith.minimumf %get3A_695, %get3A_711 : vector<64x128xf32>
    %max3A_713 = arith.maximumf %broadcast_in_dim3A_704, %min3A_712 : vector<64x128xf32>
    %max3A_714 = arith.maximumf %get3A_695, %get3A_711 : vector<64x128xf32>
    %eq3A_715 = arith.constant 1 : i32
    %eq3A_716 = vector.broadcast %eq3A_715 : i32 to vector<64x1xi32>
    %eq3A_717 = arith.cmpi eq, %shift_right_logical3A_689, %eq3A_716 : vector<64x1xi32>
    %convert_element_type3A_718 = arith.extui %eq3A_717 : vector<64x1xi1> to vector<64x1xi32>
    %convert_element_type3A_719 = arith.sitofp %convert_element_type3A_718 : vector<64x1xi32> to vector<64x1xf32>
    %mul3A_720 = vector.broadcast %convert_element_type3A_719 : vector<64x1xf32> to vector<64x128xf32>
    %mul3A_721 = arith.mulf %get3A_711, %mul3A_720 : vector<64x128xf32>
    %add3A_722 = arith.addf %mul3A_702, %mul3A_721 : vector<64x128xf32>
    %mul3A_723 = arith.constant 1.44269502 : f32
    %mul3A_724 = vector.broadcast %mul3A_723 : f32 to vector<64x128xf32>
    %mul3A_725 = arith.mulf %get3A_711, %mul3A_724 : vector<64x128xf32>
    %exp23A_726 = math.exp2 %mul3A_725 : vector<64x128xf32>
    %add3A_727 = arith.addf %exp23A_708, %exp23A_726 : vector<64x128xf32>
    %get3A_728 = arith.constant 64 : index
    %get3A_729 = arith.constant 256 : index
    %get3A_730 = vector.load %arg1[%get3A_728, %get3A_729] : memref<256x4096xf32, #tpu.memory_space<vmem>>, vector<64x128xf32>
    %min3A_731 = arith.minimumf %max3A_714, %get3A_730 : vector<64x128xf32>
    %max3A_732 = arith.maximumf %max3A_713, %min3A_731 : vector<64x128xf32>
    %max3A_733 = arith.maximumf %max3A_714, %get3A_730 : vector<64x128xf32>
    %eq3A_734 = arith.constant 2 : i32
    %eq3A_735 = vector.broadcast %eq3A_734 : i32 to vector<64x1xi32>
    %eq3A_736 = arith.cmpi eq, %shift_right_logical3A_689, %eq3A_735 : vector<64x1xi32>
    %convert_element_type3A_737 = arith.extui %eq3A_736 : vector<64x1xi1> to vector<64x1xi32>
    %convert_element_type3A_738 = arith.sitofp %convert_element_type3A_737 : vector<64x1xi32> to vector<64x1xf32>
    %mul3A_739 = vector.broadcast %convert_element_type3A_738 : vector<64x1xf32> to vector<64x128xf32>
    %mul3A_740 = arith.mulf %get3A_730, %mul3A_739 : vector<64x128xf32>
    %add3A_741 = arith.addf %add3A_722, %mul3A_740 : vector<64x128xf32>
    %mul3A_742 = arith.constant 1.44269502 : f32
    %mul3A_743 = vector.broadcast %mul3A_742 : f32 to vector<64x128xf32>
    %mul3A_744 = arith.mulf %get3A_730, %mul3A_743 : vector<64x128xf32>
    %exp23A_745 = math.exp2 %mul3A_744 : vector<64x128xf32>
    %add3A_746 = arith.addf %add3A_727, %exp23A_745 : vector<64x128xf32>
    %get3A_747 = arith.constant 64 : index
    %get3A_748 = arith.constant 384 : index
    %get3A_749 = vector.load %arg1[%get3A_747, %get3A_748] : memref<256x4096xf32, #tpu.memory_space<vmem>>, vector<64x128xf32>
    %min3A_750 = arith.minimumf %max3A_733, %get3A_749 : vector<64x128xf32>
    %max3A_751 = arith.maximumf %max3A_732, %min3A_750 : vector<64x128xf32>
    %max3A_752 = arith.maximumf %max3A_733, %get3A_749 : vector<64x128xf32>
    %eq3A_753 = arith.constant 3 : i32
    %eq3A_754 = vector.broadcast %eq3A_753 : i32 to vector<64x1xi32>
    %eq3A_755 = arith.cmpi eq, %shift_right_logical3A_689, %eq3A_754 : vector<64x1xi32>
    %convert_element_type3A_756 = arith.extui %eq3A_755 : vector<64x1xi1> to vector<64x1xi32>
    %convert_element_type3A_757 = arith.sitofp %convert_element_type3A_756 : vector<64x1xi32> to vector<64x1xf32>
    %mul3A_758 = vector.broadcast %convert_element_type3A_757 : vector<64x1xf32> to vector<64x128xf32>
    %mul3A_759 = arith.mulf %get3A_749, %mul3A_758 : vector<64x128xf32>
    %add3A_760 = arith.addf %add3A_741, %mul3A_759 : vector<64x128xf32>
    %mul3A_761 = arith.constant 1.44269502 : f32
    %mul3A_762 = vector.broadcast %mul3A_761 : f32 to vector<64x128xf32>
    %mul3A_763 = arith.mulf %get3A_749, %mul3A_762 : vector<64x128xf32>
    %exp23A_764 = math.exp2 %mul3A_763 : vector<64x128xf32>
    %add3A_765 = arith.addf %add3A_746, %exp23A_764 : vector<64x128xf32>
    %get3A_766 = arith.constant 64 : index
    %get3A_767 = arith.constant 512 : index
    %get3A_768 = vector.load %arg1[%get3A_766, %get3A_767] : memref<256x4096xf32, #tpu.memory_space<vmem>>, vector<64x128xf32>
    %min3A_769 = arith.minimumf %max3A_752, %get3A_768 : vector<64x128xf32>
    %max3A_770 = arith.maximumf %max3A_751, %min3A_769 : vector<64x128xf32>
    %max3A_771 = arith.maximumf %max3A_752, %get3A_768 : vector<64x128xf32>
    %eq3A_772 = arith.constant 4 : i32
    %eq3A_773 = vector.broadcast %eq3A_772 : i32 to vector<64x1xi32>
    %eq3A_774 = arith.cmpi eq, %shift_right_logical3A_689, %eq3A_773 : vector<64x1xi32>
    %convert_element_type3A_775 = arith.extui %eq3A_774 : vector<64x1xi1> to vector<64x1xi32>
    %convert_element_type3A_776 = arith.sitofp %convert_element_type3A_775 : vector<64x1xi32> to vector<64x1xf32>
    %mul3A_777 = vector.broadcast %convert_element_type3A_776 : vector<64x1xf32> to vector<64x128xf32>
    %mul3A_778 = arith.mulf %get3A_768, %mul3A_777 : vector<64x128xf32>
    %add3A_779 = arith.addf %add3A_760, %mul3A_778 : vector<64x128xf32>
    %mul3A_780 = arith.constant 1.44269502 : f32
    %mul3A_781 = vector.broadcast %mul3A_780 : f32 to vector<64x128xf32>
    %mul3A_782 = arith.mulf %get3A_768, %mul3A_781 : vector<64x128xf32>
    %exp23A_783 = math.exp2 %mul3A_782 : vector<64x128xf32>
    %add3A_784 = arith.addf %add3A_765, %exp23A_783 : vector<64x128xf32>
    %get3A_785 = arith.constant 64 : index
    %get3A_786 = arith.constant 640 : index
    %get3A_787 = vector.load %arg1[%get3A_785, %get3A_786] : memref<256x4096xf32, #tpu.memory_space<vmem>>, vector<64x128xf32>
    %min3A_788 = arith.minimumf %max3A_771, %get3A_787 : vector<64x128xf32>
    %max3A_789 = arith.maximumf %max3A_770, %min3A_788 : vector<64x128xf32>
    %max3A_790 = arith.maximumf %max3A_771, %get3A_787 : vector<64x128xf32>
    %eq3A_791 = arith.constant 5 : i32
    %eq3A_792 = vector.broadcast %eq3A_791 : i32 to vector<64x1xi32>
    %eq3A_793 = arith.cmpi eq, %shift_right_logical3A_689, %eq3A_792 : vector<64x1xi32>
    %convert_element_type3A_794 = arith.extui %eq3A_793 : vector<64x1xi1> to vector<64x1xi32>
    %convert_element_type3A_795 = arith.sitofp %convert_element_type3A_794 : vector<64x1xi32> to vector<64x1xf32>
    %mul3A_796 = vector.broadcast %convert_element_type3A_795 : vector<64x1xf32> to vector<64x128xf32>
    %mul3A_797 = arith.mulf %get3A_787, %mul3A_796 : vector<64x128xf32>
    %add3A_798 = arith.addf %add3A_779, %mul3A_797 : vector<64x128xf32>
    %mul3A_799 = arith.constant 1.44269502 : f32
    %mul3A_800 = vector.broadcast %mul3A_799 : f32 to vector<64x128xf32>
    %mul3A_801 = arith.mulf %get3A_787, %mul3A_800 : vector<64x128xf32>
    %exp23A_802 = math.exp2 %mul3A_801 : vector<64x128xf32>
    %add3A_803 = arith.addf %add3A_784, %exp23A_802 : vector<64x128xf32>
    %get3A_804 = arith.constant 64 : index
    %get3A_805 = arith.constant 768 : index
    %get3A_806 = vector.load %arg1[%get3A_804, %get3A_805] : memref<256x4096xf32, #tpu.memory_space<vmem>>, vector<64x128xf32>
    %min3A_807 = arith.minimumf %max3A_790, %get3A_806 : vector<64x128xf32>
    %max3A_808 = arith.maximumf %max3A_789, %min3A_807 : vector<64x128xf32>
    %max3A_809 = arith.maximumf %max3A_790, %get3A_806 : vector<64x128xf32>
    %eq3A_810 = arith.constant 6 : i32
    %eq3A_811 = vector.broadcast %eq3A_810 : i32 to vector<64x1xi32>
    %eq3A_812 = arith.cmpi eq, %shift_right_logical3A_689, %eq3A_811 : vector<64x1xi32>
    %convert_element_type3A_813 = arith.extui %eq3A_812 : vector<64x1xi1> to vector<64x1xi32>
    %convert_element_type3A_814 = arith.sitofp %convert_element_type3A_813 : vector<64x1xi32> to vector<64x1xf32>
    %mul3A_815 = vector.broadcast %convert_element_type3A_814 : vector<64x1xf32> to vector<64x128xf32>
    %mul3A_816 = arith.mulf %get3A_806, %mul3A_815 : vector<64x128xf32>
    %add3A_817 = arith.addf %add3A_798, %mul3A_816 : vector<64x128xf32>
    %mul3A_818 = arith.constant 1.44269502 : f32
    %mul3A_819 = vector.broadcast %mul3A_818 : f32 to vector<64x128xf32>
    %mul3A_820 = arith.mulf %get3A_806, %mul3A_819 : vector<64x128xf32>
    %exp23A_821 = math.exp2 %mul3A_820 : vector<64x128xf32>
    %add3A_822 = arith.addf %add3A_803, %exp23A_821 : vector<64x128xf32>
    %get3A_823 = arith.constant 64 : index
    %get3A_824 = arith.constant 896 : index
    %get3A_825 = vector.load %arg1[%get3A_823, %get3A_824] : memref<256x4096xf32, #tpu.memory_space<vmem>>, vector<64x128xf32>
    %min3A_826 = arith.minimumf %max3A_809, %get3A_825 : vector<64x128xf32>
    %max3A_827 = arith.maximumf %max3A_808, %min3A_826 : vector<64x128xf32>
    %max3A_828 = arith.maximumf %max3A_809, %get3A_825 : vector<64x128xf32>
    %eq3A_829 = arith.constant 7 : i32
    %eq3A_830 = vector.broadcast %eq3A_829 : i32 to vector<64x1xi32>
    %eq3A_831 = arith.cmpi eq, %shift_right_logical3A_689, %eq3A_830 : vector<64x1xi32>
    %convert_element_type3A_832 = arith.extui %eq3A_831 : vector<64x1xi1> to vector<64x1xi32>
    %convert_element_type3A_833 = arith.sitofp %convert_element_type3A_832 : vector<64x1xi32> to vector<64x1xf32>
    %mul3A_834 = vector.broadcast %convert_element_type3A_833 : vector<64x1xf32> to vector<64x128xf32>
    %mul3A_835 = arith.mulf %get3A_825, %mul3A_834 : vector<64x128xf32>
    %add3A_836 = arith.addf %add3A_817, %mul3A_835 : vector<64x128xf32>
    %mul3A_837 = arith.constant 1.44269502 : f32
    %mul3A_838 = vector.broadcast %mul3A_837 : f32 to vector<64x128xf32>
    %mul3A_839 = arith.mulf %get3A_825, %mul3A_838 : vector<64x128xf32>
    %exp23A_840 = math.exp2 %mul3A_839 : vector<64x128xf32>
    %add3A_841 = arith.addf %add3A_822, %exp23A_840 : vector<64x128xf32>
    %get3A_842 = arith.constant 64 : index
    %get3A_843 = arith.constant 1024 : index
    %get3A_844 = vector.load %arg1[%get3A_842, %get3A_843] : memref<256x4096xf32, #tpu.memory_space<vmem>>, vector<64x128xf32>
    %min3A_845 = arith.minimumf %max3A_828, %get3A_844 : vector<64x128xf32>
    %max3A_846 = arith.maximumf %max3A_827, %min3A_845 : vector<64x128xf32>
    %max3A_847 = arith.maximumf %max3A_828, %get3A_844 : vector<64x128xf32>
    %eq3A_848 = arith.constant 8 : i32
    %eq3A_849 = vector.broadcast %eq3A_848 : i32 to vector<64x1xi32>
    %eq3A_850 = arith.cmpi eq, %shift_right_logical3A_689, %eq3A_849 : vector<64x1xi32>
    %convert_element_type3A_851 = arith.extui %eq3A_850 : vector<64x1xi1> to vector<64x1xi32>
    %convert_element_type3A_852 = arith.sitofp %convert_element_type3A_851 : vector<64x1xi32> to vector<64x1xf32>
    %mul3A_853 = vector.broadcast %convert_element_type3A_852 : vector<64x1xf32> to vector<64x128xf32>
    %mul3A_854 = arith.mulf %get3A_844, %mul3A_853 : vector<64x128xf32>
    %add3A_855 = arith.addf %add3A_836, %mul3A_854 : vector<64x128xf32>
    %mul3A_856 = arith.constant 1.44269502 : f32
    %mul3A_857 = vector.broadcast %mul3A_856 : f32 to vector<64x128xf32>
    %mul3A_858 = arith.mulf %get3A_844, %mul3A_857 : vector<64x128xf32>
    %exp23A_859 = math.exp2 %mul3A_858 : vector<64x128xf32>
    %add3A_860 = arith.addf %add3A_841, %exp23A_859 : vector<64x128xf32>
    %get3A_861 = arith.constant 64 : index
    %get3A_862 = arith.constant 1152 : index
    %get3A_863 = vector.load %arg1[%get3A_861, %get3A_862] : memref<256x4096xf32, #tpu.memory_space<vmem>>, vector<64x128xf32>
    %min3A_864 = arith.minimumf %max3A_847, %get3A_863 : vector<64x128xf32>
    %max3A_865 = arith.maximumf %max3A_846, %min3A_864 : vector<64x128xf32>
    %max3A_866 = arith.maximumf %max3A_847, %get3A_863 : vector<64x128xf32>
    %eq3A_867 = arith.constant 9 : i32
    %eq3A_868 = vector.broadcast %eq3A_867 : i32 to vector<64x1xi32>
    %eq3A_869 = arith.cmpi eq, %shift_right_logical3A_689, %eq3A_868 : vector<64x1xi32>
    %convert_element_type3A_870 = arith.extui %eq3A_869 : vector<64x1xi1> to vector<64x1xi32>
    %convert_element_type3A_871 = arith.sitofp %convert_element_type3A_870 : vector<64x1xi32> to vector<64x1xf32>
    %mul3A_872 = vector.broadcast %convert_element_type3A_871 : vector<64x1xf32> to vector<64x128xf32>
    %mul3A_873 = arith.mulf %get3A_863, %mul3A_872 : vector<64x128xf32>
    %add3A_874 = arith.addf %add3A_855, %mul3A_873 : vector<64x128xf32>
    %mul3A_875 = arith.constant 1.44269502 : f32
    %mul3A_876 = vector.broadcast %mul3A_875 : f32 to vector<64x128xf32>
    %mul3A_877 = arith.mulf %get3A_863, %mul3A_876 : vector<64x128xf32>
    %exp23A_878 = math.exp2 %mul3A_877 : vector<64x128xf32>
    %add3A_879 = arith.addf %add3A_860, %exp23A_878 : vector<64x128xf32>
    %get3A_880 = arith.constant 64 : index
    %get3A_881 = arith.constant 1280 : index
    %get3A_882 = vector.load %arg1[%get3A_880, %get3A_881] : memref<256x4096xf32, #tpu.memory_space<vmem>>, vector<64x128xf32>
    %min3A_883 = arith.minimumf %max3A_866, %get3A_882 : vector<64x128xf32>
    %max3A_884 = arith.maximumf %max3A_865, %min3A_883 : vector<64x128xf32>
    %max3A_885 = arith.maximumf %max3A_866, %get3A_882 : vector<64x128xf32>
    %eq3A_886 = arith.constant 10 : i32
    %eq3A_887 = vector.broadcast %eq3A_886 : i32 to vector<64x1xi32>
    %eq3A_888 = arith.cmpi eq, %shift_right_logical3A_689, %eq3A_887 : vector<64x1xi32>
    %convert_element_type3A_889 = arith.extui %eq3A_888 : vector<64x1xi1> to vector<64x1xi32>
    %convert_element_type3A_890 = arith.sitofp %convert_element_type3A_889 : vector<64x1xi32> to vector<64x1xf32>
    %mul3A_891 = vector.broadcast %convert_element_type3A_890 : vector<64x1xf32> to vector<64x128xf32>
    %mul3A_892 = arith.mulf %get3A_882, %mul3A_891 : vector<64x128xf32>
    %add3A_893 = arith.addf %add3A_874, %mul3A_892 : vector<64x128xf32>
    %mul3A_894 = arith.constant 1.44269502 : f32
    %mul3A_895 = vector.broadcast %mul3A_894 : f32 to vector<64x128xf32>
    %mul3A_896 = arith.mulf %get3A_882, %mul3A_895 : vector<64x128xf32>
    %exp23A_897 = math.exp2 %mul3A_896 : vector<64x128xf32>
    %add3A_898 = arith.addf %add3A_879, %exp23A_897 : vector<64x128xf32>
    %get3A_899 = arith.constant 64 : index
    %get3A_900 = arith.constant 1408 : index
    %get3A_901 = vector.load %arg1[%get3A_899, %get3A_900] : memref<256x4096xf32, #tpu.memory_space<vmem>>, vector<64x128xf32>
    %min3A_902 = arith.minimumf %max3A_885, %get3A_901 : vector<64x128xf32>
    %max3A_903 = arith.maximumf %max3A_884, %min3A_902 : vector<64x128xf32>
    %max3A_904 = arith.maximumf %max3A_885, %get3A_901 : vector<64x128xf32>
    %eq3A_905 = arith.constant 11 : i32
    %eq3A_906 = vector.broadcast %eq3A_905 : i32 to vector<64x1xi32>
    %eq3A_907 = arith.cmpi eq, %shift_right_logical3A_689, %eq3A_906 : vector<64x1xi32>
    %convert_element_type3A_908 = arith.extui %eq3A_907 : vector<64x1xi1> to vector<64x1xi32>
    %convert_element_type3A_909 = arith.sitofp %convert_element_type3A_908 : vector<64x1xi32> to vector<64x1xf32>
    %mul3A_910 = vector.broadcast %convert_element_type3A_909 : vector<64x1xf32> to vector<64x128xf32>
    %mul3A_911 = arith.mulf %get3A_901, %mul3A_910 : vector<64x128xf32>
    %add3A_912 = arith.addf %add3A_893, %mul3A_911 : vector<64x128xf32>
    %mul3A_913 = arith.constant 1.44269502 : f32
    %mul3A_914 = vector.broadcast %mul3A_913 : f32 to vector<64x128xf32>
    %mul3A_915 = arith.mulf %get3A_901, %mul3A_914 : vector<64x128xf32>
    %exp23A_916 = math.exp2 %mul3A_915 : vector<64x128xf32>
    %add3A_917 = arith.addf %add3A_898, %exp23A_916 : vector<64x128xf32>
    %get3A_918 = arith.constant 64 : index
    %get3A_919 = arith.constant 1536 : index
    %get3A_920 = vector.load %arg1[%get3A_918, %get3A_919] : memref<256x4096xf32, #tpu.memory_space<vmem>>, vector<64x128xf32>
    %min3A_921 = arith.minimumf %max3A_904, %get3A_920 : vector<64x128xf32>
    %max3A_922 = arith.maximumf %max3A_903, %min3A_921 : vector<64x128xf32>
    %max3A_923 = arith.maximumf %max3A_904, %get3A_920 : vector<64x128xf32>
    %eq3A_924 = arith.constant 12 : i32
    %eq3A_925 = vector.broadcast %eq3A_924 : i32 to vector<64x1xi32>
    %eq3A_926 = arith.cmpi eq, %shift_right_logical3A_689, %eq3A_925 : vector<64x1xi32>
    %convert_element_type3A_927 = arith.extui %eq3A_926 : vector<64x1xi1> to vector<64x1xi32>
    %convert_element_type3A_928 = arith.sitofp %convert_element_type3A_927 : vector<64x1xi32> to vector<64x1xf32>
    %mul3A_929 = vector.broadcast %convert_element_type3A_928 : vector<64x1xf32> to vector<64x128xf32>
    %mul3A_930 = arith.mulf %get3A_920, %mul3A_929 : vector<64x128xf32>
    %add3A_931 = arith.addf %add3A_912, %mul3A_930 : vector<64x128xf32>
    %mul3A_932 = arith.constant 1.44269502 : f32
    %mul3A_933 = vector.broadcast %mul3A_932 : f32 to vector<64x128xf32>
    %mul3A_934 = arith.mulf %get3A_920, %mul3A_933 : vector<64x128xf32>
    %exp23A_935 = math.exp2 %mul3A_934 : vector<64x128xf32>
    %add3A_936 = arith.addf %add3A_917, %exp23A_935 : vector<64x128xf32>
    %get3A_937 = arith.constant 64 : index
    %get3A_938 = arith.constant 1664 : index
    %get3A_939 = vector.load %arg1[%get3A_937, %get3A_938] : memref<256x4096xf32, #tpu.memory_space<vmem>>, vector<64x128xf32>
    %min3A_940 = arith.minimumf %max3A_923, %get3A_939 : vector<64x128xf32>
    %max3A_941 = arith.maximumf %max3A_922, %min3A_940 : vector<64x128xf32>
    %max3A_942 = arith.maximumf %max3A_923, %get3A_939 : vector<64x128xf32>
    %eq3A_943 = arith.constant 13 : i32
    %eq3A_944 = vector.broadcast %eq3A_943 : i32 to vector<64x1xi32>
    %eq3A_945 = arith.cmpi eq, %shift_right_logical3A_689, %eq3A_944 : vector<64x1xi32>
    %convert_element_type3A_946 = arith.extui %eq3A_945 : vector<64x1xi1> to vector<64x1xi32>
    %convert_element_type3A_947 = arith.sitofp %convert_element_type3A_946 : vector<64x1xi32> to vector<64x1xf32>
    %mul3A_948 = vector.broadcast %convert_element_type3A_947 : vector<64x1xf32> to vector<64x128xf32>
    %mul3A_949 = arith.mulf %get3A_939, %mul3A_948 : vector<64x128xf32>
    %add3A_950 = arith.addf %add3A_931, %mul3A_949 : vector<64x128xf32>
    %mul3A_951 = arith.constant 1.44269502 : f32
    %mul3A_952 = vector.broadcast %mul3A_951 : f32 to vector<64x128xf32>
    %mul3A_953 = arith.mulf %get3A_939, %mul3A_952 : vector<64x128xf32>
    %exp23A_954 = math.exp2 %mul3A_953 : vector<64x128xf32>
    %add3A_955 = arith.addf %add3A_936, %exp23A_954 : vector<64x128xf32>
    %get3A_956 = arith.constant 64 : index
    %get3A_957 = arith.constant 1792 : index
    %get3A_958 = vector.load %arg1[%get3A_956, %get3A_957] : memref<256x4096xf32, #tpu.memory_space<vmem>>, vector<64x128xf32>
    %min3A_959 = arith.minimumf %max3A_942, %get3A_958 : vector<64x128xf32>
    %max3A_960 = arith.maximumf %max3A_941, %min3A_959 : vector<64x128xf32>
    %max3A_961 = arith.maximumf %max3A_942, %get3A_958 : vector<64x128xf32>
    %eq3A_962 = arith.constant 14 : i32
    %eq3A_963 = vector.broadcast %eq3A_962 : i32 to vector<64x1xi32>
    %eq3A_964 = arith.cmpi eq, %shift_right_logical3A_689, %eq3A_963 : vector<64x1xi32>
    %convert_element_type3A_965 = arith.extui %eq3A_964 : vector<64x1xi1> to vector<64x1xi32>
    %convert_element_type3A_966 = arith.sitofp %convert_element_type3A_965 : vector<64x1xi32> to vector<64x1xf32>
    %mul3A_967 = vector.broadcast %convert_element_type3A_966 : vector<64x1xf32> to vector<64x128xf32>
    %mul3A_968 = arith.mulf %get3A_958, %mul3A_967 : vector<64x128xf32>
    %add3A_969 = arith.addf %add3A_950, %mul3A_968 : vector<64x128xf32>
    %mul3A_970 = arith.constant 1.44269502 : f32
    %mul3A_971 = vector.broadcast %mul3A_970 : f32 to vector<64x128xf32>
    %mul3A_972 = arith.mulf %get3A_958, %mul3A_971 : vector<64x128xf32>
    %exp23A_973 = math.exp2 %mul3A_972 : vector<64x128xf32>
    %add3A_974 = arith.addf %add3A_955, %exp23A_973 : vector<64x128xf32>
    %get3A_975 = arith.constant 64 : index
    %get3A_976 = arith.constant 1920 : index
    %get3A_977 = vector.load %arg1[%get3A_975, %get3A_976] : memref<256x4096xf32, #tpu.memory_space<vmem>>, vector<64x128xf32>
    %min3A_978 = arith.minimumf %max3A_961, %get3A_977 : vector<64x128xf32>
    %max3A_979 = arith.maximumf %max3A_960, %min3A_978 : vector<64x128xf32>
    %max3A_980 = arith.maximumf %max3A_961, %get3A_977 : vector<64x128xf32>
    %eq3A_981 = arith.constant 15 : i32
    %eq3A_982 = vector.broadcast %eq3A_981 : i32 to vector<64x1xi32>
    %eq3A_983 = arith.cmpi eq, %shift_right_logical3A_689, %eq3A_982 : vector<64x1xi32>
    %convert_element_type3A_984 = arith.extui %eq3A_983 : vector<64x1xi1> to vector<64x1xi32>
    %convert_element_type3A_985 = arith.sitofp %convert_element_type3A_984 : vector<64x1xi32> to vector<64x1xf32>
    %mul3A_986 = vector.broadcast %convert_element_type3A_985 : vector<64x1xf32> to vector<64x128xf32>
    %mul3A_987 = arith.mulf %get3A_977, %mul3A_986 : vector<64x128xf32>
    %add3A_988 = arith.addf %add3A_969, %mul3A_987 : vector<64x128xf32>
    %mul3A_989 = arith.constant 1.44269502 : f32
    %mul3A_990 = vector.broadcast %mul3A_989 : f32 to vector<64x128xf32>
    %mul3A_991 = arith.mulf %get3A_977, %mul3A_990 : vector<64x128xf32>
    %exp23A_992 = math.exp2 %mul3A_991 : vector<64x128xf32>
    %add3A_993 = arith.addf %add3A_974, %exp23A_992 : vector<64x128xf32>
    %get3A_994 = arith.constant 64 : index
    %get3A_995 = arith.constant 2048 : index
    %get3A_996 = vector.load %arg1[%get3A_994, %get3A_995] : memref<256x4096xf32, #tpu.memory_space<vmem>>, vector<64x128xf32>
    %min3A_997 = arith.minimumf %max3A_980, %get3A_996 : vector<64x128xf32>
    %max3A_998 = arith.maximumf %max3A_979, %min3A_997 : vector<64x128xf32>
    %max3A_999 = arith.maximumf %max3A_980, %get3A_996 : vector<64x128xf32>
    %eq3A_1000 = arith.constant 16 : i32
    %eq3A_1001 = vector.broadcast %eq3A_1000 : i32 to vector<64x1xi32>
    %eq3A_1002 = arith.cmpi eq, %shift_right_logical3A_689, %eq3A_1001 : vector<64x1xi32>
    %convert_element_type3A_1003 = arith.extui %eq3A_1002 : vector<64x1xi1> to vector<64x1xi32>
    %convert_element_type3A_1004 = arith.sitofp %convert_element_type3A_1003 : vector<64x1xi32> to vector<64x1xf32>
    %mul3A_1005 = vector.broadcast %convert_element_type3A_1004 : vector<64x1xf32> to vector<64x128xf32>
    %mul3A_1006 = arith.mulf %get3A_996, %mul3A_1005 : vector<64x128xf32>
    %add3A_1007 = arith.addf %add3A_988, %mul3A_1006 : vector<64x128xf32>
    %mul3A_1008 = arith.constant 1.44269502 : f32
    %mul3A_1009 = vector.broadcast %mul3A_1008 : f32 to vector<64x128xf32>
    %mul3A_1010 = arith.mulf %get3A_996, %mul3A_1009 : vector<64x128xf32>
    %exp23A_1011 = math.exp2 %mul3A_1010 : vector<64x128xf32>
    %add3A_1012 = arith.addf %add3A_993, %exp23A_1011 : vector<64x128xf32>
    %get3A_1013 = arith.constant 64 : index
    %get3A_1014 = arith.constant 2176 : index
    %get3A_1015 = vector.load %arg1[%get3A_1013, %get3A_1014] : memref<256x4096xf32, #tpu.memory_space<vmem>>, vector<64x128xf32>
    %min3A_1016 = arith.minimumf %max3A_999, %get3A_1015 : vector<64x128xf32>
    %max3A_1017 = arith.maximumf %max3A_998, %min3A_1016 : vector<64x128xf32>
    %max3A_1018 = arith.maximumf %max3A_999, %get3A_1015 : vector<64x128xf32>
    %eq3A_1019 = arith.constant 17 : i32
    %eq3A_1020 = vector.broadcast %eq3A_1019 : i32 to vector<64x1xi32>
    %eq3A_1021 = arith.cmpi eq, %shift_right_logical3A_689, %eq3A_1020 : vector<64x1xi32>
    %convert_element_type3A_1022 = arith.extui %eq3A_1021 : vector<64x1xi1> to vector<64x1xi32>
    %convert_element_type3A_1023 = arith.sitofp %convert_element_type3A_1022 : vector<64x1xi32> to vector<64x1xf32>
    %mul3A_1024 = vector.broadcast %convert_element_type3A_1023 : vector<64x1xf32> to vector<64x128xf32>
    %mul3A_1025 = arith.mulf %get3A_1015, %mul3A_1024 : vector<64x128xf32>
    %add3A_1026 = arith.addf %add3A_1007, %mul3A_1025 : vector<64x128xf32>
    %mul3A_1027 = arith.constant 1.44269502 : f32
    %mul3A_1028 = vector.broadcast %mul3A_1027 : f32 to vector<64x128xf32>
    %mul3A_1029 = arith.mulf %get3A_1015, %mul3A_1028 : vector<64x128xf32>
    %exp23A_1030 = math.exp2 %mul3A_1029 : vector<64x128xf32>
    %add3A_1031 = arith.addf %add3A_1012, %exp23A_1030 : vector<64x128xf32>
    %get3A_1032 = arith.constant 64 : index
    %get3A_1033 = arith.constant 2304 : index
    %get3A_1034 = vector.load %arg1[%get3A_1032, %get3A_1033] : memref<256x4096xf32, #tpu.memory_space<vmem>>, vector<64x128xf32>
    %min3A_1035 = arith.minimumf %max3A_1018, %get3A_1034 : vector<64x128xf32>
    %max3A_1036 = arith.maximumf %max3A_1017, %min3A_1035 : vector<64x128xf32>
    %max3A_1037 = arith.maximumf %max3A_1018, %get3A_1034 : vector<64x128xf32>
    %eq3A_1038 = arith.constant 18 : i32
    %eq3A_1039 = vector.broadcast %eq3A_1038 : i32 to vector<64x1xi32>
    %eq3A_1040 = arith.cmpi eq, %shift_right_logical3A_689, %eq3A_1039 : vector<64x1xi32>
    %convert_element_type3A_1041 = arith.extui %eq3A_1040 : vector<64x1xi1> to vector<64x1xi32>
    %convert_element_type3A_1042 = arith.sitofp %convert_element_type3A_1041 : vector<64x1xi32> to vector<64x1xf32>
    %mul3A_1043 = vector.broadcast %convert_element_type3A_1042 : vector<64x1xf32> to vector<64x128xf32>
    %mul3A_1044 = arith.mulf %get3A_1034, %mul3A_1043 : vector<64x128xf32>
    %add3A_1045 = arith.addf %add3A_1026, %mul3A_1044 : vector<64x128xf32>
    %mul3A_1046 = arith.constant 1.44269502 : f32
    %mul3A_1047 = vector.broadcast %mul3A_1046 : f32 to vector<64x128xf32>
    %mul3A_1048 = arith.mulf %get3A_1034, %mul3A_1047 : vector<64x128xf32>
    %exp23A_1049 = math.exp2 %mul3A_1048 : vector<64x128xf32>
    %add3A_1050 = arith.addf %add3A_1031, %exp23A_1049 : vector<64x128xf32>
    %get3A_1051 = arith.constant 64 : index
    %get3A_1052 = arith.constant 2432 : index
    %get3A_1053 = vector.load %arg1[%get3A_1051, %get3A_1052] : memref<256x4096xf32, #tpu.memory_space<vmem>>, vector<64x128xf32>
    %min3A_1054 = arith.minimumf %max3A_1037, %get3A_1053 : vector<64x128xf32>
    %max3A_1055 = arith.maximumf %max3A_1036, %min3A_1054 : vector<64x128xf32>
    %max3A_1056 = arith.maximumf %max3A_1037, %get3A_1053 : vector<64x128xf32>
    %eq3A_1057 = arith.constant 19 : i32
    %eq3A_1058 = vector.broadcast %eq3A_1057 : i32 to vector<64x1xi32>
    %eq3A_1059 = arith.cmpi eq, %shift_right_logical3A_689, %eq3A_1058 : vector<64x1xi32>
    %convert_element_type3A_1060 = arith.extui %eq3A_1059 : vector<64x1xi1> to vector<64x1xi32>
    %convert_element_type3A_1061 = arith.sitofp %convert_element_type3A_1060 : vector<64x1xi32> to vector<64x1xf32>
    %mul3A_1062 = vector.broadcast %convert_element_type3A_1061 : vector<64x1xf32> to vector<64x128xf32>
    %mul3A_1063 = arith.mulf %get3A_1053, %mul3A_1062 : vector<64x128xf32>
    %add3A_1064 = arith.addf %add3A_1045, %mul3A_1063 : vector<64x128xf32>
    %mul3A_1065 = arith.constant 1.44269502 : f32
    %mul3A_1066 = vector.broadcast %mul3A_1065 : f32 to vector<64x128xf32>
    %mul3A_1067 = arith.mulf %get3A_1053, %mul3A_1066 : vector<64x128xf32>
    %exp23A_1068 = math.exp2 %mul3A_1067 : vector<64x128xf32>
    %add3A_1069 = arith.addf %add3A_1050, %exp23A_1068 : vector<64x128xf32>
    %get3A_1070 = arith.constant 64 : index
    %get3A_1071 = arith.constant 2560 : index
    %get3A_1072 = vector.load %arg1[%get3A_1070, %get3A_1071] : memref<256x4096xf32, #tpu.memory_space<vmem>>, vector<64x128xf32>
    %min3A_1073 = arith.minimumf %max3A_1056, %get3A_1072 : vector<64x128xf32>
    %max3A_1074 = arith.maximumf %max3A_1055, %min3A_1073 : vector<64x128xf32>
    %max3A_1075 = arith.maximumf %max3A_1056, %get3A_1072 : vector<64x128xf32>
    %eq3A_1076 = arith.constant 20 : i32
    %eq3A_1077 = vector.broadcast %eq3A_1076 : i32 to vector<64x1xi32>
    %eq3A_1078 = arith.cmpi eq, %shift_right_logical3A_689, %eq3A_1077 : vector<64x1xi32>
    %convert_element_type3A_1079 = arith.extui %eq3A_1078 : vector<64x1xi1> to vector<64x1xi32>
    %convert_element_type3A_1080 = arith.sitofp %convert_element_type3A_1079 : vector<64x1xi32> to vector<64x1xf32>
    %mul3A_1081 = vector.broadcast %convert_element_type3A_1080 : vector<64x1xf32> to vector<64x128xf32>
    %mul3A_1082 = arith.mulf %get3A_1072, %mul3A_1081 : vector<64x128xf32>
    %add3A_1083 = arith.addf %add3A_1064, %mul3A_1082 : vector<64x128xf32>
    %mul3A_1084 = arith.constant 1.44269502 : f32
    %mul3A_1085 = vector.broadcast %mul3A_1084 : f32 to vector<64x128xf32>
    %mul3A_1086 = arith.mulf %get3A_1072, %mul3A_1085 : vector<64x128xf32>
    %exp23A_1087 = math.exp2 %mul3A_1086 : vector<64x128xf32>
    %add3A_1088 = arith.addf %add3A_1069, %exp23A_1087 : vector<64x128xf32>
    %get3A_1089 = arith.constant 64 : index
    %get3A_1090 = arith.constant 2688 : index
    %get3A_1091 = vector.load %arg1[%get3A_1089, %get3A_1090] : memref<256x4096xf32, #tpu.memory_space<vmem>>, vector<64x128xf32>
    %min3A_1092 = arith.minimumf %max3A_1075, %get3A_1091 : vector<64x128xf32>
    %max3A_1093 = arith.maximumf %max3A_1074, %min3A_1092 : vector<64x128xf32>
    %max3A_1094 = arith.maximumf %max3A_1075, %get3A_1091 : vector<64x128xf32>
    %eq3A_1095 = arith.constant 21 : i32
    %eq3A_1096 = vector.broadcast %eq3A_1095 : i32 to vector<64x1xi32>
    %eq3A_1097 = arith.cmpi eq, %shift_right_logical3A_689, %eq3A_1096 : vector<64x1xi32>
    %convert_element_type3A_1098 = arith.extui %eq3A_1097 : vector<64x1xi1> to vector<64x1xi32>
    %convert_element_type3A_1099 = arith.sitofp %convert_element_type3A_1098 : vector<64x1xi32> to vector<64x1xf32>
    %mul3A_1100 = vector.broadcast %convert_element_type3A_1099 : vector<64x1xf32> to vector<64x128xf32>
    %mul3A_1101 = arith.mulf %get3A_1091, %mul3A_1100 : vector<64x128xf32>
    %add3A_1102 = arith.addf %add3A_1083, %mul3A_1101 : vector<64x128xf32>
    %mul3A_1103 = arith.constant 1.44269502 : f32
    %mul3A_1104 = vector.broadcast %mul3A_1103 : f32 to vector<64x128xf32>
    %mul3A_1105 = arith.mulf %get3A_1091, %mul3A_1104 : vector<64x128xf32>
    %exp23A_1106 = math.exp2 %mul3A_1105 : vector<64x128xf32>
    %add3A_1107 = arith.addf %add3A_1088, %exp23A_1106 : vector<64x128xf32>
    %get3A_1108 = arith.constant 64 : index
    %get3A_1109 = arith.constant 2816 : index
    %get3A_1110 = vector.load %arg1[%get3A_1108, %get3A_1109] : memref<256x4096xf32, #tpu.memory_space<vmem>>, vector<64x128xf32>
    %min3A_1111 = arith.minimumf %max3A_1094, %get3A_1110 : vector<64x128xf32>
    %max3A_1112 = arith.maximumf %max3A_1093, %min3A_1111 : vector<64x128xf32>
    %max3A_1113 = arith.maximumf %max3A_1094, %get3A_1110 : vector<64x128xf32>
    %eq3A_1114 = arith.constant 22 : i32
    %eq3A_1115 = vector.broadcast %eq3A_1114 : i32 to vector<64x1xi32>
    %eq3A_1116 = arith.cmpi eq, %shift_right_logical3A_689, %eq3A_1115 : vector<64x1xi32>
    %convert_element_type3A_1117 = arith.extui %eq3A_1116 : vector<64x1xi1> to vector<64x1xi32>
    %convert_element_type3A_1118 = arith.sitofp %convert_element_type3A_1117 : vector<64x1xi32> to vector<64x1xf32>
    %mul3A_1119 = vector.broadcast %convert_element_type3A_1118 : vector<64x1xf32> to vector<64x128xf32>
    %mul3A_1120 = arith.mulf %get3A_1110, %mul3A_1119 : vector<64x128xf32>
    %add3A_1121 = arith.addf %add3A_1102, %mul3A_1120 : vector<64x128xf32>
    %mul3A_1122 = arith.constant 1.44269502 : f32
    %mul3A_1123 = vector.broadcast %mul3A_1122 : f32 to vector<64x128xf32>
    %mul3A_1124 = arith.mulf %get3A_1110, %mul3A_1123 : vector<64x128xf32>
    %exp23A_1125 = math.exp2 %mul3A_1124 : vector<64x128xf32>
    %add3A_1126 = arith.addf %add3A_1107, %exp23A_1125 : vector<64x128xf32>
    %get3A_1127 = arith.constant 64 : index
    %get3A_1128 = arith.constant 2944 : index
    %get3A_1129 = vector.load %arg1[%get3A_1127, %get3A_1128] : memref<256x4096xf32, #tpu.memory_space<vmem>>, vector<64x128xf32>
    %min3A_1130 = arith.minimumf %max3A_1113, %get3A_1129 : vector<64x128xf32>
    %max3A_1131 = arith.maximumf %max3A_1112, %min3A_1130 : vector<64x128xf32>
    %max3A_1132 = arith.maximumf %max3A_1113, %get3A_1129 : vector<64x128xf32>
    %eq3A_1133 = arith.constant 23 : i32
    %eq3A_1134 = vector.broadcast %eq3A_1133 : i32 to vector<64x1xi32>
    %eq3A_1135 = arith.cmpi eq, %shift_right_logical3A_689, %eq3A_1134 : vector<64x1xi32>
    %convert_element_type3A_1136 = arith.extui %eq3A_1135 : vector<64x1xi1> to vector<64x1xi32>
    %convert_element_type3A_1137 = arith.sitofp %convert_element_type3A_1136 : vector<64x1xi32> to vector<64x1xf32>
    %mul3A_1138 = vector.broadcast %convert_element_type3A_1137 : vector<64x1xf32> to vector<64x128xf32>
    %mul3A_1139 = arith.mulf %get3A_1129, %mul3A_1138 : vector<64x128xf32>
    %add3A_1140 = arith.addf %add3A_1121, %mul3A_1139 : vector<64x128xf32>
    %mul3A_1141 = arith.constant 1.44269502 : f32
    %mul3A_1142 = vector.broadcast %mul3A_1141 : f32 to vector<64x128xf32>
    %mul3A_1143 = arith.mulf %get3A_1129, %mul3A_1142 : vector<64x128xf32>
    %exp23A_1144 = math.exp2 %mul3A_1143 : vector<64x128xf32>
    %add3A_1145 = arith.addf %add3A_1126, %exp23A_1144 : vector<64x128xf32>
    %get3A_1146 = arith.constant 64 : index
    %get3A_1147 = arith.constant 3072 : index
    %get3A_1148 = vector.load %arg1[%get3A_1146, %get3A_1147] : memref<256x4096xf32, #tpu.memory_space<vmem>>, vector<64x128xf32>
    %min3A_1149 = arith.minimumf %max3A_1132, %get3A_1148 : vector<64x128xf32>
    %max3A_1150 = arith.maximumf %max3A_1131, %min3A_1149 : vector<64x128xf32>
    %max3A_1151 = arith.maximumf %max3A_1132, %get3A_1148 : vector<64x128xf32>
    %eq3A_1152 = arith.constant 24 : i32
    %eq3A_1153 = vector.broadcast %eq3A_1152 : i32 to vector<64x1xi32>
    %eq3A_1154 = arith.cmpi eq, %shift_right_logical3A_689, %eq3A_1153 : vector<64x1xi32>
    %convert_element_type3A_1155 = arith.extui %eq3A_1154 : vector<64x1xi1> to vector<64x1xi32>
    %convert_element_type3A_1156 = arith.sitofp %convert_element_type3A_1155 : vector<64x1xi32> to vector<64x1xf32>
    %mul3A_1157 = vector.broadcast %convert_element_type3A_1156 : vector<64x1xf32> to vector<64x128xf32>
    %mul3A_1158 = arith.mulf %get3A_1148, %mul3A_1157 : vector<64x128xf32>
    %add3A_1159 = arith.addf %add3A_1140, %mul3A_1158 : vector<64x128xf32>
    %mul3A_1160 = arith.constant 1.44269502 : f32
    %mul3A_1161 = vector.broadcast %mul3A_1160 : f32 to vector<64x128xf32>
    %mul3A_1162 = arith.mulf %get3A_1148, %mul3A_1161 : vector<64x128xf32>
    %exp23A_1163 = math.exp2 %mul3A_1162 : vector<64x128xf32>
    %add3A_1164 = arith.addf %add3A_1145, %exp23A_1163 : vector<64x128xf32>
    %get3A_1165 = arith.constant 64 : index
    %get3A_1166 = arith.constant 3200 : index
    %get3A_1167 = vector.load %arg1[%get3A_1165, %get3A_1166] : memref<256x4096xf32, #tpu.memory_space<vmem>>, vector<64x128xf32>
    %min3A_1168 = arith.minimumf %max3A_1151, %get3A_1167 : vector<64x128xf32>
    %max3A_1169 = arith.maximumf %max3A_1150, %min3A_1168 : vector<64x128xf32>
    %max3A_1170 = arith.maximumf %max3A_1151, %get3A_1167 : vector<64x128xf32>
    %eq3A_1171 = arith.constant 25 : i32
    %eq3A_1172 = vector.broadcast %eq3A_1171 : i32 to vector<64x1xi32>
    %eq3A_1173 = arith.cmpi eq, %shift_right_logical3A_689, %eq3A_1172 : vector<64x1xi32>
    %convert_element_type3A_1174 = arith.extui %eq3A_1173 : vector<64x1xi1> to vector<64x1xi32>
    %convert_element_type3A_1175 = arith.sitofp %convert_element_type3A_1174 : vector<64x1xi32> to vector<64x1xf32>
    %mul3A_1176 = vector.broadcast %convert_element_type3A_1175 : vector<64x1xf32> to vector<64x128xf32>
    %mul3A_1177 = arith.mulf %get3A_1167, %mul3A_1176 : vector<64x128xf32>
    %add3A_1178 = arith.addf %add3A_1159, %mul3A_1177 : vector<64x128xf32>
    %mul3A_1179 = arith.constant 1.44269502 : f32
    %mul3A_1180 = vector.broadcast %mul3A_1179 : f32 to vector<64x128xf32>
    %mul3A_1181 = arith.mulf %get3A_1167, %mul3A_1180 : vector<64x128xf32>
    %exp23A_1182 = math.exp2 %mul3A_1181 : vector<64x128xf32>
    %add3A_1183 = arith.addf %add3A_1164, %exp23A_1182 : vector<64x128xf32>
    %get3A_1184 = arith.constant 64 : index
    %get3A_1185 = arith.constant 3328 : index
    %get3A_1186 = vector.load %arg1[%get3A_1184, %get3A_1185] : memref<256x4096xf32, #tpu.memory_space<vmem>>, vector<64x128xf32>
    %min3A_1187 = arith.minimumf %max3A_1170, %get3A_1186 : vector<64x128xf32>
    %max3A_1188 = arith.maximumf %max3A_1169, %min3A_1187 : vector<64x128xf32>
    %max3A_1189 = arith.maximumf %max3A_1170, %get3A_1186 : vector<64x128xf32>
    %eq3A_1190 = arith.constant 26 : i32
    %eq3A_1191 = vector.broadcast %eq3A_1190 : i32 to vector<64x1xi32>
    %eq3A_1192 = arith.cmpi eq, %shift_right_logical3A_689, %eq3A_1191 : vector<64x1xi32>
    %convert_element_type3A_1193 = arith.extui %eq3A_1192 : vector<64x1xi1> to vector<64x1xi32>
    %convert_element_type3A_1194 = arith.sitofp %convert_element_type3A_1193 : vector<64x1xi32> to vector<64x1xf32>
    %mul3A_1195 = vector.broadcast %convert_element_type3A_1194 : vector<64x1xf32> to vector<64x128xf32>
    %mul3A_1196 = arith.mulf %get3A_1186, %mul3A_1195 : vector<64x128xf32>
    %add3A_1197 = arith.addf %add3A_1178, %mul3A_1196 : vector<64x128xf32>
    %mul3A_1198 = arith.constant 1.44269502 : f32
    %mul3A_1199 = vector.broadcast %mul3A_1198 : f32 to vector<64x128xf32>
    %mul3A_1200 = arith.mulf %get3A_1186, %mul3A_1199 : vector<64x128xf32>
    %exp23A_1201 = math.exp2 %mul3A_1200 : vector<64x128xf32>
    %add3A_1202 = arith.addf %add3A_1183, %exp23A_1201 : vector<64x128xf32>
    %get3A_1203 = arith.constant 64 : index
    %get3A_1204 = arith.constant 3456 : index
    %get3A_1205 = vector.load %arg1[%get3A_1203, %get3A_1204] : memref<256x4096xf32, #tpu.memory_space<vmem>>, vector<64x128xf32>
    %min3A_1206 = arith.minimumf %max3A_1189, %get3A_1205 : vector<64x128xf32>
    %max3A_1207 = arith.maximumf %max3A_1188, %min3A_1206 : vector<64x128xf32>
    %max3A_1208 = arith.maximumf %max3A_1189, %get3A_1205 : vector<64x128xf32>
    %eq3A_1209 = arith.constant 27 : i32
    %eq3A_1210 = vector.broadcast %eq3A_1209 : i32 to vector<64x1xi32>
    %eq3A_1211 = arith.cmpi eq, %shift_right_logical3A_689, %eq3A_1210 : vector<64x1xi32>
    %convert_element_type3A_1212 = arith.extui %eq3A_1211 : vector<64x1xi1> to vector<64x1xi32>
    %convert_element_type3A_1213 = arith.sitofp %convert_element_type3A_1212 : vector<64x1xi32> to vector<64x1xf32>
    %mul3A_1214 = vector.broadcast %convert_element_type3A_1213 : vector<64x1xf32> to vector<64x128xf32>
    %mul3A_1215 = arith.mulf %get3A_1205, %mul3A_1214 : vector<64x128xf32>
    %add3A_1216 = arith.addf %add3A_1197, %mul3A_1215 : vector<64x128xf32>
    %mul3A_1217 = arith.constant 1.44269502 : f32
    %mul3A_1218 = vector.broadcast %mul3A_1217 : f32 to vector<64x128xf32>
    %mul3A_1219 = arith.mulf %get3A_1205, %mul3A_1218 : vector<64x128xf32>
    %exp23A_1220 = math.exp2 %mul3A_1219 : vector<64x128xf32>
    %add3A_1221 = arith.addf %add3A_1202, %exp23A_1220 : vector<64x128xf32>
    %get3A_1222 = arith.constant 64 : index
    %get3A_1223 = arith.constant 3584 : index
    %get3A_1224 = vector.load %arg1[%get3A_1222, %get3A_1223] : memref<256x4096xf32, #tpu.memory_space<vmem>>, vector<64x128xf32>
    %min3A_1225 = arith.minimumf %max3A_1208, %get3A_1224 : vector<64x128xf32>
    %max3A_1226 = arith.maximumf %max3A_1207, %min3A_1225 : vector<64x128xf32>
    %max3A_1227 = arith.maximumf %max3A_1208, %get3A_1224 : vector<64x128xf32>
    %eq3A_1228 = arith.constant 28 : i32
    %eq3A_1229 = vector.broadcast %eq3A_1228 : i32 to vector<64x1xi32>
    %eq3A_1230 = arith.cmpi eq, %shift_right_logical3A_689, %eq3A_1229 : vector<64x1xi32>
    %convert_element_type3A_1231 = arith.extui %eq3A_1230 : vector<64x1xi1> to vector<64x1xi32>
    %convert_element_type3A_1232 = arith.sitofp %convert_element_type3A_1231 : vector<64x1xi32> to vector<64x1xf32>
    %mul3A_1233 = vector.broadcast %convert_element_type3A_1232 : vector<64x1xf32> to vector<64x128xf32>
    %mul3A_1234 = arith.mulf %get3A_1224, %mul3A_1233 : vector<64x128xf32>
    %add3A_1235 = arith.addf %add3A_1216, %mul3A_1234 : vector<64x128xf32>
    %mul3A_1236 = arith.constant 1.44269502 : f32
    %mul3A_1237 = vector.broadcast %mul3A_1236 : f32 to vector<64x128xf32>
    %mul3A_1238 = arith.mulf %get3A_1224, %mul3A_1237 : vector<64x128xf32>
    %exp23A_1239 = math.exp2 %mul3A_1238 : vector<64x128xf32>
    %add3A_1240 = arith.addf %add3A_1221, %exp23A_1239 : vector<64x128xf32>
    %get3A_1241 = arith.constant 64 : index
    %get3A_1242 = arith.constant 3712 : index
    %get3A_1243 = vector.load %arg1[%get3A_1241, %get3A_1242] : memref<256x4096xf32, #tpu.memory_space<vmem>>, vector<64x128xf32>
    %min3A_1244 = arith.minimumf %max3A_1227, %get3A_1243 : vector<64x128xf32>
    %max3A_1245 = arith.maximumf %max3A_1226, %min3A_1244 : vector<64x128xf32>
    %max3A_1246 = arith.maximumf %max3A_1227, %get3A_1243 : vector<64x128xf32>
    %eq3A_1247 = arith.constant 29 : i32
    %eq3A_1248 = vector.broadcast %eq3A_1247 : i32 to vector<64x1xi32>
    %eq3A_1249 = arith.cmpi eq, %shift_right_logical3A_689, %eq3A_1248 : vector<64x1xi32>
    %convert_element_type3A_1250 = arith.extui %eq3A_1249 : vector<64x1xi1> to vector<64x1xi32>
    %convert_element_type3A_1251 = arith.sitofp %convert_element_type3A_1250 : vector<64x1xi32> to vector<64x1xf32>
    %mul3A_1252 = vector.broadcast %convert_element_type3A_1251 : vector<64x1xf32> to vector<64x128xf32>
    %mul3A_1253 = arith.mulf %get3A_1243, %mul3A_1252 : vector<64x128xf32>
    %add3A_1254 = arith.addf %add3A_1235, %mul3A_1253 : vector<64x128xf32>
    %mul3A_1255 = arith.constant 1.44269502 : f32
    %mul3A_1256 = vector.broadcast %mul3A_1255 : f32 to vector<64x128xf32>
    %mul3A_1257 = arith.mulf %get3A_1243, %mul3A_1256 : vector<64x128xf32>
    %exp23A_1258 = math.exp2 %mul3A_1257 : vector<64x128xf32>
    %add3A_1259 = arith.addf %add3A_1240, %exp23A_1258 : vector<64x128xf32>
    %get3A_1260 = arith.constant 64 : index
    %get3A_1261 = arith.constant 3840 : index
    %get3A_1262 = vector.load %arg1[%get3A_1260, %get3A_1261] : memref<256x4096xf32, #tpu.memory_space<vmem>>, vector<64x128xf32>
    %min3A_1263 = arith.minimumf %max3A_1246, %get3A_1262 : vector<64x128xf32>
    %max3A_1264 = arith.maximumf %max3A_1245, %min3A_1263 : vector<64x128xf32>
    %max3A_1265 = arith.maximumf %max3A_1246, %get3A_1262 : vector<64x128xf32>
    %eq3A_1266 = arith.constant 30 : i32
    %eq3A_1267 = vector.broadcast %eq3A_1266 : i32 to vector<64x1xi32>
    %eq3A_1268 = arith.cmpi eq, %shift_right_logical3A_689, %eq3A_1267 : vector<64x1xi32>
    %convert_element_type3A_1269 = arith.extui %eq3A_1268 : vector<64x1xi1> to vector<64x1xi32>
    %convert_element_type3A_1270 = arith.sitofp %convert_element_type3A_1269 : vector<64x1xi32> to vector<64x1xf32>
    %mul3A_1271 = vector.broadcast %convert_element_type3A_1270 : vector<64x1xf32> to vector<64x128xf32>
    %mul3A_1272 = arith.mulf %get3A_1262, %mul3A_1271 : vector<64x128xf32>
    %add3A_1273 = arith.addf %add3A_1254, %mul3A_1272 : vector<64x128xf32>
    %mul3A_1274 = arith.constant 1.44269502 : f32
    %mul3A_1275 = vector.broadcast %mul3A_1274 : f32 to vector<64x128xf32>
    %mul3A_1276 = arith.mulf %get3A_1262, %mul3A_1275 : vector<64x128xf32>
    %exp23A_1277 = math.exp2 %mul3A_1276 : vector<64x128xf32>
    %add3A_1278 = arith.addf %add3A_1259, %exp23A_1277 : vector<64x128xf32>
    %get3A_1279 = arith.constant 64 : index
    %get3A_1280 = arith.constant 3968 : index
    %get3A_1281 = vector.load %arg1[%get3A_1279, %get3A_1280] : memref<256x4096xf32, #tpu.memory_space<vmem>>, vector<64x128xf32>
    %min3A_1282 = arith.minimumf %max3A_1265, %get3A_1281 : vector<64x128xf32>
    %max3A_1283 = arith.maximumf %max3A_1264, %min3A_1282 : vector<64x128xf32>
    %max3A_1284 = arith.maximumf %max3A_1265, %get3A_1281 : vector<64x128xf32>
    %eq3A_1285 = arith.constant 31 : i32
    %eq3A_1286 = vector.broadcast %eq3A_1285 : i32 to vector<64x1xi32>
    %eq3A_1287 = arith.cmpi eq, %shift_right_logical3A_689, %eq3A_1286 : vector<64x1xi32>
    %convert_element_type3A_1288 = arith.extui %eq3A_1287 : vector<64x1xi1> to vector<64x1xi32>
    %convert_element_type3A_1289 = arith.sitofp %convert_element_type3A_1288 : vector<64x1xi32> to vector<64x1xf32>
    %mul3A_1290 = vector.broadcast %convert_element_type3A_1289 : vector<64x1xf32> to vector<64x128xf32>
    %mul3A_1291 = arith.mulf %get3A_1281, %mul3A_1290 : vector<64x128xf32>
    %add3A_1292 = arith.addf %add3A_1273, %mul3A_1291 : vector<64x128xf32>
    %mul3A_1293 = arith.constant 1.44269502 : f32
    %mul3A_1294 = vector.broadcast %mul3A_1293 : f32 to vector<64x128xf32>
    %mul3A_1295 = arith.mulf %get3A_1281, %mul3A_1294 : vector<64x128xf32>
    %exp23A_1296 = math.exp2 %mul3A_1295 : vector<64x128xf32>
    %add3A_1297 = arith.addf %add3A_1278, %exp23A_1296 : vector<64x128xf32>
    %reduce_max3A_1298 = arith.constant dense<0xFF800000> : vector<64xf32>
    %reduce_max3A_1299 = vector.multi_reduction <maximumf>, %max3A_1284, %reduce_max3A_1298 [1] : vector<64x128xf32> to vector<64xf32>
    %broadcast_in_dim3A_1300 = vector.shape_cast %reduce_max3A_1299 : vector<64xf32> to vector<64x1xf32>
    %reduce_sum3A_1301 = arith.constant dense<0.000000e+00> : vector<64xf32>
    %reduce_sum3A_1302 = vector.multi_reduction <add>, %add3A_1297, %reduce_sum3A_1301 [1] : vector<64x128xf32> to vector<64xf32>
    %broadcast_in_dim3A_1303 = vector.shape_cast %reduce_sum3A_1302 : vector<64xf32> to vector<64x1xf32>
    %log3A_1304 = math.log %broadcast_in_dim3A_1303 : vector<64x1xf32>
    %eq3A_1305 = vector.broadcast %and3A_692 : vector<64x1xi32> to vector<64x128xi32>
    %eq3A_1306 = arith.cmpi eq, %iota3A, %eq3A_1305 : vector<64x128xi32>
    %jit3A_1307 = arith.constant 0.000000e+00 : f32
    %broadcast_in_dim3A_1308 = vector.broadcast %jit3A_1307 : f32 to vector<64x128xf32>
    %select_n3A_1309 = arith.select %eq3A_1306, %add3A_1292, %broadcast_in_dim3A_1308 : vector<64x128xi1>, vector<64x128xf32>
    %reduce_sum3A_1310 = arith.constant dense<0.000000e+00> : vector<64xf32>
    %reduce_sum3A_1311 = vector.multi_reduction <add>, %select_n3A_1309, %reduce_sum3A_1310 [1] : vector<64x128xf32> to vector<64xf32>
    %broadcast_in_dim3A_1312 = vector.shape_cast %reduce_sum3A_1311 : vector<64xf32> to vector<64x1xf32>
    %lt3A_1313 = vector.broadcast %broadcast_in_dim3A_1300 : vector<64x1xf32> to vector<64x128xf32>
    %lt3A_1314 = arith.cmpf olt, %max3A_1284, %lt3A_1313 : vector<64x128xf32>
    %jit3A_1315 = arith.constant 0xFF800000 : f32
    %broadcast_in_dim3A_1316 = vector.broadcast %jit3A_1315 : f32 to vector<64x128xf32>
    %select_n3A_1317 = arith.select %lt3A_1314, %max3A_1284, %broadcast_in_dim3A_1316 : vector<64x128xi1>, vector<64x128xf32>
    %reduce_max3A_1318 = arith.constant dense<0xFF800000> : vector<64xf32>
    %reduce_max3A_1319 = vector.multi_reduction <maximumf>, %select_n3A_1317, %reduce_max3A_1318 [1] : vector<64x128xf32> to vector<64xf32>
    %broadcast_in_dim3A_1320 = vector.shape_cast %reduce_max3A_1319 : vector<64xf32> to vector<64x1xf32>
    %reduce_max3A_1321 = arith.constant dense<0xFF800000> : vector<64xf32>
    %reduce_max3A_1322 = vector.multi_reduction <maximumf>, %max3A_1283, %reduce_max3A_1321 [1] : vector<64x128xf32> to vector<64xf32>
    %broadcast_in_dim3A_1323 = vector.shape_cast %reduce_max3A_1322 : vector<64xf32> to vector<64x1xf32>
    %max3A_1324 = arith.maximumf %broadcast_in_dim3A_1320, %broadcast_in_dim3A_1323 : vector<64x1xf32>
    %lt3A_1325 = vector.broadcast %max3A_1324 : vector<64x1xf32> to vector<64x128xf32>
    %lt3A_1326 = arith.cmpf olt, %max3A_1284, %lt3A_1325 : vector<64x128xf32>
    %jit3A_1327 = arith.constant 0xFF800000 : f32
    %broadcast_in_dim3A_1328 = vector.broadcast %jit3A_1327 : f32 to vector<64x128xf32>
    %select_n3A_1329 = arith.select %lt3A_1326, %max3A_1284, %broadcast_in_dim3A_1328 : vector<64x128xi1>, vector<64x128xf32>
    %reduce_max3A_1330 = arith.constant dense<0xFF800000> : vector<64xf32>
    %reduce_max3A_1331 = vector.multi_reduction <maximumf>, %select_n3A_1329, %reduce_max3A_1330 [1] : vector<64x128xf32> to vector<64xf32>
    %broadcast_in_dim3A_1332 = vector.shape_cast %reduce_max3A_1331 : vector<64xf32> to vector<64x1xf32>
    %lt3A_1333 = vector.broadcast %max3A_1324 : vector<64x1xf32> to vector<64x128xf32>
    %lt3A_1334 = arith.cmpf olt, %max3A_1283, %lt3A_1333 : vector<64x128xf32>
    %jit3A_1335 = arith.constant 0xFF800000 : f32
    %broadcast_in_dim3A_1336 = vector.broadcast %jit3A_1335 : f32 to vector<64x128xf32>
    %select_n3A_1337 = arith.select %lt3A_1334, %max3A_1283, %broadcast_in_dim3A_1336 : vector<64x128xi1>, vector<64x128xf32>
    %reduce_max3A_1338 = arith.constant dense<0xFF800000> : vector<64xf32>
    %reduce_max3A_1339 = vector.multi_reduction <maximumf>, %select_n3A_1337, %reduce_max3A_1338 [1] : vector<64x128xf32> to vector<64xf32>
    %broadcast_in_dim3A_1340 = vector.shape_cast %reduce_max3A_1339 : vector<64xf32> to vector<64x1xf32>
    %max3A_1341 = arith.maximumf %broadcast_in_dim3A_1332, %broadcast_in_dim3A_1340 : vector<64x1xf32>
    %mul3A_1342 = arith.constant 256 : i32
    %mul3A_1343 = arith.muli %arg0, %mul3A_1342 : i32
    %add3A_1344 = arith.constant 64 : i32
    %add3A_1345 = arith.addi %mul3A_1343, %add3A_1344 : i32
    %iota3A_1346 = tpu.iota {dimensions = array<i32: 0>} : vector<64x1xi32>
    %add3A_1347 = vector.broadcast %add3A_1345 : i32 to vector<64x1xi32>
    %add3A_1348 = arith.addi %add3A_1347, %iota3A_1346 : vector<64x1xi32>
    %eq3A_1349 = arith.cmpf oeq, %get3A_686, %broadcast_in_dim3A_1300 : vector<64x1xf32>
    %eq3A_1350 = arith.cmpf oeq, %get3A_686, %max3A_1324 : vector<64x1xf32>
    %select_n3A_1351 = arith.select %eq3A_1349, %max3A_1324, %broadcast_in_dim3A_1300 : vector<64x1xi1>, vector<64x1xf32>
    %or3A_1352 = arith.ori %eq3A_1349, %eq3A_1350 : vector<64x1xi1>
    %select_n3A_1353 = arith.select %or3A_1352, %max3A_1341, %max3A_1324 : vector<64x1xi1>, vector<64x1xf32>
    %ne3A_1354 = arith.cmpi ne, %get3A_683, %add3A_1348 : vector<64x1xi32>
    %ne3A_1355 = arith.cmpf one, %broadcast_in_dim3A_1312, %select_n3A_1351 : vector<64x1xf32>
    %and3A_1356 = arith.andi %ne3A_1354, %ne3A_1355 : vector<64x1xi1>
    %ne3A_1357 = arith.cmpf one, %broadcast_in_dim3A_1312, %select_n3A_1353 : vector<64x1xf32>
    %and3A_1358 = arith.andi %and3A_1356, %ne3A_1357 : vector<64x1xi1>
    %convert_element_type3A_1359 = arith.extui %and3A_1358 : vector<64x1xi1> to vector<64x1xi32>
    %convert_element_type3A_1360 = arith.sitofp %convert_element_type3A_1359 : vector<64x1xi32> to vector<64x1xf32>
    %add3A_1361 = arith.constant 1.000000e+00 : f32
    %add3A_1362 = vector.broadcast %add3A_1361 : f32 to vector<64x1xf32>
    %add3A_1363 = arith.addf %add3A_1362, %convert_element_type3A_1360 : vector<64x1xf32>
    %mul3A_1364 = arith.mulf %log3A_1304, %add3A_1363 : vector<64x1xf32>
    %mul3A_1365 = arith.constant 0.699999988 : f32
    %mul3A_1366 = vector.broadcast %mul3A_1365 : f32 to vector<64x1xf32>
    %mul3A_1367 = arith.mulf %mul3A_1366, %get3A_686 : vector<64x1xf32>
    %mul3A_1368 = arith.constant 2.000000e-01 : f32
    %mul3A_1369 = vector.broadcast %mul3A_1368 : f32 to vector<64x1xf32>
    %mul3A_1370 = arith.mulf %mul3A_1369, %select_n3A_1351 : vector<64x1xf32>
    %add3A_1371 = arith.addf %mul3A_1367, %mul3A_1370 : vector<64x1xf32>
    %mul3A_1372 = arith.constant 1.000000e-01 : f32
    %mul3A_1373 = vector.broadcast %mul3A_1372 : f32 to vector<64x1xf32>
    %mul3A_1374 = arith.mulf %mul3A_1373, %select_n3A_1353 : vector<64x1xf32>
    %add3A_1375 = arith.addf %add3A_1371, %mul3A_1374 : vector<64x1xf32>
    %mul3A_1376 = arith.mulf %convert_element_type3A_1360, %broadcast_in_dim3A_1312 : vector<64x1xf32>
    %add3A_1377 = arith.addf %add3A_1375, %mul3A_1376 : vector<64x1xf32>
    %sub3A_1378 = arith.subf %mul3A_1364, %add3A_1377 : vector<64x1xf32>
    %reduce_sum3A_1379 = arith.constant dense<0.000000e+00> : vector<1xf32>
    %reduce_sum3A_1380 = vector.multi_reduction <add>, %sub3A_1378, %reduce_sum3A_1379 [0] : vector<64x1xf32> to vector<1xf32>
    %broadcast_in_dim3A_1381 = vector.shape_cast %reduce_sum3A_1380 : vector<1xf32> to vector<1x1xf32>
    %add3A_1382 = arith.addf %broadcast_in_dim3A_680, %broadcast_in_dim3A_1381 : vector<1x1xf32>
    %get3A_1383 = arith.constant 128 : index
    %get3A_1384 = arith.constant 0 : index
    %get3A_1385 = vector.load %arg2[%get3A_1383, %get3A_1384] : memref<256x1xi32, #tpu.memory_space<vmem>>, vector<64x1xi32>
    %get3A_1386 = arith.constant 128 : index
    %get3A_1387 = arith.constant 0 : index
    %get3A_1388 = vector.load %arg3[%get3A_1386, %get3A_1387] : memref<256x1xf32, #tpu.memory_space<vmem>>, vector<64x1xf32>
    %shift_right_logical3A_1389 = arith.constant 7 : i32
    %shift_right_logical3A_1390 = vector.broadcast %shift_right_logical3A_1389 : i32 to vector<64x1xi32>
    %shift_right_logical3A_1391 = arith.shrui %get3A_1385, %shift_right_logical3A_1390 : vector<64x1xi32>
    %and3A_1392 = arith.constant 127 : i32
    %and3A_1393 = vector.broadcast %and3A_1392 : i32 to vector<64x1xi32>
    %and3A_1394 = arith.andi %get3A_1385, %and3A_1393 : vector<64x1xi32>
    %get3A_1395 = arith.constant 128 : index
    %get3A_1396 = arith.constant 0 : index
    %get3A_1397 = vector.load %arg1[%get3A_1395, %get3A_1396] : memref<256x4096xf32, #tpu.memory_space<vmem>>, vector<64x128xf32>
    %eq3A_1398 = arith.constant 0 : i32
    %eq3A_1399 = vector.broadcast %eq3A_1398 : i32 to vector<64x1xi32>
    %eq3A_1400 = arith.cmpi eq, %shift_right_logical3A_1391, %eq3A_1399 : vector<64x1xi32>
    %convert_element_type3A_1401 = arith.extui %eq3A_1400 : vector<64x1xi1> to vector<64x1xi32>
    %convert_element_type3A_1402 = arith.sitofp %convert_element_type3A_1401 : vector<64x1xi32> to vector<64x1xf32>
    %mul3A_1403 = vector.broadcast %convert_element_type3A_1402 : vector<64x1xf32> to vector<64x128xf32>
    %mul3A_1404 = arith.mulf %get3A_1397, %mul3A_1403 : vector<64x128xf32>
    %broadcast_in_dim3A_1405 = arith.constant 0xFF800000 : f32
    %broadcast_in_dim3A_1406 = vector.broadcast %broadcast_in_dim3A_1405 : f32 to vector<64x128xf32>
    %mul3A_1407 = arith.constant 1.44269502 : f32
    %mul3A_1408 = vector.broadcast %mul3A_1407 : f32 to vector<64x128xf32>
    %mul3A_1409 = arith.mulf %get3A_1397, %mul3A_1408 : vector<64x128xf32>
    %exp23A_1410 = math.exp2 %mul3A_1409 : vector<64x128xf32>
    %get3A_1411 = arith.constant 128 : index
    %get3A_1412 = arith.constant 128 : index
    %get3A_1413 = vector.load %arg1[%get3A_1411, %get3A_1412] : memref<256x4096xf32, #tpu.memory_space<vmem>>, vector<64x128xf32>
    %min3A_1414 = arith.minimumf %get3A_1397, %get3A_1413 : vector<64x128xf32>
    %max3A_1415 = arith.maximumf %broadcast_in_dim3A_1406, %min3A_1414 : vector<64x128xf32>
    %max3A_1416 = arith.maximumf %get3A_1397, %get3A_1413 : vector<64x128xf32>
    %eq3A_1417 = arith.constant 1 : i32
    %eq3A_1418 = vector.broadcast %eq3A_1417 : i32 to vector<64x1xi32>
    %eq3A_1419 = arith.cmpi eq, %shift_right_logical3A_1391, %eq3A_1418 : vector<64x1xi32>
    %convert_element_type3A_1420 = arith.extui %eq3A_1419 : vector<64x1xi1> to vector<64x1xi32>
    %convert_element_type3A_1421 = arith.sitofp %convert_element_type3A_1420 : vector<64x1xi32> to vector<64x1xf32>
    %mul3A_1422 = vector.broadcast %convert_element_type3A_1421 : vector<64x1xf32> to vector<64x128xf32>
    %mul3A_1423 = arith.mulf %get3A_1413, %mul3A_1422 : vector<64x128xf32>
    %add3A_1424 = arith.addf %mul3A_1404, %mul3A_1423 : vector<64x128xf32>
    %mul3A_1425 = arith.constant 1.44269502 : f32
    %mul3A_1426 = vector.broadcast %mul3A_1425 : f32 to vector<64x128xf32>
    %mul3A_1427 = arith.mulf %get3A_1413, %mul3A_1426 : vector<64x128xf32>
    %exp23A_1428 = math.exp2 %mul3A_1427 : vector<64x128xf32>
    %add3A_1429 = arith.addf %exp23A_1410, %exp23A_1428 : vector<64x128xf32>
    %get3A_1430 = arith.constant 128 : index
    %get3A_1431 = arith.constant 256 : index
    %get3A_1432 = vector.load %arg1[%get3A_1430, %get3A_1431] : memref<256x4096xf32, #tpu.memory_space<vmem>>, vector<64x128xf32>
    %min3A_1433 = arith.minimumf %max3A_1416, %get3A_1432 : vector<64x128xf32>
    %max3A_1434 = arith.maximumf %max3A_1415, %min3A_1433 : vector<64x128xf32>
    %max3A_1435 = arith.maximumf %max3A_1416, %get3A_1432 : vector<64x128xf32>
    %eq3A_1436 = arith.constant 2 : i32
    %eq3A_1437 = vector.broadcast %eq3A_1436 : i32 to vector<64x1xi32>
    %eq3A_1438 = arith.cmpi eq, %shift_right_logical3A_1391, %eq3A_1437 : vector<64x1xi32>
    %convert_element_type3A_1439 = arith.extui %eq3A_1438 : vector<64x1xi1> to vector<64x1xi32>
    %convert_element_type3A_1440 = arith.sitofp %convert_element_type3A_1439 : vector<64x1xi32> to vector<64x1xf32>
    %mul3A_1441 = vector.broadcast %convert_element_type3A_1440 : vector<64x1xf32> to vector<64x128xf32>
    %mul3A_1442 = arith.mulf %get3A_1432, %mul3A_1441 : vector<64x128xf32>
    %add3A_1443 = arith.addf %add3A_1424, %mul3A_1442 : vector<64x128xf32>
    %mul3A_1444 = arith.constant 1.44269502 : f32
    %mul3A_1445 = vector.broadcast %mul3A_1444 : f32 to vector<64x128xf32>
    %mul3A_1446 = arith.mulf %get3A_1432, %mul3A_1445 : vector<64x128xf32>
    %exp23A_1447 = math.exp2 %mul3A_1446 : vector<64x128xf32>
    %add3A_1448 = arith.addf %add3A_1429, %exp23A_1447 : vector<64x128xf32>
    %get3A_1449 = arith.constant 128 : index
    %get3A_1450 = arith.constant 384 : index
    %get3A_1451 = vector.load %arg1[%get3A_1449, %get3A_1450] : memref<256x4096xf32, #tpu.memory_space<vmem>>, vector<64x128xf32>
    %min3A_1452 = arith.minimumf %max3A_1435, %get3A_1451 : vector<64x128xf32>
    %max3A_1453 = arith.maximumf %max3A_1434, %min3A_1452 : vector<64x128xf32>
    %max3A_1454 = arith.maximumf %max3A_1435, %get3A_1451 : vector<64x128xf32>
    %eq3A_1455 = arith.constant 3 : i32
    %eq3A_1456 = vector.broadcast %eq3A_1455 : i32 to vector<64x1xi32>
    %eq3A_1457 = arith.cmpi eq, %shift_right_logical3A_1391, %eq3A_1456 : vector<64x1xi32>
    %convert_element_type3A_1458 = arith.extui %eq3A_1457 : vector<64x1xi1> to vector<64x1xi32>
    %convert_element_type3A_1459 = arith.sitofp %convert_element_type3A_1458 : vector<64x1xi32> to vector<64x1xf32>
    %mul3A_1460 = vector.broadcast %convert_element_type3A_1459 : vector<64x1xf32> to vector<64x128xf32>
    %mul3A_1461 = arith.mulf %get3A_1451, %mul3A_1460 : vector<64x128xf32>
    %add3A_1462 = arith.addf %add3A_1443, %mul3A_1461 : vector<64x128xf32>
    %mul3A_1463 = arith.constant 1.44269502 : f32
    %mul3A_1464 = vector.broadcast %mul3A_1463 : f32 to vector<64x128xf32>
    %mul3A_1465 = arith.mulf %get3A_1451, %mul3A_1464 : vector<64x128xf32>
    %exp23A_1466 = math.exp2 %mul3A_1465 : vector<64x128xf32>
    %add3A_1467 = arith.addf %add3A_1448, %exp23A_1466 : vector<64x128xf32>
    %get3A_1468 = arith.constant 128 : index
    %get3A_1469 = arith.constant 512 : index
    %get3A_1470 = vector.load %arg1[%get3A_1468, %get3A_1469] : memref<256x4096xf32, #tpu.memory_space<vmem>>, vector<64x128xf32>
    %min3A_1471 = arith.minimumf %max3A_1454, %get3A_1470 : vector<64x128xf32>
    %max3A_1472 = arith.maximumf %max3A_1453, %min3A_1471 : vector<64x128xf32>
    %max3A_1473 = arith.maximumf %max3A_1454, %get3A_1470 : vector<64x128xf32>
    %eq3A_1474 = arith.constant 4 : i32
    %eq3A_1475 = vector.broadcast %eq3A_1474 : i32 to vector<64x1xi32>
    %eq3A_1476 = arith.cmpi eq, %shift_right_logical3A_1391, %eq3A_1475 : vector<64x1xi32>
    %convert_element_type3A_1477 = arith.extui %eq3A_1476 : vector<64x1xi1> to vector<64x1xi32>
    %convert_element_type3A_1478 = arith.sitofp %convert_element_type3A_1477 : vector<64x1xi32> to vector<64x1xf32>
    %mul3A_1479 = vector.broadcast %convert_element_type3A_1478 : vector<64x1xf32> to vector<64x128xf32>
    %mul3A_1480 = arith.mulf %get3A_1470, %mul3A_1479 : vector<64x128xf32>
    %add3A_1481 = arith.addf %add3A_1462, %mul3A_1480 : vector<64x128xf32>
    %mul3A_1482 = arith.constant 1.44269502 : f32
    %mul3A_1483 = vector.broadcast %mul3A_1482 : f32 to vector<64x128xf32>
    %mul3A_1484 = arith.mulf %get3A_1470, %mul3A_1483 : vector<64x128xf32>
    %exp23A_1485 = math.exp2 %mul3A_1484 : vector<64x128xf32>
    %add3A_1486 = arith.addf %add3A_1467, %exp23A_1485 : vector<64x128xf32>
    %get3A_1487 = arith.constant 128 : index
    %get3A_1488 = arith.constant 640 : index
    %get3A_1489 = vector.load %arg1[%get3A_1487, %get3A_1488] : memref<256x4096xf32, #tpu.memory_space<vmem>>, vector<64x128xf32>
    %min3A_1490 = arith.minimumf %max3A_1473, %get3A_1489 : vector<64x128xf32>
    %max3A_1491 = arith.maximumf %max3A_1472, %min3A_1490 : vector<64x128xf32>
    %max3A_1492 = arith.maximumf %max3A_1473, %get3A_1489 : vector<64x128xf32>
    %eq3A_1493 = arith.constant 5 : i32
    %eq3A_1494 = vector.broadcast %eq3A_1493 : i32 to vector<64x1xi32>
    %eq3A_1495 = arith.cmpi eq, %shift_right_logical3A_1391, %eq3A_1494 : vector<64x1xi32>
    %convert_element_type3A_1496 = arith.extui %eq3A_1495 : vector<64x1xi1> to vector<64x1xi32>
    %convert_element_type3A_1497 = arith.sitofp %convert_element_type3A_1496 : vector<64x1xi32> to vector<64x1xf32>
    %mul3A_1498 = vector.broadcast %convert_element_type3A_1497 : vector<64x1xf32> to vector<64x128xf32>
    %mul3A_1499 = arith.mulf %get3A_1489, %mul3A_1498 : vector<64x128xf32>
    %add3A_1500 = arith.addf %add3A_1481, %mul3A_1499 : vector<64x128xf32>
    %mul3A_1501 = arith.constant 1.44269502 : f32
    %mul3A_1502 = vector.broadcast %mul3A_1501 : f32 to vector<64x128xf32>
    %mul3A_1503 = arith.mulf %get3A_1489, %mul3A_1502 : vector<64x128xf32>
    %exp23A_1504 = math.exp2 %mul3A_1503 : vector<64x128xf32>
    %add3A_1505 = arith.addf %add3A_1486, %exp23A_1504 : vector<64x128xf32>
    %get3A_1506 = arith.constant 128 : index
    %get3A_1507 = arith.constant 768 : index
    %get3A_1508 = vector.load %arg1[%get3A_1506, %get3A_1507] : memref<256x4096xf32, #tpu.memory_space<vmem>>, vector<64x128xf32>
    %min3A_1509 = arith.minimumf %max3A_1492, %get3A_1508 : vector<64x128xf32>
    %max3A_1510 = arith.maximumf %max3A_1491, %min3A_1509 : vector<64x128xf32>
    %max3A_1511 = arith.maximumf %max3A_1492, %get3A_1508 : vector<64x128xf32>
    %eq3A_1512 = arith.constant 6 : i32
    %eq3A_1513 = vector.broadcast %eq3A_1512 : i32 to vector<64x1xi32>
    %eq3A_1514 = arith.cmpi eq, %shift_right_logical3A_1391, %eq3A_1513 : vector<64x1xi32>
    %convert_element_type3A_1515 = arith.extui %eq3A_1514 : vector<64x1xi1> to vector<64x1xi32>
    %convert_element_type3A_1516 = arith.sitofp %convert_element_type3A_1515 : vector<64x1xi32> to vector<64x1xf32>
    %mul3A_1517 = vector.broadcast %convert_element_type3A_1516 : vector<64x1xf32> to vector<64x128xf32>
    %mul3A_1518 = arith.mulf %get3A_1508, %mul3A_1517 : vector<64x128xf32>
    %add3A_1519 = arith.addf %add3A_1500, %mul3A_1518 : vector<64x128xf32>
    %mul3A_1520 = arith.constant 1.44269502 : f32
    %mul3A_1521 = vector.broadcast %mul3A_1520 : f32 to vector<64x128xf32>
    %mul3A_1522 = arith.mulf %get3A_1508, %mul3A_1521 : vector<64x128xf32>
    %exp23A_1523 = math.exp2 %mul3A_1522 : vector<64x128xf32>
    %add3A_1524 = arith.addf %add3A_1505, %exp23A_1523 : vector<64x128xf32>
    %get3A_1525 = arith.constant 128 : index
    %get3A_1526 = arith.constant 896 : index
    %get3A_1527 = vector.load %arg1[%get3A_1525, %get3A_1526] : memref<256x4096xf32, #tpu.memory_space<vmem>>, vector<64x128xf32>
    %min3A_1528 = arith.minimumf %max3A_1511, %get3A_1527 : vector<64x128xf32>
    %max3A_1529 = arith.maximumf %max3A_1510, %min3A_1528 : vector<64x128xf32>
    %max3A_1530 = arith.maximumf %max3A_1511, %get3A_1527 : vector<64x128xf32>
    %eq3A_1531 = arith.constant 7 : i32
    %eq3A_1532 = vector.broadcast %eq3A_1531 : i32 to vector<64x1xi32>
    %eq3A_1533 = arith.cmpi eq, %shift_right_logical3A_1391, %eq3A_1532 : vector<64x1xi32>
    %convert_element_type3A_1534 = arith.extui %eq3A_1533 : vector<64x1xi1> to vector<64x1xi32>
    %convert_element_type3A_1535 = arith.sitofp %convert_element_type3A_1534 : vector<64x1xi32> to vector<64x1xf32>
    %mul3A_1536 = vector.broadcast %convert_element_type3A_1535 : vector<64x1xf32> to vector<64x128xf32>
    %mul3A_1537 = arith.mulf %get3A_1527, %mul3A_1536 : vector<64x128xf32>
    %add3A_1538 = arith.addf %add3A_1519, %mul3A_1537 : vector<64x128xf32>
    %mul3A_1539 = arith.constant 1.44269502 : f32
    %mul3A_1540 = vector.broadcast %mul3A_1539 : f32 to vector<64x128xf32>
    %mul3A_1541 = arith.mulf %get3A_1527, %mul3A_1540 : vector<64x128xf32>
    %exp23A_1542 = math.exp2 %mul3A_1541 : vector<64x128xf32>
    %add3A_1543 = arith.addf %add3A_1524, %exp23A_1542 : vector<64x128xf32>
    %get3A_1544 = arith.constant 128 : index
    %get3A_1545 = arith.constant 1024 : index
    %get3A_1546 = vector.load %arg1[%get3A_1544, %get3A_1545] : memref<256x4096xf32, #tpu.memory_space<vmem>>, vector<64x128xf32>
    %min3A_1547 = arith.minimumf %max3A_1530, %get3A_1546 : vector<64x128xf32>
    %max3A_1548 = arith.maximumf %max3A_1529, %min3A_1547 : vector<64x128xf32>
    %max3A_1549 = arith.maximumf %max3A_1530, %get3A_1546 : vector<64x128xf32>
    %eq3A_1550 = arith.constant 8 : i32
    %eq3A_1551 = vector.broadcast %eq3A_1550 : i32 to vector<64x1xi32>
    %eq3A_1552 = arith.cmpi eq, %shift_right_logical3A_1391, %eq3A_1551 : vector<64x1xi32>
    %convert_element_type3A_1553 = arith.extui %eq3A_1552 : vector<64x1xi1> to vector<64x1xi32>
    %convert_element_type3A_1554 = arith.sitofp %convert_element_type3A_1553 : vector<64x1xi32> to vector<64x1xf32>
    %mul3A_1555 = vector.broadcast %convert_element_type3A_1554 : vector<64x1xf32> to vector<64x128xf32>
    %mul3A_1556 = arith.mulf %get3A_1546, %mul3A_1555 : vector<64x128xf32>
    %add3A_1557 = arith.addf %add3A_1538, %mul3A_1556 : vector<64x128xf32>
    %mul3A_1558 = arith.constant 1.44269502 : f32
    %mul3A_1559 = vector.broadcast %mul3A_1558 : f32 to vector<64x128xf32>
    %mul3A_1560 = arith.mulf %get3A_1546, %mul3A_1559 : vector<64x128xf32>
    %exp23A_1561 = math.exp2 %mul3A_1560 : vector<64x128xf32>
    %add3A_1562 = arith.addf %add3A_1543, %exp23A_1561 : vector<64x128xf32>
    %get3A_1563 = arith.constant 128 : index
    %get3A_1564 = arith.constant 1152 : index
    %get3A_1565 = vector.load %arg1[%get3A_1563, %get3A_1564] : memref<256x4096xf32, #tpu.memory_space<vmem>>, vector<64x128xf32>
    %min3A_1566 = arith.minimumf %max3A_1549, %get3A_1565 : vector<64x128xf32>
    %max3A_1567 = arith.maximumf %max3A_1548, %min3A_1566 : vector<64x128xf32>
    %max3A_1568 = arith.maximumf %max3A_1549, %get3A_1565 : vector<64x128xf32>
    %eq3A_1569 = arith.constant 9 : i32
    %eq3A_1570 = vector.broadcast %eq3A_1569 : i32 to vector<64x1xi32>
    %eq3A_1571 = arith.cmpi eq, %shift_right_logical3A_1391, %eq3A_1570 : vector<64x1xi32>
    %convert_element_type3A_1572 = arith.extui %eq3A_1571 : vector<64x1xi1> to vector<64x1xi32>
    %convert_element_type3A_1573 = arith.sitofp %convert_element_type3A_1572 : vector<64x1xi32> to vector<64x1xf32>
    %mul3A_1574 = vector.broadcast %convert_element_type3A_1573 : vector<64x1xf32> to vector<64x128xf32>
    %mul3A_1575 = arith.mulf %get3A_1565, %mul3A_1574 : vector<64x128xf32>
    %add3A_1576 = arith.addf %add3A_1557, %mul3A_1575 : vector<64x128xf32>
    %mul3A_1577 = arith.constant 1.44269502 : f32
    %mul3A_1578 = vector.broadcast %mul3A_1577 : f32 to vector<64x128xf32>
    %mul3A_1579 = arith.mulf %get3A_1565, %mul3A_1578 : vector<64x128xf32>
    %exp23A_1580 = math.exp2 %mul3A_1579 : vector<64x128xf32>
    %add3A_1581 = arith.addf %add3A_1562, %exp23A_1580 : vector<64x128xf32>
    %get3A_1582 = arith.constant 128 : index
    %get3A_1583 = arith.constant 1280 : index
    %get3A_1584 = vector.load %arg1[%get3A_1582, %get3A_1583] : memref<256x4096xf32, #tpu.memory_space<vmem>>, vector<64x128xf32>
    %min3A_1585 = arith.minimumf %max3A_1568, %get3A_1584 : vector<64x128xf32>
    %max3A_1586 = arith.maximumf %max3A_1567, %min3A_1585 : vector<64x128xf32>
    %max3A_1587 = arith.maximumf %max3A_1568, %get3A_1584 : vector<64x128xf32>
    %eq3A_1588 = arith.constant 10 : i32
    %eq3A_1589 = vector.broadcast %eq3A_1588 : i32 to vector<64x1xi32>
    %eq3A_1590 = arith.cmpi eq, %shift_right_logical3A_1391, %eq3A_1589 : vector<64x1xi32>
    %convert_element_type3A_1591 = arith.extui %eq3A_1590 : vector<64x1xi1> to vector<64x1xi32>
    %convert_element_type3A_1592 = arith.sitofp %convert_element_type3A_1591 : vector<64x1xi32> to vector<64x1xf32>
    %mul3A_1593 = vector.broadcast %convert_element_type3A_1592 : vector<64x1xf32> to vector<64x128xf32>
    %mul3A_1594 = arith.mulf %get3A_1584, %mul3A_1593 : vector<64x128xf32>
    %add3A_1595 = arith.addf %add3A_1576, %mul3A_1594 : vector<64x128xf32>
    %mul3A_1596 = arith.constant 1.44269502 : f32
    %mul3A_1597 = vector.broadcast %mul3A_1596 : f32 to vector<64x128xf32>
    %mul3A_1598 = arith.mulf %get3A_1584, %mul3A_1597 : vector<64x128xf32>
    %exp23A_1599 = math.exp2 %mul3A_1598 : vector<64x128xf32>
    %add3A_1600 = arith.addf %add3A_1581, %exp23A_1599 : vector<64x128xf32>
    %get3A_1601 = arith.constant 128 : index
    %get3A_1602 = arith.constant 1408 : index
    %get3A_1603 = vector.load %arg1[%get3A_1601, %get3A_1602] : memref<256x4096xf32, #tpu.memory_space<vmem>>, vector<64x128xf32>
    %min3A_1604 = arith.minimumf %max3A_1587, %get3A_1603 : vector<64x128xf32>
    %max3A_1605 = arith.maximumf %max3A_1586, %min3A_1604 : vector<64x128xf32>
    %max3A_1606 = arith.maximumf %max3A_1587, %get3A_1603 : vector<64x128xf32>
    %eq3A_1607 = arith.constant 11 : i32
    %eq3A_1608 = vector.broadcast %eq3A_1607 : i32 to vector<64x1xi32>
    %eq3A_1609 = arith.cmpi eq, %shift_right_logical3A_1391, %eq3A_1608 : vector<64x1xi32>
    %convert_element_type3A_1610 = arith.extui %eq3A_1609 : vector<64x1xi1> to vector<64x1xi32>
    %convert_element_type3A_1611 = arith.sitofp %convert_element_type3A_1610 : vector<64x1xi32> to vector<64x1xf32>
    %mul3A_1612 = vector.broadcast %convert_element_type3A_1611 : vector<64x1xf32> to vector<64x128xf32>
    %mul3A_1613 = arith.mulf %get3A_1603, %mul3A_1612 : vector<64x128xf32>
    %add3A_1614 = arith.addf %add3A_1595, %mul3A_1613 : vector<64x128xf32>
    %mul3A_1615 = arith.constant 1.44269502 : f32
    %mul3A_1616 = vector.broadcast %mul3A_1615 : f32 to vector<64x128xf32>
    %mul3A_1617 = arith.mulf %get3A_1603, %mul3A_1616 : vector<64x128xf32>
    %exp23A_1618 = math.exp2 %mul3A_1617 : vector<64x128xf32>
    %add3A_1619 = arith.addf %add3A_1600, %exp23A_1618 : vector<64x128xf32>
    %get3A_1620 = arith.constant 128 : index
    %get3A_1621 = arith.constant 1536 : index
    %get3A_1622 = vector.load %arg1[%get3A_1620, %get3A_1621] : memref<256x4096xf32, #tpu.memory_space<vmem>>, vector<64x128xf32>
    %min3A_1623 = arith.minimumf %max3A_1606, %get3A_1622 : vector<64x128xf32>
    %max3A_1624 = arith.maximumf %max3A_1605, %min3A_1623 : vector<64x128xf32>
    %max3A_1625 = arith.maximumf %max3A_1606, %get3A_1622 : vector<64x128xf32>
    %eq3A_1626 = arith.constant 12 : i32
    %eq3A_1627 = vector.broadcast %eq3A_1626 : i32 to vector<64x1xi32>
    %eq3A_1628 = arith.cmpi eq, %shift_right_logical3A_1391, %eq3A_1627 : vector<64x1xi32>
    %convert_element_type3A_1629 = arith.extui %eq3A_1628 : vector<64x1xi1> to vector<64x1xi32>
    %convert_element_type3A_1630 = arith.sitofp %convert_element_type3A_1629 : vector<64x1xi32> to vector<64x1xf32>
    %mul3A_1631 = vector.broadcast %convert_element_type3A_1630 : vector<64x1xf32> to vector<64x128xf32>
    %mul3A_1632 = arith.mulf %get3A_1622, %mul3A_1631 : vector<64x128xf32>
    %add3A_1633 = arith.addf %add3A_1614, %mul3A_1632 : vector<64x128xf32>
    %mul3A_1634 = arith.constant 1.44269502 : f32
    %mul3A_1635 = vector.broadcast %mul3A_1634 : f32 to vector<64x128xf32>
    %mul3A_1636 = arith.mulf %get3A_1622, %mul3A_1635 : vector<64x128xf32>
    %exp23A_1637 = math.exp2 %mul3A_1636 : vector<64x128xf32>
    %add3A_1638 = arith.addf %add3A_1619, %exp23A_1637 : vector<64x128xf32>
    %get3A_1639 = arith.constant 128 : index
    %get3A_1640 = arith.constant 1664 : index
    %get3A_1641 = vector.load %arg1[%get3A_1639, %get3A_1640] : memref<256x4096xf32, #tpu.memory_space<vmem>>, vector<64x128xf32>
    %min3A_1642 = arith.minimumf %max3A_1625, %get3A_1641 : vector<64x128xf32>
    %max3A_1643 = arith.maximumf %max3A_1624, %min3A_1642 : vector<64x128xf32>
    %max3A_1644 = arith.maximumf %max3A_1625, %get3A_1641 : vector<64x128xf32>
    %eq3A_1645 = arith.constant 13 : i32
    %eq3A_1646 = vector.broadcast %eq3A_1645 : i32 to vector<64x1xi32>
    %eq3A_1647 = arith.cmpi eq, %shift_right_logical3A_1391, %eq3A_1646 : vector<64x1xi32>
    %convert_element_type3A_1648 = arith.extui %eq3A_1647 : vector<64x1xi1> to vector<64x1xi32>
    %convert_element_type3A_1649 = arith.sitofp %convert_element_type3A_1648 : vector<64x1xi32> to vector<64x1xf32>
    %mul3A_1650 = vector.broadcast %convert_element_type3A_1649 : vector<64x1xf32> to vector<64x128xf32>
    %mul3A_1651 = arith.mulf %get3A_1641, %mul3A_1650 : vector<64x128xf32>
    %add3A_1652 = arith.addf %add3A_1633, %mul3A_1651 : vector<64x128xf32>
    %mul3A_1653 = arith.constant 1.44269502 : f32
    %mul3A_1654 = vector.broadcast %mul3A_1653 : f32 to vector<64x128xf32>
    %mul3A_1655 = arith.mulf %get3A_1641, %mul3A_1654 : vector<64x128xf32>
    %exp23A_1656 = math.exp2 %mul3A_1655 : vector<64x128xf32>
    %add3A_1657 = arith.addf %add3A_1638, %exp23A_1656 : vector<64x128xf32>
    %get3A_1658 = arith.constant 128 : index
    %get3A_1659 = arith.constant 1792 : index
    %get3A_1660 = vector.load %arg1[%get3A_1658, %get3A_1659] : memref<256x4096xf32, #tpu.memory_space<vmem>>, vector<64x128xf32>
    %min3A_1661 = arith.minimumf %max3A_1644, %get3A_1660 : vector<64x128xf32>
    %max3A_1662 = arith.maximumf %max3A_1643, %min3A_1661 : vector<64x128xf32>
    %max3A_1663 = arith.maximumf %max3A_1644, %get3A_1660 : vector<64x128xf32>
    %eq3A_1664 = arith.constant 14 : i32
    %eq3A_1665 = vector.broadcast %eq3A_1664 : i32 to vector<64x1xi32>
    %eq3A_1666 = arith.cmpi eq, %shift_right_logical3A_1391, %eq3A_1665 : vector<64x1xi32>
    %convert_element_type3A_1667 = arith.extui %eq3A_1666 : vector<64x1xi1> to vector<64x1xi32>
    %convert_element_type3A_1668 = arith.sitofp %convert_element_type3A_1667 : vector<64x1xi32> to vector<64x1xf32>
    %mul3A_1669 = vector.broadcast %convert_element_type3A_1668 : vector<64x1xf32> to vector<64x128xf32>
    %mul3A_1670 = arith.mulf %get3A_1660, %mul3A_1669 : vector<64x128xf32>
    %add3A_1671 = arith.addf %add3A_1652, %mul3A_1670 : vector<64x128xf32>
    %mul3A_1672 = arith.constant 1.44269502 : f32
    %mul3A_1673 = vector.broadcast %mul3A_1672 : f32 to vector<64x128xf32>
    %mul3A_1674 = arith.mulf %get3A_1660, %mul3A_1673 : vector<64x128xf32>
    %exp23A_1675 = math.exp2 %mul3A_1674 : vector<64x128xf32>
    %add3A_1676 = arith.addf %add3A_1657, %exp23A_1675 : vector<64x128xf32>
    %get3A_1677 = arith.constant 128 : index
    %get3A_1678 = arith.constant 1920 : index
    %get3A_1679 = vector.load %arg1[%get3A_1677, %get3A_1678] : memref<256x4096xf32, #tpu.memory_space<vmem>>, vector<64x128xf32>
    %min3A_1680 = arith.minimumf %max3A_1663, %get3A_1679 : vector<64x128xf32>
    %max3A_1681 = arith.maximumf %max3A_1662, %min3A_1680 : vector<64x128xf32>
    %max3A_1682 = arith.maximumf %max3A_1663, %get3A_1679 : vector<64x128xf32>
    %eq3A_1683 = arith.constant 15 : i32
    %eq3A_1684 = vector.broadcast %eq3A_1683 : i32 to vector<64x1xi32>
    %eq3A_1685 = arith.cmpi eq, %shift_right_logical3A_1391, %eq3A_1684 : vector<64x1xi32>
    %convert_element_type3A_1686 = arith.extui %eq3A_1685 : vector<64x1xi1> to vector<64x1xi32>
    %convert_element_type3A_1687 = arith.sitofp %convert_element_type3A_1686 : vector<64x1xi32> to vector<64x1xf32>
    %mul3A_1688 = vector.broadcast %convert_element_type3A_1687 : vector<64x1xf32> to vector<64x128xf32>
    %mul3A_1689 = arith.mulf %get3A_1679, %mul3A_1688 : vector<64x128xf32>
    %add3A_1690 = arith.addf %add3A_1671, %mul3A_1689 : vector<64x128xf32>
    %mul3A_1691 = arith.constant 1.44269502 : f32
    %mul3A_1692 = vector.broadcast %mul3A_1691 : f32 to vector<64x128xf32>
    %mul3A_1693 = arith.mulf %get3A_1679, %mul3A_1692 : vector<64x128xf32>
    %exp23A_1694 = math.exp2 %mul3A_1693 : vector<64x128xf32>
    %add3A_1695 = arith.addf %add3A_1676, %exp23A_1694 : vector<64x128xf32>
    %get3A_1696 = arith.constant 128 : index
    %get3A_1697 = arith.constant 2048 : index
    %get3A_1698 = vector.load %arg1[%get3A_1696, %get3A_1697] : memref<256x4096xf32, #tpu.memory_space<vmem>>, vector<64x128xf32>
    %min3A_1699 = arith.minimumf %max3A_1682, %get3A_1698 : vector<64x128xf32>
    %max3A_1700 = arith.maximumf %max3A_1681, %min3A_1699 : vector<64x128xf32>
    %max3A_1701 = arith.maximumf %max3A_1682, %get3A_1698 : vector<64x128xf32>
    %eq3A_1702 = arith.constant 16 : i32
    %eq3A_1703 = vector.broadcast %eq3A_1702 : i32 to vector<64x1xi32>
    %eq3A_1704 = arith.cmpi eq, %shift_right_logical3A_1391, %eq3A_1703 : vector<64x1xi32>
    %convert_element_type3A_1705 = arith.extui %eq3A_1704 : vector<64x1xi1> to vector<64x1xi32>
    %convert_element_type3A_1706 = arith.sitofp %convert_element_type3A_1705 : vector<64x1xi32> to vector<64x1xf32>
    %mul3A_1707 = vector.broadcast %convert_element_type3A_1706 : vector<64x1xf32> to vector<64x128xf32>
    %mul3A_1708 = arith.mulf %get3A_1698, %mul3A_1707 : vector<64x128xf32>
    %add3A_1709 = arith.addf %add3A_1690, %mul3A_1708 : vector<64x128xf32>
    %mul3A_1710 = arith.constant 1.44269502 : f32
    %mul3A_1711 = vector.broadcast %mul3A_1710 : f32 to vector<64x128xf32>
    %mul3A_1712 = arith.mulf %get3A_1698, %mul3A_1711 : vector<64x128xf32>
    %exp23A_1713 = math.exp2 %mul3A_1712 : vector<64x128xf32>
    %add3A_1714 = arith.addf %add3A_1695, %exp23A_1713 : vector<64x128xf32>
    %get3A_1715 = arith.constant 128 : index
    %get3A_1716 = arith.constant 2176 : index
    %get3A_1717 = vector.load %arg1[%get3A_1715, %get3A_1716] : memref<256x4096xf32, #tpu.memory_space<vmem>>, vector<64x128xf32>
    %min3A_1718 = arith.minimumf %max3A_1701, %get3A_1717 : vector<64x128xf32>
    %max3A_1719 = arith.maximumf %max3A_1700, %min3A_1718 : vector<64x128xf32>
    %max3A_1720 = arith.maximumf %max3A_1701, %get3A_1717 : vector<64x128xf32>
    %eq3A_1721 = arith.constant 17 : i32
    %eq3A_1722 = vector.broadcast %eq3A_1721 : i32 to vector<64x1xi32>
    %eq3A_1723 = arith.cmpi eq, %shift_right_logical3A_1391, %eq3A_1722 : vector<64x1xi32>
    %convert_element_type3A_1724 = arith.extui %eq3A_1723 : vector<64x1xi1> to vector<64x1xi32>
    %convert_element_type3A_1725 = arith.sitofp %convert_element_type3A_1724 : vector<64x1xi32> to vector<64x1xf32>
    %mul3A_1726 = vector.broadcast %convert_element_type3A_1725 : vector<64x1xf32> to vector<64x128xf32>
    %mul3A_1727 = arith.mulf %get3A_1717, %mul3A_1726 : vector<64x128xf32>
    %add3A_1728 = arith.addf %add3A_1709, %mul3A_1727 : vector<64x128xf32>
    %mul3A_1729 = arith.constant 1.44269502 : f32
    %mul3A_1730 = vector.broadcast %mul3A_1729 : f32 to vector<64x128xf32>
    %mul3A_1731 = arith.mulf %get3A_1717, %mul3A_1730 : vector<64x128xf32>
    %exp23A_1732 = math.exp2 %mul3A_1731 : vector<64x128xf32>
    %add3A_1733 = arith.addf %add3A_1714, %exp23A_1732 : vector<64x128xf32>
    %get3A_1734 = arith.constant 128 : index
    %get3A_1735 = arith.constant 2304 : index
    %get3A_1736 = vector.load %arg1[%get3A_1734, %get3A_1735] : memref<256x4096xf32, #tpu.memory_space<vmem>>, vector<64x128xf32>
    %min3A_1737 = arith.minimumf %max3A_1720, %get3A_1736 : vector<64x128xf32>
    %max3A_1738 = arith.maximumf %max3A_1719, %min3A_1737 : vector<64x128xf32>
    %max3A_1739 = arith.maximumf %max3A_1720, %get3A_1736 : vector<64x128xf32>
    %eq3A_1740 = arith.constant 18 : i32
    %eq3A_1741 = vector.broadcast %eq3A_1740 : i32 to vector<64x1xi32>
    %eq3A_1742 = arith.cmpi eq, %shift_right_logical3A_1391, %eq3A_1741 : vector<64x1xi32>
    %convert_element_type3A_1743 = arith.extui %eq3A_1742 : vector<64x1xi1> to vector<64x1xi32>
    %convert_element_type3A_1744 = arith.sitofp %convert_element_type3A_1743 : vector<64x1xi32> to vector<64x1xf32>
    %mul3A_1745 = vector.broadcast %convert_element_type3A_1744 : vector<64x1xf32> to vector<64x128xf32>
    %mul3A_1746 = arith.mulf %get3A_1736, %mul3A_1745 : vector<64x128xf32>
    %add3A_1747 = arith.addf %add3A_1728, %mul3A_1746 : vector<64x128xf32>
    %mul3A_1748 = arith.constant 1.44269502 : f32
    %mul3A_1749 = vector.broadcast %mul3A_1748 : f32 to vector<64x128xf32>
    %mul3A_1750 = arith.mulf %get3A_1736, %mul3A_1749 : vector<64x128xf32>
    %exp23A_1751 = math.exp2 %mul3A_1750 : vector<64x128xf32>
    %add3A_1752 = arith.addf %add3A_1733, %exp23A_1751 : vector<64x128xf32>
    %get3A_1753 = arith.constant 128 : index
    %get3A_1754 = arith.constant 2432 : index
    %get3A_1755 = vector.load %arg1[%get3A_1753, %get3A_1754] : memref<256x4096xf32, #tpu.memory_space<vmem>>, vector<64x128xf32>
    %min3A_1756 = arith.minimumf %max3A_1739, %get3A_1755 : vector<64x128xf32>
    %max3A_1757 = arith.maximumf %max3A_1738, %min3A_1756 : vector<64x128xf32>
    %max3A_1758 = arith.maximumf %max3A_1739, %get3A_1755 : vector<64x128xf32>
    %eq3A_1759 = arith.constant 19 : i32
    %eq3A_1760 = vector.broadcast %eq3A_1759 : i32 to vector<64x1xi32>
    %eq3A_1761 = arith.cmpi eq, %shift_right_logical3A_1391, %eq3A_1760 : vector<64x1xi32>
    %convert_element_type3A_1762 = arith.extui %eq3A_1761 : vector<64x1xi1> to vector<64x1xi32>
    %convert_element_type3A_1763 = arith.sitofp %convert_element_type3A_1762 : vector<64x1xi32> to vector<64x1xf32>
    %mul3A_1764 = vector.broadcast %convert_element_type3A_1763 : vector<64x1xf32> to vector<64x128xf32>
    %mul3A_1765 = arith.mulf %get3A_1755, %mul3A_1764 : vector<64x128xf32>
    %add3A_1766 = arith.addf %add3A_1747, %mul3A_1765 : vector<64x128xf32>
    %mul3A_1767 = arith.constant 1.44269502 : f32
    %mul3A_1768 = vector.broadcast %mul3A_1767 : f32 to vector<64x128xf32>
    %mul3A_1769 = arith.mulf %get3A_1755, %mul3A_1768 : vector<64x128xf32>
    %exp23A_1770 = math.exp2 %mul3A_1769 : vector<64x128xf32>
    %add3A_1771 = arith.addf %add3A_1752, %exp23A_1770 : vector<64x128xf32>
    %get3A_1772 = arith.constant 128 : index
    %get3A_1773 = arith.constant 2560 : index
    %get3A_1774 = vector.load %arg1[%get3A_1772, %get3A_1773] : memref<256x4096xf32, #tpu.memory_space<vmem>>, vector<64x128xf32>
    %min3A_1775 = arith.minimumf %max3A_1758, %get3A_1774 : vector<64x128xf32>
    %max3A_1776 = arith.maximumf %max3A_1757, %min3A_1775 : vector<64x128xf32>
    %max3A_1777 = arith.maximumf %max3A_1758, %get3A_1774 : vector<64x128xf32>
    %eq3A_1778 = arith.constant 20 : i32
    %eq3A_1779 = vector.broadcast %eq3A_1778 : i32 to vector<64x1xi32>
    %eq3A_1780 = arith.cmpi eq, %shift_right_logical3A_1391, %eq3A_1779 : vector<64x1xi32>
    %convert_element_type3A_1781 = arith.extui %eq3A_1780 : vector<64x1xi1> to vector<64x1xi32>
    %convert_element_type3A_1782 = arith.sitofp %convert_element_type3A_1781 : vector<64x1xi32> to vector<64x1xf32>
    %mul3A_1783 = vector.broadcast %convert_element_type3A_1782 : vector<64x1xf32> to vector<64x128xf32>
    %mul3A_1784 = arith.mulf %get3A_1774, %mul3A_1783 : vector<64x128xf32>
    %add3A_1785 = arith.addf %add3A_1766, %mul3A_1784 : vector<64x128xf32>
    %mul3A_1786 = arith.constant 1.44269502 : f32
    %mul3A_1787 = vector.broadcast %mul3A_1786 : f32 to vector<64x128xf32>
    %mul3A_1788 = arith.mulf %get3A_1774, %mul3A_1787 : vector<64x128xf32>
    %exp23A_1789 = math.exp2 %mul3A_1788 : vector<64x128xf32>
    %add3A_1790 = arith.addf %add3A_1771, %exp23A_1789 : vector<64x128xf32>
    %get3A_1791 = arith.constant 128 : index
    %get3A_1792 = arith.constant 2688 : index
    %get3A_1793 = vector.load %arg1[%get3A_1791, %get3A_1792] : memref<256x4096xf32, #tpu.memory_space<vmem>>, vector<64x128xf32>
    %min3A_1794 = arith.minimumf %max3A_1777, %get3A_1793 : vector<64x128xf32>
    %max3A_1795 = arith.maximumf %max3A_1776, %min3A_1794 : vector<64x128xf32>
    %max3A_1796 = arith.maximumf %max3A_1777, %get3A_1793 : vector<64x128xf32>
    %eq3A_1797 = arith.constant 21 : i32
    %eq3A_1798 = vector.broadcast %eq3A_1797 : i32 to vector<64x1xi32>
    %eq3A_1799 = arith.cmpi eq, %shift_right_logical3A_1391, %eq3A_1798 : vector<64x1xi32>
    %convert_element_type3A_1800 = arith.extui %eq3A_1799 : vector<64x1xi1> to vector<64x1xi32>
    %convert_element_type3A_1801 = arith.sitofp %convert_element_type3A_1800 : vector<64x1xi32> to vector<64x1xf32>
    %mul3A_1802 = vector.broadcast %convert_element_type3A_1801 : vector<64x1xf32> to vector<64x128xf32>
    %mul3A_1803 = arith.mulf %get3A_1793, %mul3A_1802 : vector<64x128xf32>
    %add3A_1804 = arith.addf %add3A_1785, %mul3A_1803 : vector<64x128xf32>
    %mul3A_1805 = arith.constant 1.44269502 : f32
    %mul3A_1806 = vector.broadcast %mul3A_1805 : f32 to vector<64x128xf32>
    %mul3A_1807 = arith.mulf %get3A_1793, %mul3A_1806 : vector<64x128xf32>
    %exp23A_1808 = math.exp2 %mul3A_1807 : vector<64x128xf32>
    %add3A_1809 = arith.addf %add3A_1790, %exp23A_1808 : vector<64x128xf32>
    %get3A_1810 = arith.constant 128 : index
    %get3A_1811 = arith.constant 2816 : index
    %get3A_1812 = vector.load %arg1[%get3A_1810, %get3A_1811] : memref<256x4096xf32, #tpu.memory_space<vmem>>, vector<64x128xf32>
    %min3A_1813 = arith.minimumf %max3A_1796, %get3A_1812 : vector<64x128xf32>
    %max3A_1814 = arith.maximumf %max3A_1795, %min3A_1813 : vector<64x128xf32>
    %max3A_1815 = arith.maximumf %max3A_1796, %get3A_1812 : vector<64x128xf32>
    %eq3A_1816 = arith.constant 22 : i32
    %eq3A_1817 = vector.broadcast %eq3A_1816 : i32 to vector<64x1xi32>
    %eq3A_1818 = arith.cmpi eq, %shift_right_logical3A_1391, %eq3A_1817 : vector<64x1xi32>
    %convert_element_type3A_1819 = arith.extui %eq3A_1818 : vector<64x1xi1> to vector<64x1xi32>
    %convert_element_type3A_1820 = arith.sitofp %convert_element_type3A_1819 : vector<64x1xi32> to vector<64x1xf32>
    %mul3A_1821 = vector.broadcast %convert_element_type3A_1820 : vector<64x1xf32> to vector<64x128xf32>
    %mul3A_1822 = arith.mulf %get3A_1812, %mul3A_1821 : vector<64x128xf32>
    %add3A_1823 = arith.addf %add3A_1804, %mul3A_1822 : vector<64x128xf32>
    %mul3A_1824 = arith.constant 1.44269502 : f32
    %mul3A_1825 = vector.broadcast %mul3A_1824 : f32 to vector<64x128xf32>
    %mul3A_1826 = arith.mulf %get3A_1812, %mul3A_1825 : vector<64x128xf32>
    %exp23A_1827 = math.exp2 %mul3A_1826 : vector<64x128xf32>
    %add3A_1828 = arith.addf %add3A_1809, %exp23A_1827 : vector<64x128xf32>
    %get3A_1829 = arith.constant 128 : index
    %get3A_1830 = arith.constant 2944 : index
    %get3A_1831 = vector.load %arg1[%get3A_1829, %get3A_1830] : memref<256x4096xf32, #tpu.memory_space<vmem>>, vector<64x128xf32>
    %min3A_1832 = arith.minimumf %max3A_1815, %get3A_1831 : vector<64x128xf32>
    %max3A_1833 = arith.maximumf %max3A_1814, %min3A_1832 : vector<64x128xf32>
    %max3A_1834 = arith.maximumf %max3A_1815, %get3A_1831 : vector<64x128xf32>
    %eq3A_1835 = arith.constant 23 : i32
    %eq3A_1836 = vector.broadcast %eq3A_1835 : i32 to vector<64x1xi32>
    %eq3A_1837 = arith.cmpi eq, %shift_right_logical3A_1391, %eq3A_1836 : vector<64x1xi32>
    %convert_element_type3A_1838 = arith.extui %eq3A_1837 : vector<64x1xi1> to vector<64x1xi32>
    %convert_element_type3A_1839 = arith.sitofp %convert_element_type3A_1838 : vector<64x1xi32> to vector<64x1xf32>
    %mul3A_1840 = vector.broadcast %convert_element_type3A_1839 : vector<64x1xf32> to vector<64x128xf32>
    %mul3A_1841 = arith.mulf %get3A_1831, %mul3A_1840 : vector<64x128xf32>
    %add3A_1842 = arith.addf %add3A_1823, %mul3A_1841 : vector<64x128xf32>
    %mul3A_1843 = arith.constant 1.44269502 : f32
    %mul3A_1844 = vector.broadcast %mul3A_1843 : f32 to vector<64x128xf32>
    %mul3A_1845 = arith.mulf %get3A_1831, %mul3A_1844 : vector<64x128xf32>
    %exp23A_1846 = math.exp2 %mul3A_1845 : vector<64x128xf32>
    %add3A_1847 = arith.addf %add3A_1828, %exp23A_1846 : vector<64x128xf32>
    %get3A_1848 = arith.constant 128 : index
    %get3A_1849 = arith.constant 3072 : index
    %get3A_1850 = vector.load %arg1[%get3A_1848, %get3A_1849] : memref<256x4096xf32, #tpu.memory_space<vmem>>, vector<64x128xf32>
    %min3A_1851 = arith.minimumf %max3A_1834, %get3A_1850 : vector<64x128xf32>
    %max3A_1852 = arith.maximumf %max3A_1833, %min3A_1851 : vector<64x128xf32>
    %max3A_1853 = arith.maximumf %max3A_1834, %get3A_1850 : vector<64x128xf32>
    %eq3A_1854 = arith.constant 24 : i32
    %eq3A_1855 = vector.broadcast %eq3A_1854 : i32 to vector<64x1xi32>
    %eq3A_1856 = arith.cmpi eq, %shift_right_logical3A_1391, %eq3A_1855 : vector<64x1xi32>
    %convert_element_type3A_1857 = arith.extui %eq3A_1856 : vector<64x1xi1> to vector<64x1xi32>
    %convert_element_type3A_1858 = arith.sitofp %convert_element_type3A_1857 : vector<64x1xi32> to vector<64x1xf32>
    %mul3A_1859 = vector.broadcast %convert_element_type3A_1858 : vector<64x1xf32> to vector<64x128xf32>
    %mul3A_1860 = arith.mulf %get3A_1850, %mul3A_1859 : vector<64x128xf32>
    %add3A_1861 = arith.addf %add3A_1842, %mul3A_1860 : vector<64x128xf32>
    %mul3A_1862 = arith.constant 1.44269502 : f32
    %mul3A_1863 = vector.broadcast %mul3A_1862 : f32 to vector<64x128xf32>
    %mul3A_1864 = arith.mulf %get3A_1850, %mul3A_1863 : vector<64x128xf32>
    %exp23A_1865 = math.exp2 %mul3A_1864 : vector<64x128xf32>
    %add3A_1866 = arith.addf %add3A_1847, %exp23A_1865 : vector<64x128xf32>
    %get3A_1867 = arith.constant 128 : index
    %get3A_1868 = arith.constant 3200 : index
    %get3A_1869 = vector.load %arg1[%get3A_1867, %get3A_1868] : memref<256x4096xf32, #tpu.memory_space<vmem>>, vector<64x128xf32>
    %min3A_1870 = arith.minimumf %max3A_1853, %get3A_1869 : vector<64x128xf32>
    %max3A_1871 = arith.maximumf %max3A_1852, %min3A_1870 : vector<64x128xf32>
    %max3A_1872 = arith.maximumf %max3A_1853, %get3A_1869 : vector<64x128xf32>
    %eq3A_1873 = arith.constant 25 : i32
    %eq3A_1874 = vector.broadcast %eq3A_1873 : i32 to vector<64x1xi32>
    %eq3A_1875 = arith.cmpi eq, %shift_right_logical3A_1391, %eq3A_1874 : vector<64x1xi32>
    %convert_element_type3A_1876 = arith.extui %eq3A_1875 : vector<64x1xi1> to vector<64x1xi32>
    %convert_element_type3A_1877 = arith.sitofp %convert_element_type3A_1876 : vector<64x1xi32> to vector<64x1xf32>
    %mul3A_1878 = vector.broadcast %convert_element_type3A_1877 : vector<64x1xf32> to vector<64x128xf32>
    %mul3A_1879 = arith.mulf %get3A_1869, %mul3A_1878 : vector<64x128xf32>
    %add3A_1880 = arith.addf %add3A_1861, %mul3A_1879 : vector<64x128xf32>
    %mul3A_1881 = arith.constant 1.44269502 : f32
    %mul3A_1882 = vector.broadcast %mul3A_1881 : f32 to vector<64x128xf32>
    %mul3A_1883 = arith.mulf %get3A_1869, %mul3A_1882 : vector<64x128xf32>
    %exp23A_1884 = math.exp2 %mul3A_1883 : vector<64x128xf32>
    %add3A_1885 = arith.addf %add3A_1866, %exp23A_1884 : vector<64x128xf32>
    %get3A_1886 = arith.constant 128 : index
    %get3A_1887 = arith.constant 3328 : index
    %get3A_1888 = vector.load %arg1[%get3A_1886, %get3A_1887] : memref<256x4096xf32, #tpu.memory_space<vmem>>, vector<64x128xf32>
    %min3A_1889 = arith.minimumf %max3A_1872, %get3A_1888 : vector<64x128xf32>
    %max3A_1890 = arith.maximumf %max3A_1871, %min3A_1889 : vector<64x128xf32>
    %max3A_1891 = arith.maximumf %max3A_1872, %get3A_1888 : vector<64x128xf32>
    %eq3A_1892 = arith.constant 26 : i32
    %eq3A_1893 = vector.broadcast %eq3A_1892 : i32 to vector<64x1xi32>
    %eq3A_1894 = arith.cmpi eq, %shift_right_logical3A_1391, %eq3A_1893 : vector<64x1xi32>
    %convert_element_type3A_1895 = arith.extui %eq3A_1894 : vector<64x1xi1> to vector<64x1xi32>
    %convert_element_type3A_1896 = arith.sitofp %convert_element_type3A_1895 : vector<64x1xi32> to vector<64x1xf32>
    %mul3A_1897 = vector.broadcast %convert_element_type3A_1896 : vector<64x1xf32> to vector<64x128xf32>
    %mul3A_1898 = arith.mulf %get3A_1888, %mul3A_1897 : vector<64x128xf32>
    %add3A_1899 = arith.addf %add3A_1880, %mul3A_1898 : vector<64x128xf32>
    %mul3A_1900 = arith.constant 1.44269502 : f32
    %mul3A_1901 = vector.broadcast %mul3A_1900 : f32 to vector<64x128xf32>
    %mul3A_1902 = arith.mulf %get3A_1888, %mul3A_1901 : vector<64x128xf32>
    %exp23A_1903 = math.exp2 %mul3A_1902 : vector<64x128xf32>
    %add3A_1904 = arith.addf %add3A_1885, %exp23A_1903 : vector<64x128xf32>
    %get3A_1905 = arith.constant 128 : index
    %get3A_1906 = arith.constant 3456 : index
    %get3A_1907 = vector.load %arg1[%get3A_1905, %get3A_1906] : memref<256x4096xf32, #tpu.memory_space<vmem>>, vector<64x128xf32>
    %min3A_1908 = arith.minimumf %max3A_1891, %get3A_1907 : vector<64x128xf32>
    %max3A_1909 = arith.maximumf %max3A_1890, %min3A_1908 : vector<64x128xf32>
    %max3A_1910 = arith.maximumf %max3A_1891, %get3A_1907 : vector<64x128xf32>
    %eq3A_1911 = arith.constant 27 : i32
    %eq3A_1912 = vector.broadcast %eq3A_1911 : i32 to vector<64x1xi32>
    %eq3A_1913 = arith.cmpi eq, %shift_right_logical3A_1391, %eq3A_1912 : vector<64x1xi32>
    %convert_element_type3A_1914 = arith.extui %eq3A_1913 : vector<64x1xi1> to vector<64x1xi32>
    %convert_element_type3A_1915 = arith.sitofp %convert_element_type3A_1914 : vector<64x1xi32> to vector<64x1xf32>
    %mul3A_1916 = vector.broadcast %convert_element_type3A_1915 : vector<64x1xf32> to vector<64x128xf32>
    %mul3A_1917 = arith.mulf %get3A_1907, %mul3A_1916 : vector<64x128xf32>
    %add3A_1918 = arith.addf %add3A_1899, %mul3A_1917 : vector<64x128xf32>
    %mul3A_1919 = arith.constant 1.44269502 : f32
    %mul3A_1920 = vector.broadcast %mul3A_1919 : f32 to vector<64x128xf32>
    %mul3A_1921 = arith.mulf %get3A_1907, %mul3A_1920 : vector<64x128xf32>
    %exp23A_1922 = math.exp2 %mul3A_1921 : vector<64x128xf32>
    %add3A_1923 = arith.addf %add3A_1904, %exp23A_1922 : vector<64x128xf32>
    %get3A_1924 = arith.constant 128 : index
    %get3A_1925 = arith.constant 3584 : index
    %get3A_1926 = vector.load %arg1[%get3A_1924, %get3A_1925] : memref<256x4096xf32, #tpu.memory_space<vmem>>, vector<64x128xf32>
    %min3A_1927 = arith.minimumf %max3A_1910, %get3A_1926 : vector<64x128xf32>
    %max3A_1928 = arith.maximumf %max3A_1909, %min3A_1927 : vector<64x128xf32>
    %max3A_1929 = arith.maximumf %max3A_1910, %get3A_1926 : vector<64x128xf32>
    %eq3A_1930 = arith.constant 28 : i32
    %eq3A_1931 = vector.broadcast %eq3A_1930 : i32 to vector<64x1xi32>
    %eq3A_1932 = arith.cmpi eq, %shift_right_logical3A_1391, %eq3A_1931 : vector<64x1xi32>
    %convert_element_type3A_1933 = arith.extui %eq3A_1932 : vector<64x1xi1> to vector<64x1xi32>
    %convert_element_type3A_1934 = arith.sitofp %convert_element_type3A_1933 : vector<64x1xi32> to vector<64x1xf32>
    %mul3A_1935 = vector.broadcast %convert_element_type3A_1934 : vector<64x1xf32> to vector<64x128xf32>
    %mul3A_1936 = arith.mulf %get3A_1926, %mul3A_1935 : vector<64x128xf32>
    %add3A_1937 = arith.addf %add3A_1918, %mul3A_1936 : vector<64x128xf32>
    %mul3A_1938 = arith.constant 1.44269502 : f32
    %mul3A_1939 = vector.broadcast %mul3A_1938 : f32 to vector<64x128xf32>
    %mul3A_1940 = arith.mulf %get3A_1926, %mul3A_1939 : vector<64x128xf32>
    %exp23A_1941 = math.exp2 %mul3A_1940 : vector<64x128xf32>
    %add3A_1942 = arith.addf %add3A_1923, %exp23A_1941 : vector<64x128xf32>
    %get3A_1943 = arith.constant 128 : index
    %get3A_1944 = arith.constant 3712 : index
    %get3A_1945 = vector.load %arg1[%get3A_1943, %get3A_1944] : memref<256x4096xf32, #tpu.memory_space<vmem>>, vector<64x128xf32>
    %min3A_1946 = arith.minimumf %max3A_1929, %get3A_1945 : vector<64x128xf32>
    %max3A_1947 = arith.maximumf %max3A_1928, %min3A_1946 : vector<64x128xf32>
    %max3A_1948 = arith.maximumf %max3A_1929, %get3A_1945 : vector<64x128xf32>
    %eq3A_1949 = arith.constant 29 : i32
    %eq3A_1950 = vector.broadcast %eq3A_1949 : i32 to vector<64x1xi32>
    %eq3A_1951 = arith.cmpi eq, %shift_right_logical3A_1391, %eq3A_1950 : vector<64x1xi32>
    %convert_element_type3A_1952 = arith.extui %eq3A_1951 : vector<64x1xi1> to vector<64x1xi32>
    %convert_element_type3A_1953 = arith.sitofp %convert_element_type3A_1952 : vector<64x1xi32> to vector<64x1xf32>
    %mul3A_1954 = vector.broadcast %convert_element_type3A_1953 : vector<64x1xf32> to vector<64x128xf32>
    %mul3A_1955 = arith.mulf %get3A_1945, %mul3A_1954 : vector<64x128xf32>
    %add3A_1956 = arith.addf %add3A_1937, %mul3A_1955 : vector<64x128xf32>
    %mul3A_1957 = arith.constant 1.44269502 : f32
    %mul3A_1958 = vector.broadcast %mul3A_1957 : f32 to vector<64x128xf32>
    %mul3A_1959 = arith.mulf %get3A_1945, %mul3A_1958 : vector<64x128xf32>
    %exp23A_1960 = math.exp2 %mul3A_1959 : vector<64x128xf32>
    %add3A_1961 = arith.addf %add3A_1942, %exp23A_1960 : vector<64x128xf32>
    %get3A_1962 = arith.constant 128 : index
    %get3A_1963 = arith.constant 3840 : index
    %get3A_1964 = vector.load %arg1[%get3A_1962, %get3A_1963] : memref<256x4096xf32, #tpu.memory_space<vmem>>, vector<64x128xf32>
    %min3A_1965 = arith.minimumf %max3A_1948, %get3A_1964 : vector<64x128xf32>
    %max3A_1966 = arith.maximumf %max3A_1947, %min3A_1965 : vector<64x128xf32>
    %max3A_1967 = arith.maximumf %max3A_1948, %get3A_1964 : vector<64x128xf32>
    %eq3A_1968 = arith.constant 30 : i32
    %eq3A_1969 = vector.broadcast %eq3A_1968 : i32 to vector<64x1xi32>
    %eq3A_1970 = arith.cmpi eq, %shift_right_logical3A_1391, %eq3A_1969 : vector<64x1xi32>
    %convert_element_type3A_1971 = arith.extui %eq3A_1970 : vector<64x1xi1> to vector<64x1xi32>
    %convert_element_type3A_1972 = arith.sitofp %convert_element_type3A_1971 : vector<64x1xi32> to vector<64x1xf32>
    %mul3A_1973 = vector.broadcast %convert_element_type3A_1972 : vector<64x1xf32> to vector<64x128xf32>
    %mul3A_1974 = arith.mulf %get3A_1964, %mul3A_1973 : vector<64x128xf32>
    %add3A_1975 = arith.addf %add3A_1956, %mul3A_1974 : vector<64x128xf32>
    %mul3A_1976 = arith.constant 1.44269502 : f32
    %mul3A_1977 = vector.broadcast %mul3A_1976 : f32 to vector<64x128xf32>
    %mul3A_1978 = arith.mulf %get3A_1964, %mul3A_1977 : vector<64x128xf32>
    %exp23A_1979 = math.exp2 %mul3A_1978 : vector<64x128xf32>
    %add3A_1980 = arith.addf %add3A_1961, %exp23A_1979 : vector<64x128xf32>
    %get3A_1981 = arith.constant 128 : index
    %get3A_1982 = arith.constant 3968 : index
    %get3A_1983 = vector.load %arg1[%get3A_1981, %get3A_1982] : memref<256x4096xf32, #tpu.memory_space<vmem>>, vector<64x128xf32>
    %min3A_1984 = arith.minimumf %max3A_1967, %get3A_1983 : vector<64x128xf32>
    %max3A_1985 = arith.maximumf %max3A_1966, %min3A_1984 : vector<64x128xf32>
    %max3A_1986 = arith.maximumf %max3A_1967, %get3A_1983 : vector<64x128xf32>
    %eq3A_1987 = arith.constant 31 : i32
    %eq3A_1988 = vector.broadcast %eq3A_1987 : i32 to vector<64x1xi32>
    %eq3A_1989 = arith.cmpi eq, %shift_right_logical3A_1391, %eq3A_1988 : vector<64x1xi32>
    %convert_element_type3A_1990 = arith.extui %eq3A_1989 : vector<64x1xi1> to vector<64x1xi32>
    %convert_element_type3A_1991 = arith.sitofp %convert_element_type3A_1990 : vector<64x1xi32> to vector<64x1xf32>
    %mul3A_1992 = vector.broadcast %convert_element_type3A_1991 : vector<64x1xf32> to vector<64x128xf32>
    %mul3A_1993 = arith.mulf %get3A_1983, %mul3A_1992 : vector<64x128xf32>
    %add3A_1994 = arith.addf %add3A_1975, %mul3A_1993 : vector<64x128xf32>
    %mul3A_1995 = arith.constant 1.44269502 : f32
    %mul3A_1996 = vector.broadcast %mul3A_1995 : f32 to vector<64x128xf32>
    %mul3A_1997 = arith.mulf %get3A_1983, %mul3A_1996 : vector<64x128xf32>
    %exp23A_1998 = math.exp2 %mul3A_1997 : vector<64x128xf32>
    %add3A_1999 = arith.addf %add3A_1980, %exp23A_1998 : vector<64x128xf32>
    %reduce_max3A_2000 = arith.constant dense<0xFF800000> : vector<64xf32>
    %reduce_max3A_2001 = vector.multi_reduction <maximumf>, %max3A_1986, %reduce_max3A_2000 [1] : vector<64x128xf32> to vector<64xf32>
    %broadcast_in_dim3A_2002 = vector.shape_cast %reduce_max3A_2001 : vector<64xf32> to vector<64x1xf32>
    %reduce_sum3A_2003 = arith.constant dense<0.000000e+00> : vector<64xf32>
    %reduce_sum3A_2004 = vector.multi_reduction <add>, %add3A_1999, %reduce_sum3A_2003 [1] : vector<64x128xf32> to vector<64xf32>
    %broadcast_in_dim3A_2005 = vector.shape_cast %reduce_sum3A_2004 : vector<64xf32> to vector<64x1xf32>
    %log3A_2006 = math.log %broadcast_in_dim3A_2005 : vector<64x1xf32>
    %eq3A_2007 = vector.broadcast %and3A_1394 : vector<64x1xi32> to vector<64x128xi32>
    %eq3A_2008 = arith.cmpi eq, %iota3A, %eq3A_2007 : vector<64x128xi32>
    %jit3A_2009 = arith.constant 0.000000e+00 : f32
    %broadcast_in_dim3A_2010 = vector.broadcast %jit3A_2009 : f32 to vector<64x128xf32>
    %select_n3A_2011 = arith.select %eq3A_2008, %add3A_1994, %broadcast_in_dim3A_2010 : vector<64x128xi1>, vector<64x128xf32>
    %reduce_sum3A_2012 = arith.constant dense<0.000000e+00> : vector<64xf32>
    %reduce_sum3A_2013 = vector.multi_reduction <add>, %select_n3A_2011, %reduce_sum3A_2012 [1] : vector<64x128xf32> to vector<64xf32>
    %broadcast_in_dim3A_2014 = vector.shape_cast %reduce_sum3A_2013 : vector<64xf32> to vector<64x1xf32>
    %lt3A_2015 = vector.broadcast %broadcast_in_dim3A_2002 : vector<64x1xf32> to vector<64x128xf32>
    %lt3A_2016 = arith.cmpf olt, %max3A_1986, %lt3A_2015 : vector<64x128xf32>
    %jit3A_2017 = arith.constant 0xFF800000 : f32
    %broadcast_in_dim3A_2018 = vector.broadcast %jit3A_2017 : f32 to vector<64x128xf32>
    %select_n3A_2019 = arith.select %lt3A_2016, %max3A_1986, %broadcast_in_dim3A_2018 : vector<64x128xi1>, vector<64x128xf32>
    %reduce_max3A_2020 = arith.constant dense<0xFF800000> : vector<64xf32>
    %reduce_max3A_2021 = vector.multi_reduction <maximumf>, %select_n3A_2019, %reduce_max3A_2020 [1] : vector<64x128xf32> to vector<64xf32>
    %broadcast_in_dim3A_2022 = vector.shape_cast %reduce_max3A_2021 : vector<64xf32> to vector<64x1xf32>
    %reduce_max3A_2023 = arith.constant dense<0xFF800000> : vector<64xf32>
    %reduce_max3A_2024 = vector.multi_reduction <maximumf>, %max3A_1985, %reduce_max3A_2023 [1] : vector<64x128xf32> to vector<64xf32>
    %broadcast_in_dim3A_2025 = vector.shape_cast %reduce_max3A_2024 : vector<64xf32> to vector<64x1xf32>
    %max3A_2026 = arith.maximumf %broadcast_in_dim3A_2022, %broadcast_in_dim3A_2025 : vector<64x1xf32>
    %lt3A_2027 = vector.broadcast %max3A_2026 : vector<64x1xf32> to vector<64x128xf32>
    %lt3A_2028 = arith.cmpf olt, %max3A_1986, %lt3A_2027 : vector<64x128xf32>
    %jit3A_2029 = arith.constant 0xFF800000 : f32
    %broadcast_in_dim3A_2030 = vector.broadcast %jit3A_2029 : f32 to vector<64x128xf32>
    %select_n3A_2031 = arith.select %lt3A_2028, %max3A_1986, %broadcast_in_dim3A_2030 : vector<64x128xi1>, vector<64x128xf32>
    %reduce_max3A_2032 = arith.constant dense<0xFF800000> : vector<64xf32>
    %reduce_max3A_2033 = vector.multi_reduction <maximumf>, %select_n3A_2031, %reduce_max3A_2032 [1] : vector<64x128xf32> to vector<64xf32>
    %broadcast_in_dim3A_2034 = vector.shape_cast %reduce_max3A_2033 : vector<64xf32> to vector<64x1xf32>
    %lt3A_2035 = vector.broadcast %max3A_2026 : vector<64x1xf32> to vector<64x128xf32>
    %lt3A_2036 = arith.cmpf olt, %max3A_1985, %lt3A_2035 : vector<64x128xf32>
    %jit3A_2037 = arith.constant 0xFF800000 : f32
    %broadcast_in_dim3A_2038 = vector.broadcast %jit3A_2037 : f32 to vector<64x128xf32>
    %select_n3A_2039 = arith.select %lt3A_2036, %max3A_1985, %broadcast_in_dim3A_2038 : vector<64x128xi1>, vector<64x128xf32>
    %reduce_max3A_2040 = arith.constant dense<0xFF800000> : vector<64xf32>
    %reduce_max3A_2041 = vector.multi_reduction <maximumf>, %select_n3A_2039, %reduce_max3A_2040 [1] : vector<64x128xf32> to vector<64xf32>
    %broadcast_in_dim3A_2042 = vector.shape_cast %reduce_max3A_2041 : vector<64xf32> to vector<64x1xf32>
    %max3A_2043 = arith.maximumf %broadcast_in_dim3A_2034, %broadcast_in_dim3A_2042 : vector<64x1xf32>
    %mul3A_2044 = arith.constant 256 : i32
    %mul3A_2045 = arith.muli %arg0, %mul3A_2044 : i32
    %add3A_2046 = arith.constant 128 : i32
    %add3A_2047 = arith.addi %mul3A_2045, %add3A_2046 : i32
    %iota3A_2048 = tpu.iota {dimensions = array<i32: 0>} : vector<64x1xi32>
    %add3A_2049 = vector.broadcast %add3A_2047 : i32 to vector<64x1xi32>
    %add3A_2050 = arith.addi %add3A_2049, %iota3A_2048 : vector<64x1xi32>
    %eq3A_2051 = arith.cmpf oeq, %get3A_1388, %broadcast_in_dim3A_2002 : vector<64x1xf32>
    %eq3A_2052 = arith.cmpf oeq, %get3A_1388, %max3A_2026 : vector<64x1xf32>
    %select_n3A_2053 = arith.select %eq3A_2051, %max3A_2026, %broadcast_in_dim3A_2002 : vector<64x1xi1>, vector<64x1xf32>
    %or3A_2054 = arith.ori %eq3A_2051, %eq3A_2052 : vector<64x1xi1>
    %select_n3A_2055 = arith.select %or3A_2054, %max3A_2043, %max3A_2026 : vector<64x1xi1>, vector<64x1xf32>
    %ne3A_2056 = arith.cmpi ne, %get3A_1385, %add3A_2050 : vector<64x1xi32>
    %ne3A_2057 = arith.cmpf one, %broadcast_in_dim3A_2014, %select_n3A_2053 : vector<64x1xf32>
    %and3A_2058 = arith.andi %ne3A_2056, %ne3A_2057 : vector<64x1xi1>
    %ne3A_2059 = arith.cmpf one, %broadcast_in_dim3A_2014, %select_n3A_2055 : vector<64x1xf32>
    %and3A_2060 = arith.andi %and3A_2058, %ne3A_2059 : vector<64x1xi1>
    %convert_element_type3A_2061 = arith.extui %and3A_2060 : vector<64x1xi1> to vector<64x1xi32>
    %convert_element_type3A_2062 = arith.sitofp %convert_element_type3A_2061 : vector<64x1xi32> to vector<64x1xf32>
    %add3A_2063 = arith.constant 1.000000e+00 : f32
    %add3A_2064 = vector.broadcast %add3A_2063 : f32 to vector<64x1xf32>
    %add3A_2065 = arith.addf %add3A_2064, %convert_element_type3A_2062 : vector<64x1xf32>
    %mul3A_2066 = arith.mulf %log3A_2006, %add3A_2065 : vector<64x1xf32>
    %mul3A_2067 = arith.constant 0.699999988 : f32
    %mul3A_2068 = vector.broadcast %mul3A_2067 : f32 to vector<64x1xf32>
    %mul3A_2069 = arith.mulf %mul3A_2068, %get3A_1388 : vector<64x1xf32>
    %mul3A_2070 = arith.constant 2.000000e-01 : f32
    %mul3A_2071 = vector.broadcast %mul3A_2070 : f32 to vector<64x1xf32>
    %mul3A_2072 = arith.mulf %mul3A_2071, %select_n3A_2053 : vector<64x1xf32>
    %add3A_2073 = arith.addf %mul3A_2069, %mul3A_2072 : vector<64x1xf32>
    %mul3A_2074 = arith.constant 1.000000e-01 : f32
    %mul3A_2075 = vector.broadcast %mul3A_2074 : f32 to vector<64x1xf32>
    %mul3A_2076 = arith.mulf %mul3A_2075, %select_n3A_2055 : vector<64x1xf32>
    %add3A_2077 = arith.addf %add3A_2073, %mul3A_2076 : vector<64x1xf32>
    %mul3A_2078 = arith.mulf %convert_element_type3A_2062, %broadcast_in_dim3A_2014 : vector<64x1xf32>
    %add3A_2079 = arith.addf %add3A_2077, %mul3A_2078 : vector<64x1xf32>
    %sub3A_2080 = arith.subf %mul3A_2066, %add3A_2079 : vector<64x1xf32>
    %reduce_sum3A_2081 = arith.constant dense<0.000000e+00> : vector<1xf32>
    %reduce_sum3A_2082 = vector.multi_reduction <add>, %sub3A_2080, %reduce_sum3A_2081 [0] : vector<64x1xf32> to vector<1xf32>
    %broadcast_in_dim3A_2083 = vector.shape_cast %reduce_sum3A_2082 : vector<1xf32> to vector<1x1xf32>
    %add3A_2084 = arith.addf %add3A_1382, %broadcast_in_dim3A_2083 : vector<1x1xf32>
    %get3A_2085 = arith.constant 192 : index
    %get3A_2086 = arith.constant 0 : index
    %get3A_2087 = vector.load %arg2[%get3A_2085, %get3A_2086] : memref<256x1xi32, #tpu.memory_space<vmem>>, vector<64x1xi32>
    %get3A_2088 = arith.constant 192 : index
    %get3A_2089 = arith.constant 0 : index
    %get3A_2090 = vector.load %arg3[%get3A_2088, %get3A_2089] : memref<256x1xf32, #tpu.memory_space<vmem>>, vector<64x1xf32>
    %shift_right_logical3A_2091 = arith.constant 7 : i32
    %shift_right_logical3A_2092 = vector.broadcast %shift_right_logical3A_2091 : i32 to vector<64x1xi32>
    %shift_right_logical3A_2093 = arith.shrui %get3A_2087, %shift_right_logical3A_2092 : vector<64x1xi32>
    %and3A_2094 = arith.constant 127 : i32
    %and3A_2095 = vector.broadcast %and3A_2094 : i32 to vector<64x1xi32>
    %and3A_2096 = arith.andi %get3A_2087, %and3A_2095 : vector<64x1xi32>
    %get3A_2097 = arith.constant 192 : index
    %get3A_2098 = arith.constant 0 : index
    %get3A_2099 = vector.load %arg1[%get3A_2097, %get3A_2098] : memref<256x4096xf32, #tpu.memory_space<vmem>>, vector<64x128xf32>
    %eq3A_2100 = arith.constant 0 : i32
    %eq3A_2101 = vector.broadcast %eq3A_2100 : i32 to vector<64x1xi32>
    %eq3A_2102 = arith.cmpi eq, %shift_right_logical3A_2093, %eq3A_2101 : vector<64x1xi32>
    %convert_element_type3A_2103 = arith.extui %eq3A_2102 : vector<64x1xi1> to vector<64x1xi32>
    %convert_element_type3A_2104 = arith.sitofp %convert_element_type3A_2103 : vector<64x1xi32> to vector<64x1xf32>
    %mul3A_2105 = vector.broadcast %convert_element_type3A_2104 : vector<64x1xf32> to vector<64x128xf32>
    %mul3A_2106 = arith.mulf %get3A_2099, %mul3A_2105 : vector<64x128xf32>
    %broadcast_in_dim3A_2107 = arith.constant 0xFF800000 : f32
    %broadcast_in_dim3A_2108 = vector.broadcast %broadcast_in_dim3A_2107 : f32 to vector<64x128xf32>
    %mul3A_2109 = arith.constant 1.44269502 : f32
    %mul3A_2110 = vector.broadcast %mul3A_2109 : f32 to vector<64x128xf32>
    %mul3A_2111 = arith.mulf %get3A_2099, %mul3A_2110 : vector<64x128xf32>
    %exp23A_2112 = math.exp2 %mul3A_2111 : vector<64x128xf32>
    %get3A_2113 = arith.constant 192 : index
    %get3A_2114 = arith.constant 128 : index
    %get3A_2115 = vector.load %arg1[%get3A_2113, %get3A_2114] : memref<256x4096xf32, #tpu.memory_space<vmem>>, vector<64x128xf32>
    %min3A_2116 = arith.minimumf %get3A_2099, %get3A_2115 : vector<64x128xf32>
    %max3A_2117 = arith.maximumf %broadcast_in_dim3A_2108, %min3A_2116 : vector<64x128xf32>
    %max3A_2118 = arith.maximumf %get3A_2099, %get3A_2115 : vector<64x128xf32>
    %eq3A_2119 = arith.constant 1 : i32
    %eq3A_2120 = vector.broadcast %eq3A_2119 : i32 to vector<64x1xi32>
    %eq3A_2121 = arith.cmpi eq, %shift_right_logical3A_2093, %eq3A_2120 : vector<64x1xi32>
    %convert_element_type3A_2122 = arith.extui %eq3A_2121 : vector<64x1xi1> to vector<64x1xi32>
    %convert_element_type3A_2123 = arith.sitofp %convert_element_type3A_2122 : vector<64x1xi32> to vector<64x1xf32>
    %mul3A_2124 = vector.broadcast %convert_element_type3A_2123 : vector<64x1xf32> to vector<64x128xf32>
    %mul3A_2125 = arith.mulf %get3A_2115, %mul3A_2124 : vector<64x128xf32>
    %add3A_2126 = arith.addf %mul3A_2106, %mul3A_2125 : vector<64x128xf32>
    %mul3A_2127 = arith.constant 1.44269502 : f32
    %mul3A_2128 = vector.broadcast %mul3A_2127 : f32 to vector<64x128xf32>
    %mul3A_2129 = arith.mulf %get3A_2115, %mul3A_2128 : vector<64x128xf32>
    %exp23A_2130 = math.exp2 %mul3A_2129 : vector<64x128xf32>
    %add3A_2131 = arith.addf %exp23A_2112, %exp23A_2130 : vector<64x128xf32>
    %get3A_2132 = arith.constant 192 : index
    %get3A_2133 = arith.constant 256 : index
    %get3A_2134 = vector.load %arg1[%get3A_2132, %get3A_2133] : memref<256x4096xf32, #tpu.memory_space<vmem>>, vector<64x128xf32>
    %min3A_2135 = arith.minimumf %max3A_2118, %get3A_2134 : vector<64x128xf32>
    %max3A_2136 = arith.maximumf %max3A_2117, %min3A_2135 : vector<64x128xf32>
    %max3A_2137 = arith.maximumf %max3A_2118, %get3A_2134 : vector<64x128xf32>
    %eq3A_2138 = arith.constant 2 : i32
    %eq3A_2139 = vector.broadcast %eq3A_2138 : i32 to vector<64x1xi32>
    %eq3A_2140 = arith.cmpi eq, %shift_right_logical3A_2093, %eq3A_2139 : vector<64x1xi32>
    %convert_element_type3A_2141 = arith.extui %eq3A_2140 : vector<64x1xi1> to vector<64x1xi32>
    %convert_element_type3A_2142 = arith.sitofp %convert_element_type3A_2141 : vector<64x1xi32> to vector<64x1xf32>
    %mul3A_2143 = vector.broadcast %convert_element_type3A_2142 : vector<64x1xf32> to vector<64x128xf32>
    %mul3A_2144 = arith.mulf %get3A_2134, %mul3A_2143 : vector<64x128xf32>
    %add3A_2145 = arith.addf %add3A_2126, %mul3A_2144 : vector<64x128xf32>
    %mul3A_2146 = arith.constant 1.44269502 : f32
    %mul3A_2147 = vector.broadcast %mul3A_2146 : f32 to vector<64x128xf32>
    %mul3A_2148 = arith.mulf %get3A_2134, %mul3A_2147 : vector<64x128xf32>
    %exp23A_2149 = math.exp2 %mul3A_2148 : vector<64x128xf32>
    %add3A_2150 = arith.addf %add3A_2131, %exp23A_2149 : vector<64x128xf32>
    %get3A_2151 = arith.constant 192 : index
    %get3A_2152 = arith.constant 384 : index
    %get3A_2153 = vector.load %arg1[%get3A_2151, %get3A_2152] : memref<256x4096xf32, #tpu.memory_space<vmem>>, vector<64x128xf32>
    %min3A_2154 = arith.minimumf %max3A_2137, %get3A_2153 : vector<64x128xf32>
    %max3A_2155 = arith.maximumf %max3A_2136, %min3A_2154 : vector<64x128xf32>
    %max3A_2156 = arith.maximumf %max3A_2137, %get3A_2153 : vector<64x128xf32>
    %eq3A_2157 = arith.constant 3 : i32
    %eq3A_2158 = vector.broadcast %eq3A_2157 : i32 to vector<64x1xi32>
    %eq3A_2159 = arith.cmpi eq, %shift_right_logical3A_2093, %eq3A_2158 : vector<64x1xi32>
    %convert_element_type3A_2160 = arith.extui %eq3A_2159 : vector<64x1xi1> to vector<64x1xi32>
    %convert_element_type3A_2161 = arith.sitofp %convert_element_type3A_2160 : vector<64x1xi32> to vector<64x1xf32>
    %mul3A_2162 = vector.broadcast %convert_element_type3A_2161 : vector<64x1xf32> to vector<64x128xf32>
    %mul3A_2163 = arith.mulf %get3A_2153, %mul3A_2162 : vector<64x128xf32>
    %add3A_2164 = arith.addf %add3A_2145, %mul3A_2163 : vector<64x128xf32>
    %mul3A_2165 = arith.constant 1.44269502 : f32
    %mul3A_2166 = vector.broadcast %mul3A_2165 : f32 to vector<64x128xf32>
    %mul3A_2167 = arith.mulf %get3A_2153, %mul3A_2166 : vector<64x128xf32>
    %exp23A_2168 = math.exp2 %mul3A_2167 : vector<64x128xf32>
    %add3A_2169 = arith.addf %add3A_2150, %exp23A_2168 : vector<64x128xf32>
    %get3A_2170 = arith.constant 192 : index
    %get3A_2171 = arith.constant 512 : index
    %get3A_2172 = vector.load %arg1[%get3A_2170, %get3A_2171] : memref<256x4096xf32, #tpu.memory_space<vmem>>, vector<64x128xf32>
    %min3A_2173 = arith.minimumf %max3A_2156, %get3A_2172 : vector<64x128xf32>
    %max3A_2174 = arith.maximumf %max3A_2155, %min3A_2173 : vector<64x128xf32>
    %max3A_2175 = arith.maximumf %max3A_2156, %get3A_2172 : vector<64x128xf32>
    %eq3A_2176 = arith.constant 4 : i32
    %eq3A_2177 = vector.broadcast %eq3A_2176 : i32 to vector<64x1xi32>
    %eq3A_2178 = arith.cmpi eq, %shift_right_logical3A_2093, %eq3A_2177 : vector<64x1xi32>
    %convert_element_type3A_2179 = arith.extui %eq3A_2178 : vector<64x1xi1> to vector<64x1xi32>
    %convert_element_type3A_2180 = arith.sitofp %convert_element_type3A_2179 : vector<64x1xi32> to vector<64x1xf32>
    %mul3A_2181 = vector.broadcast %convert_element_type3A_2180 : vector<64x1xf32> to vector<64x128xf32>
    %mul3A_2182 = arith.mulf %get3A_2172, %mul3A_2181 : vector<64x128xf32>
    %add3A_2183 = arith.addf %add3A_2164, %mul3A_2182 : vector<64x128xf32>
    %mul3A_2184 = arith.constant 1.44269502 : f32
    %mul3A_2185 = vector.broadcast %mul3A_2184 : f32 to vector<64x128xf32>
    %mul3A_2186 = arith.mulf %get3A_2172, %mul3A_2185 : vector<64x128xf32>
    %exp23A_2187 = math.exp2 %mul3A_2186 : vector<64x128xf32>
    %add3A_2188 = arith.addf %add3A_2169, %exp23A_2187 : vector<64x128xf32>
    %get3A_2189 = arith.constant 192 : index
    %get3A_2190 = arith.constant 640 : index
    %get3A_2191 = vector.load %arg1[%get3A_2189, %get3A_2190] : memref<256x4096xf32, #tpu.memory_space<vmem>>, vector<64x128xf32>
    %min3A_2192 = arith.minimumf %max3A_2175, %get3A_2191 : vector<64x128xf32>
    %max3A_2193 = arith.maximumf %max3A_2174, %min3A_2192 : vector<64x128xf32>
    %max3A_2194 = arith.maximumf %max3A_2175, %get3A_2191 : vector<64x128xf32>
    %eq3A_2195 = arith.constant 5 : i32
    %eq3A_2196 = vector.broadcast %eq3A_2195 : i32 to vector<64x1xi32>
    %eq3A_2197 = arith.cmpi eq, %shift_right_logical3A_2093, %eq3A_2196 : vector<64x1xi32>
    %convert_element_type3A_2198 = arith.extui %eq3A_2197 : vector<64x1xi1> to vector<64x1xi32>
    %convert_element_type3A_2199 = arith.sitofp %convert_element_type3A_2198 : vector<64x1xi32> to vector<64x1xf32>
    %mul3A_2200 = vector.broadcast %convert_element_type3A_2199 : vector<64x1xf32> to vector<64x128xf32>
    %mul3A_2201 = arith.mulf %get3A_2191, %mul3A_2200 : vector<64x128xf32>
    %add3A_2202 = arith.addf %add3A_2183, %mul3A_2201 : vector<64x128xf32>
    %mul3A_2203 = arith.constant 1.44269502 : f32
    %mul3A_2204 = vector.broadcast %mul3A_2203 : f32 to vector<64x128xf32>
    %mul3A_2205 = arith.mulf %get3A_2191, %mul3A_2204 : vector<64x128xf32>
    %exp23A_2206 = math.exp2 %mul3A_2205 : vector<64x128xf32>
    %add3A_2207 = arith.addf %add3A_2188, %exp23A_2206 : vector<64x128xf32>
    %get3A_2208 = arith.constant 192 : index
    %get3A_2209 = arith.constant 768 : index
    %get3A_2210 = vector.load %arg1[%get3A_2208, %get3A_2209] : memref<256x4096xf32, #tpu.memory_space<vmem>>, vector<64x128xf32>
    %min3A_2211 = arith.minimumf %max3A_2194, %get3A_2210 : vector<64x128xf32>
    %max3A_2212 = arith.maximumf %max3A_2193, %min3A_2211 : vector<64x128xf32>
    %max3A_2213 = arith.maximumf %max3A_2194, %get3A_2210 : vector<64x128xf32>
    %eq3A_2214 = arith.constant 6 : i32
    %eq3A_2215 = vector.broadcast %eq3A_2214 : i32 to vector<64x1xi32>
    %eq3A_2216 = arith.cmpi eq, %shift_right_logical3A_2093, %eq3A_2215 : vector<64x1xi32>
    %convert_element_type3A_2217 = arith.extui %eq3A_2216 : vector<64x1xi1> to vector<64x1xi32>
    %convert_element_type3A_2218 = arith.sitofp %convert_element_type3A_2217 : vector<64x1xi32> to vector<64x1xf32>
    %mul3A_2219 = vector.broadcast %convert_element_type3A_2218 : vector<64x1xf32> to vector<64x128xf32>
    %mul3A_2220 = arith.mulf %get3A_2210, %mul3A_2219 : vector<64x128xf32>
    %add3A_2221 = arith.addf %add3A_2202, %mul3A_2220 : vector<64x128xf32>
    %mul3A_2222 = arith.constant 1.44269502 : f32
    %mul3A_2223 = vector.broadcast %mul3A_2222 : f32 to vector<64x128xf32>
    %mul3A_2224 = arith.mulf %get3A_2210, %mul3A_2223 : vector<64x128xf32>
    %exp23A_2225 = math.exp2 %mul3A_2224 : vector<64x128xf32>
    %add3A_2226 = arith.addf %add3A_2207, %exp23A_2225 : vector<64x128xf32>
    %get3A_2227 = arith.constant 192 : index
    %get3A_2228 = arith.constant 896 : index
    %get3A_2229 = vector.load %arg1[%get3A_2227, %get3A_2228] : memref<256x4096xf32, #tpu.memory_space<vmem>>, vector<64x128xf32>
    %min3A_2230 = arith.minimumf %max3A_2213, %get3A_2229 : vector<64x128xf32>
    %max3A_2231 = arith.maximumf %max3A_2212, %min3A_2230 : vector<64x128xf32>
    %max3A_2232 = arith.maximumf %max3A_2213, %get3A_2229 : vector<64x128xf32>
    %eq3A_2233 = arith.constant 7 : i32
    %eq3A_2234 = vector.broadcast %eq3A_2233 : i32 to vector<64x1xi32>
    %eq3A_2235 = arith.cmpi eq, %shift_right_logical3A_2093, %eq3A_2234 : vector<64x1xi32>
    %convert_element_type3A_2236 = arith.extui %eq3A_2235 : vector<64x1xi1> to vector<64x1xi32>
    %convert_element_type3A_2237 = arith.sitofp %convert_element_type3A_2236 : vector<64x1xi32> to vector<64x1xf32>
    %mul3A_2238 = vector.broadcast %convert_element_type3A_2237 : vector<64x1xf32> to vector<64x128xf32>
    %mul3A_2239 = arith.mulf %get3A_2229, %mul3A_2238 : vector<64x128xf32>
    %add3A_2240 = arith.addf %add3A_2221, %mul3A_2239 : vector<64x128xf32>
    %mul3A_2241 = arith.constant 1.44269502 : f32
    %mul3A_2242 = vector.broadcast %mul3A_2241 : f32 to vector<64x128xf32>
    %mul3A_2243 = arith.mulf %get3A_2229, %mul3A_2242 : vector<64x128xf32>
    %exp23A_2244 = math.exp2 %mul3A_2243 : vector<64x128xf32>
    %add3A_2245 = arith.addf %add3A_2226, %exp23A_2244 : vector<64x128xf32>
    %get3A_2246 = arith.constant 192 : index
    %get3A_2247 = arith.constant 1024 : index
    %get3A_2248 = vector.load %arg1[%get3A_2246, %get3A_2247] : memref<256x4096xf32, #tpu.memory_space<vmem>>, vector<64x128xf32>
    %min3A_2249 = arith.minimumf %max3A_2232, %get3A_2248 : vector<64x128xf32>
    %max3A_2250 = arith.maximumf %max3A_2231, %min3A_2249 : vector<64x128xf32>
    %max3A_2251 = arith.maximumf %max3A_2232, %get3A_2248 : vector<64x128xf32>
    %eq3A_2252 = arith.constant 8 : i32
    %eq3A_2253 = vector.broadcast %eq3A_2252 : i32 to vector<64x1xi32>
    %eq3A_2254 = arith.cmpi eq, %shift_right_logical3A_2093, %eq3A_2253 : vector<64x1xi32>
    %convert_element_type3A_2255 = arith.extui %eq3A_2254 : vector<64x1xi1> to vector<64x1xi32>
    %convert_element_type3A_2256 = arith.sitofp %convert_element_type3A_2255 : vector<64x1xi32> to vector<64x1xf32>
    %mul3A_2257 = vector.broadcast %convert_element_type3A_2256 : vector<64x1xf32> to vector<64x128xf32>
    %mul3A_2258 = arith.mulf %get3A_2248, %mul3A_2257 : vector<64x128xf32>
    %add3A_2259 = arith.addf %add3A_2240, %mul3A_2258 : vector<64x128xf32>
    %mul3A_2260 = arith.constant 1.44269502 : f32
    %mul3A_2261 = vector.broadcast %mul3A_2260 : f32 to vector<64x128xf32>
    %mul3A_2262 = arith.mulf %get3A_2248, %mul3A_2261 : vector<64x128xf32>
    %exp23A_2263 = math.exp2 %mul3A_2262 : vector<64x128xf32>
    %add3A_2264 = arith.addf %add3A_2245, %exp23A_2263 : vector<64x128xf32>
    %get3A_2265 = arith.constant 192 : index
    %get3A_2266 = arith.constant 1152 : index
    %get3A_2267 = vector.load %arg1[%get3A_2265, %get3A_2266] : memref<256x4096xf32, #tpu.memory_space<vmem>>, vector<64x128xf32>
    %min3A_2268 = arith.minimumf %max3A_2251, %get3A_2267 : vector<64x128xf32>
    %max3A_2269 = arith.maximumf %max3A_2250, %min3A_2268 : vector<64x128xf32>
    %max3A_2270 = arith.maximumf %max3A_2251, %get3A_2267 : vector<64x128xf32>
    %eq3A_2271 = arith.constant 9 : i32
    %eq3A_2272 = vector.broadcast %eq3A_2271 : i32 to vector<64x1xi32>
    %eq3A_2273 = arith.cmpi eq, %shift_right_logical3A_2093, %eq3A_2272 : vector<64x1xi32>
    %convert_element_type3A_2274 = arith.extui %eq3A_2273 : vector<64x1xi1> to vector<64x1xi32>
    %convert_element_type3A_2275 = arith.sitofp %convert_element_type3A_2274 : vector<64x1xi32> to vector<64x1xf32>
    %mul3A_2276 = vector.broadcast %convert_element_type3A_2275 : vector<64x1xf32> to vector<64x128xf32>
    %mul3A_2277 = arith.mulf %get3A_2267, %mul3A_2276 : vector<64x128xf32>
    %add3A_2278 = arith.addf %add3A_2259, %mul3A_2277 : vector<64x128xf32>
    %mul3A_2279 = arith.constant 1.44269502 : f32
    %mul3A_2280 = vector.broadcast %mul3A_2279 : f32 to vector<64x128xf32>
    %mul3A_2281 = arith.mulf %get3A_2267, %mul3A_2280 : vector<64x128xf32>
    %exp23A_2282 = math.exp2 %mul3A_2281 : vector<64x128xf32>
    %add3A_2283 = arith.addf %add3A_2264, %exp23A_2282 : vector<64x128xf32>
    %get3A_2284 = arith.constant 192 : index
    %get3A_2285 = arith.constant 1280 : index
    %get3A_2286 = vector.load %arg1[%get3A_2284, %get3A_2285] : memref<256x4096xf32, #tpu.memory_space<vmem>>, vector<64x128xf32>
    %min3A_2287 = arith.minimumf %max3A_2270, %get3A_2286 : vector<64x128xf32>
    %max3A_2288 = arith.maximumf %max3A_2269, %min3A_2287 : vector<64x128xf32>
    %max3A_2289 = arith.maximumf %max3A_2270, %get3A_2286 : vector<64x128xf32>
    %eq3A_2290 = arith.constant 10 : i32
    %eq3A_2291 = vector.broadcast %eq3A_2290 : i32 to vector<64x1xi32>
    %eq3A_2292 = arith.cmpi eq, %shift_right_logical3A_2093, %eq3A_2291 : vector<64x1xi32>
    %convert_element_type3A_2293 = arith.extui %eq3A_2292 : vector<64x1xi1> to vector<64x1xi32>
    %convert_element_type3A_2294 = arith.sitofp %convert_element_type3A_2293 : vector<64x1xi32> to vector<64x1xf32>
    %mul3A_2295 = vector.broadcast %convert_element_type3A_2294 : vector<64x1xf32> to vector<64x128xf32>
    %mul3A_2296 = arith.mulf %get3A_2286, %mul3A_2295 : vector<64x128xf32>
    %add3A_2297 = arith.addf %add3A_2278, %mul3A_2296 : vector<64x128xf32>
    %mul3A_2298 = arith.constant 1.44269502 : f32
    %mul3A_2299 = vector.broadcast %mul3A_2298 : f32 to vector<64x128xf32>
    %mul3A_2300 = arith.mulf %get3A_2286, %mul3A_2299 : vector<64x128xf32>
    %exp23A_2301 = math.exp2 %mul3A_2300 : vector<64x128xf32>
    %add3A_2302 = arith.addf %add3A_2283, %exp23A_2301 : vector<64x128xf32>
    %get3A_2303 = arith.constant 192 : index
    %get3A_2304 = arith.constant 1408 : index
    %get3A_2305 = vector.load %arg1[%get3A_2303, %get3A_2304] : memref<256x4096xf32, #tpu.memory_space<vmem>>, vector<64x128xf32>
    %min3A_2306 = arith.minimumf %max3A_2289, %get3A_2305 : vector<64x128xf32>
    %max3A_2307 = arith.maximumf %max3A_2288, %min3A_2306 : vector<64x128xf32>
    %max3A_2308 = arith.maximumf %max3A_2289, %get3A_2305 : vector<64x128xf32>
    %eq3A_2309 = arith.constant 11 : i32
    %eq3A_2310 = vector.broadcast %eq3A_2309 : i32 to vector<64x1xi32>
    %eq3A_2311 = arith.cmpi eq, %shift_right_logical3A_2093, %eq3A_2310 : vector<64x1xi32>
    %convert_element_type3A_2312 = arith.extui %eq3A_2311 : vector<64x1xi1> to vector<64x1xi32>
    %convert_element_type3A_2313 = arith.sitofp %convert_element_type3A_2312 : vector<64x1xi32> to vector<64x1xf32>
    %mul3A_2314 = vector.broadcast %convert_element_type3A_2313 : vector<64x1xf32> to vector<64x128xf32>
    %mul3A_2315 = arith.mulf %get3A_2305, %mul3A_2314 : vector<64x128xf32>
    %add3A_2316 = arith.addf %add3A_2297, %mul3A_2315 : vector<64x128xf32>
    %mul3A_2317 = arith.constant 1.44269502 : f32
    %mul3A_2318 = vector.broadcast %mul3A_2317 : f32 to vector<64x128xf32>
    %mul3A_2319 = arith.mulf %get3A_2305, %mul3A_2318 : vector<64x128xf32>
    %exp23A_2320 = math.exp2 %mul3A_2319 : vector<64x128xf32>
    %add3A_2321 = arith.addf %add3A_2302, %exp23A_2320 : vector<64x128xf32>
    %get3A_2322 = arith.constant 192 : index
    %get3A_2323 = arith.constant 1536 : index
    %get3A_2324 = vector.load %arg1[%get3A_2322, %get3A_2323] : memref<256x4096xf32, #tpu.memory_space<vmem>>, vector<64x128xf32>
    %min3A_2325 = arith.minimumf %max3A_2308, %get3A_2324 : vector<64x128xf32>
    %max3A_2326 = arith.maximumf %max3A_2307, %min3A_2325 : vector<64x128xf32>
    %max3A_2327 = arith.maximumf %max3A_2308, %get3A_2324 : vector<64x128xf32>
    %eq3A_2328 = arith.constant 12 : i32
    %eq3A_2329 = vector.broadcast %eq3A_2328 : i32 to vector<64x1xi32>
    %eq3A_2330 = arith.cmpi eq, %shift_right_logical3A_2093, %eq3A_2329 : vector<64x1xi32>
    %convert_element_type3A_2331 = arith.extui %eq3A_2330 : vector<64x1xi1> to vector<64x1xi32>
    %convert_element_type3A_2332 = arith.sitofp %convert_element_type3A_2331 : vector<64x1xi32> to vector<64x1xf32>
    %mul3A_2333 = vector.broadcast %convert_element_type3A_2332 : vector<64x1xf32> to vector<64x128xf32>
    %mul3A_2334 = arith.mulf %get3A_2324, %mul3A_2333 : vector<64x128xf32>
    %add3A_2335 = arith.addf %add3A_2316, %mul3A_2334 : vector<64x128xf32>
    %mul3A_2336 = arith.constant 1.44269502 : f32
    %mul3A_2337 = vector.broadcast %mul3A_2336 : f32 to vector<64x128xf32>
    %mul3A_2338 = arith.mulf %get3A_2324, %mul3A_2337 : vector<64x128xf32>
    %exp23A_2339 = math.exp2 %mul3A_2338 : vector<64x128xf32>
    %add3A_2340 = arith.addf %add3A_2321, %exp23A_2339 : vector<64x128xf32>
    %get3A_2341 = arith.constant 192 : index
    %get3A_2342 = arith.constant 1664 : index
    %get3A_2343 = vector.load %arg1[%get3A_2341, %get3A_2342] : memref<256x4096xf32, #tpu.memory_space<vmem>>, vector<64x128xf32>
    %min3A_2344 = arith.minimumf %max3A_2327, %get3A_2343 : vector<64x128xf32>
    %max3A_2345 = arith.maximumf %max3A_2326, %min3A_2344 : vector<64x128xf32>
    %max3A_2346 = arith.maximumf %max3A_2327, %get3A_2343 : vector<64x128xf32>
    %eq3A_2347 = arith.constant 13 : i32
    %eq3A_2348 = vector.broadcast %eq3A_2347 : i32 to vector<64x1xi32>
    %eq3A_2349 = arith.cmpi eq, %shift_right_logical3A_2093, %eq3A_2348 : vector<64x1xi32>
    %convert_element_type3A_2350 = arith.extui %eq3A_2349 : vector<64x1xi1> to vector<64x1xi32>
    %convert_element_type3A_2351 = arith.sitofp %convert_element_type3A_2350 : vector<64x1xi32> to vector<64x1xf32>
    %mul3A_2352 = vector.broadcast %convert_element_type3A_2351 : vector<64x1xf32> to vector<64x128xf32>
    %mul3A_2353 = arith.mulf %get3A_2343, %mul3A_2352 : vector<64x128xf32>
    %add3A_2354 = arith.addf %add3A_2335, %mul3A_2353 : vector<64x128xf32>
    %mul3A_2355 = arith.constant 1.44269502 : f32
    %mul3A_2356 = vector.broadcast %mul3A_2355 : f32 to vector<64x128xf32>
    %mul3A_2357 = arith.mulf %get3A_2343, %mul3A_2356 : vector<64x128xf32>
    %exp23A_2358 = math.exp2 %mul3A_2357 : vector<64x128xf32>
    %add3A_2359 = arith.addf %add3A_2340, %exp23A_2358 : vector<64x128xf32>
    %get3A_2360 = arith.constant 192 : index
    %get3A_2361 = arith.constant 1792 : index
    %get3A_2362 = vector.load %arg1[%get3A_2360, %get3A_2361] : memref<256x4096xf32, #tpu.memory_space<vmem>>, vector<64x128xf32>
    %min3A_2363 = arith.minimumf %max3A_2346, %get3A_2362 : vector<64x128xf32>
    %max3A_2364 = arith.maximumf %max3A_2345, %min3A_2363 : vector<64x128xf32>
    %max3A_2365 = arith.maximumf %max3A_2346, %get3A_2362 : vector<64x128xf32>
    %eq3A_2366 = arith.constant 14 : i32
    %eq3A_2367 = vector.broadcast %eq3A_2366 : i32 to vector<64x1xi32>
    %eq3A_2368 = arith.cmpi eq, %shift_right_logical3A_2093, %eq3A_2367 : vector<64x1xi32>
    %convert_element_type3A_2369 = arith.extui %eq3A_2368 : vector<64x1xi1> to vector<64x1xi32>
    %convert_element_type3A_2370 = arith.sitofp %convert_element_type3A_2369 : vector<64x1xi32> to vector<64x1xf32>
    %mul3A_2371 = vector.broadcast %convert_element_type3A_2370 : vector<64x1xf32> to vector<64x128xf32>
    %mul3A_2372 = arith.mulf %get3A_2362, %mul3A_2371 : vector<64x128xf32>
    %add3A_2373 = arith.addf %add3A_2354, %mul3A_2372 : vector<64x128xf32>
    %mul3A_2374 = arith.constant 1.44269502 : f32
    %mul3A_2375 = vector.broadcast %mul3A_2374 : f32 to vector<64x128xf32>
    %mul3A_2376 = arith.mulf %get3A_2362, %mul3A_2375 : vector<64x128xf32>
    %exp23A_2377 = math.exp2 %mul3A_2376 : vector<64x128xf32>
    %add3A_2378 = arith.addf %add3A_2359, %exp23A_2377 : vector<64x128xf32>
    %get3A_2379 = arith.constant 192 : index
    %get3A_2380 = arith.constant 1920 : index
    %get3A_2381 = vector.load %arg1[%get3A_2379, %get3A_2380] : memref<256x4096xf32, #tpu.memory_space<vmem>>, vector<64x128xf32>
    %min3A_2382 = arith.minimumf %max3A_2365, %get3A_2381 : vector<64x128xf32>
    %max3A_2383 = arith.maximumf %max3A_2364, %min3A_2382 : vector<64x128xf32>
    %max3A_2384 = arith.maximumf %max3A_2365, %get3A_2381 : vector<64x128xf32>
    %eq3A_2385 = arith.constant 15 : i32
    %eq3A_2386 = vector.broadcast %eq3A_2385 : i32 to vector<64x1xi32>
    %eq3A_2387 = arith.cmpi eq, %shift_right_logical3A_2093, %eq3A_2386 : vector<64x1xi32>
    %convert_element_type3A_2388 = arith.extui %eq3A_2387 : vector<64x1xi1> to vector<64x1xi32>
    %convert_element_type3A_2389 = arith.sitofp %convert_element_type3A_2388 : vector<64x1xi32> to vector<64x1xf32>
    %mul3A_2390 = vector.broadcast %convert_element_type3A_2389 : vector<64x1xf32> to vector<64x128xf32>
    %mul3A_2391 = arith.mulf %get3A_2381, %mul3A_2390 : vector<64x128xf32>
    %add3A_2392 = arith.addf %add3A_2373, %mul3A_2391 : vector<64x128xf32>
    %mul3A_2393 = arith.constant 1.44269502 : f32
    %mul3A_2394 = vector.broadcast %mul3A_2393 : f32 to vector<64x128xf32>
    %mul3A_2395 = arith.mulf %get3A_2381, %mul3A_2394 : vector<64x128xf32>
    %exp23A_2396 = math.exp2 %mul3A_2395 : vector<64x128xf32>
    %add3A_2397 = arith.addf %add3A_2378, %exp23A_2396 : vector<64x128xf32>
    %get3A_2398 = arith.constant 192 : index
    %get3A_2399 = arith.constant 2048 : index
    %get3A_2400 = vector.load %arg1[%get3A_2398, %get3A_2399] : memref<256x4096xf32, #tpu.memory_space<vmem>>, vector<64x128xf32>
    %min3A_2401 = arith.minimumf %max3A_2384, %get3A_2400 : vector<64x128xf32>
    %max3A_2402 = arith.maximumf %max3A_2383, %min3A_2401 : vector<64x128xf32>
    %max3A_2403 = arith.maximumf %max3A_2384, %get3A_2400 : vector<64x128xf32>
    %eq3A_2404 = arith.constant 16 : i32
    %eq3A_2405 = vector.broadcast %eq3A_2404 : i32 to vector<64x1xi32>
    %eq3A_2406 = arith.cmpi eq, %shift_right_logical3A_2093, %eq3A_2405 : vector<64x1xi32>
    %convert_element_type3A_2407 = arith.extui %eq3A_2406 : vector<64x1xi1> to vector<64x1xi32>
    %convert_element_type3A_2408 = arith.sitofp %convert_element_type3A_2407 : vector<64x1xi32> to vector<64x1xf32>
    %mul3A_2409 = vector.broadcast %convert_element_type3A_2408 : vector<64x1xf32> to vector<64x128xf32>
    %mul3A_2410 = arith.mulf %get3A_2400, %mul3A_2409 : vector<64x128xf32>
    %add3A_2411 = arith.addf %add3A_2392, %mul3A_2410 : vector<64x128xf32>
    %mul3A_2412 = arith.constant 1.44269502 : f32
    %mul3A_2413 = vector.broadcast %mul3A_2412 : f32 to vector<64x128xf32>
    %mul3A_2414 = arith.mulf %get3A_2400, %mul3A_2413 : vector<64x128xf32>
    %exp23A_2415 = math.exp2 %mul3A_2414 : vector<64x128xf32>
    %add3A_2416 = arith.addf %add3A_2397, %exp23A_2415 : vector<64x128xf32>
    %get3A_2417 = arith.constant 192 : index
    %get3A_2418 = arith.constant 2176 : index
    %get3A_2419 = vector.load %arg1[%get3A_2417, %get3A_2418] : memref<256x4096xf32, #tpu.memory_space<vmem>>, vector<64x128xf32>
    %min3A_2420 = arith.minimumf %max3A_2403, %get3A_2419 : vector<64x128xf32>
    %max3A_2421 = arith.maximumf %max3A_2402, %min3A_2420 : vector<64x128xf32>
    %max3A_2422 = arith.maximumf %max3A_2403, %get3A_2419 : vector<64x128xf32>
    %eq3A_2423 = arith.constant 17 : i32
    %eq3A_2424 = vector.broadcast %eq3A_2423 : i32 to vector<64x1xi32>
    %eq3A_2425 = arith.cmpi eq, %shift_right_logical3A_2093, %eq3A_2424 : vector<64x1xi32>
    %convert_element_type3A_2426 = arith.extui %eq3A_2425 : vector<64x1xi1> to vector<64x1xi32>
    %convert_element_type3A_2427 = arith.sitofp %convert_element_type3A_2426 : vector<64x1xi32> to vector<64x1xf32>
    %mul3A_2428 = vector.broadcast %convert_element_type3A_2427 : vector<64x1xf32> to vector<64x128xf32>
    %mul3A_2429 = arith.mulf %get3A_2419, %mul3A_2428 : vector<64x128xf32>
    %add3A_2430 = arith.addf %add3A_2411, %mul3A_2429 : vector<64x128xf32>
    %mul3A_2431 = arith.constant 1.44269502 : f32
    %mul3A_2432 = vector.broadcast %mul3A_2431 : f32 to vector<64x128xf32>
    %mul3A_2433 = arith.mulf %get3A_2419, %mul3A_2432 : vector<64x128xf32>
    %exp23A_2434 = math.exp2 %mul3A_2433 : vector<64x128xf32>
    %add3A_2435 = arith.addf %add3A_2416, %exp23A_2434 : vector<64x128xf32>
    %get3A_2436 = arith.constant 192 : index
    %get3A_2437 = arith.constant 2304 : index
    %get3A_2438 = vector.load %arg1[%get3A_2436, %get3A_2437] : memref<256x4096xf32, #tpu.memory_space<vmem>>, vector<64x128xf32>
    %min3A_2439 = arith.minimumf %max3A_2422, %get3A_2438 : vector<64x128xf32>
    %max3A_2440 = arith.maximumf %max3A_2421, %min3A_2439 : vector<64x128xf32>
    %max3A_2441 = arith.maximumf %max3A_2422, %get3A_2438 : vector<64x128xf32>
    %eq3A_2442 = arith.constant 18 : i32
    %eq3A_2443 = vector.broadcast %eq3A_2442 : i32 to vector<64x1xi32>
    %eq3A_2444 = arith.cmpi eq, %shift_right_logical3A_2093, %eq3A_2443 : vector<64x1xi32>
    %convert_element_type3A_2445 = arith.extui %eq3A_2444 : vector<64x1xi1> to vector<64x1xi32>
    %convert_element_type3A_2446 = arith.sitofp %convert_element_type3A_2445 : vector<64x1xi32> to vector<64x1xf32>
    %mul3A_2447 = vector.broadcast %convert_element_type3A_2446 : vector<64x1xf32> to vector<64x128xf32>
    %mul3A_2448 = arith.mulf %get3A_2438, %mul3A_2447 : vector<64x128xf32>
    %add3A_2449 = arith.addf %add3A_2430, %mul3A_2448 : vector<64x128xf32>
    %mul3A_2450 = arith.constant 1.44269502 : f32
    %mul3A_2451 = vector.broadcast %mul3A_2450 : f32 to vector<64x128xf32>
    %mul3A_2452 = arith.mulf %get3A_2438, %mul3A_2451 : vector<64x128xf32>
    %exp23A_2453 = math.exp2 %mul3A_2452 : vector<64x128xf32>
    %add3A_2454 = arith.addf %add3A_2435, %exp23A_2453 : vector<64x128xf32>
    %get3A_2455 = arith.constant 192 : index
    %get3A_2456 = arith.constant 2432 : index
    %get3A_2457 = vector.load %arg1[%get3A_2455, %get3A_2456] : memref<256x4096xf32, #tpu.memory_space<vmem>>, vector<64x128xf32>
    %min3A_2458 = arith.minimumf %max3A_2441, %get3A_2457 : vector<64x128xf32>
    %max3A_2459 = arith.maximumf %max3A_2440, %min3A_2458 : vector<64x128xf32>
    %max3A_2460 = arith.maximumf %max3A_2441, %get3A_2457 : vector<64x128xf32>
    %eq3A_2461 = arith.constant 19 : i32
    %eq3A_2462 = vector.broadcast %eq3A_2461 : i32 to vector<64x1xi32>
    %eq3A_2463 = arith.cmpi eq, %shift_right_logical3A_2093, %eq3A_2462 : vector<64x1xi32>
    %convert_element_type3A_2464 = arith.extui %eq3A_2463 : vector<64x1xi1> to vector<64x1xi32>
    %convert_element_type3A_2465 = arith.sitofp %convert_element_type3A_2464 : vector<64x1xi32> to vector<64x1xf32>
    %mul3A_2466 = vector.broadcast %convert_element_type3A_2465 : vector<64x1xf32> to vector<64x128xf32>
    %mul3A_2467 = arith.mulf %get3A_2457, %mul3A_2466 : vector<64x128xf32>
    %add3A_2468 = arith.addf %add3A_2449, %mul3A_2467 : vector<64x128xf32>
    %mul3A_2469 = arith.constant 1.44269502 : f32
    %mul3A_2470 = vector.broadcast %mul3A_2469 : f32 to vector<64x128xf32>
    %mul3A_2471 = arith.mulf %get3A_2457, %mul3A_2470 : vector<64x128xf32>
    %exp23A_2472 = math.exp2 %mul3A_2471 : vector<64x128xf32>
    %add3A_2473 = arith.addf %add3A_2454, %exp23A_2472 : vector<64x128xf32>
    %get3A_2474 = arith.constant 192 : index
    %get3A_2475 = arith.constant 2560 : index
    %get3A_2476 = vector.load %arg1[%get3A_2474, %get3A_2475] : memref<256x4096xf32, #tpu.memory_space<vmem>>, vector<64x128xf32>
    %min3A_2477 = arith.minimumf %max3A_2460, %get3A_2476 : vector<64x128xf32>
    %max3A_2478 = arith.maximumf %max3A_2459, %min3A_2477 : vector<64x128xf32>
    %max3A_2479 = arith.maximumf %max3A_2460, %get3A_2476 : vector<64x128xf32>
    %eq3A_2480 = arith.constant 20 : i32
    %eq3A_2481 = vector.broadcast %eq3A_2480 : i32 to vector<64x1xi32>
    %eq3A_2482 = arith.cmpi eq, %shift_right_logical3A_2093, %eq3A_2481 : vector<64x1xi32>
    %convert_element_type3A_2483 = arith.extui %eq3A_2482 : vector<64x1xi1> to vector<64x1xi32>
    %convert_element_type3A_2484 = arith.sitofp %convert_element_type3A_2483 : vector<64x1xi32> to vector<64x1xf32>
    %mul3A_2485 = vector.broadcast %convert_element_type3A_2484 : vector<64x1xf32> to vector<64x128xf32>
    %mul3A_2486 = arith.mulf %get3A_2476, %mul3A_2485 : vector<64x128xf32>
    %add3A_2487 = arith.addf %add3A_2468, %mul3A_2486 : vector<64x128xf32>
    %mul3A_2488 = arith.constant 1.44269502 : f32
    %mul3A_2489 = vector.broadcast %mul3A_2488 : f32 to vector<64x128xf32>
    %mul3A_2490 = arith.mulf %get3A_2476, %mul3A_2489 : vector<64x128xf32>
    %exp23A_2491 = math.exp2 %mul3A_2490 : vector<64x128xf32>
    %add3A_2492 = arith.addf %add3A_2473, %exp23A_2491 : vector<64x128xf32>
    %get3A_2493 = arith.constant 192 : index
    %get3A_2494 = arith.constant 2688 : index
    %get3A_2495 = vector.load %arg1[%get3A_2493, %get3A_2494] : memref<256x4096xf32, #tpu.memory_space<vmem>>, vector<64x128xf32>
    %min3A_2496 = arith.minimumf %max3A_2479, %get3A_2495 : vector<64x128xf32>
    %max3A_2497 = arith.maximumf %max3A_2478, %min3A_2496 : vector<64x128xf32>
    %max3A_2498 = arith.maximumf %max3A_2479, %get3A_2495 : vector<64x128xf32>
    %eq3A_2499 = arith.constant 21 : i32
    %eq3A_2500 = vector.broadcast %eq3A_2499 : i32 to vector<64x1xi32>
    %eq3A_2501 = arith.cmpi eq, %shift_right_logical3A_2093, %eq3A_2500 : vector<64x1xi32>
    %convert_element_type3A_2502 = arith.extui %eq3A_2501 : vector<64x1xi1> to vector<64x1xi32>
    %convert_element_type3A_2503 = arith.sitofp %convert_element_type3A_2502 : vector<64x1xi32> to vector<64x1xf32>
    %mul3A_2504 = vector.broadcast %convert_element_type3A_2503 : vector<64x1xf32> to vector<64x128xf32>
    %mul3A_2505 = arith.mulf %get3A_2495, %mul3A_2504 : vector<64x128xf32>
    %add3A_2506 = arith.addf %add3A_2487, %mul3A_2505 : vector<64x128xf32>
    %mul3A_2507 = arith.constant 1.44269502 : f32
    %mul3A_2508 = vector.broadcast %mul3A_2507 : f32 to vector<64x128xf32>
    %mul3A_2509 = arith.mulf %get3A_2495, %mul3A_2508 : vector<64x128xf32>
    %exp23A_2510 = math.exp2 %mul3A_2509 : vector<64x128xf32>
    %add3A_2511 = arith.addf %add3A_2492, %exp23A_2510 : vector<64x128xf32>
    %get3A_2512 = arith.constant 192 : index
    %get3A_2513 = arith.constant 2816 : index
    %get3A_2514 = vector.load %arg1[%get3A_2512, %get3A_2513] : memref<256x4096xf32, #tpu.memory_space<vmem>>, vector<64x128xf32>
    %min3A_2515 = arith.minimumf %max3A_2498, %get3A_2514 : vector<64x128xf32>
    %max3A_2516 = arith.maximumf %max3A_2497, %min3A_2515 : vector<64x128xf32>
    %max3A_2517 = arith.maximumf %max3A_2498, %get3A_2514 : vector<64x128xf32>
    %eq3A_2518 = arith.constant 22 : i32
    %eq3A_2519 = vector.broadcast %eq3A_2518 : i32 to vector<64x1xi32>
    %eq3A_2520 = arith.cmpi eq, %shift_right_logical3A_2093, %eq3A_2519 : vector<64x1xi32>
    %convert_element_type3A_2521 = arith.extui %eq3A_2520 : vector<64x1xi1> to vector<64x1xi32>
    %convert_element_type3A_2522 = arith.sitofp %convert_element_type3A_2521 : vector<64x1xi32> to vector<64x1xf32>
    %mul3A_2523 = vector.broadcast %convert_element_type3A_2522 : vector<64x1xf32> to vector<64x128xf32>
    %mul3A_2524 = arith.mulf %get3A_2514, %mul3A_2523 : vector<64x128xf32>
    %add3A_2525 = arith.addf %add3A_2506, %mul3A_2524 : vector<64x128xf32>
    %mul3A_2526 = arith.constant 1.44269502 : f32
    %mul3A_2527 = vector.broadcast %mul3A_2526 : f32 to vector<64x128xf32>
    %mul3A_2528 = arith.mulf %get3A_2514, %mul3A_2527 : vector<64x128xf32>
    %exp23A_2529 = math.exp2 %mul3A_2528 : vector<64x128xf32>
    %add3A_2530 = arith.addf %add3A_2511, %exp23A_2529 : vector<64x128xf32>
    %get3A_2531 = arith.constant 192 : index
    %get3A_2532 = arith.constant 2944 : index
    %get3A_2533 = vector.load %arg1[%get3A_2531, %get3A_2532] : memref<256x4096xf32, #tpu.memory_space<vmem>>, vector<64x128xf32>
    %min3A_2534 = arith.minimumf %max3A_2517, %get3A_2533 : vector<64x128xf32>
    %max3A_2535 = arith.maximumf %max3A_2516, %min3A_2534 : vector<64x128xf32>
    %max3A_2536 = arith.maximumf %max3A_2517, %get3A_2533 : vector<64x128xf32>
    %eq3A_2537 = arith.constant 23 : i32
    %eq3A_2538 = vector.broadcast %eq3A_2537 : i32 to vector<64x1xi32>
    %eq3A_2539 = arith.cmpi eq, %shift_right_logical3A_2093, %eq3A_2538 : vector<64x1xi32>
    %convert_element_type3A_2540 = arith.extui %eq3A_2539 : vector<64x1xi1> to vector<64x1xi32>
    %convert_element_type3A_2541 = arith.sitofp %convert_element_type3A_2540 : vector<64x1xi32> to vector<64x1xf32>
    %mul3A_2542 = vector.broadcast %convert_element_type3A_2541 : vector<64x1xf32> to vector<64x128xf32>
    %mul3A_2543 = arith.mulf %get3A_2533, %mul3A_2542 : vector<64x128xf32>
    %add3A_2544 = arith.addf %add3A_2525, %mul3A_2543 : vector<64x128xf32>
    %mul3A_2545 = arith.constant 1.44269502 : f32
    %mul3A_2546 = vector.broadcast %mul3A_2545 : f32 to vector<64x128xf32>
    %mul3A_2547 = arith.mulf %get3A_2533, %mul3A_2546 : vector<64x128xf32>
    %exp23A_2548 = math.exp2 %mul3A_2547 : vector<64x128xf32>
    %add3A_2549 = arith.addf %add3A_2530, %exp23A_2548 : vector<64x128xf32>
    %get3A_2550 = arith.constant 192 : index
    %get3A_2551 = arith.constant 3072 : index
    %get3A_2552 = vector.load %arg1[%get3A_2550, %get3A_2551] : memref<256x4096xf32, #tpu.memory_space<vmem>>, vector<64x128xf32>
    %min3A_2553 = arith.minimumf %max3A_2536, %get3A_2552 : vector<64x128xf32>
    %max3A_2554 = arith.maximumf %max3A_2535, %min3A_2553 : vector<64x128xf32>
    %max3A_2555 = arith.maximumf %max3A_2536, %get3A_2552 : vector<64x128xf32>
    %eq3A_2556 = arith.constant 24 : i32
    %eq3A_2557 = vector.broadcast %eq3A_2556 : i32 to vector<64x1xi32>
    %eq3A_2558 = arith.cmpi eq, %shift_right_logical3A_2093, %eq3A_2557 : vector<64x1xi32>
    %convert_element_type3A_2559 = arith.extui %eq3A_2558 : vector<64x1xi1> to vector<64x1xi32>
    %convert_element_type3A_2560 = arith.sitofp %convert_element_type3A_2559 : vector<64x1xi32> to vector<64x1xf32>
    %mul3A_2561 = vector.broadcast %convert_element_type3A_2560 : vector<64x1xf32> to vector<64x128xf32>
    %mul3A_2562 = arith.mulf %get3A_2552, %mul3A_2561 : vector<64x128xf32>
    %add3A_2563 = arith.addf %add3A_2544, %mul3A_2562 : vector<64x128xf32>
    %mul3A_2564 = arith.constant 1.44269502 : f32
    %mul3A_2565 = vector.broadcast %mul3A_2564 : f32 to vector<64x128xf32>
    %mul3A_2566 = arith.mulf %get3A_2552, %mul3A_2565 : vector<64x128xf32>
    %exp23A_2567 = math.exp2 %mul3A_2566 : vector<64x128xf32>
    %add3A_2568 = arith.addf %add3A_2549, %exp23A_2567 : vector<64x128xf32>
    %get3A_2569 = arith.constant 192 : index
    %get3A_2570 = arith.constant 3200 : index
    %get3A_2571 = vector.load %arg1[%get3A_2569, %get3A_2570] : memref<256x4096xf32, #tpu.memory_space<vmem>>, vector<64x128xf32>
    %min3A_2572 = arith.minimumf %max3A_2555, %get3A_2571 : vector<64x128xf32>
    %max3A_2573 = arith.maximumf %max3A_2554, %min3A_2572 : vector<64x128xf32>
    %max3A_2574 = arith.maximumf %max3A_2555, %get3A_2571 : vector<64x128xf32>
    %eq3A_2575 = arith.constant 25 : i32
    %eq3A_2576 = vector.broadcast %eq3A_2575 : i32 to vector<64x1xi32>
    %eq3A_2577 = arith.cmpi eq, %shift_right_logical3A_2093, %eq3A_2576 : vector<64x1xi32>
    %convert_element_type3A_2578 = arith.extui %eq3A_2577 : vector<64x1xi1> to vector<64x1xi32>
    %convert_element_type3A_2579 = arith.sitofp %convert_element_type3A_2578 : vector<64x1xi32> to vector<64x1xf32>
    %mul3A_2580 = vector.broadcast %convert_element_type3A_2579 : vector<64x1xf32> to vector<64x128xf32>
    %mul3A_2581 = arith.mulf %get3A_2571, %mul3A_2580 : vector<64x128xf32>
    %add3A_2582 = arith.addf %add3A_2563, %mul3A_2581 : vector<64x128xf32>
    %mul3A_2583 = arith.constant 1.44269502 : f32
    %mul3A_2584 = vector.broadcast %mul3A_2583 : f32 to vector<64x128xf32>
    %mul3A_2585 = arith.mulf %get3A_2571, %mul3A_2584 : vector<64x128xf32>
    %exp23A_2586 = math.exp2 %mul3A_2585 : vector<64x128xf32>
    %add3A_2587 = arith.addf %add3A_2568, %exp23A_2586 : vector<64x128xf32>
    %get3A_2588 = arith.constant 192 : index
    %get3A_2589 = arith.constant 3328 : index
    %get3A_2590 = vector.load %arg1[%get3A_2588, %get3A_2589] : memref<256x4096xf32, #tpu.memory_space<vmem>>, vector<64x128xf32>
    %min3A_2591 = arith.minimumf %max3A_2574, %get3A_2590 : vector<64x128xf32>
    %max3A_2592 = arith.maximumf %max3A_2573, %min3A_2591 : vector<64x128xf32>
    %max3A_2593 = arith.maximumf %max3A_2574, %get3A_2590 : vector<64x128xf32>
    %eq3A_2594 = arith.constant 26 : i32
    %eq3A_2595 = vector.broadcast %eq3A_2594 : i32 to vector<64x1xi32>
    %eq3A_2596 = arith.cmpi eq, %shift_right_logical3A_2093, %eq3A_2595 : vector<64x1xi32>
    %convert_element_type3A_2597 = arith.extui %eq3A_2596 : vector<64x1xi1> to vector<64x1xi32>
    %convert_element_type3A_2598 = arith.sitofp %convert_element_type3A_2597 : vector<64x1xi32> to vector<64x1xf32>
    %mul3A_2599 = vector.broadcast %convert_element_type3A_2598 : vector<64x1xf32> to vector<64x128xf32>
    %mul3A_2600 = arith.mulf %get3A_2590, %mul3A_2599 : vector<64x128xf32>
    %add3A_2601 = arith.addf %add3A_2582, %mul3A_2600 : vector<64x128xf32>
    %mul3A_2602 = arith.constant 1.44269502 : f32
    %mul3A_2603 = vector.broadcast %mul3A_2602 : f32 to vector<64x128xf32>
    %mul3A_2604 = arith.mulf %get3A_2590, %mul3A_2603 : vector<64x128xf32>
    %exp23A_2605 = math.exp2 %mul3A_2604 : vector<64x128xf32>
    %add3A_2606 = arith.addf %add3A_2587, %exp23A_2605 : vector<64x128xf32>
    %get3A_2607 = arith.constant 192 : index
    %get3A_2608 = arith.constant 3456 : index
    %get3A_2609 = vector.load %arg1[%get3A_2607, %get3A_2608] : memref<256x4096xf32, #tpu.memory_space<vmem>>, vector<64x128xf32>
    %min3A_2610 = arith.minimumf %max3A_2593, %get3A_2609 : vector<64x128xf32>
    %max3A_2611 = arith.maximumf %max3A_2592, %min3A_2610 : vector<64x128xf32>
    %max3A_2612 = arith.maximumf %max3A_2593, %get3A_2609 : vector<64x128xf32>
    %eq3A_2613 = arith.constant 27 : i32
    %eq3A_2614 = vector.broadcast %eq3A_2613 : i32 to vector<64x1xi32>
    %eq3A_2615 = arith.cmpi eq, %shift_right_logical3A_2093, %eq3A_2614 : vector<64x1xi32>
    %convert_element_type3A_2616 = arith.extui %eq3A_2615 : vector<64x1xi1> to vector<64x1xi32>
    %convert_element_type3A_2617 = arith.sitofp %convert_element_type3A_2616 : vector<64x1xi32> to vector<64x1xf32>
    %mul3A_2618 = vector.broadcast %convert_element_type3A_2617 : vector<64x1xf32> to vector<64x128xf32>
    %mul3A_2619 = arith.mulf %get3A_2609, %mul3A_2618 : vector<64x128xf32>
    %add3A_2620 = arith.addf %add3A_2601, %mul3A_2619 : vector<64x128xf32>
    %mul3A_2621 = arith.constant 1.44269502 : f32
    %mul3A_2622 = vector.broadcast %mul3A_2621 : f32 to vector<64x128xf32>
    %mul3A_2623 = arith.mulf %get3A_2609, %mul3A_2622 : vector<64x128xf32>
    %exp23A_2624 = math.exp2 %mul3A_2623 : vector<64x128xf32>
    %add3A_2625 = arith.addf %add3A_2606, %exp23A_2624 : vector<64x128xf32>
    %get3A_2626 = arith.constant 192 : index
    %get3A_2627 = arith.constant 3584 : index
    %get3A_2628 = vector.load %arg1[%get3A_2626, %get3A_2627] : memref<256x4096xf32, #tpu.memory_space<vmem>>, vector<64x128xf32>
    %min3A_2629 = arith.minimumf %max3A_2612, %get3A_2628 : vector<64x128xf32>
    %max3A_2630 = arith.maximumf %max3A_2611, %min3A_2629 : vector<64x128xf32>
    %max3A_2631 = arith.maximumf %max3A_2612, %get3A_2628 : vector<64x128xf32>
    %eq3A_2632 = arith.constant 28 : i32
    %eq3A_2633 = vector.broadcast %eq3A_2632 : i32 to vector<64x1xi32>
    %eq3A_2634 = arith.cmpi eq, %shift_right_logical3A_2093, %eq3A_2633 : vector<64x1xi32>
    %convert_element_type3A_2635 = arith.extui %eq3A_2634 : vector<64x1xi1> to vector<64x1xi32>
    %convert_element_type3A_2636 = arith.sitofp %convert_element_type3A_2635 : vector<64x1xi32> to vector<64x1xf32>
    %mul3A_2637 = vector.broadcast %convert_element_type3A_2636 : vector<64x1xf32> to vector<64x128xf32>
    %mul3A_2638 = arith.mulf %get3A_2628, %mul3A_2637 : vector<64x128xf32>
    %add3A_2639 = arith.addf %add3A_2620, %mul3A_2638 : vector<64x128xf32>
    %mul3A_2640 = arith.constant 1.44269502 : f32
    %mul3A_2641 = vector.broadcast %mul3A_2640 : f32 to vector<64x128xf32>
    %mul3A_2642 = arith.mulf %get3A_2628, %mul3A_2641 : vector<64x128xf32>
    %exp23A_2643 = math.exp2 %mul3A_2642 : vector<64x128xf32>
    %add3A_2644 = arith.addf %add3A_2625, %exp23A_2643 : vector<64x128xf32>
    %get3A_2645 = arith.constant 192 : index
    %get3A_2646 = arith.constant 3712 : index
    %get3A_2647 = vector.load %arg1[%get3A_2645, %get3A_2646] : memref<256x4096xf32, #tpu.memory_space<vmem>>, vector<64x128xf32>
    %min3A_2648 = arith.minimumf %max3A_2631, %get3A_2647 : vector<64x128xf32>
    %max3A_2649 = arith.maximumf %max3A_2630, %min3A_2648 : vector<64x128xf32>
    %max3A_2650 = arith.maximumf %max3A_2631, %get3A_2647 : vector<64x128xf32>
    %eq3A_2651 = arith.constant 29 : i32
    %eq3A_2652 = vector.broadcast %eq3A_2651 : i32 to vector<64x1xi32>
    %eq3A_2653 = arith.cmpi eq, %shift_right_logical3A_2093, %eq3A_2652 : vector<64x1xi32>
    %convert_element_type3A_2654 = arith.extui %eq3A_2653 : vector<64x1xi1> to vector<64x1xi32>
    %convert_element_type3A_2655 = arith.sitofp %convert_element_type3A_2654 : vector<64x1xi32> to vector<64x1xf32>
    %mul3A_2656 = vector.broadcast %convert_element_type3A_2655 : vector<64x1xf32> to vector<64x128xf32>
    %mul3A_2657 = arith.mulf %get3A_2647, %mul3A_2656 : vector<64x128xf32>
    %add3A_2658 = arith.addf %add3A_2639, %mul3A_2657 : vector<64x128xf32>
    %mul3A_2659 = arith.constant 1.44269502 : f32
    %mul3A_2660 = vector.broadcast %mul3A_2659 : f32 to vector<64x128xf32>
    %mul3A_2661 = arith.mulf %get3A_2647, %mul3A_2660 : vector<64x128xf32>
    %exp23A_2662 = math.exp2 %mul3A_2661 : vector<64x128xf32>
    %add3A_2663 = arith.addf %add3A_2644, %exp23A_2662 : vector<64x128xf32>
    %get3A_2664 = arith.constant 192 : index
    %get3A_2665 = arith.constant 3840 : index
    %get3A_2666 = vector.load %arg1[%get3A_2664, %get3A_2665] : memref<256x4096xf32, #tpu.memory_space<vmem>>, vector<64x128xf32>
    %min3A_2667 = arith.minimumf %max3A_2650, %get3A_2666 : vector<64x128xf32>
    %max3A_2668 = arith.maximumf %max3A_2649, %min3A_2667 : vector<64x128xf32>
    %max3A_2669 = arith.maximumf %max3A_2650, %get3A_2666 : vector<64x128xf32>
    %eq3A_2670 = arith.constant 30 : i32
    %eq3A_2671 = vector.broadcast %eq3A_2670 : i32 to vector<64x1xi32>
    %eq3A_2672 = arith.cmpi eq, %shift_right_logical3A_2093, %eq3A_2671 : vector<64x1xi32>
    %convert_element_type3A_2673 = arith.extui %eq3A_2672 : vector<64x1xi1> to vector<64x1xi32>
    %convert_element_type3A_2674 = arith.sitofp %convert_element_type3A_2673 : vector<64x1xi32> to vector<64x1xf32>
    %mul3A_2675 = vector.broadcast %convert_element_type3A_2674 : vector<64x1xf32> to vector<64x128xf32>
    %mul3A_2676 = arith.mulf %get3A_2666, %mul3A_2675 : vector<64x128xf32>
    %add3A_2677 = arith.addf %add3A_2658, %mul3A_2676 : vector<64x128xf32>
    %mul3A_2678 = arith.constant 1.44269502 : f32
    %mul3A_2679 = vector.broadcast %mul3A_2678 : f32 to vector<64x128xf32>
    %mul3A_2680 = arith.mulf %get3A_2666, %mul3A_2679 : vector<64x128xf32>
    %exp23A_2681 = math.exp2 %mul3A_2680 : vector<64x128xf32>
    %add3A_2682 = arith.addf %add3A_2663, %exp23A_2681 : vector<64x128xf32>
    %get3A_2683 = arith.constant 192 : index
    %get3A_2684 = arith.constant 3968 : index
    %get3A_2685 = vector.load %arg1[%get3A_2683, %get3A_2684] : memref<256x4096xf32, #tpu.memory_space<vmem>>, vector<64x128xf32>
    %min3A_2686 = arith.minimumf %max3A_2669, %get3A_2685 : vector<64x128xf32>
    %max3A_2687 = arith.maximumf %max3A_2668, %min3A_2686 : vector<64x128xf32>
    %max3A_2688 = arith.maximumf %max3A_2669, %get3A_2685 : vector<64x128xf32>
    %eq3A_2689 = arith.constant 31 : i32
    %eq3A_2690 = vector.broadcast %eq3A_2689 : i32 to vector<64x1xi32>
    %eq3A_2691 = arith.cmpi eq, %shift_right_logical3A_2093, %eq3A_2690 : vector<64x1xi32>
    %convert_element_type3A_2692 = arith.extui %eq3A_2691 : vector<64x1xi1> to vector<64x1xi32>
    %convert_element_type3A_2693 = arith.sitofp %convert_element_type3A_2692 : vector<64x1xi32> to vector<64x1xf32>
    %mul3A_2694 = vector.broadcast %convert_element_type3A_2693 : vector<64x1xf32> to vector<64x128xf32>
    %mul3A_2695 = arith.mulf %get3A_2685, %mul3A_2694 : vector<64x128xf32>
    %add3A_2696 = arith.addf %add3A_2677, %mul3A_2695 : vector<64x128xf32>
    %mul3A_2697 = arith.constant 1.44269502 : f32
    %mul3A_2698 = vector.broadcast %mul3A_2697 : f32 to vector<64x128xf32>
    %mul3A_2699 = arith.mulf %get3A_2685, %mul3A_2698 : vector<64x128xf32>
    %exp23A_2700 = math.exp2 %mul3A_2699 : vector<64x128xf32>
    %add3A_2701 = arith.addf %add3A_2682, %exp23A_2700 : vector<64x128xf32>
    %reduce_max3A_2702 = arith.constant dense<0xFF800000> : vector<64xf32>
    %reduce_max3A_2703 = vector.multi_reduction <maximumf>, %max3A_2688, %reduce_max3A_2702 [1] : vector<64x128xf32> to vector<64xf32>
    %broadcast_in_dim3A_2704 = vector.shape_cast %reduce_max3A_2703 : vector<64xf32> to vector<64x1xf32>
    %reduce_sum3A_2705 = arith.constant dense<0.000000e+00> : vector<64xf32>
    %reduce_sum3A_2706 = vector.multi_reduction <add>, %add3A_2701, %reduce_sum3A_2705 [1] : vector<64x128xf32> to vector<64xf32>
    %broadcast_in_dim3A_2707 = vector.shape_cast %reduce_sum3A_2706 : vector<64xf32> to vector<64x1xf32>
    %log3A_2708 = math.log %broadcast_in_dim3A_2707 : vector<64x1xf32>
    %eq3A_2709 = vector.broadcast %and3A_2096 : vector<64x1xi32> to vector<64x128xi32>
    %eq3A_2710 = arith.cmpi eq, %iota3A, %eq3A_2709 : vector<64x128xi32>
    %jit3A_2711 = arith.constant 0.000000e+00 : f32
    %broadcast_in_dim3A_2712 = vector.broadcast %jit3A_2711 : f32 to vector<64x128xf32>
    %select_n3A_2713 = arith.select %eq3A_2710, %add3A_2696, %broadcast_in_dim3A_2712 : vector<64x128xi1>, vector<64x128xf32>
    %reduce_sum3A_2714 = arith.constant dense<0.000000e+00> : vector<64xf32>
    %reduce_sum3A_2715 = vector.multi_reduction <add>, %select_n3A_2713, %reduce_sum3A_2714 [1] : vector<64x128xf32> to vector<64xf32>
    %broadcast_in_dim3A_2716 = vector.shape_cast %reduce_sum3A_2715 : vector<64xf32> to vector<64x1xf32>
    %lt3A_2717 = vector.broadcast %broadcast_in_dim3A_2704 : vector<64x1xf32> to vector<64x128xf32>
    %lt3A_2718 = arith.cmpf olt, %max3A_2688, %lt3A_2717 : vector<64x128xf32>
    %jit3A_2719 = arith.constant 0xFF800000 : f32
    %broadcast_in_dim3A_2720 = vector.broadcast %jit3A_2719 : f32 to vector<64x128xf32>
    %select_n3A_2721 = arith.select %lt3A_2718, %max3A_2688, %broadcast_in_dim3A_2720 : vector<64x128xi1>, vector<64x128xf32>
    %reduce_max3A_2722 = arith.constant dense<0xFF800000> : vector<64xf32>
    %reduce_max3A_2723 = vector.multi_reduction <maximumf>, %select_n3A_2721, %reduce_max3A_2722 [1] : vector<64x128xf32> to vector<64xf32>
    %broadcast_in_dim3A_2724 = vector.shape_cast %reduce_max3A_2723 : vector<64xf32> to vector<64x1xf32>
    %reduce_max3A_2725 = arith.constant dense<0xFF800000> : vector<64xf32>
    %reduce_max3A_2726 = vector.multi_reduction <maximumf>, %max3A_2687, %reduce_max3A_2725 [1] : vector<64x128xf32> to vector<64xf32>
    %broadcast_in_dim3A_2727 = vector.shape_cast %reduce_max3A_2726 : vector<64xf32> to vector<64x1xf32>
    %max3A_2728 = arith.maximumf %broadcast_in_dim3A_2724, %broadcast_in_dim3A_2727 : vector<64x1xf32>
    %lt3A_2729 = vector.broadcast %max3A_2728 : vector<64x1xf32> to vector<64x128xf32>
    %lt3A_2730 = arith.cmpf olt, %max3A_2688, %lt3A_2729 : vector<64x128xf32>
    %jit3A_2731 = arith.constant 0xFF800000 : f32
    %broadcast_in_dim3A_2732 = vector.broadcast %jit3A_2731 : f32 to vector<64x128xf32>
    %select_n3A_2733 = arith.select %lt3A_2730, %max3A_2688, %broadcast_in_dim3A_2732 : vector<64x128xi1>, vector<64x128xf32>
    %reduce_max3A_2734 = arith.constant dense<0xFF800000> : vector<64xf32>
    %reduce_max3A_2735 = vector.multi_reduction <maximumf>, %select_n3A_2733, %reduce_max3A_2734 [1] : vector<64x128xf32> to vector<64xf32>
    %broadcast_in_dim3A_2736 = vector.shape_cast %reduce_max3A_2735 : vector<64xf32> to vector<64x1xf32>
    %lt3A_2737 = vector.broadcast %max3A_2728 : vector<64x1xf32> to vector<64x128xf32>
    %lt3A_2738 = arith.cmpf olt, %max3A_2687, %lt3A_2737 : vector<64x128xf32>
    %jit3A_2739 = arith.constant 0xFF800000 : f32
    %broadcast_in_dim3A_2740 = vector.broadcast %jit3A_2739 : f32 to vector<64x128xf32>
    %select_n3A_2741 = arith.select %lt3A_2738, %max3A_2687, %broadcast_in_dim3A_2740 : vector<64x128xi1>, vector<64x128xf32>
    %reduce_max3A_2742 = arith.constant dense<0xFF800000> : vector<64xf32>
    %reduce_max3A_2743 = vector.multi_reduction <maximumf>, %select_n3A_2741, %reduce_max3A_2742 [1] : vector<64x128xf32> to vector<64xf32>
    %broadcast_in_dim3A_2744 = vector.shape_cast %reduce_max3A_2743 : vector<64xf32> to vector<64x1xf32>
    %max3A_2745 = arith.maximumf %broadcast_in_dim3A_2736, %broadcast_in_dim3A_2744 : vector<64x1xf32>
    %mul3A_2746 = arith.constant 256 : i32
    %mul3A_2747 = arith.muli %arg0, %mul3A_2746 : i32
    %add3A_2748 = arith.constant 192 : i32
    %add3A_2749 = arith.addi %mul3A_2747, %add3A_2748 : i32
    %iota3A_2750 = tpu.iota {dimensions = array<i32: 0>} : vector<64x1xi32>
    %add3A_2751 = vector.broadcast %add3A_2749 : i32 to vector<64x1xi32>
    %add3A_2752 = arith.addi %add3A_2751, %iota3A_2750 : vector<64x1xi32>
    %eq3A_2753 = arith.cmpf oeq, %get3A_2090, %broadcast_in_dim3A_2704 : vector<64x1xf32>
    %eq3A_2754 = arith.cmpf oeq, %get3A_2090, %max3A_2728 : vector<64x1xf32>
    %select_n3A_2755 = arith.select %eq3A_2753, %max3A_2728, %broadcast_in_dim3A_2704 : vector<64x1xi1>, vector<64x1xf32>
    %or3A_2756 = arith.ori %eq3A_2753, %eq3A_2754 : vector<64x1xi1>
    %select_n3A_2757 = arith.select %or3A_2756, %max3A_2745, %max3A_2728 : vector<64x1xi1>, vector<64x1xf32>
    %ne3A_2758 = arith.cmpi ne, %get3A_2087, %add3A_2752 : vector<64x1xi32>
    %ne3A_2759 = arith.cmpf one, %broadcast_in_dim3A_2716, %select_n3A_2755 : vector<64x1xf32>
    %and3A_2760 = arith.andi %ne3A_2758, %ne3A_2759 : vector<64x1xi1>
    %ne3A_2761 = arith.cmpf one, %broadcast_in_dim3A_2716, %select_n3A_2757 : vector<64x1xf32>
    %and3A_2762 = arith.andi %and3A_2760, %ne3A_2761 : vector<64x1xi1>
    %convert_element_type3A_2763 = arith.extui %and3A_2762 : vector<64x1xi1> to vector<64x1xi32>
    %convert_element_type3A_2764 = arith.sitofp %convert_element_type3A_2763 : vector<64x1xi32> to vector<64x1xf32>
    %add3A_2765 = arith.constant 1.000000e+00 : f32
    %add3A_2766 = vector.broadcast %add3A_2765 : f32 to vector<64x1xf32>
    %add3A_2767 = arith.addf %add3A_2766, %convert_element_type3A_2764 : vector<64x1xf32>
    %mul3A_2768 = arith.mulf %log3A_2708, %add3A_2767 : vector<64x1xf32>
    %mul3A_2769 = arith.constant 0.699999988 : f32
    %mul3A_2770 = vector.broadcast %mul3A_2769 : f32 to vector<64x1xf32>
    %mul3A_2771 = arith.mulf %mul3A_2770, %get3A_2090 : vector<64x1xf32>
    %mul3A_2772 = arith.constant 2.000000e-01 : f32
    %mul3A_2773 = vector.broadcast %mul3A_2772 : f32 to vector<64x1xf32>
    %mul3A_2774 = arith.mulf %mul3A_2773, %select_n3A_2755 : vector<64x1xf32>
    %add3A_2775 = arith.addf %mul3A_2771, %mul3A_2774 : vector<64x1xf32>
    %mul3A_2776 = arith.constant 1.000000e-01 : f32
    %mul3A_2777 = vector.broadcast %mul3A_2776 : f32 to vector<64x1xf32>
    %mul3A_2778 = arith.mulf %mul3A_2777, %select_n3A_2757 : vector<64x1xf32>
    %add3A_2779 = arith.addf %add3A_2775, %mul3A_2778 : vector<64x1xf32>
    %mul3A_2780 = arith.mulf %convert_element_type3A_2764, %broadcast_in_dim3A_2716 : vector<64x1xf32>
    %add3A_2781 = arith.addf %add3A_2779, %mul3A_2780 : vector<64x1xf32>
    %sub3A_2782 = arith.subf %mul3A_2768, %add3A_2781 : vector<64x1xf32>
    %reduce_sum3A_2783 = arith.constant dense<0.000000e+00> : vector<1xf32>
    %reduce_sum3A_2784 = vector.multi_reduction <add>, %sub3A_2782, %reduce_sum3A_2783 [0] : vector<64x1xf32> to vector<1xf32>
    %broadcast_in_dim3A_2785 = vector.shape_cast %reduce_sum3A_2784 : vector<1xf32> to vector<1x1xf32>
    %add3A_2786 = arith.addf %add3A_2084, %broadcast_in_dim3A_2785 : vector<1x1xf32>
    %mul3A_2787 = arith.constant 2.44140625E-4 : f32
    %mul3A_2788 = vector.broadcast %mul3A_2787 : f32 to vector<1x1xf32>
    %mul3A_2789 = arith.mulf %add3A_2786, %mul3A_2788 : vector<1x1xf32>
    %eq3A_2790 = arith.constant 0 : i32
    %eq3A_2791 = arith.cmpi eq, %arg0, %eq3A_2790 : i32
    %broadcast_in_dim3A_2792 = arith.constant 0.000000e+00 : f32
    %broadcast_in_dim3A_2793 = vector.broadcast %broadcast_in_dim3A_2792 : f32 to vector<1x1xf32>
    %get3A_2794 = arith.constant 0 : index
    %get3A_2795 = arith.constant 0 : index
    %get3A_2796 = vector.load %arg4[%get3A_2794, %get3A_2795] : memref<1x1xf32, #tpu.memory_space<vmem>>, vector<1x1xf32>
    %select_n3A_2797 = arith.select %eq3A_2791, %broadcast_in_dim3A_2793, %get3A_2796 : vector<1x1xf32>
    %add3A_2798 = arith.addf %select_n3A_2797, %mul3A_2789 : vector<1x1xf32>
    %swap3A = arith.constant 0 : index
    %swap3A_2799 = arith.constant 0 : index
    %swap3A_2800 = vector.load %arg4[%swap3A, %swap3A_2799] : memref<1x1xf32, #tpu.memory_space<vmem>>, vector<1x1xf32>
    tpu.vector_store %arg4[%swap3A, %swap3A_2799], %add3A_2798 {strides = array<i32>} : memref<1x1xf32, #tpu.memory_space<vmem>>, vector<1x1xf32>,
    return
  }
  func.func @transform_0(%arg0: i32) -> (i32, i32) {
    %c0_i32 = arith.constant 0 : i32
    %c0_i32_0 = arith.constant 0 : i32
    return %arg0, %c0_i32 : i32, i32
  }
  func.func @transform_1(%arg0: i32) -> (i32, i32) {
    %c0_i32 = arith.constant 0 : i32
    %c0_i32_0 = arith.constant 0 : i32
    return %arg0, %c0_i32 : i32, i32
  }
  func.func @transform_2(%arg0: i32) -> (i32, i32) {
    %c0_i32 = arith.constant 0 : i32
    %c0_i32_0 = arith.constant 0 : i32
    return %arg0, %c0_i32 : i32, i32
  }
  func.func @transform_3(%arg0: i32) -> (i32, i32) {
    %c0_i32 = arith.constant 0 : i32
    %c0_i32_0 = arith.constant 0 : i32
    %c0_i32_1 = arith.constant 0 : i32
    return %c0_i32, %c0_i32_0 : i32, i32
  }
}

</mosaic_0001>

<sc_bundles>
// kernel: kernel.4.cloned.1.call-start
scs
__scs_entry_jumppad:
0x0: {  	(pc) =	sbr.rel $0x88, $3  }
0x1: {  	(tag) =	ssettag $0x0;
	lr =	simm.s32 $0x1  }
0x2: {  	[smem:$0x3F9F] =	sst lr;
	_ =	strace $0xD0000000  }
0x3: {  	_ = 	snop  }
0x4: {  	_ = 	snop  }
0x5: {  	_ = 	snop  }
0x6: {  	_ = 	snop  }
0x7: {  	_ = 	snop  }
__scs_overlays_trampoline_lowered:
0x8: {  	[smem:$0x3FAE] =	sst s0  }
0x9: {  	[smem:$0x3FAF] =	sst s1  }
0xa: {  	[smem:$0x3FB0] =	sst s2  }
0xb: {  	[smem:$0x3FB1] =	sst s3  }
0xc: {  	[smem:$0x3FB2] =	sst s4  }
0xd: {  	[smem:$0x3FB3] =	sst s5  }
0xe: {  	[smem:$0x3FB4] =	sst s6  }
0xf: {  	[smem:$0x3FB5] =	sst s7  }
0x10: {  	[smem:$0x3FB6] =	sst s8  }
0x11: {  	[smem:$0x3FB7] =	sst s9;
	s0 =	simm.s32 @!p0 $0x0  }
0x12: {  	s1 =	sld [smem:$0x3F9D];
	s0 =	simm.s32 @p0 $0x1  }
0x13: {  	[smem:$0x3FB8] =	sst s0;
	s0 =	simm.s32 @!p1 $0x0  }
0x14: {  	s2 =	sld [smem:$0x3F9C];
	s0 =	simm.s32 @p1 $0x1  }
0x15: {  	[smem:$0x3FB9] =	sst s0;
	s0 =	simm.s32 @!p2 $0x0  }
0x16: {  	s3 =	sld [smem:$0x3FDB];
	s0 =	simm.s32 @p2 $0x1  }
0x17: {  	s4 =	simm.s32 $0x1BF5;
	[smem:$0x3FBB] =	sst s0  }
0x18: {  	s0 =	sld [smem:$0x3F9E];
	_ =	swait.ge [sflag:s4], $0x0  }
0x19: {  	s7 =	sld [smem:$0x3F9F]  }
0x1a: {  	s8 =	sadd.s32 $0xFFFFE003, lr  }
0x1b: {  	s9 =	sadd.s32 $0xFFFFFEF7, lr;
	s5 =	simm.s32 $0xFFFFFFFF;
	p2 =	slt.u32 s8, $0xFFFFF086  }
0x1c: {  	p1 =	slt.u32 s9, $0xF7A;
	s5 =	simm.s32 @!p2 $0x0  }
0x1d: {  	s5 =	simm.s32 @p1 $0x1;
	p0 =	seq.s32 s7, s2  }
0x1e: {  	s7 =	smul.u32 @!p0 $0xF7A, s2;
	p2 =	seq.s32 @!p0 s5, $0x0  }
0x1f: {  	s9 =	smul.u32 $0xF7A, s1;
	s8 =	simm.s32 @!p0 $0x1BF5;
	p2 =	por !p2, p0  }
0x20: {  	[sflag:s8] =	ssyncset.s32 @!p0 $0xFFFFF086;
	s6 =	sadd.s32 @!p0 s3, s7;
	s7 =	simm.s32 @!p0 $0x108  }
0x21: {  	s3 =	sadd.s32 s3, s9;
	s6 =	sadd.s32 @!p0 $0x88, s6;
	s7 =	simm.s32 @p2 $0x1082  }
0x22: {  	[simem:s7], [sflag:s8] =	dma.local @!p0 [hbm:s6], $0xF7A  }
0x23: {  	s9 =	sor.u32 $0xD0000000, s2;
	s6 =	simm.s32 $0x108;
	_ =	swait.ge @!p0 [sflag:s8], $0x0  }
0x24: {  	s3 =	sadd.s32 $0x88, s3;
	s6 =	simm.s32 @!p1 $0x1082;
	[sflag:s4] =	ssyncset.s32 $0xFFFFF086  }
0x25: {  	[simem:s6], [sflag:s4] =	dma.local [hbm:s3], $0xF7A  }
0x26: {  	[smem:$0x3F9F] =	sst s1;
	(tag) =	ssettag s2;
	_ =	strace s9  }
0x27: {  	s1 =	sld [smem:$0x3FAF]  }
0x28: {  	s2 =	sld [smem:$0x3FB0]  }
0x29: {  	s4 =	sld [smem:$0x3FB2]  }
0x2a: {  	p0 =	seq.s32 s5, $0x0;
	s5 =	sld [smem:$0x3FB3]  }
0x2b: {  	s6 =	sld [smem:$0x3FB4]  }
0x2c: {  	s7 =	sld [smem:$0x3FB5]  }
0x2d: {  	s3 =	simm.s32 $0x108;
	s8 =	sld [smem:$0x3FB6]  }
0x2e: {  	s3 =	simm.s32 @!p0 $0x1082;
	s9 =	sld [smem:$0x3FB7]  }
0x2f: {  	lr =	sadd.s32 s0, s3;
	s0 =	sld [smem:$0x3FAE]  }
0x30: {  	s3 =	sld [smem:$0x3FB1]  }
0x31: {  	[smem:$0x3FBA] =	sst s10  }
0x32: {  	s10 =	sld [smem:$0x3FB8];
	_ =	sdelay $0x3  }
0x33: {  	p0 =	seq.s32 s10, $0x1;
	s10 =	sld [smem:$0x3FBA];
	_ =	sdelay $0x3  }
0x34: {  	[smem:$0x3FBA] =	sst s10  }
0x35: {  	s10 =	sld [smem:$0x3FB9];
	_ =	sdelay $0x3  }
0x36: {  	p1 =	seq.s32 s10, $0x1;
	s10 =	sld [smem:$0x3FBA];
	_ =	sdelay $0x3  }
0x37: {  	[smem:$0x3FBA] =	sst s10  }
0x38: {  	s10 =	sld [smem:$0x3FBB]  }
0x39: {  	_ = 	snop;
	(pc) =	sbr.ind lr, $3  }
0x3a: {  	_ = 	snop  }
0x3b: {  	_ = 	snop  }
0x3c: {  	p2 =	seq.s32 s10, $0x1;
	s10 =	sld [smem:$0x3FBA]  }
0x3d: {  	_ =	shalt  }
0x3e: {  	_ =	shalt  }
0x3f: {  	_ =	shalt  }
0x40: {  	_ =	shalt  }
0x41: {  	_ =	shalt  }
0x42: {  	_ =	shalt  }
0x43: {  	_ =	shalt  }
0x44: {  	_ =	shalt  }
0x45: {  	_ =	shalt  }
0x46: {  	_ =	shalt  }
0x47: {  	_ =	shalt  }
0x48: {  	_ =	shalt  }
0x49: {  	_ =	shalt  }
0x4a: {  	_ =	shalt  }
0x4b: {  	_ =	shalt  }
0x4c: {  	_ =	shalt  }
0x4d: {  	_ =	shalt  }
0x4e: {  	_ =	shalt  }
0x4f: {  	_ =	shalt  }
0x50: {  	_ =	shalt  }
0x51: {  	_ =	shalt  }
0x52: {  	_ =	shalt  }
0x53: {  	_ =	shalt  }
0x54: {  	_ =	shalt  }
0x55: {  	_ =	shalt  }
0x56: {  	_ =	shalt  }
0x57: {  	_ =	shalt  }
0x58: {  	_ =	shalt  }
0x59: {  	_ =	shalt  }
0x5a: {  	_ =	shalt  }
0x5b: {  	_ =	shalt  }
0x5c: {  	_ =	shalt  }
0x5d: {  	_ =	shalt  }
0x5e: {  	_ =	shalt  }
0x5f: {  	_ =	shalt  }
0x60: {  	_ =	shalt  }
0x61: {  	_ =	shalt  }
0x62: {  	_ =	shalt  }
0x63: {  	_ =	shalt  }
0x64: {  	_ =	shalt  }
0x65: {  	_ =	shalt  }
0x66: {  	_ =	shalt  }
0x67: {  	_ =	shalt  }
0x68: {  	_ =	shalt  }
0x69: {  	_ =	shalt  }
0x6a: {  	_ =	shalt  }
0x6b: {  	_ =	shalt  }
0x6c: {  	_ =	shalt  }
0x6d: {  	_ =	shalt  }
0x6e: {  	_ =	shalt  }
0x6f: {  	_ =	shalt  }
0x70: {  	_ =	shalt  }
0x71: {  	_ =	shalt  }
0x72: {  	_ =	shalt  }
0x73: {  	_ =	shalt  }
0x74: {  	_ =	shalt  }
0x75: {  	_ =	shalt  }
0x76: {  	_ =	shalt  }
0x77: {  	_ =	shalt  }
0x78: {  	_ =	shalt  }
0x79: {  	_ =	shalt  }
0x7a: {  	_ =	shalt  }
0x7b: {  	_ =	shalt  }
0x7c: {  	_ =	shalt  }
0x7d: {  	_ =	shalt  }
0x7e: {  	_ =	shalt  }
0x7f: {  	_ =	shalt  }
0x80: {  	_ =	shalt  }
0x81: {  	_ =	shalt  }
0x82: {  	_ =	shalt  }
0x83: {  	_ =	shalt  }
0x84: {  	_ =	shalt  }
0x85: {  	_ =	shalt  }
0x86: {  	_ =	shalt  }
0x87: {  	_ =	shalt  }
.Lfunc_end0:
.L_simem_size_0:
called_computation_lowered:
.L_overlay_start_0:
0x88: {  	s2 =	sld [smem:$0x3FD9]  }
0x89: {  	s3 =	sld [smem:$0x3FFE];
	_ =	sdelay $0x1  }
0x8a: {  	s1 =	srdreg.scid  }
0x8b: {  	s0 =	sand.u32 $0x1, s1  }
0x8c: {  	s17 =	sshll.u32 s0, $0xA;
	s2 =	sadd.s32 s3, s2  }
0x8d: {  	s2 =	sadd.s32 s2, s17  }
0x8e: {  	[smem:$0x3FC6] =	sst s2  }
0x8f: {  	_ = 	snop  }
0x90: {  	s2 =	sld [smem:$0x3FC9];
	(tm) =	ssettm $0x1  }
0x91: {  	s18 =	sld [smem:$0x3FFB];
	_ =	sdelay $0x3  }
0x92: {  	_ =	strace s18  }
0x93: {  	s3 =	sld [smem:$0x3FFC];
	_ =	sdelay $0x3  }
0x94: {  	_ =	strace s3  }
0x95: {  	s3 =	sld [smem:$0x3FFD];
	_ =	sdelay $0x3  }
0x96: {  	_ =	strace s3  }
0x97: {  	_ =	strace $0x8FFFFFFF  }
0x98: {  	s19 =	sld [smem:$0x3FDB];
	_ =	sdelay $0x1  }
0x99: {  	s4 =	simm.s32 $_scs_section_size  }
0x9a: {  	s5 =	simm.s32 $_size__tile_overlayer_lowered;
	s6 =	simm.s32 $_tile_overlayer_lowered  }
0x9b: {  	s22 =	simm.s32 $0x1BFF;
	s21 =	sshll.u32 s6, $0x1;
	s3 =	sadd.s32 s4, s19  }
0x9c: {  	s7 =	simm.s32 $0x0;
	s20 =	sshll.u32 s5, $0x1;
	s5 =	sadd.s32 s21, s3  }
0x9d: {  	[timem:s7], [sflag:s22] =	dma.local [hbm:s5], s20  }
0x9e: {  	_ =	swait.ge [sflag:s22], s20  }
0x9f: {  	s4 =	ssub.s32 $0x0, s20;
	[sflag:s22] =	ssyncset.done $0x0  }
0xa0: {  	[sflag:s22] =	ssyncadd.s32 s4;
	_ =	sdelay $0x1  }
0xa1: {  	s23 =	simm.s32 $0x1B8B  }
0xa2: {  	_ =	swait.ge [sflag:s23], $0x1  }
0xa3: {  	[sflag:s23] =	ssyncset.done $0x0  }
0xa4: {  	s25 =	simm.s32 $0x1B8E;
	s24 =	sld [smem:$0x3FFE];
	[sflag:s23] =	ssyncadd.s32 $0xFFFFFFFF  }
0xa5: {  	s26 =	simm.s32 $execute0_lowered;
	[smem:$0x3FD2] =	sst s25  }
0xa6: {  	s5 =	sshll.u32 s26, $0x1;
	_ =	strace $0x80000046;
	[dreg:$0x1] =	wrdreg $0xFFFFFFFF  }
0xa7: {  	s28 =	simm.s32 $_size_execute0_lowered;
	s3 =	sadd.s32 s3, s5;
	[dreg:$0x0] =	wrdreg $0x0  }
0xa8: {  	s5 =	sshll.u32 s28, $0x1;
	[dreg:$0x2] =	wrdreg s3  }
0xa9: {  	[dreg:$0x3] =	wrdreg s5  }
0xaa: {  	[dreg:$0x4] =	wrdreg $0xC0  }
0xab: {  	_ =	task [dreg:s7], $0x5FFFF  }
0xac: {  	[dreg:$0x1] =	wrdreg $0xFFFFFFFF  }
0xad: {  	[dreg:$0x0] =	wrdreg $0x60  }
0xae: {  	[dreg:$0x2] =	wrdreg s2  }
0xaf: {  	[dreg:$0x3] =	wrdreg s24  }
0xb0: {  	[dreg:$0x4] =	wrdreg $0x9  }
0xb1: {  	_ =	task.clear_ibuf [dreg:s7], $0x5FFFF;
	_ =	strace $0x90000046  }
0xb2: {  	s29 =	simm.s32 $0x9;
	_ =	strace $0x80000048  }
0xb3: {  	_ =	swait.ge [sflag:s29], $0x1  }
0xb4: {  	[sflag:s29] =	ssyncadd.s32 $0xFFFFFFFF  }
0xb5: {  	_ =	strace $0x90000048  }
0xb6: {  	_ =	sfence  }
0xb7: {  	s30 =	sld [smem:$0x0];
	_ =	sdelay $0x2  }
0xb8: {  	s31 =	sshll.u32 s1, $0xD;
	s1 =	sshrl.u32 s1, $0x2  }
0xb9: {  	s3 =	sand.u32 $0x4000, s31;
	s1 =	sadd.s32 s1, s30  }
0xba: {  	s0 =	sor.u32 s3, s0;
	s1 =	sshll.u32 s1, $0x11  }
0xbb: {  	s0 =	sor.u32 s1, s0  }
0xbc: {  	s0 =	sadd.s32 $0x8F2B, s0  }
0xbd: {  	[sflag:s0] =	ssyncadd.remote.s32 $0x1  }
0xbe: {  	_ =	sfence.sel $0xFFFF  }
0xbf: {  	[dreg:$0x0] =	wrdreg $0xFFFFFFFF;
	(pc) =	sbr.abs _section_cstart, $3  }
0xc0: {  	[dreg:$0x1] =	wrdreg $0xFFFFFFFF  }
0xc1: {  	_ =	task.clear_ibuf [dreg:s7], $0x2FFFF;
	_ =	strace $0x9FFFFFFF  }
0xc2: {  	(tm) =	ssettm $0x7FFFFFFF  }
0xc3: {  	_ =	shalt  }
tec
execute0_lowered:
.L_overlay_start_1:
0x0: {  	(tag) =	ssettag $0x1  }
0x1: {  	s1 =	srdreg.scid  }
0x2: {  	s0 =	stileid.u32;
	s16 =	sand.u32 $0x1, s1  }
0x3: {  	s7 =	rddreg [dreg:$0x0];
	s31 =	sshll.u32 s0, $0x8;
	s2 =	sshll.u32 s16, $0x7  }
0x4: {  	s14 =	rddreg [dreg:$0x1];
	s15 =	sor.u32 s2, s31  }
0x5: {  	s1 =	rddreg [dreg:$0x2];
	s2 =	simm.s32 $0x0;
	s3 =	smul.u32 $0x201, s15  }
0x6: {  	s5 =	simm.s32 $0x400;
	s6 =	simm.s32 $0x8000;
	[smem:$0x7FF] =	sst s2  }
0x7: {  	_ =	strace $0x80000047;
	s4 =	sadd.s32 s7, s3;
	s3 =	simm.s32 $0x1  }
0x8: {  	[tilespmem:s2], [sflag:$0x1] =	stream.strided.gather [hbm4b:s4+s5], $0x800, s6, s5, $0x38;
	[tilespmem:$0x880] =	vst v63  }
0x9: {  	_ =	swait.ge [sflag:s3], $0x800  }
0xa: {  	[sflag:s3] =	ssyncset.done $0x0  }
0xb: {  	[sflag:s3] =	ssyncadd.s32 $0xFFFFF800  }
0xc: {  	v0 =	vld [tilespmem:$0x0]  }
0xd: {  	v1 =	vld [tilespmem:$0x80]  }
0xe: {  	v2 =	vld [tilespmem:$0x100]  }
0xf: {  	v3 =	vld [tilespmem:$0x180]  }
0x10: {  	v4 =	vld [tilespmem:$0x200]  }
0x11: {  	vm0 =	vmmov $0x1;
	v5 =	vld [tilespmem:$0x280]  }
0x12: {  	vm1 =	vmmov $0x3;
	v0 =	vsel vm0, v0, v1;
	v1 =	vld [tilespmem:$0x300]  }
0x13: {  	vm2 =	vmmov $0x7;
	v0 =	vsel vm1, v0, v2;
	v2 =	vld [tilespmem:$0x380]  }
0x14: {  	vm3 =	vmmov $0xf;
	v0 =	vsel vm2, v0, v3;
	v3 =	vld [tilespmem:$0x400]  }
0x15: {  	vm4 =	vmmov $0x1f;
	v0 =	vsel vm3, v0, v4;
	v4 =	vld [tilespmem:$0x480]  }
0x16: {  	vm5 =	vmmov $0x3f;
	v0 =	vsel vm4, v0, v5;
	v5 =	vld [tilespmem:$0x500]  }
0x17: {  	vm6 =	vmmov $0x7f;
	v0 =	vsel vm5, v0, v1;
	v1 =	vld [tilespmem:$0x580]  }
0x18: {  	vm7 =	vmmov $0xff;
	v0 =	vsel vm6, v0, v2;
	v2 =	vld [tilespmem:$0x600]  }
0x19: {  	vm8 =	vmmov $0x1ff;
	v0 =	vsel vm7, v0, v3;
	v3 =	vld [tilespmem:$0x680]  }
0x1a: {  	vm9 =	vmmov $0x3ff;
	v0 =	vsel vm8, v0, v4;
	v4 =	vld [tilespmem:$0x700]  }
0x1b: {  	vm10 =	vmmov $0x7ff;
	v0 =	vsel vm9, v0, v5;
	v5 =	vld [tilespmem:$0x780]  }
0x1c: {  	vm11 =	vmmov $0xfff;
	v0 =	vsel vm10, v0, v1  }
0x1d: {  	vm12 =	vmmov $0x1fff;
	v0 =	vsel vm11, v0, v2  }
0x1e: {  	vm13 =	vmmov $0x3fff;
	s8 =	sshll.u32 s15, $0x9;
	v0 =	vsel vm12, v0, v3  }
0x1f: {  	vm14 =	vmmov $0x7fff;
	s8 =	sor.u32 s8, s15;
	v0 =	vsel vm13, v0, v4  }
0x20: {  	s13 =	sadd.s32 s8, s7;
	v0 =	vsel vm14, v0, v5  }
0x21: {  	s7 =	sadd.s32 $0x2000, s13;
	[tilespmem:$0x800] =	vst v0  }
0x22: {  	[tilespmem:s2], [sflag:$0x1] =	stream.strided.gather [hbm4b:s7+s5], $0x800, s6, s5, $0x38;
	[tilespmem:$0x880] =	vst v63  }
0x23: {  	_ =	swait.ge [sflag:s3], $0x800  }
0x24: {  	[sflag:s3] =	ssyncset.done $0x0  }
0x25: {  	[sflag:s3] =	ssyncadd.s32 $0xFFFFF800  }
0x26: {  	v0 =	vld [tilespmem:$0x10]  }
0x27: {  	v1 =	vld [tilespmem:$0x90]  }
0x28: {  	v2 =	vld [tilespmem:$0x110]  }
0x29: {  	v3 =	vld [tilespmem:$0x190]  }
0x2a: {  	v4 =	vld [tilespmem:$0x210]  }
0x2b: {  	v5 =	vld [tilespmem:$0x290]  }
0x2c: {  	v0 =	vsel vm0, v0, v1;
	v1 =	vld [tilespmem:$0x310]  }
0x2d: {  	v0 =	vsel vm1, v0, v2;
	v2 =	vld [tilespmem:$0x390]  }
0x2e: {  	v0 =	vsel vm2, v0, v3;
	v3 =	vld [tilespmem:$0x410]  }
0x2f: {  	v0 =	vsel vm3, v0, v4;
	v4 =	vld [tilespmem:$0x490]  }
0x30: {  	v0 =	vsel vm4, v0, v5;
	v5 =	vld [tilespmem:$0x510]  }
0x31: {  	v0 =	vsel vm5, v0, v1;
	v1 =	vld [tilespmem:$0x590]  }
0x32: {  	v0 =	vsel vm6, v0, v2;
	v2 =	vld [tilespmem:$0x610]  }
0x33: {  	v0 =	vsel vm7, v0, v3;
	v3 =	vld [tilespmem:$0x690]  }
0x34: {  	v0 =	vsel vm8, v0, v4;
	v4 =	vld [tilespmem:$0x710]  }
0x35: {  	v0 =	vsel vm9, v0, v5;
	v5 =	vld [tilespmem:$0x790]  }
0x36: {  	v0 =	vsel vm10, v0, v1  }
0x37: {  	v0 =	vsel vm11, v0, v2  }
0x38: {  	v0 =	vsel vm12, v0, v3  }
0x39: {  	v0 =	vsel vm13, v0, v4  }
0x3a: {  	v0 =	vsel vm14, v0, v5  }
0x3b: {  	s8 =	sadd.s32 $0x4000, s13;
	[tilespmem:$0x810] =	vst v0  }
0x3c: {  	[tilespmem:s2], [sflag:$0x1] =	stream.strided.gather [hbm4b:s8+s5], $0x800, s6, s5, $0x38;
	[tilespmem:$0x880] =	vst v63  }
0x3d: {  	_ =	swait.ge [sflag:s3], $0x800  }
0x3e: {  	[sflag:s3] =	ssyncset.done $0x0  }
0x3f: {  	[sflag:s3] =	ssyncadd.s32 $0xFFFFF800  }
0x40: {  	v0 =	vld [tilespmem:$0x20]  }
0x41: {  	v1 =	vld [tilespmem:$0xA0]  }
0x42: {  	v2 =	vld [tilespmem:$0x120]  }
0x43: {  	v3 =	vld [tilespmem:$0x1A0]  }
0x44: {  	v4 =	vld [tilespmem:$0x220]  }
0x45: {  	v5 =	vld [tilespmem:$0x2A0]  }
0x46: {  	v0 =	vsel vm0, v0, v1;
	v1 =	vld [tilespmem:$0x320]  }
0x47: {  	v0 =	vsel vm1, v0, v2;
	v2 =	vld [tilespmem:$0x3A0]  }
0x48: {  	v0 =	vsel vm2, v0, v3;
	v3 =	vld [tilespmem:$0x420]  }
0x49: {  	v0 =	vsel vm3, v0, v4;
	v4 =	vld [tilespmem:$0x4A0]  }
0x4a: {  	v0 =	vsel vm4, v0, v5;
	v5 =	vld [tilespmem:$0x520]  }
0x4b: {  	v0 =	vsel vm5, v0, v1;
	v1 =	vld [tilespmem:$0x5A0]  }
0x4c: {  	v0 =	vsel vm6, v0, v2;
	v2 =	vld [tilespmem:$0x620]  }
0x4d: {  	v0 =	vsel vm7, v0, v3;
	v3 =	vld [tilespmem:$0x6A0]  }
0x4e: {  	v0 =	vsel vm8, v0, v4;
	v4 =	vld [tilespmem:$0x720]  }
0x4f: {  	v0 =	vsel vm9, v0, v5;
	v5 =	vld [tilespmem:$0x7A0]  }
0x50: {  	v0 =	vsel vm10, v0, v1  }
0x51: {  	v0 =	vsel vm11, v0, v2  }
0x52: {  	v0 =	vsel vm12, v0, v3  }
0x53: {  	v0 =	vsel vm13, v0, v4  }
0x54: {  	v0 =	vsel vm14, v0, v5  }
0x55: {  	s9 =	sadd.s32 $0x6000, s13;
	[tilespmem:$0x820] =	vst v0  }
0x56: {  	[tilespmem:s2], [sflag:$0x1] =	stream.strided.gather [hbm4b:s9+s5], $0x800, s6, s5, $0x38;
	[tilespmem:$0x880] =	vst v63  }
0x57: {  	_ =	swait.ge [sflag:s3], $0x800  }
0x58: {  	[sflag:s3] =	ssyncset.done $0x0  }
0x59: {  	[sflag:s3] =	ssyncadd.s32 $0xFFFFF800  }
0x5a: {  	v0 =	vld [tilespmem:$0x30]  }
0x5b: {  	v1 =	vld [tilespmem:$0xB0]  }
0x5c: {  	v2 =	vld [tilespmem:$0x130]  }
0x5d: {  	v3 =	vld [tilespmem:$0x1B0]  }
0x5e: {  	v4 =	vld [tilespmem:$0x230]  }
0x5f: {  	v5 =	vld [tilespmem:$0x2B0]  }
0x60: {  	v0 =	vsel vm0, v0, v1;
	v1 =	vld [tilespmem:$0x330]  }
0x61: {  	v0 =	vsel vm1, v0, v2;
	v2 =	vld [tilespmem:$0x3B0]  }
0x62: {  	v0 =	vsel vm2, v0, v3;
	v3 =	vld [tilespmem:$0x430]  }
0x63: {  	v0 =	vsel vm3, v0, v4;
	v4 =	vld [tilespmem:$0x4B0]  }
0x64: {  	v0 =	vsel vm4, v0, v5;
	v5 =	vld [tilespmem:$0x530]  }
0x65: {  	v0 =	vsel vm5, v0, v1;
	v1 =	vld [tilespmem:$0x5B0]  }
0x66: {  	v0 =	vsel vm6, v0, v2;
	v2 =	vld [tilespmem:$0x630]  }
0x67: {  	v0 =	vsel vm7, v0, v3;
	v3 =	vld [tilespmem:$0x6B0]  }
0x68: {  	v0 =	vsel vm8, v0, v4;
	v4 =	vld [tilespmem:$0x730]  }
0x69: {  	v0 =	vsel vm9, v0, v5;
	v5 =	vld [tilespmem:$0x7B0]  }
0x6a: {  	v0 =	vsel vm10, v0, v1  }
0x6b: {  	v0 =	vsel vm11, v0, v2  }
0x6c: {  	v0 =	vsel vm12, v0, v3  }
0x6d: {  	v0 =	vsel vm13, v0, v4  }
0x6e: {  	v0 =	vsel vm14, v0, v5  }
0x6f: {  	s10 =	sadd.s32 $0x8000, s13;
	[tilespmem:$0x830] =	vst v0  }
0x70: {  	[tilespmem:s2], [sflag:$0x1] =	stream.strided.gather [hbm4b:s10+s5], $0x800, s6, s5, $0x38;
	[tilespmem:$0x880] =	vst v63  }
0x71: {  	_ =	swait.ge [sflag:s3], $0x800  }
0x72: {  	[sflag:s3] =	ssyncset.done $0x0  }
0x73: {  	[sflag:s3] =	ssyncadd.s32 $0xFFFFF800  }
0x74: {  	v0 =	vld [tilespmem:$0x40]  }
0x75: {  	v1 =	vld [tilespmem:$0xC0]  }
0x76: {  	v2 =	vld [tilespmem:$0x140]  }
0x77: {  	v3 =	vld [tilespmem:$0x1C0]  }
0x78: {  	v4 =	vld [tilespmem:$0x240]  }
0x79: {  	v5 =	vld [tilespmem:$0x2C0]  }
0x7a: {  	v0 =	vsel vm0, v0, v1;
	v1 =	vld [tilespmem:$0x340]  }
0x7b: {  	v0 =	vsel vm1, v0, v2;
	v2 =	vld [tilespmem:$0x3C0]  }
0x7c: {  	v0 =	vsel vm2, v0, v3;
	v3 =	vld [tilespmem:$0x440]  }
0x7d: {  	v0 =	vsel vm3, v0, v4;
	v4 =	vld [tilespmem:$0x4C0]  }
0x7e: {  	v0 =	vsel vm4, v0, v5;
	v5 =	vld [tilespmem:$0x540]  }
0x7f: {  	v0 =	vsel vm5, v0, v1;
	v1 =	vld [tilespmem:$0x5C0]  }
0x80: {  	v0 =	vsel vm6, v0, v2;
	v2 =	vld [tilespmem:$0x640]  }
0x81: {  	v0 =	vsel vm7, v0, v3;
	v3 =	vld [tilespmem:$0x6C0]  }
0x82: {  	v0 =	vsel vm8, v0, v4;
	v4 =	vld [tilespmem:$0x740]  }
0x83: {  	v0 =	vsel vm9, v0, v5;
	v5 =	vld [tilespmem:$0x7C0]  }
0x84: {  	v0 =	vsel vm10, v0, v1  }
0x85: {  	v0 =	vsel vm11, v0, v2  }
0x86: {  	v0 =	vsel vm12, v0, v3  }
0x87: {  	v0 =	vsel vm13, v0, v4  }
0x88: {  	v0 =	vsel vm14, v0, v5  }
0x89: {  	s11 =	sadd.s32 $0xA000, s13;
	[tilespmem:$0x840] =	vst v0  }
0x8a: {  	[tilespmem:s2], [sflag:$0x1] =	stream.strided.gather [hbm4b:s11+s5], $0x800, s6, s5, $0x38;
	[tilespmem:$0x880] =	vst v63  }
0x8b: {  	_ =	swait.ge [sflag:s3], $0x800  }
0x8c: {  	[sflag:s3] =	ssyncset.done $0x0  }
0x8d: {  	[sflag:s3] =	ssyncadd.s32 $0xFFFFF800  }
0x8e: {  	v0 =	vld [tilespmem:$0x50]  }
0x8f: {  	v1 =	vld [tilespmem:$0xD0]  }
0x90: {  	v2 =	vld [tilespmem:$0x150]  }
0x91: {  	v3 =	vld [tilespmem:$0x1D0]  }
0x92: {  	v4 =	vld [tilespmem:$0x250]  }
0x93: {  	v5 =	vld [tilespmem:$0x2D0]  }
0x94: {  	v0 =	vsel vm0, v0, v1;
	v1 =	vld [tilespmem:$0x350]  }
0x95: {  	v0 =	vsel vm1, v0, v2;
	v2 =	vld [tilespmem:$0x3D0]  }
0x96: {  	v0 =	vsel vm2, v0, v3;
	v3 =	vld [tilespmem:$0x450]  }
0x97: {  	v0 =	vsel vm3, v0, v4;
	v4 =	vld [tilespmem:$0x4D0]  }
0x98: {  	v0 =	vsel vm4, v0, v5;
	v5 =	vld [tilespmem:$0x550]  }
0x99: {  	v0 =	vsel vm5, v0, v1;
	v1 =	vld [tilespmem:$0x5D0]  }
0x9a: {  	v0 =	vsel vm6, v0, v2;
	v2 =	vld [tilespmem:$0x650]  }
0x9b: {  	v0 =	vsel vm7, v0, v3;
	v3 =	vld [tilespmem:$0x6D0]  }
0x9c: {  	v0 =	vsel vm8, v0, v4;
	v4 =	vld [tilespmem:$0x750]  }
0x9d: {  	v0 =	vsel vm9, v0, v5;
	v5 =	vld [tilespmem:$0x7D0]  }
0x9e: {  	v0 =	vsel vm10, v0, v1  }
0x9f: {  	v0 =	vsel vm11, v0, v2  }
0xa0: {  	v0 =	vsel vm12, v0, v3  }
0xa1: {  	v0 =	vsel vm13, v0, v4  }
0xa2: {  	v0 =	vsel vm14, v0, v5  }
0xa3: {  	s12 =	sadd.s32 $0xC000, s13;
	[tilespmem:$0x850] =	vst v0  }
0xa4: {  	[tilespmem:s2], [sflag:$0x1] =	stream.strided.gather [hbm4b:s12+s5], $0x800, s6, s5, $0x38;
	[tilespmem:$0x880] =	vst v63  }
0xa5: {  	_ =	swait.ge [sflag:s3], $0x800  }
0xa6: {  	[sflag:s3] =	ssyncset.done $0x0  }
0xa7: {  	[sflag:s3] =	ssyncadd.s32 $0xFFFFF800  }
0xa8: {  	v0 =	vld [tilespmem:$0xE0]  }
0xa9: {  	v1 =	vld [tilespmem:$0x60]  }
0xaa: {  	v2 =	vld [tilespmem:$0x160]  }
0xab: {  	v3 =	vld [tilespmem:$0x1E0]  }
0xac: {  	v4 =	vld [tilespmem:$0x260]  }
0xad: {  	v5 =	vld [tilespmem:$0x2E0]  }
0xae: {  	v0 =	vsel vm0, v1, v0;
	v1 =	vld [tilespmem:$0x360]  }
0xaf: {  	v0 =	vsel vm1, v0, v2;
	v2 =	vld [tilespmem:$0x3E0]  }
0xb0: {  	v0 =	vsel vm2, v0, v3;
	v3 =	vld [tilespmem:$0x460]  }
0xb1: {  	v0 =	vsel vm3, v0, v4;
	v4 =	vld [tilespmem:$0x4E0]  }
0xb2: {  	v0 =	vsel vm4, v0, v5;
	v5 =	vld [tilespmem:$0x560]  }
0xb3: {  	v0 =	vsel vm5, v0, v1;
	v1 =	vld [tilespmem:$0x5E0]  }
0xb4: {  	v0 =	vsel vm6, v0, v2;
	v2 =	vld [tilespmem:$0x660]  }
0xb5: {  	v0 =	vsel vm7, v0, v3;
	v3 =	vld [tilespmem:$0x6E0]  }
0xb6: {  	v0 =	vsel vm8, v0, v4;
	v4 =	vld [tilespmem:$0x760]  }
0xb7: {  	v0 =	vsel vm9, v0, v5;
	v5 =	vld [tilespmem:$0x7E0]  }
0xb8: {  	v0 =	vsel vm10, v0, v1  }
0xb9: {  	v0 =	vsel vm11, v0, v2  }
0xba: {  	v0 =	vsel vm12, v0, v3  }
0xbb: {  	v0 =	vsel vm13, v0, v4  }
0xbc: {  	v0 =	vsel vm14, v0, v5  }
0xbd: {  	s13 =	sadd.s32 $0xE000, s13;
	[tilespmem:$0x860] =	vst v0  }
0xbe: {  	[tilespmem:s2], [sflag:$0x1] =	stream.strided.gather [hbm4b:s13+s5], $0x800, s6, s5, $0x38;
	[tilespmem:$0x880] =	vst v63  }
0xbf: {  	_ =	swait.ge [sflag:s3], $0x800  }
0xc0: {  	[sflag:s3] =	ssyncset.done $0x0  }
0xc1: {  	[sflag:s3] =	ssyncadd.s32 $0xFFFFF800  }
0xc2: {  	v0 =	vld [tilespmem:$0x170]  }
0xc3: {  	v1 =	vld [tilespmem:$0x70]  }
0xc4: {  	v2 =	vld [tilespmem:$0xF0]  }
0xc5: {  	v3 =	vld [tilespmem:$0x1F0]  }
0xc6: {  	s16 =	ssub.s32 $0x2, s16;
	v4 =	vld [tilespmem:$0x2F0]  }
0xc7: {  	s17 =	sshrl.u32 s16, $0x1;
	v5 =	vld [tilespmem:$0x270]  }
0xc8: {  	s16 =	ssub.s32 s16, s17;
	v6 =	vld [tilespmem:$0x370]  }
0xc9: {  	s16 =	smax.u32 s16, $0x1;
	v7 =	vld [tilespmem:$0x3F0];
	v1 =	vsel vm0, v1, v2  }
0xca: {  	p0 =	sne.s32 s16, $0x1;
	v1 =	vsel vm1, v1, v0;
	v0 =	vld [tilespmem:$0x470]  }
.Ltmp0:
0xcb: {  	v2 =	vsel vm2, v1, v3;
	v1 =	vld [tilespmem:$0x4F0];
	(pc) =	sbr.rel @!p0 .LBB2_2-.Ltmp0, $4  }
0xcc: {  	v3 =	vsel vm3, v2, v5;
	v2 =	vld [tilespmem:$0x570]  }
0xcd: {  	s15 =	sshrl.u32 s15, $0x3;
	v4 =	vsel vm4, v3, v4;
	v3 =	vld [tilespmem:$0x5F0]  }
0xce: {  	s14 =	sadd.s32 s15, s14;
	v5 =	vsel vm5, v4, v6;
	v4 =	vld [tilespmem:$0x670]  }
0xcf: {  	s15 =	simm.s32 $0x800;
	s16 =	sadd.s32 $0xFFFFFFFF, s16;
	s14 =	sadd.s32 $0x600, s14;
	v6 =	vsel vm6, v5, v7;
	v5 =	vld [tilespmem:$0x6F0]  }
.LBB2_1:
0xd0: {  	p0 =	sne.s32 s16, $0x1;
	s16 =	sadd.s32 $0xFFFFFFFF, s16;
	v0 =	vsel vm7, v6, v0;
	v6 =	vld [tilespmem:$0x770]  }
0xd1: {  	v0 =	vsel vm8, v0, v1;
	v1 =	vld [tilespmem:$0x7F0]  }
0xd2: {  	v0 =	vsel vm9, v0, v2  }
0xd3: {  	v0 =	vsel vm10, v0, v3  }
0xd4: {  	v0 =	vsel vm11, v0, v4  }
0xd5: {  	v0 =	vsel vm12, v0, v5  }
0xd6: {  	v0 =	vsel vm13, v0, v6  }
0xd7: {  	v0 =	vsel vm14, v0, v1  }
0xd8: {  	[tilespmem:$0x870] =	vst v0  }
0xd9: {  	[hbm4b:s14+s2] =	stream.linear.scatter [tilespmem:s15], [sflag:$0x1], $0x80, $0x38;
	[tilespmem:$0x880] =	vst v63  }
0xda: {  	_ =	swait.ge [sflag:s3], $0x80  }
0xdb: {  	[sflag:s3] =	ssyncset.done $0x0  }
0xdc: {  	[sflag:s3] =	ssyncadd.s32 $0xFFFFFF80  }
0xdd: {  	[tilespmem:s2], [sflag:$0x1] =	stream.strided.gather [hbm4b:s4+s5], $0x800, s6, s5, $0x38;
	[tilespmem:$0x880] =	vst v63  }
0xde: {  	_ =	swait.ge [sflag:s3], $0x800  }
0xdf: {  	[sflag:s3] =	ssyncset.done $0x0  }
0xe0: {  	[sflag:s3] =	ssyncadd.s32 $0xFFFFF800  }
0xe1: {  	v0 =	vld [tilespmem:$0x0]  }
0xe2: {  	v1 =	vld [tilespmem:$0x80]  }
0xe3: {  	v2 =	vld [tilespmem:$0x100]  }
0xe4: {  	v3 =	vld [tilespmem:$0x180]  }
0xe5: {  	v4 =	vld [tilespmem:$0x200]  }
0xe6: {  	v5 =	vld [tilespmem:$0x280]  }
0xe7: {  	v0 =	vsel vm0, v0, v1;
	v1 =	vld [tilespmem:$0x300]  }
0xe8: {  	v0 =	vsel vm1, v0, v2;
	v2 =	vld [tilespmem:$0x380]  }
0xe9: {  	v0 =	vsel vm2, v0, v3;
	v3 =	vld [tilespmem:$0x400]  }
0xea: {  	v0 =	vsel vm3, v0, v4;
	v4 =	vld [tilespmem:$0x480]  }
0xeb: {  	v0 =	vsel vm4, v0, v5;
	v5 =	vld [tilespmem:$0x500]  }
0xec: {  	v0 =	vsel vm5, v0, v1;
	v1 =	vld [tilespmem:$0x580]  }
0xed: {  	v0 =	vsel vm6, v0, v2;
	v2 =	vld [tilespmem:$0x600]  }
0xee: {  	v0 =	vsel vm7, v0, v3;
	v3 =	vld [tilespmem:$0x680]  }
0xef: {  	v0 =	vsel vm8, v0, v4;
	v4 =	vld [tilespmem:$0x700]  }
0xf0: {  	v0 =	vsel vm9, v0, v5;
	v5 =	vld [tilespmem:$0x780]  }
0xf1: {  	v0 =	vsel vm10, v0, v1  }
0xf2: {  	v0 =	vsel vm11, v0, v2  }
0xf3: {  	v0 =	vsel vm12, v0, v3  }
0xf4: {  	v0 =	vsel vm13, v0, v4  }
0xf5: {  	v0 =	vsel vm14, v0, v5  }
0xf6: {  	[tilespmem:$0x800] =	vst v0  }
0xf7: {  	[tilespmem:s2], [sflag:$0x1] =	stream.strided.gather [hbm4b:s7+s5], $0x800, s6, s5, $0x38;
	[tilespmem:$0x880] =	vst v63  }
0xf8: {  	_ =	swait.ge [sflag:s3], $0x800  }
0xf9: {  	[sflag:s3] =	ssyncset.done $0x0  }
0xfa: {  	[sflag:s3] =	ssyncadd.s32 $0xFFFFF800  }
0xfb: {  	v0 =	vld [tilespmem:$0x10]  }
0xfc: {  	v1 =	vld [tilespmem:$0x90]  }
0xfd: {  	v2 =	vld [tilespmem:$0x110]  }
0xfe: {  	v3 =	vld [tilespmem:$0x190]  }
0xff: {  	v4 =	vld [tilespmem:$0x210]  }
0x100: {  	v5 =	vld [tilespmem:$0x290]  }
0x101: {  	v0 =	vsel vm0, v0, v1;
	v1 =	vld [tilespmem:$0x310]  }
0x102: {  	v0 =	vsel vm1, v0, v2;
	v2 =	vld [tilespmem:$0x390]  }
0x103: {  	v0 =	vsel vm2, v0, v3;
	v3 =	vld [tilespmem:$0x410]  }
0x104: {  	v0 =	vsel vm3, v0, v4;
	v4 =	vld [tilespmem:$0x490]  }
0x105: {  	v0 =	vsel vm4, v0, v5;
	v5 =	vld [tilespmem:$0x510]  }
0x106: {  	v0 =	vsel vm5, v0, v1;
	v1 =	vld [tilespmem:$0x590]  }
0x107: {  	v0 =	vsel vm6, v0, v2;
	v2 =	vld [tilespmem:$0x610]  }
0x108: {  	v0 =	vsel vm7, v0, v3;
	v3 =	vld [tilespmem:$0x690]  }
0x109: {  	v0 =	vsel vm8, v0, v4;
	v4 =	vld [tilespmem:$0x710]  }
0x10a: {  	v0 =	vsel vm9, v0, v5;
	v5 =	vld [tilespmem:$0x790]  }
0x10b: {  	v0 =	vsel vm10, v0, v1  }
0x10c: {  	v0 =	vsel vm11, v0, v2  }
0x10d: {  	v0 =	vsel vm12, v0, v3  }
0x10e: {  	v0 =	vsel vm13, v0, v4  }
0x10f: {  	v0 =	vsel vm14, v0, v5  }
0x110: {  	[tilespmem:$0x810] =	vst v0  }
0x111: {  	[tilespmem:s2], [sflag:$0x1] =	stream.strided.gather [hbm4b:s8+s5], $0x800, s6, s5, $0x38;
	[tilespmem:$0x880] =	vst v63  }
0x112: {  	_ =	swait.ge [sflag:s3], $0x800  }
0x113: {  	[sflag:s3] =	ssyncset.done $0x0  }
0x114: {  	[sflag:s3] =	ssyncadd.s32 $0xFFFFF800  }
0x115: {  	v0 =	vld [tilespmem:$0x20]  }
0x116: {  	v1 =	vld [tilespmem:$0xA0]  }
0x117: {  	v2 =	vld [tilespmem:$0x120]  }
0x118: {  	v3 =	vld [tilespmem:$0x1A0]  }
0x119: {  	v4 =	vld [tilespmem:$0x220]  }
0x11a: {  	v5 =	vld [tilespmem:$0x2A0]  }
0x11b: {  	v0 =	vsel vm0, v0, v1;
	v1 =	vld [tilespmem:$0x320]  }
0x11c: {  	v0 =	vsel vm1, v0, v2;
	v2 =	vld [tilespmem:$0x3A0]  }
0x11d: {  	v0 =	vsel vm2, v0, v3;
	v3 =	vld [tilespmem:$0x420]  }
0x11e: {  	v0 =	vsel vm3, v0, v4;
	v4 =	vld [tilespmem:$0x4A0]  }
0x11f: {  	v0 =	vsel vm4, v0, v5;
	v5 =	vld [tilespmem:$0x520]  }
0x120: {  	v0 =	vsel vm5, v0, v1;
	v1 =	vld [tilespmem:$0x5A0]  }
0x121: {  	v0 =	vsel vm6, v0, v2;
	v2 =	vld [tilespmem:$0x620]  }
0x122: {  	v0 =	vsel vm7, v0, v3;
	v3 =	vld [tilespmem:$0x6A0]  }
0x123: {  	v0 =	vsel vm8, v0, v4;
	v4 =	vld [tilespmem:$0x720]  }
0x124: {  	v0 =	vsel vm9, v0, v5;
	v5 =	vld [tilespmem:$0x7A0]  }
0x125: {  	v0 =	vsel vm10, v0, v1  }
0x126: {  	v0 =	vsel vm11, v0, v2  }
0x127: {  	v0 =	vsel vm12, v0, v3  }
0x128: {  	v0 =	vsel vm13, v0, v4  }
0x129: {  	v0 =	vsel vm14, v0, v5  }
0x12a: {  	[tilespmem:$0x820] =	vst v0  }
0x12b: {  	[tilespmem:s2], [sflag:$0x1] =	stream.strided.gather [hbm4b:s9+s5], $0x800, s6, s5, $0x38;
	[tilespmem:$0x880] =	vst v63  }
0x12c: {  	_ =	swait.ge [sflag:s3], $0x800  }
0x12d: {  	[sflag:s3] =	ssyncset.done $0x0  }
0x12e: {  	[sflag:s3] =	ssyncadd.s32 $0xFFFFF800  }
0x12f: {  	v0 =	vld [tilespmem:$0x30]  }
0x130: {  	v1 =	vld [tilespmem:$0xB0]  }
0x131: {  	v2 =	vld [tilespmem:$0x130]  }
0x132: {  	v3 =	vld [tilespmem:$0x1B0]  }
0x133: {  	v4 =	vld [tilespmem:$0x230]  }
0x134: {  	v5 =	vld [tilespmem:$0x2B0]  }
0x135: {  	v0 =	vsel vm0, v0, v1;
	v1 =	vld [tilespmem:$0x330]  }
0x136: {  	v0 =	vsel vm1, v0, v2;
	v2 =	vld [tilespmem:$0x3B0]  }
0x137: {  	v0 =	vsel vm2, v0, v3;
	v3 =	vld [tilespmem:$0x430]  }
0x138: {  	v0 =	vsel vm3, v0, v4;
	v4 =	vld [tilespmem:$0x4B0]  }
0x139: {  	v0 =	vsel vm4, v0, v5;
	v5 =	vld [tilespmem:$0x530]  }
0x13a: {  	v0 =	vsel vm5, v0, v1;
	v1 =	vld [tilespmem:$0x5B0]  }
0x13b: {  	v0 =	vsel vm6, v0, v2;
	v2 =	vld [tilespmem:$0x630]  }
0x13c: {  	v0 =	vsel vm7, v0, v3;
	v3 =	vld [tilespmem:$0x6B0]  }
0x13d: {  	v0 =	vsel vm8, v0, v4;
	v4 =	vld [tilespmem:$0x730]  }
0x13e: {  	v0 =	vsel vm9, v0, v5;
	v5 =	vld [tilespmem:$0x7B0]  }
0x13f: {  	v0 =	vsel vm10, v0, v1  }
0x140: {  	v0 =	vsel vm11, v0, v2  }
0x141: {  	v0 =	vsel vm12, v0, v3  }
0x142: {  	v0 =	vsel vm13, v0, v4  }
0x143: {  	v0 =	vsel vm14, v0, v5  }
0x144: {  	[tilespmem:$0x830] =	vst v0  }
0x145: {  	[tilespmem:s2], [sflag:$0x1] =	stream.strided.gather [hbm4b:s10+s5], $0x800, s6, s5, $0x38;
	[tilespmem:$0x880] =	vst v63  }
0x146: {  	_ =	swait.ge [sflag:s3], $0x800  }
0x147: {  	[sflag:s3] =	ssyncset.done $0x0  }
0x148: {  	[sflag:s3] =	ssyncadd.s32 $0xFFFFF800  }
0x149: {  	v0 =	vld [tilespmem:$0x40]  }
0x14a: {  	v1 =	vld [tilespmem:$0xC0]  }
0x14b: {  	v2 =	vld [tilespmem:$0x140]  }
0x14c: {  	v3 =	vld [tilespmem:$0x1C0]  }
0x14d: {  	v4 =	vld [tilespmem:$0x240]  }
0x14e: {  	v5 =	vld [tilespmem:$0x2C0]  }
0x14f: {  	v0 =	vsel vm0, v0, v1;
	v1 =	vld [tilespmem:$0x340]  }
0x150: {  	v0 =	vsel vm1, v0, v2;
	v2 =	vld [tilespmem:$0x3C0]  }
0x151: {  	v0 =	vsel vm2, v0, v3;
	v3 =	vld [tilespmem:$0x440]  }
0x152: {  	v0 =	vsel vm3, v0, v4;
	v4 =	vld [tilespmem:$0x4C0]  }
0x153: {  	v0 =	vsel vm4, v0, v5;
	v5 =	vld [tilespmem:$0x540]  }
0x154: {  	v0 =	vsel vm5, v0, v1;
	v1 =	vld [tilespmem:$0x5C0]  }
0x155: {  	v0 =	vsel vm6, v0, v2;
	v2 =	vld [tilespmem:$0x640]  }
0x156: {  	v0 =	vsel vm7, v0, v3;
	v3 =	vld [tilespmem:$0x6C0]  }
0x157: {  	v0 =	vsel vm8, v0, v4;
	v4 =	vld [tilespmem:$0x740]  }
0x158: {  	v0 =	vsel vm9, v0, v5;
	v5 =	vld [tilespmem:$0x7C0]  }
0x159: {  	v0 =	vsel vm10, v0, v1  }
0x15a: {  	v0 =	vsel vm11, v0, v2  }
0x15b: {  	v0 =	vsel vm12, v0, v3  }
0x15c: {  	v0 =	vsel vm13, v0, v4  }
0x15d: {  	v0 =	vsel vm14, v0, v5  }
0x15e: {  	[tilespmem:$0x840] =	vst v0  }
0x15f: {  	[tilespmem:s2], [sflag:$0x1] =	stream.strided.gather [hbm4b:s11+s5], $0x800, s6, s5, $0x38;
	[tilespmem:$0x880] =	vst v63  }
0x160: {  	_ =	swait.ge [sflag:s3], $0x800  }
0x161: {  	[sflag:s3] =	ssyncset.done $0x0  }
0x162: {  	[sflag:s3] =	ssyncadd.s32 $0xFFFFF800  }
0x163: {  	v0 =	vld [tilespmem:$0x50]  }
0x164: {  	v1 =	vld [tilespmem:$0xD0]  }
0x165: {  	v2 =	vld [tilespmem:$0x150]  }
0x166: {  	v3 =	vld [tilespmem:$0x1D0]  }
0x167: {  	v4 =	vld [tilespmem:$0x250]  }
0x168: {  	v5 =	vld [tilespmem:$0x2D0]  }
0x169: {  	v0 =	vsel vm0, v0, v1;
	v1 =	vld [tilespmem:$0x350]  }
0x16a: {  	v0 =	vsel vm1, v0, v2;
	v2 =	vld [tilespmem:$0x3D0]  }
0x16b: {  	v0 =	vsel vm2, v0, v3;
	v3 =	vld [tilespmem:$0x450]  }
0x16c: {  	v0 =	vsel vm3, v0, v4;
	v4 =	vld [tilespmem:$0x4D0]  }
0x16d: {  	v0 =	vsel vm4, v0, v5;
	v5 =	vld [tilespmem:$0x550]  }
0x16e: {  	v0 =	vsel vm5, v0, v1;
	v1 =	vld [tilespmem:$0x5D0]  }
0x16f: {  	v0 =	vsel vm6, v0, v2;
	v2 =	vld [tilespmem:$0x650]  }
0x170: {  	v0 =	vsel vm7, v0, v3;
	v3 =	vld [tilespmem:$0x6D0]  }
0x171: {  	v0 =	vsel vm8, v0, v4;
	v4 =	vld [tilespmem:$0x750]  }
0x172: {  	v0 =	vsel vm9, v0, v5;
	v5 =	vld [tilespmem:$0x7D0]  }
0x173: {  	v0 =	vsel vm10, v0, v1  }
0x174: {  	v0 =	vsel vm11, v0, v2  }
0x175: {  	v0 =	vsel vm12, v0, v3  }
0x176: {  	v0 =	vsel vm13, v0, v4  }
0x177: {  	v0 =	vsel vm14, v0, v5  }
0x178: {  	[tilespmem:$0x850] =	vst v0  }
0x179: {  	[tilespmem:s2], [sflag:$0x1] =	stream.strided.gather [hbm4b:s12+s5], $0x800, s6, s5, $0x38;
	[tilespmem:$0x880] =	vst v63  }
0x17a: {  	_ =	swait.ge [sflag:s3], $0x800  }
0x17b: {  	[sflag:s3] =	ssyncset.done $0x0  }
0x17c: {  	[sflag:s3] =	ssyncadd.s32 $0xFFFFF800  }
0x17d: {  	v0 =	vld [tilespmem:$0xE0]  }
0x17e: {  	v1 =	vld [tilespmem:$0x60]  }
0x17f: {  	v2 =	vld [tilespmem:$0x160]  }
0x180: {  	v3 =	vld [tilespmem:$0x1E0]  }
0x181: {  	v4 =	vld [tilespmem:$0x260]  }
0x182: {  	v5 =	vld [tilespmem:$0x2E0]  }
0x183: {  	v0 =	vsel vm0, v1, v0;
	v1 =	vld [tilespmem:$0x360]  }
0x184: {  	v0 =	vsel vm1, v0, v2;
	v2 =	vld [tilespmem:$0x3E0]  }
0x185: {  	v0 =	vsel vm2, v0, v3;
	v3 =	vld [tilespmem:$0x460]  }
0x186: {  	v0 =	vsel vm3, v0, v4;
	v4 =	vld [tilespmem:$0x4E0]  }
0x187: {  	v0 =	vsel vm4, v0, v5;
	v5 =	vld [tilespmem:$0x560]  }
0x188: {  	v0 =	vsel vm5, v0, v1;
	v1 =	vld [tilespmem:$0x5E0]  }
0x189: {  	v0 =	vsel vm6, v0, v2;
	v2 =	vld [tilespmem:$0x660]  }
0x18a: {  	v0 =	vsel vm7, v0, v3;
	v3 =	vld [tilespmem:$0x6E0]  }
0x18b: {  	v0 =	vsel vm8, v0, v4;
	v4 =	vld [tilespmem:$0x760]  }
0x18c: {  	v0 =	vsel vm9, v0, v5;
	v5 =	vld [tilespmem:$0x7E0]  }
0x18d: {  	v0 =	vsel vm10, v0, v1  }
0x18e: {  	v0 =	vsel vm11, v0, v2  }
0x18f: {  	v0 =	vsel vm12, v0, v3  }
0x190: {  	v0 =	vsel vm13, v0, v4  }
0x191: {  	v0 =	vsel vm14, v0, v5  }
0x192: {  	[tilespmem:$0x860] =	vst v0  }
0x193: {  	[tilespmem:s2], [sflag:$0x1] =	stream.strided.gather [hbm4b:s13+s5], $0x800, s6, s5, $0x38;
	[tilespmem:$0x880] =	vst v63  }
0x194: {  	_ =	swait.ge [sflag:s3], $0x800  }
0x195: {  	[sflag:s3] =	ssyncset.done $0x0  }
0x196: {  	[sflag:s3] =	ssyncadd.s32 $0xFFFFF800  }
0x197: {  	v0 =	vld [tilespmem:$0x170]  }
0x198: {  	v1 =	vld [tilespmem:$0x70]  }
0x199: {  	v2 =	vld [tilespmem:$0xF0]  }
0x19a: {  	v3 =	vld [tilespmem:$0x1F0]  }
0x19b: {  	v4 =	vld [tilespmem:$0x2F0]  }
0x19c: {  	v5 =	vld [tilespmem:$0x270]  }
0x19d: {  	v6 =	vld [tilespmem:$0x370]  }
0x19e: {  	v1 =	vsel vm0, v1, v2;
	v7 =	vld [tilespmem:$0x3F0]  }
0x19f: {  	v1 =	vsel vm1, v1, v0;
	v0 =	vld [tilespmem:$0x470]  }
.Ltmp1:
0x1a0: {  	v2 =	vsel vm2, v1, v3;
	v1 =	vld [tilespmem:$0x4F0];
	(pc) =	sbr.rel @p0 .LBB2_1-.Ltmp1, $4  }
0x1a1: {  	v3 =	vsel vm3, v2, v5;
	v2 =	vld [tilespmem:$0x570]  }
0x1a2: {  	v4 =	vsel vm4, v3, v4;
	v3 =	vld [tilespmem:$0x5F0]  }
0x1a3: {  	v5 =	vsel vm5, v4, v6;
	v4 =	vld [tilespmem:$0x670]  }
0x1a4: {  	v6 =	vsel vm6, v5, v7;
	v5 =	vld [tilespmem:$0x6F0]  }
.LBB2_2:
0x1a5: {  	v0 =	vsel vm7, v6, v0  }
0x1a6: {  	v62 =	vld [tilespmem:$0x770];
	v0 =	vsel vm8, v0, v1  }
0x1a7: {  	v63 =	vld [tilespmem:$0x7F0];
	v0 =	vsel vm9, v0, v2  }
0x1a8: {  	v0 =	vsel vm10, v0, v3  }
0x1a9: {  	v0 =	vsel vm11, v0, v4  }
0x1aa: {  	v0 =	vsel vm12, v0, v5  }
0x1ab: {  	v0 =	vsel vm13, v0, v62  }
0x1ac: {  	v0 =	vsel vm14, v0, v63  }
0x1ad: {  	[tilespmem:$0x870] =	vst v0  }
0x1ae: {  	[hbm4b:s14+s2] =	stream.linear.scatter [tilespmem:s15], [sflag:$0x1], $0x80, $0x38;
	[tilespmem:$0x880] =	vst v63  }
0x1af: {  	_ =	swait.ge [sflag:s3], $0x80  }
0x1b0: {  	[sflag:s3] =	ssyncset.done $0x0  }
0x1b1: {  	[sflag:s3] =	ssyncadd.s32 $0xFFFFFF80  }
0x1b2: {  	_ =	sfence.sel $0x180000  }
0x1b3: {  	[bflag:$0x0] =	sbarrier.arrive $0xFFFF  }
0x1b4: {  	p0 =	sne.s32 s0, $0x0;
	_ =	strace $0x90000047  }
0x1b5: {  	s0 =	sadd.s32 @!p0 $0x100000, s1;
	[bflag:$0x2] =	sbarrier.arrive $0xFFFF  }
0x1b6: {  	[sflag:s0] =	ssyncadd.tile.s32 @!p0 $0x1;
	_ =	shalt  }
.Lfunc_end2:
_tile_overlayer_lowered:
.L_overlay_start_2:
0x1b7: {  	(tag) =	ssettag $0x2  }
0x1b8: {  	s0 =	rddreg [dreg:$0x0];
	s2 =	stileid.u32  }
0x1b9: {  	s1 =	rddreg [dreg:$0x1];
	p0 =	sne.s32 s2, $0x0  }
0x1ba: {  	s3 =	rddreg [dreg:$0x2];
	[bflag:$0x3] =	sbarrier.arrive $0xFFFF;
	s2 =	simm.s32 @!p0 $0x1C01  }
0x1bb: {  	[timem:s3], [sflag:s2] =	dma.local @!p0 [hbm:s0], s1  }
0x1bc: {  	s0 =	simm.s32 @!p0 $0x1  }
0x1bd: {  	_ =	swait.ge @!p0 [sflag:s0], s1  }
0x1be: {  	s1 =	ssub.s32 @!p0 $0x0, s1;
	[sflag:s0] =	ssyncset.done @!p0 $0x0  }
0x1bf: {  	[sflag:s0] =	ssyncadd.s32 @!p0 s1  }
0x1c0: {  	[bflag:$0x3] =	sbarrier.arrive $0xFFFF  }
0x1c1: {  	_ =	shalt  }

</sc_bundles>
